<compile_context>
chip_gen: v7x
topology: tpu7x:2x2x1
jax: 0.10.2.dev20260603
libtpu: 0.0.44.dev20260713+nightly
codegen_flags: <defaults>
</compile_context>

<pallas_src>
import functools

import numpy as np
import jax
import jax.numpy as jnp
from jax import lax
from jax.experimental import pallas as pl
from jax.experimental.pallas import tpu as pltpu
from jax.experimental.pallas import tpu_sc as plsc

L = 16
NC, NS = 2, 16
NW = NC * NS


def _positional_encoding(seq_len, d_model):
    pos = np.arange(seq_len)[:, np.newaxis]
    dim = np.arange(d_model)[np.newaxis, :]
    angles = pos / np.power(10000, 2 * (dim // 2) / d_model)
    pe = np.zeros(angles.shape)
    pe[:, 0::2] = np.sin(angles[:, 0::2])
    pe[:, 1::2] = np.cos(angles[:, 1::2])
    return pe.astype(np.float32)


@functools.partial(jax.jit, static_argnums=(3, 4))
def _embed(idx_flat, table, pe2, seq, d):
    ntot = idx_flat.shape[0]
    per_w = ntot // NW
    bpc = 2
    rows = bpc * seq
    nchunks = per_w // rows
    seg = 80
    nseg = rows // seg
    ngrp = rows // L
    nbuf = 4
    nsteps = nchunks // nbuf

    mesh = plsc.VectorSubcoreMesh(core_axis_name="c", subcore_axis_name="s")

    @functools.partial(
        pl.kernel,
        mesh=mesh,
        compiler_params=pltpu.CompilerParams(
            needs_layout_passes=False, use_tc_tiling_on_sc=False
        ),
        out_type=jax.ShapeDtypeStruct((ntot, d), jnp.float32),
        scratch_types=[
            pltpu.VMEM((nbuf, rows), jnp.int32),
            pltpu.VMEM((nbuf, rows, d), jnp.float32),
            pltpu.VMEM((seq, d), jnp.float32),
            [pltpu.SemaphoreType.DMA] * nbuf,
            [pltpu.SemaphoreType.DMA] * nbuf,
        ],
    )
    def body(idx_hbm, table_hbm, pe_hbm, out_hbm, idx_v, gbuf, pe_v, gsem, osem):
        wid = lax.axis_index("s") * NC + lax.axis_index("c")
        base0 = wid * per_w

        pltpu.sync_copy(pe_hbm, pe_v)

        def gdescs(b):
            return [
                pltpu.make_async_copy(
                    table_hbm.at[idx_v.at[b].at[pl.ds(g * seg, seg)]],
                    gbuf.at[b].at[pl.ds(g * seg, seg)],
                    gsem[b],
                )
                for g in range(nseg)
            ]

        def odesc(ci, b):
            return pltpu.make_async_copy(
                gbuf.at[b], out_hbm.at[pl.ds(base0 + ci * rows, rows)],
                osem[b],
            )

        def load(ci, b):
            pltpu.sync_copy(idx_hbm.at[pl.ds(base0 + ci * rows, rows)],
                            idx_v.at[b])
            for dsc in gdescs(b):
                dsc.start()

        def compute(b):
            def scan(g, acc):
                return acc | (idx_v[b, pl.ds(g * L, L)] == 0)

            m_any = lax.fori_loop(0, ngrp, scan, jnp.zeros((L,), jnp.bool_))
            npad = plsc.all_reduce_population_count(m_any)[0]

            @pl.when(npad > 0)
            def _():
                def fix(g, _):
                    v = idx_v[b, pl.ds(g * L, L)]
                    m = v == 0
                    row16 = g * L + lax.broadcasted_iota(jnp.int32, (L,), 0)
                    zeros = jnp.zeros((L,), jnp.float32)
                    for j in range(d):
                        col16 = jnp.full((L,), j, jnp.int32)
                        plsc.store_scatter(
                            gbuf.at[b], [row16, col16], zeros, mask=m
                        )
                    return 0

                lax.fori_loop(0, ngrp, fix, 0)

            def add_pe(r, _):
                for h in range(bpc):
                    for q in range(d // L):
                        sl = pl.ds(q * L, L)
                        gbuf[b, h * seq + r, sl] += pe_v[r, sl]
                return 0

            lax.fori_loop(0, seq, add_pe, 0)

        load(0, 0)

        def step(k, _):
            for i in range(nbuf):
                ci = k * nbuf + i
                nb = (i + 1) % nbuf

                @pl.when(ci + 1 < nchunks)
                def _():
                    @pl.when(ci >= nbuf - 1)
                    def _():
                        odesc(ci - (nbuf - 1), nb).wait()

                    load(ci + 1, nb)

                for dsc in gdescs(i):
                    dsc.wait()

                compute(i)
                odesc(ci, i).start()
            return 0

        lax.fori_loop(0, nsteps, step, 0)

        for i in range(nbuf):
            odesc(nchunks - nbuf + i, i).wait()

    return body(idx_flat, table, pe2)


def kernel(input, table):
    b, s = input.shape
    v, d = table.shape
    idx_flat = input.reshape(-1).astype(jnp.int32)
    pe2 = jnp.asarray(_positional_encoding(s, d))
    out2 = _embed(idx_flat, table, pe2, s, d)
    return out2.reshape(b, s, d)

# --- scband reference (transcript-rebuilt; emitter-appended) ---
"""Pipeline reference for scband-word-embedding-61168924229680 (READ-ONLY COPY).

The authoritative reference and input builder live on the scoring server;
editing this copy changes nothing except your own understanding.
"""

import jax, jax.numpy as jnp
import numpy as np

VOCAB = 100000
D_OUT = 64
BATCH = 4096
SEQ = 200

def positional_encoding(seq_len, d_model):
    pos = np.arange(seq_len)[:, np.newaxis]
    dim = np.arange(d_model)[np.newaxis, :]
    angles = pos / np.power(10000, 2 * (dim // 2) / d_model)
    pe = np.zeros(angles.shape)
    pe[:, 0::2] = np.sin(angles[:, 0::2])
    pe[:, 1::2] = np.cos(angles[:, 1::2])
    return jnp.asarray(pe, dtype=jnp.float32)

def setup_inputs(seed: int = 0) -> dict:
    key = jax.random.key(seed)
    k1, k2 = jax.random.split(key)
    input_ids = jax.random.randint(k1, (BATCH, SEQ), 0, VOCAB, dtype=jnp.int64 if jax.config.jax_enable_x64 else jnp.int32)
    table = jax.random.normal(k2, (VOCAB, D_OUT), dtype=jnp.float32)
    return {"input": input_ids, "table": table}

def reference(input, table):
    # nn.Embedding with padding_idx=0: row 0 of the table is zero
    tbl = table.at[0].set(0.0)
    x = jnp.take(tbl, input, axis=0)  # [B, S, D]
    seq_len, d_model = x.shape[1], x.shape[2]
    pe = positional_encoding(seq_len, d_model)  # [S, D], broadcasts over batch
    return x + pe

if __name__ == "__main__":
    import jax
    _d = setup_inputs()
    print(jax.jit(kernel)(*tuple(_d.values())))

</pallas_src>

<mosaic_0001>
#map = affine_map<(d0, d1) -> (0)>
#map1 = affine_map<(d0, d1) -> (0, 0)>
module attributes {stable_mosaic.version = 14 : i64} {
  func.func @body(%arg0: i32, %arg1: i32, %arg2: memref<819200xi32, #tpu.memory_space<hbm>>, %arg3: memref<100000x64xf32, #tpu.memory_space<hbm>>, %arg4: memref<200x64xf32, #tpu.memory_space<hbm>>, %arg5: memref<819200x64xf32, #tpu.memory_space<hbm>>, %arg6: memref<4x400xi32, #tpu.memory_space<vmem>>, %arg7: memref<4x400x64xf32, #tpu.memory_space<vmem>>, %arg8: memref<200x64xf32, #tpu.memory_space<vmem>>, %arg9: memref<!tpu.dma_semaphore, #tpu.memory_space<semaphore_mem>>, %arg10: memref<!tpu.dma_semaphore, #tpu.memory_space<semaphore_mem>>, %arg11: memref<!tpu.dma_semaphore, #tpu.memory_space<semaphore_mem>>, %arg12: memref<!tpu.dma_semaphore, #tpu.memory_space<semaphore_mem>>, %arg13: memref<!tpu.dma_semaphore, #tpu.memory_space<semaphore_mem>>, %arg14: memref<!tpu.dma_semaphore, #tpu.memory_space<semaphore_mem>>, %arg15: memref<!tpu.dma_semaphore, #tpu.memory_space<semaphore_mem>>, %arg16: memref<!tpu.dma_semaphore, #tpu.memory_space<semaphore_mem>>) attributes {dimension_semantics = [#tpu.dimension_semantics<core_parallel>, #tpu.dimension_semantics<subcore_parallel>], iteration_bounds = array<i64: 2, 16>, scalar_prefetch = 0 : i64, scratch_operands = 11 : i64, tpu.core_type = #tpu.core_type<sc_vector_subcore>, window_params = [{transform_indices = #map}, {transform_indices = #map1}, {transform_indices = #map1}, {transform_indices = #map1}]} {
    %mul3A = arith.constant 2 : i32
    %mul3A_0 = arith.muli %arg1, %mul3A : i32
    %add3A = arith.addi %mul3A_0, %arg0 : i32
    %mul3A_1 = arith.constant 25600 : i32
    %mul3A_2 = arith.muli %add3A, %mul3A_1 : i32
    "tpu.region"() ({
      %run_scoped3A_154 = tpu.sem_alloc : memref<!tpu.dma_semaphore, #tpu.memory_space<semaphore_mem>>
      tpu.enqueue_dma source(%arg4 : memref<200x64xf32, #tpu.memory_space<hbm>>) target(%arg8 : memref<200x64xf32, #tpu.memory_space<vmem>>) target_semaphore(%run_scoped3A_154 : memref<!tpu.dma_semaphore, #tpu.memory_space<semaphore_mem>>)
      tpu.wait_dma2 semaphore(%run_scoped3A_154 : memref<!tpu.dma_semaphore, #tpu.memory_space<semaphore_mem>>) src(%arg4 : memref<200x64xf32, #tpu.memory_space<hbm>>) dst(%arg8 : memref<200x64xf32, #tpu.memory_space<vmem>>)
      tpu.yield
    }) : () -> ()
    %add3A_3 = arith.constant 0 : i32
    %add3A_4 = arith.addi %mul3A_2, %add3A_3 : i32
    %run_scoped3A = arith.constant 0 : i32
    "tpu.region"() ({
      %run_scoped3A_154 = tpu.sem_alloc : memref<!tpu.dma_semaphore, #tpu.memory_space<semaphore_mem>>
      %dma_start3A_155 = arith.constant 0 : i32
      %dma_start3A_156 = tpu.memref_slice %arg6[%run_scoped3A, %dma_start3A_155] : memref<4x400xi32, #tpu.memory_space<vmem>> -> memref<1x400xi32, #tpu.memory_space<vmem>>
      %dma_start3A_157 = tpu.memref_squeeze %dma_start3A_156 : memref<1x400xi32, #tpu.memory_space<vmem>> -> memref<400xi32, #tpu.memory_space<vmem>>
      %dma_start3A_158 = tpu.memref_slice %arg2[%add3A_4] : memref<819200xi32, #tpu.memory_space<hbm>> -> memref<400xi32, #tpu.memory_space<hbm>>
      %dma_start3A_159 = arith.constant 0 : i32
      %dma_start3A_160 = tpu.memref_slice %arg6[%run_scoped3A, %dma_start3A_159] : memref<4x400xi32, #tpu.memory_space<vmem>> -> memref<1x400xi32, #tpu.memory_space<vmem>>
      %dma_start3A_161 = tpu.memref_squeeze %dma_start3A_160 : memref<1x400xi32, #tpu.memory_space<vmem>> -> memref<400xi32, #tpu.memory_space<vmem>>
      %dma_start3A_162 = tpu.memref_slice %arg2[%add3A_4] : memref<819200xi32, #tpu.memory_space<hbm>> -> memref<400xi32, #tpu.memory_space<hbm>>
      tpu.enqueue_dma source(%dma_start3A_162 : memref<400xi32, #tpu.memory_space<hbm>>) target(%dma_start3A_161 : memref<400xi32, #tpu.memory_space<vmem>>) target_semaphore(%run_scoped3A_154 : memref<!tpu.dma_semaphore, #tpu.memory_space<semaphore_mem>>)
      %dma_wait3A_163 = arith.constant 0 : i32
      %dma_wait3A_164 = tpu.memref_slice %arg6[%run_scoped3A, %dma_wait3A_163] : memref<4x400xi32, #tpu.memory_space<vmem>> -> memref<1x400xi32, #tpu.memory_space<vmem>>
      %dma_wait3A_165 = tpu.memref_squeeze %dma_wait3A_164 : memref<1x400xi32, #tpu.memory_space<vmem>> -> memref<400xi32, #tpu.memory_space<vmem>>
      %dma_wait3A_166 = tpu.memref_slice %arg2[%add3A_4] : memref<819200xi32, #tpu.memory_space<hbm>> -> memref<400xi32, #tpu.memory_space<hbm>>
      %dma_wait3A_167 = arith.constant 0 : i32
      %dma_wait3A_168 = tpu.memref_slice %arg6[%run_scoped3A, %dma_wait3A_167] : memref<4x400xi32, #tpu.memory_space<vmem>> -> memref<1x400xi32, #tpu.memory_space<vmem>>
      %dma_wait3A_169 = tpu.memref_squeeze %dma_wait3A_168 : memref<1x400xi32, #tpu.memory_space<vmem>> -> memref<400xi32, #tpu.memory_space<vmem>>
      %dma_wait3A_170 = tpu.memref_slice %arg2[%add3A_4] : memref<819200xi32, #tpu.memory_space<hbm>> -> memref<400xi32, #tpu.memory_space<hbm>>
      tpu.wait_dma2 semaphore(%run_scoped3A_154 : memref<!tpu.dma_semaphore, #tpu.memory_space<semaphore_mem>>) src(%dma_wait3A_170 : memref<400xi32, #tpu.memory_space<hbm>>) dst(%dma_wait3A_169 : memref<400xi32, #tpu.memory_space<vmem>>)
      tpu.yield
    }) : () -> ()
    %dma_start3A = arith.constant 0 : i32
    %dma_start3A_5 = arith.constant 0 : i32
    %dma_start3A_6 = arith.constant 0 : i32
    %dma_start3A_7 = arith.constant 0 : i32
    %dma_start3A_8 = tpu.memref_slice %arg7[%dma_start3A_5, %dma_start3A_6, %dma_start3A_7] : memref<4x400x64xf32, #tpu.memory_space<vmem>> -> memref<1x400x64xf32, #tpu.memory_space<vmem>>
    %dma_start3A_9 = tpu.memref_squeeze %dma_start3A_8 : memref<1x400x64xf32, #tpu.memory_space<vmem>> -> memref<400x64xf32, #tpu.memory_space<vmem>>
    %dma_start3A_10 = arith.constant 0 : i32
    %dma_start3A_11 = arith.constant 0 : i32
    %dma_start3A_12 = tpu.memref_slice %dma_start3A_9[%dma_start3A_10, %dma_start3A_11] : memref<400x64xf32, #tpu.memory_space<vmem>> -> memref<80x64xf32, #tpu.memory_space<vmem>>
    %dma_start3A_13 = arith.constant 0 : i32
    %dma_start3A_14 = tpu.memref_slice %arg6[%dma_start3A, %dma_start3A_13] : memref<4x400xi32, #tpu.memory_space<vmem>> -> memref<1x400xi32, #tpu.memory_space<vmem>>
    %dma_start3A_15 = tpu.memref_squeeze %dma_start3A_14 : memref<1x400xi32, #tpu.memory_space<vmem>> -> memref<400xi32, #tpu.memory_space<vmem>>
    %dma_start3A_16 = arith.constant 0 : i32
    %dma_start3A_17 = tpu.memref_slice %dma_start3A_15[%dma_start3A_16] : memref<400xi32, #tpu.memory_space<vmem>> -> memref<80xi32, #tpu.memory_space<vmem>>
    %dma_start3A_18 = arith.constant 0 : i32
    %dma_start3A_19 = arith.constant 0 : i32
    %dma_start3A_20 = tpu.memref_slice %arg3[%dma_start3A_18, %dma_start3A_19] : memref<100000x64xf32, #tpu.memory_space<hbm>> -> memref<100000x64xf32, #tpu.memory_space<hbm>>
    tpu.enqueue_indirect_dma source(%dma_start3A_20 : memref<100000x64xf32, #tpu.memory_space<hbm>>) target(%dma_start3A_12 : memref<80x64xf32, #tpu.memory_space<vmem>>) offsets(%dma_start3A_17 : memref<80xi32, #tpu.memory_space<vmem>>) semaphore(%arg9 : memref<!tpu.dma_semaphore, #tpu.memory_space<semaphore_mem>>)
    %dma_start3A_21 = arith.constant 0 : i32
    %dma_start3A_22 = arith.constant 0 : i32
    %dma_start3A_23 = arith.constant 0 : i32
    %dma_start3A_24 = arith.constant 0 : i32
    %dma_start3A_25 = tpu.memref_slice %arg7[%dma_start3A_22, %dma_start3A_23, %dma_start3A_24] : memref<4x400x64xf32, #tpu.memory_space<vmem>> -> memref<1x400x64xf32, #tpu.memory_space<vmem>>
    %dma_start3A_26 = tpu.memref_squeeze %dma_start3A_25 : memref<1x400x64xf32, #tpu.memory_space<vmem>> -> memref<400x64xf32, #tpu.memory_space<vmem>>
    %dma_start3A_27 = arith.constant 80 : i32
    %dma_start3A_28 = arith.constant 0 : i32
    %dma_start3A_29 = tpu.memref_slice %dma_start3A_26[%dma_start3A_27, %dma_start3A_28] : memref<400x64xf32, #tpu.memory_space<vmem>> -> memref<80x64xf32, #tpu.memory_space<vmem>>
    %dma_start3A_30 = arith.constant 0 : i32
    %dma_start3A_31 = tpu.memref_slice %arg6[%dma_start3A_21, %dma_start3A_30] : memref<4x400xi32, #tpu.memory_space<vmem>> -> memref<1x400xi32, #tpu.memory_space<vmem>>
    %dma_start3A_32 = tpu.memref_squeeze %dma_start3A_31 : memref<1x400xi32, #tpu.memory_space<vmem>> -> memref<400xi32, #tpu.memory_space<vmem>>
    %dma_start3A_33 = arith.constant 80 : i32
    %dma_start3A_34 = tpu.memref_slice %dma_start3A_32[%dma_start3A_33] : memref<400xi32, #tpu.memory_space<vmem>> -> memref<80xi32, #tpu.memory_space<vmem>>
    %dma_start3A_35 = arith.constant 0 : i32
    %dma_start3A_36 = arith.constant 0 : i32
    %dma_start3A_37 = tpu.memref_slice %arg3[%dma_start3A_35, %dma_start3A_36] : memref<100000x64xf32, #tpu.memory_space<hbm>> -> memref<100000x64xf32, #tpu.memory_space<hbm>>
    tpu.enqueue_indirect_dma source(%dma_start3A_37 : memref<100000x64xf32, #tpu.memory_space<hbm>>) target(%dma_start3A_29 : memref<80x64xf32, #tpu.memory_space<vmem>>) offsets(%dma_start3A_34 : memref<80xi32, #tpu.memory_space<vmem>>) semaphore(%arg9 : memref<!tpu.dma_semaphore, #tpu.memory_space<semaphore_mem>>)
    %dma_start3A_38 = arith.constant 0 : i32
    %dma_start3A_39 = arith.constant 0 : i32
    %dma_start3A_40 = arith.constant 0 : i32
    %dma_start3A_41 = arith.constant 0 : i32
    %dma_start3A_42 = tpu.memref_slice %arg7[%dma_start3A_39, %dma_start3A_40, %dma_start3A_41] : memref<4x400x64xf32, #tpu.memory_space<vmem>> -> memref<1x400x64xf32, #tpu.memory_space<vmem>>
    %dma_start3A_43 = tpu.memref_squeeze %dma_start3A_42 : memref<1x400x64xf32, #tpu.memory_space<vmem>> -> memref<400x64xf32, #tpu.memory_space<vmem>>
    %dma_start3A_44 = arith.constant 160 : i32
    %dma_start3A_45 = arith.constant 0 : i32
    %dma_start3A_46 = tpu.memref_slice %dma_start3A_43[%dma_start3A_44, %dma_start3A_45] : memref<400x64xf32, #tpu.memory_space<vmem>> -> memref<80x64xf32, #tpu.memory_space<vmem>>
    %dma_start3A_47 = arith.constant 0 : i32
    %dma_start3A_48 = tpu.memref_slice %arg6[%dma_start3A_38, %dma_start3A_47] : memref<4x400xi32, #tpu.memory_space<vmem>> -> memref<1x400xi32, #tpu.memory_space<vmem>>
    %dma_start3A_49 = tpu.memref_squeeze %dma_start3A_48 : memref<1x400xi32, #tpu.memory_space<vmem>> -> memref<400xi32, #tpu.memory_space<vmem>>
    %dma_start3A_50 = arith.constant 160 : i32
    %dma_start3A_51 = tpu.memref_slice %dma_start3A_49[%dma_start3A_50] : memref<400xi32, #tpu.memory_space<vmem>> -> memref<80xi32, #tpu.memory_space<vmem>>
    %dma_start3A_52 = arith.constant 0 : i32
    %dma_start3A_53 = arith.constant 0 : i32
    %dma_start3A_54 = tpu.memref_slice %arg3[%dma_start3A_52, %dma_start3A_53] : memref<100000x64xf32, #tpu.memory_space<hbm>> -> memref<100000x64xf32, #tpu.memory_space<hbm>>
    tpu.enqueue_indirect_dma source(%dma_start3A_54 : memref<100000x64xf32, #tpu.memory_space<hbm>>) target(%dma_start3A_46 : memref<80x64xf32, #tpu.memory_space<vmem>>) offsets(%dma_start3A_51 : memref<80xi32, #tpu.memory_space<vmem>>) semaphore(%arg9 : memref<!tpu.dma_semaphore, #tpu.memory_space<semaphore_mem>>)
    %dma_start3A_55 = arith.constant 0 : i32
    %dma_start3A_56 = arith.constant 0 : i32
    %dma_start3A_57 = arith.constant 0 : i32
    %dma_start3A_58 = arith.constant 0 : i32
    %dma_start3A_59 = tpu.memref_slice %arg7[%dma_start3A_56, %dma_start3A_57, %dma_start3A_58] : memref<4x400x64xf32, #tpu.memory_space<vmem>> -> memref<1x400x64xf32, #tpu.memory_space<vmem>>
    %dma_start3A_60 = tpu.memref_squeeze %dma_start3A_59 : memref<1x400x64xf32, #tpu.memory_space<vmem>> -> memref<400x64xf32, #tpu.memory_space<vmem>>
    %dma_start3A_61 = arith.constant 240 : i32
    %dma_start3A_62 = arith.constant 0 : i32
    %dma_start3A_63 = tpu.memref_slice %dma_start3A_60[%dma_start3A_61, %dma_start3A_62] : memref<400x64xf32, #tpu.memory_space<vmem>> -> memref<80x64xf32, #tpu.memory_space<vmem>>
    %dma_start3A_64 = arith.constant 0 : i32
    %dma_start3A_65 = tpu.memref_slice %arg6[%dma_start3A_55, %dma_start3A_64] : memref<4x400xi32, #tpu.memory_space<vmem>> -> memref<1x400xi32, #tpu.memory_space<vmem>>
    %dma_start3A_66 = tpu.memref_squeeze %dma_start3A_65 : memref<1x400xi32, #tpu.memory_space<vmem>> -> memref<400xi32, #tpu.memory_space<vmem>>
    %dma_start3A_67 = arith.constant 240 : i32
    %dma_start3A_68 = tpu.memref_slice %dma_start3A_66[%dma_start3A_67] : memref<400xi32, #tpu.memory_space<vmem>> -> memref<80xi32, #tpu.memory_space<vmem>>
    %dma_start3A_69 = arith.constant 0 : i32
    %dma_start3A_70 = arith.constant 0 : i32
    %dma_start3A_71 = tpu.memref_slice %arg3[%dma_start3A_69, %dma_start3A_70] : memref<100000x64xf32, #tpu.memory_space<hbm>> -> memref<100000x64xf32, #tpu.memory_space<hbm>>
    tpu.enqueue_indirect_dma source(%dma_start3A_71 : memref<100000x64xf32, #tpu.memory_space<hbm>>) target(%dma_start3A_63 : memref<80x64xf32, #tpu.memory_space<vmem>>) offsets(%dma_start3A_68 : memref<80xi32, #tpu.memory_space<vmem>>) semaphore(%arg9 : memref<!tpu.dma_semaphore, #tpu.memory_space<semaphore_mem>>)
    %dma_start3A_72 = arith.constant 0 : i32
    %dma_start3A_73 = arith.constant 0 : i32
    %dma_start3A_74 = arith.constant 0 : i32
    %dma_start3A_75 = arith.constant 0 : i32
    %dma_start3A_76 = tpu.memref_slice %arg7[%dma_start3A_73, %dma_start3A_74, %dma_start3A_75] : memref<4x400x64xf32, #tpu.memory_space<vmem>> -> memref<1x400x64xf32, #tpu.memory_space<vmem>>
    %dma_start3A_77 = tpu.memref_squeeze %dma_start3A_76 : memref<1x400x64xf32, #tpu.memory_space<vmem>> -> memref<400x64xf32, #tpu.memory_space<vmem>>
    %dma_start3A_78 = arith.constant 320 : i32
    %dma_start3A_79 = arith.constant 0 : i32
    %dma_start3A_80 = tpu.memref_slice %dma_start3A_77[%dma_start3A_78, %dma_start3A_79] : memref<400x64xf32, #tpu.memory_space<vmem>> -> memref<80x64xf32, #tpu.memory_space<vmem>>
    %dma_start3A_81 = arith.constant 0 : i32
    %dma_start3A_82 = tpu.memref_slice %arg6[%dma_start3A_72, %dma_start3A_81] : memref<4x400xi32, #tpu.memory_space<vmem>> -> memref<1x400xi32, #tpu.memory_space<vmem>>
    %dma_start3A_83 = tpu.memref_squeeze %dma_start3A_82 : memref<1x400xi32, #tpu.memory_space<vmem>> -> memref<400xi32, #tpu.memory_space<vmem>>
    %dma_start3A_84 = arith.constant 320 : i32
    %dma_start3A_85 = tpu.memref_slice %dma_start3A_83[%dma_start3A_84] : memref<400xi32, #tpu.memory_space<vmem>> -> memref<80xi32, #tpu.memory_space<vmem>>
    %dma_start3A_86 = arith.constant 0 : i32
    %dma_start3A_87 = arith.constant 0 : i32
    %dma_start3A_88 = tpu.memref_slice %arg3[%dma_start3A_86, %dma_start3A_87] : memref<100000x64xf32, #tpu.memory_space<hbm>> -> memref<100000x64xf32, #tpu.memory_space<hbm>>
    tpu.enqueue_indirect_dma source(%dma_start3A_88 : memref<100000x64xf32, #tpu.memory_space<hbm>>) target(%dma_start3A_80 : memref<80x64xf32, #tpu.memory_space<vmem>>) offsets(%dma_start3A_85 : memref<80xi32, #tpu.memory_space<vmem>>) semaphore(%arg9 : memref<!tpu.dma_semaphore, #tpu.memory_space<semaphore_mem>>)
    %scan3A = arith.constant 0 : i32
    %scan3A_89 = arith.constant 0 : i32
    %scan3A_90 = arith.constant 16 : i32
    %scan3A_91 = arith.addi %scan3A_89, %scan3A_90 : i32
    %scan3A_92 = arith.constant 1 : i32
    %scan3A_93 = scf.for %scan3A_154 = %scan3A_89 to %scan3A_91 step %scan3A_92 iter_args(%scan3A_155 = %scan3A) -> (i32)  : i32 {
      %mul3A_156 = arith.constant 4 : i32
      %mul3A_157 = arith.muli %scan3A_154, %mul3A_156 : i32
      %add3A_158 = arith.constant 0 : i32
      %add3A_159 = arith.addi %mul3A_157, %add3A_158 : i32
      %add3A_160 = arith.constant 1 : i32
      %add3A_161 = arith.addi %add3A_159, %add3A_160 : i32
      %lt3A = arith.constant 64 : i32
      %lt3A_162 = arith.cmpi slt, %add3A_161, %lt3A : i32
      %convert_element_type3A = arith.extui %lt3A_162 : i1 to i32
      %cond3A = arith.constant 0 : i32
      %cond3A_163 = arith.cmpi ne, %convert_element_type3A, %cond3A : i32
      scf.if %cond3A_163 {
        %ge3A = arith.constant 3 : i32
        %ge3A_689 = arith.cmpi sge, %add3A_159, %ge3A : i32
        %convert_element_type3A_690 = arith.extui %ge3A_689 : i1 to i32
        %cond3A_691 = arith.constant 0 : i32
        %cond3A_692 = arith.cmpi ne, %convert_element_type3A_690, %cond3A_691 : i32
        scf.if %cond3A_692 {
          %sub3A = arith.constant 3 : i32
          %sub3A_784 = arith.subi %add3A_159, %sub3A : i32
          %mul3A_785 = arith.constant 400 : i32
          %mul3A_786 = arith.muli %sub3A_784, %mul3A_785 : i32
          %add3A_787 = arith.addi %mul3A_2, %mul3A_786 : i32
          %dma_wait3A_788 = arith.constant 1 : i32
          %dma_wait3A_789 = arith.constant 0 : i32
          %dma_wait3A_790 = arith.constant 0 : i32
          %dma_wait3A_791 = tpu.memref_slice %arg7[%dma_wait3A_788, %dma_wait3A_789, %dma_wait3A_790] : memref<4x400x64xf32, #tpu.memory_space<vmem>> -> memref<1x400x64xf32, #tpu.memory_space<vmem>>
          %dma_wait3A_792 = tpu.memref_squeeze %dma_wait3A_791 : memref<1x400x64xf32, #tpu.memory_space<vmem>> -> memref<400x64xf32, #tpu.memory_space<vmem>>
          %dma_wait3A_793 = arith.constant 0 : i32
          %dma_wait3A_794 = tpu.memref_slice %arg5[%add3A_787, %dma_wait3A_793] : memref<819200x64xf32, #tpu.memory_space<hbm>> -> memref<400x64xf32, #tpu.memory_space<hbm>>
          %dma_wait3A_795 = arith.constant 0 : i32
          %dma_wait3A_796 = tpu.memref_slice %arg5[%add3A_787, %dma_wait3A_795] : memref<819200x64xf32, #tpu.memory_space<hbm>> -> memref<400x64xf32, #tpu.memory_space<hbm>>
          %dma_wait3A_797 = arith.constant 0 : i32
          %dma_wait3A_798 = arith.constant 0 : i32
          %dma_wait3A_799 = tpu.memref_slice %arg7[%dma_wait3A_788, %dma_wait3A_797, %dma_wait3A_798] : memref<4x400x64xf32, #tpu.memory_space<vmem>> -> memref<1x400x64xf32, #tpu.memory_space<vmem>>
          %dma_wait3A_800 = tpu.memref_squeeze %dma_wait3A_799 : memref<1x400x64xf32, #tpu.memory_space<vmem>> -> memref<400x64xf32, #tpu.memory_space<vmem>>
          tpu.wait_dma2 semaphore(%arg14 : memref<!tpu.dma_semaphore, #tpu.memory_space<semaphore_mem>>) src(%dma_wait3A_800 : memref<400x64xf32, #tpu.memory_space<vmem>>) dst(%dma_wait3A_796 : memref<400x64xf32, #tpu.memory_space<hbm>>)
        } else {
        }
        %add3A_693 = arith.constant 1 : i32
        %add3A_694 = arith.addi %add3A_159, %add3A_693 : i32
        %mul3A_695 = arith.constant 400 : i32
        %mul3A_696 = arith.muli %add3A_694, %mul3A_695 : i32
        %add3A_697 = arith.addi %mul3A_2, %mul3A_696 : i32
        %run_scoped3A_698 = arith.constant 1 : i32
        "tpu.region"() ({
          %run_scoped3A_784 = tpu.sem_alloc : memref<!tpu.dma_semaphore, #tpu.memory_space<semaphore_mem>>
          %dma_start3A_785 = arith.constant 0 : i32
          %dma_start3A_786 = tpu.memref_slice %arg6[%run_scoped3A_698, %dma_start3A_785] : memref<4x400xi32, #tpu.memory_space<vmem>> -> memref<1x400xi32, #tpu.memory_space<vmem>>
          %dma_start3A_787 = tpu.memref_squeeze %dma_start3A_786 : memref<1x400xi32, #tpu.memory_space<vmem>> -> memref<400xi32, #tpu.memory_space<vmem>>
          %dma_start3A_788 = tpu.memref_slice %arg2[%add3A_697] : memref<819200xi32, #tpu.memory_space<hbm>> -> memref<400xi32, #tpu.memory_space<hbm>>
          %dma_start3A_789 = arith.constant 0 : i32
          %dma_start3A_790 = tpu.memref_slice %arg6[%run_scoped3A_698, %dma_start3A_789] : memref<4x400xi32, #tpu.memory_space<vmem>> -> memref<1x400xi32, #tpu.memory_space<vmem>>
          %dma_start3A_791 = tpu.memref_squeeze %dma_start3A_790 : memref<1x400xi32, #tpu.memory_space<vmem>> -> memref<400xi32, #tpu.memory_space<vmem>>
          %dma_start3A_792 = tpu.memref_slice %arg2[%add3A_697] : memref<819200xi32, #tpu.memory_space<hbm>> -> memref<400xi32, #tpu.memory_space<hbm>>
          tpu.enqueue_dma source(%dma_start3A_792 : memref<400xi32, #tpu.memory_space<hbm>>) target(%dma_start3A_791 : memref<400xi32, #tpu.memory_space<vmem>>) target_semaphore(%run_scoped3A_784 : memref<!tpu.dma_semaphore, #tpu.memory_space<semaphore_mem>>)
          %dma_wait3A_793 = arith.constant 0 : i32
          %dma_wait3A_794 = tpu.memref_slice %arg6[%run_scoped3A_698, %dma_wait3A_793] : memref<4x400xi32, #tpu.memory_space<vmem>> -> memref<1x400xi32, #tpu.memory_space<vmem>>
          %dma_wait3A_795 = tpu.memref_squeeze %dma_wait3A_794 : memref<1x400xi32, #tpu.memory_space<vmem>> -> memref<400xi32, #tpu.memory_space<vmem>>
          %dma_wait3A_796 = tpu.memref_slice %arg2[%add3A_697] : memref<819200xi32, #tpu.memory_space<hbm>> -> memref<400xi32, #tpu.memory_space<hbm>>
          %dma_wait3A_797 = arith.constant 0 : i32
          %dma_wait3A_798 = tpu.memref_slice %arg6[%run_scoped3A_698, %dma_wait3A_797] : memref<4x400xi32, #tpu.memory_space<vmem>> -> memref<1x400xi32, #tpu.memory_space<vmem>>
          %dma_wait3A_799 = tpu.memref_squeeze %dma_wait3A_798 : memref<1x400xi32, #tpu.memory_space<vmem>> -> memref<400xi32, #tpu.memory_space<vmem>>
          %dma_wait3A_800 = tpu.memref_slice %arg2[%add3A_697] : memref<819200xi32, #tpu.memory_space<hbm>> -> memref<400xi32, #tpu.memory_space<hbm>>
          tpu.wait_dma2 semaphore(%run_scoped3A_784 : memref<!tpu.dma_semaphore, #tpu.memory_space<semaphore_mem>>) src(%dma_wait3A_800 : memref<400xi32, #tpu.memory_space<hbm>>) dst(%dma_wait3A_799 : memref<400xi32, #tpu.memory_space<vmem>>)
          tpu.yield
        }) : () -> ()
        %dma_start3A_699 = arith.constant 1 : i32
        %dma_start3A_700 = arith.constant 1 : i32
        %dma_start3A_701 = arith.constant 0 : i32
        %dma_start3A_702 = arith.constant 0 : i32
        %dma_start3A_703 = tpu.memref_slice %arg7[%dma_start3A_700, %dma_start3A_701, %dma_start3A_702] : memref<4x400x64xf32, #tpu.memory_space<vmem>> -> memref<1x400x64xf32, #tpu.memory_space<vmem>>
        %dma_start3A_704 = tpu.memref_squeeze %dma_start3A_703 : memref<1x400x64xf32, #tpu.memory_space<vmem>> -> memref<400x64xf32, #tpu.memory_space<vmem>>
        %dma_start3A_705 = arith.constant 0 : i32
        %dma_start3A_706 = arith.constant 0 : i32
        %dma_start3A_707 = tpu.memref_slice %dma_start3A_704[%dma_start3A_705, %dma_start3A_706] : memref<400x64xf32, #tpu.memory_space<vmem>> -> memref<80x64xf32, #tpu.memory_space<vmem>>
        %dma_start3A_708 = arith.constant 0 : i32
        %dma_start3A_709 = tpu.memref_slice %arg6[%dma_start3A_699, %dma_start3A_708] : memref<4x400xi32, #tpu.memory_space<vmem>> -> memref<1x400xi32, #tpu.memory_space<vmem>>
        %dma_start3A_710 = tpu.memref_squeeze %dma_start3A_709 : memref<1x400xi32, #tpu.memory_space<vmem>> -> memref<400xi32, #tpu.memory_space<vmem>>
        %dma_start3A_711 = arith.constant 0 : i32
        %dma_start3A_712 = tpu.memref_slice %dma_start3A_710[%dma_start3A_711] : memref<400xi32, #tpu.memory_space<vmem>> -> memref<80xi32, #tpu.memory_space<vmem>>
        %dma_start3A_713 = arith.constant 0 : i32
        %dma_start3A_714 = arith.constant 0 : i32
        %dma_start3A_715 = tpu.memref_slice %arg3[%dma_start3A_713, %dma_start3A_714] : memref<100000x64xf32, #tpu.memory_space<hbm>> -> memref<100000x64xf32, #tpu.memory_space<hbm>>
        tpu.enqueue_indirect_dma source(%dma_start3A_715 : memref<100000x64xf32, #tpu.memory_space<hbm>>) target(%dma_start3A_707 : memref<80x64xf32, #tpu.memory_space<vmem>>) offsets(%dma_start3A_712 : memref<80xi32, #tpu.memory_space<vmem>>) semaphore(%arg10 : memref<!tpu.dma_semaphore, #tpu.memory_space<semaphore_mem>>)
        %dma_start3A_716 = arith.constant 1 : i32
        %dma_start3A_717 = arith.constant 1 : i32
        %dma_start3A_718 = arith.constant 0 : i32
        %dma_start3A_719 = arith.constant 0 : i32
        %dma_start3A_720 = tpu.memref_slice %arg7[%dma_start3A_717, %dma_start3A_718, %dma_start3A_719] : memref<4x400x64xf32, #tpu.memory_space<vmem>> -> memref<1x400x64xf32, #tpu.memory_space<vmem>>
        %dma_start3A_721 = tpu.memref_squeeze %dma_start3A_720 : memref<1x400x64xf32, #tpu.memory_space<vmem>> -> memref<400x64xf32, #tpu.memory_space<vmem>>
        %dma_start3A_722 = arith.constant 80 : i32
        %dma_start3A_723 = arith.constant 0 : i32
        %dma_start3A_724 = tpu.memref_slice %dma_start3A_721[%dma_start3A_722, %dma_start3A_723] : memref<400x64xf32, #tpu.memory_space<vmem>> -> memref<80x64xf32, #tpu.memory_space<vmem>>
        %dma_start3A_725 = arith.constant 0 : i32
        %dma_start3A_726 = tpu.memref_slice %arg6[%dma_start3A_716, %dma_start3A_725] : memref<4x400xi32, #tpu.memory_space<vmem>> -> memref<1x400xi32, #tpu.memory_space<vmem>>
        %dma_start3A_727 = tpu.memref_squeeze %dma_start3A_726 : memref<1x400xi32, #tpu.memory_space<vmem>> -> memref<400xi32, #tpu.memory_space<vmem>>
        %dma_start3A_728 = arith.constant 80 : i32
        %dma_start3A_729 = tpu.memref_slice %dma_start3A_727[%dma_start3A_728] : memref<400xi32, #tpu.memory_space<vmem>> -> memref<80xi32, #tpu.memory_space<vmem>>
        %dma_start3A_730 = arith.constant 0 : i32
        %dma_start3A_731 = arith.constant 0 : i32
        %dma_start3A_732 = tpu.memref_slice %arg3[%dma_start3A_730, %dma_start3A_731] : memref<100000x64xf32, #tpu.memory_space<hbm>> -> memref<100000x64xf32, #tpu.memory_space<hbm>>
        tpu.enqueue_indirect_dma source(%dma_start3A_732 : memref<100000x64xf32, #tpu.memory_space<hbm>>) target(%dma_start3A_724 : memref<80x64xf32, #tpu.memory_space<vmem>>) offsets(%dma_start3A_729 : memref<80xi32, #tpu.memory_space<vmem>>) semaphore(%arg10 : memref<!tpu.dma_semaphore, #tpu.memory_space<semaphore_mem>>)
        %dma_start3A_733 = arith.constant 1 : i32
        %dma_start3A_734 = arith.constant 1 : i32
        %dma_start3A_735 = arith.constant 0 : i32
        %dma_start3A_736 = arith.constant 0 : i32
        %dma_start3A_737 = tpu.memref_slice %arg7[%dma_start3A_734, %dma_start3A_735, %dma_start3A_736] : memref<4x400x64xf32, #tpu.memory_space<vmem>> -> memref<1x400x64xf32, #tpu.memory_space<vmem>>
        %dma_start3A_738 = tpu.memref_squeeze %dma_start3A_737 : memref<1x400x64xf32, #tpu.memory_space<vmem>> -> memref<400x64xf32, #tpu.memory_space<vmem>>
        %dma_start3A_739 = arith.constant 160 : i32
        %dma_start3A_740 = arith.constant 0 : i32
        %dma_start3A_741 = tpu.memref_slice %dma_start3A_738[%dma_start3A_739, %dma_start3A_740] : memref<400x64xf32, #tpu.memory_space<vmem>> -> memref<80x64xf32, #tpu.memory_space<vmem>>
        %dma_start3A_742 = arith.constant 0 : i32
        %dma_start3A_743 = tpu.memref_slice %arg6[%dma_start3A_733, %dma_start3A_742] : memref<4x400xi32, #tpu.memory_space<vmem>> -> memref<1x400xi32, #tpu.memory_space<vmem>>
        %dma_start3A_744 = tpu.memref_squeeze %dma_start3A_743 : memref<1x400xi32, #tpu.memory_space<vmem>> -> memref<400xi32, #tpu.memory_space<vmem>>
        %dma_start3A_745 = arith.constant 160 : i32
        %dma_start3A_746 = tpu.memref_slice %dma_start3A_744[%dma_start3A_745] : memref<400xi32, #tpu.memory_space<vmem>> -> memref<80xi32, #tpu.memory_space<vmem>>
        %dma_start3A_747 = arith.constant 0 : i32
        %dma_start3A_748 = arith.constant 0 : i32
        %dma_start3A_749 = tpu.memref_slice %arg3[%dma_start3A_747, %dma_start3A_748] : memref<100000x64xf32, #tpu.memory_space<hbm>> -> memref<100000x64xf32, #tpu.memory_space<hbm>>
        tpu.enqueue_indirect_dma source(%dma_start3A_749 : memref<100000x64xf32, #tpu.memory_space<hbm>>) target(%dma_start3A_741 : memref<80x64xf32, #tpu.memory_space<vmem>>) offsets(%dma_start3A_746 : memref<80xi32, #tpu.memory_space<vmem>>) semaphore(%arg10 : memref<!tpu.dma_semaphore, #tpu.memory_space<semaphore_mem>>)
        %dma_start3A_750 = arith.constant 1 : i32
        %dma_start3A_751 = arith.constant 1 : i32
        %dma_start3A_752 = arith.constant 0 : i32
        %dma_start3A_753 = arith.constant 0 : i32
        %dma_start3A_754 = tpu.memref_slice %arg7[%dma_start3A_751, %dma_start3A_752, %dma_start3A_753] : memref<4x400x64xf32, #tpu.memory_space<vmem>> -> memref<1x400x64xf32, #tpu.memory_space<vmem>>
        %dma_start3A_755 = tpu.memref_squeeze %dma_start3A_754 : memref<1x400x64xf32, #tpu.memory_space<vmem>> -> memref<400x64xf32, #tpu.memory_space<vmem>>
        %dma_start3A_756 = arith.constant 240 : i32
        %dma_start3A_757 = arith.constant 0 : i32
        %dma_start3A_758 = tpu.memref_slice %dma_start3A_755[%dma_start3A_756, %dma_start3A_757] : memref<400x64xf32, #tpu.memory_space<vmem>> -> memref<80x64xf32, #tpu.memory_space<vmem>>
        %dma_start3A_759 = arith.constant 0 : i32
        %dma_start3A_760 = tpu.memref_slice %arg6[%dma_start3A_750, %dma_start3A_759] : memref<4x400xi32, #tpu.memory_space<vmem>> -> memref<1x400xi32, #tpu.memory_space<vmem>>
        %dma_start3A_761 = tpu.memref_squeeze %dma_start3A_760 : memref<1x400xi32, #tpu.memory_space<vmem>> -> memref<400xi32, #tpu.memory_space<vmem>>
        %dma_start3A_762 = arith.constant 240 : i32
        %dma_start3A_763 = tpu.memref_slice %dma_start3A_761[%dma_start3A_762] : memref<400xi32, #tpu.memory_space<vmem>> -> memref<80xi32, #tpu.memory_space<vmem>>
        %dma_start3A_764 = arith.constant 0 : i32
        %dma_start3A_765 = arith.constant 0 : i32
        %dma_start3A_766 = tpu.memref_slice %arg3[%dma_start3A_764, %dma_start3A_765] : memref<100000x64xf32, #tpu.memory_space<hbm>> -> memref<100000x64xf32, #tpu.memory_space<hbm>>
        tpu.enqueue_indirect_dma source(%dma_start3A_766 : memref<100000x64xf32, #tpu.memory_space<hbm>>) target(%dma_start3A_758 : memref<80x64xf32, #tpu.memory_space<vmem>>) offsets(%dma_start3A_763 : memref<80xi32, #tpu.memory_space<vmem>>) semaphore(%arg10 : memref<!tpu.dma_semaphore, #tpu.memory_space<semaphore_mem>>)
        %dma_start3A_767 = arith.constant 1 : i32
        %dma_start3A_768 = arith.constant 1 : i32
        %dma_start3A_769 = arith.constant 0 : i32
        %dma_start3A_770 = arith.constant 0 : i32
        %dma_start3A_771 = tpu.memref_slice %arg7[%dma_start3A_768, %dma_start3A_769, %dma_start3A_770] : memref<4x400x64xf32, #tpu.memory_space<vmem>> -> memref<1x400x64xf32, #tpu.memory_space<vmem>>
        %dma_start3A_772 = tpu.memref_squeeze %dma_start3A_771 : memref<1x400x64xf32, #tpu.memory_space<vmem>> -> memref<400x64xf32, #tpu.memory_space<vmem>>
        %dma_start3A_773 = arith.constant 320 : i32
        %dma_start3A_774 = arith.constant 0 : i32
        %dma_start3A_775 = tpu.memref_slice %dma_start3A_772[%dma_start3A_773, %dma_start3A_774] : memref<400x64xf32, #tpu.memory_space<vmem>> -> memref<80x64xf32, #tpu.memory_space<vmem>>
        %dma_start3A_776 = arith.constant 0 : i32
        %dma_start3A_777 = tpu.memref_slice %arg6[%dma_start3A_767, %dma_start3A_776] : memref<4x400xi32, #tpu.memory_space<vmem>> -> memref<1x400xi32, #tpu.memory_space<vmem>>
        %dma_start3A_778 = tpu.memref_squeeze %dma_start3A_777 : memref<1x400xi32, #tpu.memory_space<vmem>> -> memref<400xi32, #tpu.memory_space<vmem>>
        %dma_start3A_779 = arith.constant 320 : i32
        %dma_start3A_780 = tpu.memref_slice %dma_start3A_778[%dma_start3A_779] : memref<400xi32, #tpu.memory_space<vmem>> -> memref<80xi32, #tpu.memory_space<vmem>>
        %dma_start3A_781 = arith.constant 0 : i32
        %dma_start3A_782 = arith.constant 0 : i32
        %dma_start3A_783 = tpu.memref_slice %arg3[%dma_start3A_781, %dma_start3A_782] : memref<100000x64xf32, #tpu.memory_space<hbm>> -> memref<100000x64xf32, #tpu.memory_space<hbm>>
        tpu.enqueue_indirect_dma source(%dma_start3A_783 : memref<100000x64xf32, #tpu.memory_space<hbm>>) target(%dma_start3A_775 : memref<80x64xf32, #tpu.memory_space<vmem>>) offsets(%dma_start3A_780 : memref<80xi32, #tpu.memory_space<vmem>>) semaphore(%arg10 : memref<!tpu.dma_semaphore, #tpu.memory_space<semaphore_mem>>)
      } else {
      }
      %dma_wait3A_164 = arith.constant 0 : i32
      %dma_wait3A_165 = arith.constant 0 : i32
      %dma_wait3A_166 = arith.constant 0 : i32
      %dma_wait3A_167 = arith.constant 0 : i32
      %dma_wait3A_168 = tpu.memref_slice %arg7[%dma_wait3A_165, %dma_wait3A_166, %dma_wait3A_167] : memref<4x400x64xf32, #tpu.memory_space<vmem>> -> memref<1x400x64xf32, #tpu.memory_space<vmem>>
      %dma_wait3A_169 = tpu.memref_squeeze %dma_wait3A_168 : memref<1x400x64xf32, #tpu.memory_space<vmem>> -> memref<400x64xf32, #tpu.memory_space<vmem>>
      %dma_wait3A_170 = arith.constant 0 : i32
      %dma_wait3A_171 = arith.constant 0 : i32
      %dma_wait3A_172 = tpu.memref_slice %dma_wait3A_169[%dma_wait3A_170, %dma_wait3A_171] : memref<400x64xf32, #tpu.memory_space<vmem>> -> memref<80x64xf32, #tpu.memory_space<vmem>>
      %dma_wait3A_173 = arith.constant 0 : i32
      %dma_wait3A_174 = tpu.memref_slice %arg6[%dma_wait3A_164, %dma_wait3A_173] : memref<4x400xi32, #tpu.memory_space<vmem>> -> memref<1x400xi32, #tpu.memory_space<vmem>>
      %dma_wait3A_175 = tpu.memref_squeeze %dma_wait3A_174 : memref<1x400xi32, #tpu.memory_space<vmem>> -> memref<400xi32, #tpu.memory_space<vmem>>
      %dma_wait3A_176 = arith.constant 0 : i32
      %dma_wait3A_177 = tpu.memref_slice %dma_wait3A_175[%dma_wait3A_176] : memref<400xi32, #tpu.memory_space<vmem>> -> memref<80xi32, #tpu.memory_space<vmem>>
      %dma_wait3A_178 = arith.constant 0 : i32
      %dma_wait3A_179 = arith.constant 0 : i32
      %dma_wait3A_180 = tpu.memref_slice %arg3[%dma_wait3A_178, %dma_wait3A_179] : memref<100000x64xf32, #tpu.memory_space<hbm>> -> memref<100000x64xf32, #tpu.memory_space<hbm>>
      tpu.wait_indirect_dma semaphore(%arg9 : memref<!tpu.dma_semaphore, #tpu.memory_space<semaphore_mem>>) src(%dma_wait3A_180 : memref<100000x64xf32, #tpu.memory_space<hbm>>) dst(%dma_wait3A_172 : memref<80x64xf32, #tpu.memory_space<vmem>>)
      %dma_wait3A_181 = arith.constant 0 : i32
      %dma_wait3A_182 = arith.constant 0 : i32
      %dma_wait3A_183 = arith.constant 0 : i32
      %dma_wait3A_184 = arith.constant 0 : i32
      %dma_wait3A_185 = tpu.memref_slice %arg7[%dma_wait3A_182, %dma_wait3A_183, %dma_wait3A_184] : memref<4x400x64xf32, #tpu.memory_space<vmem>> -> memref<1x400x64xf32, #tpu.memory_space<vmem>>
      %dma_wait3A_186 = tpu.memref_squeeze %dma_wait3A_185 : memref<1x400x64xf32, #tpu.memory_space<vmem>> -> memref<400x64xf32, #tpu.memory_space<vmem>>
      %dma_wait3A_187 = arith.constant 80 : i32
      %dma_wait3A_188 = arith.constant 0 : i32
      %dma_wait3A_189 = tpu.memref_slice %dma_wait3A_186[%dma_wait3A_187, %dma_wait3A_188] : memref<400x64xf32, #tpu.memory_space<vmem>> -> memref<80x64xf32, #tpu.memory_space<vmem>>
      %dma_wait3A_190 = arith.constant 0 : i32
      %dma_wait3A_191 = tpu.memref_slice %arg6[%dma_wait3A_181, %dma_wait3A_190] : memref<4x400xi32, #tpu.memory_space<vmem>> -> memref<1x400xi32, #tpu.memory_space<vmem>>
      %dma_wait3A_192 = tpu.memref_squeeze %dma_wait3A_191 : memref<1x400xi32, #tpu.memory_space<vmem>> -> memref<400xi32, #tpu.memory_space<vmem>>
      %dma_wait3A_193 = arith.constant 80 : i32
      %dma_wait3A_194 = tpu.memref_slice %dma_wait3A_192[%dma_wait3A_193] : memref<400xi32, #tpu.memory_space<vmem>> -> memref<80xi32, #tpu.memory_space<vmem>>
      %dma_wait3A_195 = arith.constant 0 : i32
      %dma_wait3A_196 = arith.constant 0 : i32
      %dma_wait3A_197 = tpu.memref_slice %arg3[%dma_wait3A_195, %dma_wait3A_196] : memref<100000x64xf32, #tpu.memory_space<hbm>> -> memref<100000x64xf32, #tpu.memory_space<hbm>>
      tpu.wait_indirect_dma semaphore(%arg9 : memref<!tpu.dma_semaphore, #tpu.memory_space<semaphore_mem>>) src(%dma_wait3A_197 : memref<100000x64xf32, #tpu.memory_space<hbm>>) dst(%dma_wait3A_189 : memref<80x64xf32, #tpu.memory_space<vmem>>)
      %dma_wait3A_198 = arith.constant 0 : i32
      %dma_wait3A_199 = arith.constant 0 : i32
      %dma_wait3A_200 = arith.constant 0 : i32
      %dma_wait3A_201 = arith.constant 0 : i32
      %dma_wait3A_202 = tpu.memref_slice %arg7[%dma_wait3A_199, %dma_wait3A_200, %dma_wait3A_201] : memref<4x400x64xf32, #tpu.memory_space<vmem>> -> memref<1x400x64xf32, #tpu.memory_space<vmem>>
      %dma_wait3A_203 = tpu.memref_squeeze %dma_wait3A_202 : memref<1x400x64xf32, #tpu.memory_space<vmem>> -> memref<400x64xf32, #tpu.memory_space<vmem>>
      %dma_wait3A_204 = arith.constant 160 : i32
      %dma_wait3A_205 = arith.constant 0 : i32
      %dma_wait3A_206 = tpu.memref_slice %dma_wait3A_203[%dma_wait3A_204, %dma_wait3A_205] : memref<400x64xf32, #tpu.memory_space<vmem>> -> memref<80x64xf32, #tpu.memory_space<vmem>>
      %dma_wait3A_207 = arith.constant 0 : i32
      %dma_wait3A_208 = tpu.memref_slice %arg6[%dma_wait3A_198, %dma_wait3A_207] : memref<4x400xi32, #tpu.memory_space<vmem>> -> memref<1x400xi32, #tpu.memory_space<vmem>>
      %dma_wait3A_209 = tpu.memref_squeeze %dma_wait3A_208 : memref<1x400xi32, #tpu.memory_space<vmem>> -> memref<400xi32, #tpu.memory_space<vmem>>
      %dma_wait3A_210 = arith.constant 160 : i32
      %dma_wait3A_211 = tpu.memref_slice %dma_wait3A_209[%dma_wait3A_210] : memref<400xi32, #tpu.memory_space<vmem>> -> memref<80xi32, #tpu.memory_space<vmem>>
      %dma_wait3A_212 = arith.constant 0 : i32
      %dma_wait3A_213 = arith.constant 0 : i32
      %dma_wait3A_214 = tpu.memref_slice %arg3[%dma_wait3A_212, %dma_wait3A_213] : memref<100000x64xf32, #tpu.memory_space<hbm>> -> memref<100000x64xf32, #tpu.memory_space<hbm>>
      tpu.wait_indirect_dma semaphore(%arg9 : memref<!tpu.dma_semaphore, #tpu.memory_space<semaphore_mem>>) src(%dma_wait3A_214 : memref<100000x64xf32, #tpu.memory_space<hbm>>) dst(%dma_wait3A_206 : memref<80x64xf32, #tpu.memory_space<vmem>>)
      %dma_wait3A_215 = arith.constant 0 : i32
      %dma_wait3A_216 = arith.constant 0 : i32
      %dma_wait3A_217 = arith.constant 0 : i32
      %dma_wait3A_218 = arith.constant 0 : i32
      %dma_wait3A_219 = tpu.memref_slice %arg7[%dma_wait3A_216, %dma_wait3A_217, %dma_wait3A_218] : memref<4x400x64xf32, #tpu.memory_space<vmem>> -> memref<1x400x64xf32, #tpu.memory_space<vmem>>
      %dma_wait3A_220 = tpu.memref_squeeze %dma_wait3A_219 : memref<1x400x64xf32, #tpu.memory_space<vmem>> -> memref<400x64xf32, #tpu.memory_space<vmem>>
      %dma_wait3A_221 = arith.constant 240 : i32
      %dma_wait3A_222 = arith.constant 0 : i32
      %dma_wait3A_223 = tpu.memref_slice %dma_wait3A_220[%dma_wait3A_221, %dma_wait3A_222] : memref<400x64xf32, #tpu.memory_space<vmem>> -> memref<80x64xf32, #tpu.memory_space<vmem>>
      %dma_wait3A_224 = arith.constant 0 : i32
      %dma_wait3A_225 = tpu.memref_slice %arg6[%dma_wait3A_215, %dma_wait3A_224] : memref<4x400xi32, #tpu.memory_space<vmem>> -> memref<1x400xi32, #tpu.memory_space<vmem>>
      %dma_wait3A_226 = tpu.memref_squeeze %dma_wait3A_225 : memref<1x400xi32, #tpu.memory_space<vmem>> -> memref<400xi32, #tpu.memory_space<vmem>>
      %dma_wait3A_227 = arith.constant 240 : i32
      %dma_wait3A_228 = tpu.memref_slice %dma_wait3A_226[%dma_wait3A_227] : memref<400xi32, #tpu.memory_space<vmem>> -> memref<80xi32, #tpu.memory_space<vmem>>
      %dma_wait3A_229 = arith.constant 0 : i32
      %dma_wait3A_230 = arith.constant 0 : i32
      %dma_wait3A_231 = tpu.memref_slice %arg3[%dma_wait3A_229, %dma_wait3A_230] : memref<100000x64xf32, #tpu.memory_space<hbm>> -> memref<100000x64xf32, #tpu.memory_space<hbm>>
      tpu.wait_indirect_dma semaphore(%arg9 : memref<!tpu.dma_semaphore, #tpu.memory_space<semaphore_mem>>) src(%dma_wait3A_231 : memref<100000x64xf32, #tpu.memory_space<hbm>>) dst(%dma_wait3A_223 : memref<80x64xf32, #tpu.memory_space<vmem>>)
      %dma_wait3A_232 = arith.constant 0 : i32
      %dma_wait3A_233 = arith.constant 0 : i32
      %dma_wait3A_234 = arith.constant 0 : i32
      %dma_wait3A_235 = arith.constant 0 : i32
      %dma_wait3A_236 = tpu.memref_slice %arg7[%dma_wait3A_233, %dma_wait3A_234, %dma_wait3A_235] : memref<4x400x64xf32, #tpu.memory_space<vmem>> -> memref<1x400x64xf32, #tpu.memory_space<vmem>>
      %dma_wait3A_237 = tpu.memref_squeeze %dma_wait3A_236 : memref<1x400x64xf32, #tpu.memory_space<vmem>> -> memref<400x64xf32, #tpu.memory_space<vmem>>
      %dma_wait3A_238 = arith.constant 320 : i32
      %dma_wait3A_239 = arith.constant 0 : i32
      %dma_wait3A_240 = tpu.memref_slice %dma_wait3A_237[%dma_wait3A_238, %dma_wait3A_239] : memref<400x64xf32, #tpu.memory_space<vmem>> -> memref<80x64xf32, #tpu.memory_space<vmem>>
      %dma_wait3A_241 = arith.constant 0 : i32
      %dma_wait3A_242 = tpu.memref_slice %arg6[%dma_wait3A_232, %dma_wait3A_241] : memref<4x400xi32, #tpu.memory_space<vmem>> -> memref<1x400xi32, #tpu.memory_space<vmem>>
      %dma_wait3A_243 = tpu.memref_squeeze %dma_wait3A_242 : memref<1x400xi32, #tpu.memory_space<vmem>> -> memref<400xi32, #tpu.memory_space<vmem>>
      %dma_wait3A_244 = arith.constant 320 : i32
      %dma_wait3A_245 = tpu.memref_slice %dma_wait3A_243[%dma_wait3A_244] : memref<400xi32, #tpu.memory_space<vmem>> -> memref<80xi32, #tpu.memory_space<vmem>>
      %dma_wait3A_246 = arith.constant 0 : i32
      %dma_wait3A_247 = arith.constant 0 : i32
      %dma_wait3A_248 = tpu.memref_slice %arg3[%dma_wait3A_246, %dma_wait3A_247] : memref<100000x64xf32, #tpu.memory_space<hbm>> -> memref<100000x64xf32, #tpu.memory_space<hbm>>
      tpu.wait_indirect_dma semaphore(%arg9 : memref<!tpu.dma_semaphore, #tpu.memory_space<semaphore_mem>>) src(%dma_wait3A_248 : memref<100000x64xf32, #tpu.memory_space<hbm>>) dst(%dma_wait3A_240 : memref<80x64xf32, #tpu.memory_space<vmem>>)
      %broadcast_in_dim3A = arith.constant false
      %broadcast_in_dim3A_249 = vector.broadcast %broadcast_in_dim3A : i1 to vector<16xi1>
      %scan3A_250 = arith.constant 0 : i32
      %scan3A_251 = arith.constant 25 : i32
      %scan3A_252 = arith.addi %scan3A_250, %scan3A_251 : i32
      %scan3A_253 = arith.constant 1 : i32
      %scan3A_254 = scf.for %scan3A_689 = %scan3A_250 to %scan3A_252 step %scan3A_253 iter_args(%scan3A_690 = %broadcast_in_dim3A_249) -> (vector<16xi1>)  : i32 {
        %mul3A_691 = arith.constant 16 : i32
        %mul3A_692 = arith.muli %scan3A_689, %mul3A_691 : i32
        %get3A = arith.constant 0 : i32
        %get3A_693 = arith.index_cast %get3A : i32 to index
        %get3A_694 = arith.index_cast %mul3A_692 : i32 to index
        %get3A_695 = tpu.vector_load %arg6[%get3A_693, %get3A_694] {strides = array<i32>} : memref<4x400xi32, #tpu.memory_space<vmem>>, vector<16xi32>,
        %eq3A = arith.constant 0 : i32
        %eq3A_696 = vector.broadcast %eq3A : i32 to vector<16xi32>
        %eq3A_697 = arith.cmpi eq, %get3A_695, %eq3A_696 : vector<16xi32>
        %or3A = arith.ori %scan3A_690, %eq3A_697 : vector<16xi1>
        scf.yield %or3A : vector<16xi1>
      }
      %scan3A_255 = arith.constant 25 : i32
      %all_reduce_population_count3A = tpu.all_reduce %scan3A_254 {dim = 0 : i64, kind = #tpu.reduction_kind<sum>} : vector<16xi1> -> vector<16xi32>
      %slice3A = vector.extract_strided_slice %all_reduce_population_count3A {offsets = [0], sizes = [1], strides = [1]} : vector<16xi32> to vector<1xi32>
      %squeeze3A = vector.extract %slice3A[0] : i32 from vector<1xi32>
      %gt3A = arith.constant 0 : i32
      %gt3A_256 = arith.cmpi sgt, %squeeze3A, %gt3A : i32
      %convert_element_type3A_257 = arith.extui %gt3A_256 : i1 to i32
      %cond3A_258 = arith.constant 0 : i32
      %cond3A_259 = arith.cmpi ne, %convert_element_type3A_257, %cond3A_258 : i32
      scf.if %cond3A_259 {
        %scan3A_689 = arith.constant 0 : i32
        %scan3A_690 = arith.constant 0 : i32
        %scan3A_691 = arith.constant 25 : i32
        %scan3A_692 = arith.addi %scan3A_690, %scan3A_691 : i32
        %scan3A_693 = arith.constant 1 : i32
        %scan3A_694 = scf.for %scan3A_696 = %scan3A_690 to %scan3A_692 step %scan3A_693 iter_args(%scan3A_697 = %scan3A_689) -> (i32)  : i32 {
          %mul3A_698 = arith.constant 16 : i32
          %mul3A_699 = arith.muli %scan3A_696, %mul3A_698 : i32
          %get3A = arith.constant 0 : i32
          %get3A_700 = arith.index_cast %get3A : i32 to index
          %get3A_701 = arith.index_cast %mul3A_699 : i32 to index
          %get3A_702 = tpu.vector_load %arg6[%get3A_700, %get3A_701] {strides = array<i32>} : memref<4x400xi32, #tpu.memory_space<vmem>>, vector<16xi32>,
          %eq3A = arith.constant 0 : i32
          %eq3A_703 = vector.broadcast %eq3A : i32 to vector<16xi32>
          %eq3A_704 = arith.cmpi eq, %get3A_702, %eq3A_703 : vector<16xi32>
          %mul3A_705 = arith.constant 16 : i32
          %mul3A_706 = arith.muli %scan3A_696, %mul3A_705 : i32
          %iota3A = tpu.iota {dimensions = array<i32: 0>} : vector<16xi32>
          %add3A_707 = vector.broadcast %mul3A_706 : i32 to vector<16xi32>
          %add3A_708 = arith.addi %add3A_707, %iota3A : vector<16xi32>
          %broadcast_in_dim3A_709 = arith.constant 0.000000e+00 : f32
          %broadcast_in_dim3A_710 = vector.broadcast %broadcast_in_dim3A_709 : f32 to vector<16xf32>
          %broadcast_in_dim3A_711 = arith.constant 0 : i32
          %broadcast_in_dim3A_712 = vector.broadcast %broadcast_in_dim3A_711 : i32 to vector<16xi32>
          %scatter3A = arith.constant 0 : i32
          %scatter3A_713 = arith.constant 0 : i32
          %scatter3A_714 = arith.constant 0 : i32
          %scatter3A_715 = tpu.memref_slice %arg7[%scatter3A, %scatter3A_713, %scatter3A_714] : memref<4x400x64xf32, #tpu.memory_space<vmem>> -> memref<1x400x64xf32, #tpu.memory_space<vmem>>
          %scatter3A_716 = tpu.memref_squeeze %scatter3A_715 : memref<1x400x64xf32, #tpu.memory_space<vmem>> -> memref<400x64xf32, #tpu.memory_space<vmem>>
          tpu.vector_store_idx %scatter3A_716[%add3A_708, %broadcast_in_dim3A_712], %broadcast_in_dim3A_710 masked %eq3A_704 : memref<400x64xf32, #tpu.memory_space<vmem>>[vector<16xi32>, vector<16xi32>], vector<16xf32>, vector<16xi1>
          %broadcast_in_dim3A_717 = arith.constant 1 : i32
          %broadcast_in_dim3A_718 = vector.broadcast %broadcast_in_dim3A_717 : i32 to vector<16xi32>
          %scatter3A_719 = arith.constant 0 : i32
          %scatter3A_720 = arith.constant 0 : i32
          %scatter3A_721 = arith.constant 0 : i32
          %scatter3A_722 = tpu.memref_slice %arg7[%scatter3A_719, %scatter3A_720, %scatter3A_721] : memref<4x400x64xf32, #tpu.memory_space<vmem>> -> memref<1x400x64xf32, #tpu.memory_space<vmem>>
          %scatter3A_723 = tpu.memref_squeeze %scatter3A_722 : memref<1x400x64xf32, #tpu.memory_space<vmem>> -> memref<400x64xf32, #tpu.memory_space<vmem>>
          tpu.vector_store_idx %scatter3A_723[%add3A_708, %broadcast_in_dim3A_718], %broadcast_in_dim3A_710 masked %eq3A_704 : memref<400x64xf32, #tpu.memory_space<vmem>>[vector<16xi32>, vector<16xi32>], vector<16xf32>, vector<16xi1>
          %broadcast_in_dim3A_724 = arith.constant 2 : i32
          %broadcast_in_dim3A_725 = vector.broadcast %broadcast_in_dim3A_724 : i32 to vector<16xi32>
          %scatter3A_726 = arith.constant 0 : i32
          %scatter3A_727 = arith.constant 0 : i32
          %scatter3A_728 = arith.constant 0 : i32
          %scatter3A_729 = tpu.memref_slice %arg7[%scatter3A_726, %scatter3A_727, %scatter3A_728] : memref<4x400x64xf32, #tpu.memory_space<vmem>> -> memref<1x400x64xf32, #tpu.memory_space<vmem>>
          %scatter3A_730 = tpu.memref_squeeze %scatter3A_729 : memref<1x400x64xf32, #tpu.memory_space<vmem>> -> memref<400x64xf32, #tpu.memory_space<vmem>>
          tpu.vector_store_idx %scatter3A_730[%add3A_708, %broadcast_in_dim3A_725], %broadcast_in_dim3A_710 masked %eq3A_704 : memref<400x64xf32, #tpu.memory_space<vmem>>[vector<16xi32>, vector<16xi32>], vector<16xf32>, vector<16xi1>
          %broadcast_in_dim3A_731 = arith.constant 3 : i32
          %broadcast_in_dim3A_732 = vector.broadcast %broadcast_in_dim3A_731 : i32 to vector<16xi32>
          %scatter3A_733 = arith.constant 0 : i32
          %scatter3A_734 = arith.constant 0 : i32
          %scatter3A_735 = arith.constant 0 : i32
          %scatter3A_736 = tpu.memref_slice %arg7[%scatter3A_733, %scatter3A_734, %scatter3A_735] : memref<4x400x64xf32, #tpu.memory_space<vmem>> -> memref<1x400x64xf32, #tpu.memory_space<vmem>>
          %scatter3A_737 = tpu.memref_squeeze %scatter3A_736 : memref<1x400x64xf32, #tpu.memory_space<vmem>> -> memref<400x64xf32, #tpu.memory_space<vmem>>
          tpu.vector_store_idx %scatter3A_737[%add3A_708, %broadcast_in_dim3A_732], %broadcast_in_dim3A_710 masked %eq3A_704 : memref<400x64xf32, #tpu.memory_space<vmem>>[vector<16xi32>, vector<16xi32>], vector<16xf32>, vector<16xi1>
          %broadcast_in_dim3A_738 = arith.constant 4 : i32
          %broadcast_in_dim3A_739 = vector.broadcast %broadcast_in_dim3A_738 : i32 to vector<16xi32>
          %scatter3A_740 = arith.constant 0 : i32
          %scatter3A_741 = arith.constant 0 : i32
          %scatter3A_742 = arith.constant 0 : i32
          %scatter3A_743 = tpu.memref_slice %arg7[%scatter3A_740, %scatter3A_741, %scatter3A_742] : memref<4x400x64xf32, #tpu.memory_space<vmem>> -> memref<1x400x64xf32, #tpu.memory_space<vmem>>
          %scatter3A_744 = tpu.memref_squeeze %scatter3A_743 : memref<1x400x64xf32, #tpu.memory_space<vmem>> -> memref<400x64xf32, #tpu.memory_space<vmem>>
          tpu.vector_store_idx %scatter3A_744[%add3A_708, %broadcast_in_dim3A_739], %broadcast_in_dim3A_710 masked %eq3A_704 : memref<400x64xf32, #tpu.memory_space<vmem>>[vector<16xi32>, vector<16xi32>], vector<16xf32>, vector<16xi1>
          %broadcast_in_dim3A_745 = arith.constant 5 : i32
          %broadcast_in_dim3A_746 = vector.broadcast %broadcast_in_dim3A_745 : i32 to vector<16xi32>
          %scatter3A_747 = arith.constant 0 : i32
          %scatter3A_748 = arith.constant 0 : i32
          %scatter3A_749 = arith.constant 0 : i32
          %scatter3A_750 = tpu.memref_slice %arg7[%scatter3A_747, %scatter3A_748, %scatter3A_749] : memref<4x400x64xf32, #tpu.memory_space<vmem>> -> memref<1x400x64xf32, #tpu.memory_space<vmem>>
          %scatter3A_751 = tpu.memref_squeeze %scatter3A_750 : memref<1x400x64xf32, #tpu.memory_space<vmem>> -> memref<400x64xf32, #tpu.memory_space<vmem>>
          tpu.vector_store_idx %scatter3A_751[%add3A_708, %broadcast_in_dim3A_746], %broadcast_in_dim3A_710 masked %eq3A_704 : memref<400x64xf32, #tpu.memory_space<vmem>>[vector<16xi32>, vector<16xi32>], vector<16xf32>, vector<16xi1>
          %broadcast_in_dim3A_752 = arith.constant 6 : i32
          %broadcast_in_dim3A_753 = vector.broadcast %broadcast_in_dim3A_752 : i32 to vector<16xi32>
          %scatter3A_754 = arith.constant 0 : i32
          %scatter3A_755 = arith.constant 0 : i32
          %scatter3A_756 = arith.constant 0 : i32
          %scatter3A_757 = tpu.memref_slice %arg7[%scatter3A_754, %scatter3A_755, %scatter3A_756] : memref<4x400x64xf32, #tpu.memory_space<vmem>> -> memref<1x400x64xf32, #tpu.memory_space<vmem>>
          %scatter3A_758 = tpu.memref_squeeze %scatter3A_757 : memref<1x400x64xf32, #tpu.memory_space<vmem>> -> memref<400x64xf32, #tpu.memory_space<vmem>>
          tpu.vector_store_idx %scatter3A_758[%add3A_708, %broadcast_in_dim3A_753], %broadcast_in_dim3A_710 masked %eq3A_704 : memref<400x64xf32, #tpu.memory_space<vmem>>[vector<16xi32>, vector<16xi32>], vector<16xf32>, vector<16xi1>
          %broadcast_in_dim3A_759 = arith.constant 7 : i32
          %broadcast_in_dim3A_760 = vector.broadcast %broadcast_in_dim3A_759 : i32 to vector<16xi32>
          %scatter3A_761 = arith.constant 0 : i32
          %scatter3A_762 = arith.constant 0 : i32
          %scatter3A_763 = arith.constant 0 : i32
          %scatter3A_764 = tpu.memref_slice %arg7[%scatter3A_761, %scatter3A_762, %scatter3A_763] : memref<4x400x64xf32, #tpu.memory_space<vmem>> -> memref<1x400x64xf32, #tpu.memory_space<vmem>>
          %scatter3A_765 = tpu.memref_squeeze %scatter3A_764 : memref<1x400x64xf32, #tpu.memory_space<vmem>> -> memref<400x64xf32, #tpu.memory_space<vmem>>
          tpu.vector_store_idx %scatter3A_765[%add3A_708, %broadcast_in_dim3A_760], %broadcast_in_dim3A_710 masked %eq3A_704 : memref<400x64xf32, #tpu.memory_space<vmem>>[vector<16xi32>, vector<16xi32>], vector<16xf32>, vector<16xi1>
          %broadcast_in_dim3A_766 = arith.constant 8 : i32
          %broadcast_in_dim3A_767 = vector.broadcast %broadcast_in_dim3A_766 : i32 to vector<16xi32>
          %scatter3A_768 = arith.constant 0 : i32
          %scatter3A_769 = arith.constant 0 : i32
          %scatter3A_770 = arith.constant 0 : i32
          %scatter3A_771 = tpu.memref_slice %arg7[%scatter3A_768, %scatter3A_769, %scatter3A_770] : memref<4x400x64xf32, #tpu.memory_space<vmem>> -> memref<1x400x64xf32, #tpu.memory_space<vmem>>
          %scatter3A_772 = tpu.memref_squeeze %scatter3A_771 : memref<1x400x64xf32, #tpu.memory_space<vmem>> -> memref<400x64xf32, #tpu.memory_space<vmem>>
          tpu.vector_store_idx %scatter3A_772[%add3A_708, %broadcast_in_dim3A_767], %broadcast_in_dim3A_710 masked %eq3A_704 : memref<400x64xf32, #tpu.memory_space<vmem>>[vector<16xi32>, vector<16xi32>], vector<16xf32>, vector<16xi1>
          %broadcast_in_dim3A_773 = arith.constant 9 : i32
          %broadcast_in_dim3A_774 = vector.broadcast %broadcast_in_dim3A_773 : i32 to vector<16xi32>
          %scatter3A_775 = arith.constant 0 : i32
          %scatter3A_776 = arith.constant 0 : i32
          %scatter3A_777 = arith.constant 0 : i32
          %scatter3A_778 = tpu.memref_slice %arg7[%scatter3A_775, %scatter3A_776, %scatter3A_777] : memref<4x400x64xf32, #tpu.memory_space<vmem>> -> memref<1x400x64xf32, #tpu.memory_space<vmem>>
          %scatter3A_779 = tpu.memref_squeeze %scatter3A_778 : memref<1x400x64xf32, #tpu.memory_space<vmem>> -> memref<400x64xf32, #tpu.memory_space<vmem>>
          tpu.vector_store_idx %scatter3A_779[%add3A_708, %broadcast_in_dim3A_774], %broadcast_in_dim3A_710 masked %eq3A_704 : memref<400x64xf32, #tpu.memory_space<vmem>>[vector<16xi32>, vector<16xi32>], vector<16xf32>, vector<16xi1>
          %broadcast_in_dim3A_780 = arith.constant 10 : i32
          %broadcast_in_dim3A_781 = vector.broadcast %broadcast_in_dim3A_780 : i32 to vector<16xi32>
          %scatter3A_782 = arith.constant 0 : i32
          %scatter3A_783 = arith.constant 0 : i32
          %scatter3A_784 = arith.constant 0 : i32
          %scatter3A_785 = tpu.memref_slice %arg7[%scatter3A_782, %scatter3A_783, %scatter3A_784] : memref<4x400x64xf32, #tpu.memory_space<vmem>> -> memref<1x400x64xf32, #tpu.memory_space<vmem>>
          %scatter3A_786 = tpu.memref_squeeze %scatter3A_785 : memref<1x400x64xf32, #tpu.memory_space<vmem>> -> memref<400x64xf32, #tpu.memory_space<vmem>>
          tpu.vector_store_idx %scatter3A_786[%add3A_708, %broadcast_in_dim3A_781], %broadcast_in_dim3A_710 masked %eq3A_704 : memref<400x64xf32, #tpu.memory_space<vmem>>[vector<16xi32>, vector<16xi32>], vector<16xf32>, vector<16xi1>
          %broadcast_in_dim3A_787 = arith.constant 11 : i32
          %broadcast_in_dim3A_788 = vector.broadcast %broadcast_in_dim3A_787 : i32 to vector<16xi32>
          %scatter3A_789 = arith.constant 0 : i32
          %scatter3A_790 = arith.constant 0 : i32
          %scatter3A_791 = arith.constant 0 : i32
          %scatter3A_792 = tpu.memref_slice %arg7[%scatter3A_789, %scatter3A_790, %scatter3A_791] : memref<4x400x64xf32, #tpu.memory_space<vmem>> -> memref<1x400x64xf32, #tpu.memory_space<vmem>>
          %scatter3A_793 = tpu.memref_squeeze %scatter3A_792 : memref<1x400x64xf32, #tpu.memory_space<vmem>> -> memref<400x64xf32, #tpu.memory_space<vmem>>
          tpu.vector_store_idx %scatter3A_793[%add3A_708, %broadcast_in_dim3A_788], %broadcast_in_dim3A_710 masked %eq3A_704 : memref<400x64xf32, #tpu.memory_space<vmem>>[vector<16xi32>, vector<16xi32>], vector<16xf32>, vector<16xi1>
          %broadcast_in_dim3A_794 = arith.constant 12 : i32
          %broadcast_in_dim3A_795 = vector.broadcast %broadcast_in_dim3A_794 : i32 to vector<16xi32>
          %scatter3A_796 = arith.constant 0 : i32
          %scatter3A_797 = arith.constant 0 : i32
          %scatter3A_798 = arith.constant 0 : i32
          %scatter3A_799 = tpu.memref_slice %arg7[%scatter3A_796, %scatter3A_797, %scatter3A_798] : memref<4x400x64xf32, #tpu.memory_space<vmem>> -> memref<1x400x64xf32, #tpu.memory_space<vmem>>
          %scatter3A_800 = tpu.memref_squeeze %scatter3A_799 : memref<1x400x64xf32, #tpu.memory_space<vmem>> -> memref<400x64xf32, #tpu.memory_space<vmem>>
          tpu.vector_store_idx %scatter3A_800[%add3A_708, %broadcast_in_dim3A_795], %broadcast_in_dim3A_710 masked %eq3A_704 : memref<400x64xf32, #tpu.memory_space<vmem>>[vector<16xi32>, vector<16xi32>], vector<16xf32>, vector<16xi1>
          %broadcast_in_dim3A_801 = arith.constant 13 : i32
          %broadcast_in_dim3A_802 = vector.broadcast %broadcast_in_dim3A_801 : i32 to vector<16xi32>
          %scatter3A_803 = arith.constant 0 : i32
          %scatter3A_804 = arith.constant 0 : i32
          %scatter3A_805 = arith.constant 0 : i32
          %scatter3A_806 = tpu.memref_slice %arg7[%scatter3A_803, %scatter3A_804, %scatter3A_805] : memref<4x400x64xf32, #tpu.memory_space<vmem>> -> memref<1x400x64xf32, #tpu.memory_space<vmem>>
          %scatter3A_807 = tpu.memref_squeeze %scatter3A_806 : memref<1x400x64xf32, #tpu.memory_space<vmem>> -> memref<400x64xf32, #tpu.memory_space<vmem>>
          tpu.vector_store_idx %scatter3A_807[%add3A_708, %broadcast_in_dim3A_802], %broadcast_in_dim3A_710 masked %eq3A_704 : memref<400x64xf32, #tpu.memory_space<vmem>>[vector<16xi32>, vector<16xi32>], vector<16xf32>, vector<16xi1>
          %broadcast_in_dim3A_808 = arith.constant 14 : i32
          %broadcast_in_dim3A_809 = vector.broadcast %broadcast_in_dim3A_808 : i32 to vector<16xi32>
          %scatter3A_810 = arith.constant 0 : i32
          %scatter3A_811 = arith.constant 0 : i32
          %scatter3A_812 = arith.constant 0 : i32
          %scatter3A_813 = tpu.memref_slice %arg7[%scatter3A_810, %scatter3A_811, %scatter3A_812] : memref<4x400x64xf32, #tpu.memory_space<vmem>> -> memref<1x400x64xf32, #tpu.memory_space<vmem>>
          %scatter3A_814 = tpu.memref_squeeze %scatter3A_813 : memref<1x400x64xf32, #tpu.memory_space<vmem>> -> memref<400x64xf32, #tpu.memory_space<vmem>>
          tpu.vector_store_idx %scatter3A_814[%add3A_708, %broadcast_in_dim3A_809], %broadcast_in_dim3A_710 masked %eq3A_704 : memref<400x64xf32, #tpu.memory_space<vmem>>[vector<16xi32>, vector<16xi32>], vector<16xf32>, vector<16xi1>
          %broadcast_in_dim3A_815 = arith.constant 15 : i32
          %broadcast_in_dim3A_816 = vector.broadcast %broadcast_in_dim3A_815 : i32 to vector<16xi32>
          %scatter3A_817 = arith.constant 0 : i32
          %scatter3A_818 = arith.constant 0 : i32
          %scatter3A_819 = arith.constant 0 : i32
          %scatter3A_820 = tpu.memref_slice %arg7[%scatter3A_817, %scatter3A_818, %scatter3A_819] : memref<4x400x64xf32, #tpu.memory_space<vmem>> -> memref<1x400x64xf32, #tpu.memory_space<vmem>>
          %scatter3A_821 = tpu.memref_squeeze %scatter3A_820 : memref<1x400x64xf32, #tpu.memory_space<vmem>> -> memref<400x64xf32, #tpu.memory_space<vmem>>
          tpu.vector_store_idx %scatter3A_821[%add3A_708, %broadcast_in_dim3A_816], %broadcast_in_dim3A_710 masked %eq3A_704 : memref<400x64xf32, #tpu.memory_space<vmem>>[vector<16xi32>, vector<16xi32>], vector<16xf32>, vector<16xi1>
          %broadcast_in_dim3A_822 = arith.constant 16 : i32
          %broadcast_in_dim3A_823 = vector.broadcast %broadcast_in_dim3A_822 : i32 to vector<16xi32>
          %scatter3A_824 = arith.constant 0 : i32
          %scatter3A_825 = arith.constant 0 : i32
          %scatter3A_826 = arith.constant 0 : i32
          %scatter3A_827 = tpu.memref_slice %arg7[%scatter3A_824, %scatter3A_825, %scatter3A_826] : memref<4x400x64xf32, #tpu.memory_space<vmem>> -> memref<1x400x64xf32, #tpu.memory_space<vmem>>
          %scatter3A_828 = tpu.memref_squeeze %scatter3A_827 : memref<1x400x64xf32, #tpu.memory_space<vmem>> -> memref<400x64xf32, #tpu.memory_space<vmem>>
          tpu.vector_store_idx %scatter3A_828[%add3A_708, %broadcast_in_dim3A_823], %broadcast_in_dim3A_710 masked %eq3A_704 : memref<400x64xf32, #tpu.memory_space<vmem>>[vector<16xi32>, vector<16xi32>], vector<16xf32>, vector<16xi1>
          %broadcast_in_dim3A_829 = arith.constant 17 : i32
          %broadcast_in_dim3A_830 = vector.broadcast %broadcast_in_dim3A_829 : i32 to vector<16xi32>
          %scatter3A_831 = arith.constant 0 : i32
          %scatter3A_832 = arith.constant 0 : i32
          %scatter3A_833 = arith.constant 0 : i32
          %scatter3A_834 = tpu.memref_slice %arg7[%scatter3A_831, %scatter3A_832, %scatter3A_833] : memref<4x400x64xf32, #tpu.memory_space<vmem>> -> memref<1x400x64xf32, #tpu.memory_space<vmem>>
          %scatter3A_835 = tpu.memref_squeeze %scatter3A_834 : memref<1x400x64xf32, #tpu.memory_space<vmem>> -> memref<400x64xf32, #tpu.memory_space<vmem>>
          tpu.vector_store_idx %scatter3A_835[%add3A_708, %broadcast_in_dim3A_830], %broadcast_in_dim3A_710 masked %eq3A_704 : memref<400x64xf32, #tpu.memory_space<vmem>>[vector<16xi32>, vector<16xi32>], vector<16xf32>, vector<16xi1>
          %broadcast_in_dim3A_836 = arith.constant 18 : i32
          %broadcast_in_dim3A_837 = vector.broadcast %broadcast_in_dim3A_836 : i32 to vector<16xi32>
          %scatter3A_838 = arith.constant 0 : i32
          %scatter3A_839 = arith.constant 0 : i32
          %scatter3A_840 = arith.constant 0 : i32
          %scatter3A_841 = tpu.memref_slice %arg7[%scatter3A_838, %scatter3A_839, %scatter3A_840] : memref<4x400x64xf32, #tpu.memory_space<vmem>> -> memref<1x400x64xf32, #tpu.memory_space<vmem>>
          %scatter3A_842 = tpu.memref_squeeze %scatter3A_841 : memref<1x400x64xf32, #tpu.memory_space<vmem>> -> memref<400x64xf32, #tpu.memory_space<vmem>>
          tpu.vector_store_idx %scatter3A_842[%add3A_708, %broadcast_in_dim3A_837], %broadcast_in_dim3A_710 masked %eq3A_704 : memref<400x64xf32, #tpu.memory_space<vmem>>[vector<16xi32>, vector<16xi32>], vector<16xf32>, vector<16xi1>
          %broadcast_in_dim3A_843 = arith.constant 19 : i32
          %broadcast_in_dim3A_844 = vector.broadcast %broadcast_in_dim3A_843 : i32 to vector<16xi32>
          %scatter3A_845 = arith.constant 0 : i32
          %scatter3A_846 = arith.constant 0 : i32
          %scatter3A_847 = arith.constant 0 : i32
          %scatter3A_848 = tpu.memref_slice %arg7[%scatter3A_845, %scatter3A_846, %scatter3A_847] : memref<4x400x64xf32, #tpu.memory_space<vmem>> -> memref<1x400x64xf32, #tpu.memory_space<vmem>>
          %scatter3A_849 = tpu.memref_squeeze %scatter3A_848 : memref<1x400x64xf32, #tpu.memory_space<vmem>> -> memref<400x64xf32, #tpu.memory_space<vmem>>
          tpu.vector_store_idx %scatter3A_849[%add3A_708, %broadcast_in_dim3A_844], %broadcast_in_dim3A_710 masked %eq3A_704 : memref<400x64xf32, #tpu.memory_space<vmem>>[vector<16xi32>, vector<16xi32>], vector<16xf32>, vector<16xi1>
          %broadcast_in_dim3A_850 = arith.constant 20 : i32
          %broadcast_in_dim3A_851 = vector.broadcast %broadcast_in_dim3A_850 : i32 to vector<16xi32>
          %scatter3A_852 = arith.constant 0 : i32
          %scatter3A_853 = arith.constant 0 : i32
          %scatter3A_854 = arith.constant 0 : i32
          %scatter3A_855 = tpu.memref_slice %arg7[%scatter3A_852, %scatter3A_853, %scatter3A_854] : memref<4x400x64xf32, #tpu.memory_space<vmem>> -> memref<1x400x64xf32, #tpu.memory_space<vmem>>
          %scatter3A_856 = tpu.memref_squeeze %scatter3A_855 : memref<1x400x64xf32, #tpu.memory_space<vmem>> -> memref<400x64xf32, #tpu.memory_space<vmem>>
          tpu.vector_store_idx %scatter3A_856[%add3A_708, %broadcast_in_dim3A_851], %broadcast_in_dim3A_710 masked %eq3A_704 : memref<400x64xf32, #tpu.memory_space<vmem>>[vector<16xi32>, vector<16xi32>], vector<16xf32>, vector<16xi1>
          %broadcast_in_dim3A_857 = arith.constant 21 : i32
          %broadcast_in_dim3A_858 = vector.broadcast %broadcast_in_dim3A_857 : i32 to vector<16xi32>
          %scatter3A_859 = arith.constant 0 : i32
          %scatter3A_860 = arith.constant 0 : i32
          %scatter3A_861 = arith.constant 0 : i32
          %scatter3A_862 = tpu.memref_slice %arg7[%scatter3A_859, %scatter3A_860, %scatter3A_861] : memref<4x400x64xf32, #tpu.memory_space<vmem>> -> memref<1x400x64xf32, #tpu.memory_space<vmem>>
          %scatter3A_863 = tpu.memref_squeeze %scatter3A_862 : memref<1x400x64xf32, #tpu.memory_space<vmem>> -> memref<400x64xf32, #tpu.memory_space<vmem>>
          tpu.vector_store_idx %scatter3A_863[%add3A_708, %broadcast_in_dim3A_858], %broadcast_in_dim3A_710 masked %eq3A_704 : memref<400x64xf32, #tpu.memory_space<vmem>>[vector<16xi32>, vector<16xi32>], vector<16xf32>, vector<16xi1>
          %broadcast_in_dim3A_864 = arith.constant 22 : i32
          %broadcast_in_dim3A_865 = vector.broadcast %broadcast_in_dim3A_864 : i32 to vector<16xi32>
          %scatter3A_866 = arith.constant 0 : i32
          %scatter3A_867 = arith.constant 0 : i32
          %scatter3A_868 = arith.constant 0 : i32
          %scatter3A_869 = tpu.memref_slice %arg7[%scatter3A_866, %scatter3A_867, %scatter3A_868] : memref<4x400x64xf32, #tpu.memory_space<vmem>> -> memref<1x400x64xf32, #tpu.memory_space<vmem>>
          %scatter3A_870 = tpu.memref_squeeze %scatter3A_869 : memref<1x400x64xf32, #tpu.memory_space<vmem>> -> memref<400x64xf32, #tpu.memory_space<vmem>>
          tpu.vector_store_idx %scatter3A_870[%add3A_708, %broadcast_in_dim3A_865], %broadcast_in_dim3A_710 masked %eq3A_704 : memref<400x64xf32, #tpu.memory_space<vmem>>[vector<16xi32>, vector<16xi32>], vector<16xf32>, vector<16xi1>
          %broadcast_in_dim3A_871 = arith.constant 23 : i32
          %broadcast_in_dim3A_872 = vector.broadcast %broadcast_in_dim3A_871 : i32 to vector<16xi32>
          %scatter3A_873 = arith.constant 0 : i32
          %scatter3A_874 = arith.constant 0 : i32
          %scatter3A_875 = arith.constant 0 : i32
          %scatter3A_876 = tpu.memref_slice %arg7[%scatter3A_873, %scatter3A_874, %scatter3A_875] : memref<4x400x64xf32, #tpu.memory_space<vmem>> -> memref<1x400x64xf32, #tpu.memory_space<vmem>>
          %scatter3A_877 = tpu.memref_squeeze %scatter3A_876 : memref<1x400x64xf32, #tpu.memory_space<vmem>> -> memref<400x64xf32, #tpu.memory_space<vmem>>
          tpu.vector_store_idx %scatter3A_877[%add3A_708, %broadcast_in_dim3A_872], %broadcast_in_dim3A_710 masked %eq3A_704 : memref<400x64xf32, #tpu.memory_space<vmem>>[vector<16xi32>, vector<16xi32>], vector<16xf32>, vector<16xi1>
          %broadcast_in_dim3A_878 = arith.constant 24 : i32
          %broadcast_in_dim3A_879 = vector.broadcast %broadcast_in_dim3A_878 : i32 to vector<16xi32>
          %scatter3A_880 = arith.constant 0 : i32
          %scatter3A_881 = arith.constant 0 : i32
          %scatter3A_882 = arith.constant 0 : i32
          %scatter3A_883 = tpu.memref_slice %arg7[%scatter3A_880, %scatter3A_881, %scatter3A_882] : memref<4x400x64xf32, #tpu.memory_space<vmem>> -> memref<1x400x64xf32, #tpu.memory_space<vmem>>
          %scatter3A_884 = tpu.memref_squeeze %scatter3A_883 : memref<1x400x64xf32, #tpu.memory_space<vmem>> -> memref<400x64xf32, #tpu.memory_space<vmem>>
          tpu.vector_store_idx %scatter3A_884[%add3A_708, %broadcast_in_dim3A_879], %broadcast_in_dim3A_710 masked %eq3A_704 : memref<400x64xf32, #tpu.memory_space<vmem>>[vector<16xi32>, vector<16xi32>], vector<16xf32>, vector<16xi1>
          %broadcast_in_dim3A_885 = arith.constant 25 : i32
          %broadcast_in_dim3A_886 = vector.broadcast %broadcast_in_dim3A_885 : i32 to vector<16xi32>
          %scatter3A_887 = arith.constant 0 : i32
          %scatter3A_888 = arith.constant 0 : i32
          %scatter3A_889 = arith.constant 0 : i32
          %scatter3A_890 = tpu.memref_slice %arg7[%scatter3A_887, %scatter3A_888, %scatter3A_889] : memref<4x400x64xf32, #tpu.memory_space<vmem>> -> memref<1x400x64xf32, #tpu.memory_space<vmem>>
          %scatter3A_891 = tpu.memref_squeeze %scatter3A_890 : memref<1x400x64xf32, #tpu.memory_space<vmem>> -> memref<400x64xf32, #tpu.memory_space<vmem>>
          tpu.vector_store_idx %scatter3A_891[%add3A_708, %broadcast_in_dim3A_886], %broadcast_in_dim3A_710 masked %eq3A_704 : memref<400x64xf32, #tpu.memory_space<vmem>>[vector<16xi32>, vector<16xi32>], vector<16xf32>, vector<16xi1>
          %broadcast_in_dim3A_892 = arith.constant 26 : i32
          %broadcast_in_dim3A_893 = vector.broadcast %broadcast_in_dim3A_892 : i32 to vector<16xi32>
          %scatter3A_894 = arith.constant 0 : i32
          %scatter3A_895 = arith.constant 0 : i32
          %scatter3A_896 = arith.constant 0 : i32
          %scatter3A_897 = tpu.memref_slice %arg7[%scatter3A_894, %scatter3A_895, %scatter3A_896] : memref<4x400x64xf32, #tpu.memory_space<vmem>> -> memref<1x400x64xf32, #tpu.memory_space<vmem>>
          %scatter3A_898 = tpu.memref_squeeze %scatter3A_897 : memref<1x400x64xf32, #tpu.memory_space<vmem>> -> memref<400x64xf32, #tpu.memory_space<vmem>>
          tpu.vector_store_idx %scatter3A_898[%add3A_708, %broadcast_in_dim3A_893], %broadcast_in_dim3A_710 masked %eq3A_704 : memref<400x64xf32, #tpu.memory_space<vmem>>[vector<16xi32>, vector<16xi32>], vector<16xf32>, vector<16xi1>
          %broadcast_in_dim3A_899 = arith.constant 27 : i32
          %broadcast_in_dim3A_900 = vector.broadcast %broadcast_in_dim3A_899 : i32 to vector<16xi32>
          %scatter3A_901 = arith.constant 0 : i32
          %scatter3A_902 = arith.constant 0 : i32
          %scatter3A_903 = arith.constant 0 : i32
          %scatter3A_904 = tpu.memref_slice %arg7[%scatter3A_901, %scatter3A_902, %scatter3A_903] : memref<4x400x64xf32, #tpu.memory_space<vmem>> -> memref<1x400x64xf32, #tpu.memory_space<vmem>>
          %scatter3A_905 = tpu.memref_squeeze %scatter3A_904 : memref<1x400x64xf32, #tpu.memory_space<vmem>> -> memref<400x64xf32, #tpu.memory_space<vmem>>
          tpu.vector_store_idx %scatter3A_905[%add3A_708, %broadcast_in_dim3A_900], %broadcast_in_dim3A_710 masked %eq3A_704 : memref<400x64xf32, #tpu.memory_space<vmem>>[vector<16xi32>, vector<16xi32>], vector<16xf32>, vector<16xi1>
          %broadcast_in_dim3A_906 = arith.constant 28 : i32
          %broadcast_in_dim3A_907 = vector.broadcast %broadcast_in_dim3A_906 : i32 to vector<16xi32>
          %scatter3A_908 = arith.constant 0 : i32
          %scatter3A_909 = arith.constant 0 : i32
          %scatter3A_910 = arith.constant 0 : i32
          %scatter3A_911 = tpu.memref_slice %arg7[%scatter3A_908, %scatter3A_909, %scatter3A_910] : memref<4x400x64xf32, #tpu.memory_space<vmem>> -> memref<1x400x64xf32, #tpu.memory_space<vmem>>
          %scatter3A_912 = tpu.memref_squeeze %scatter3A_911 : memref<1x400x64xf32, #tpu.memory_space<vmem>> -> memref<400x64xf32, #tpu.memory_space<vmem>>
          tpu.vector_store_idx %scatter3A_912[%add3A_708, %broadcast_in_dim3A_907], %broadcast_in_dim3A_710 masked %eq3A_704 : memref<400x64xf32, #tpu.memory_space<vmem>>[vector<16xi32>, vector<16xi32>], vector<16xf32>, vector<16xi1>
          %broadcast_in_dim3A_913 = arith.constant 29 : i32
          %broadcast_in_dim3A_914 = vector.broadcast %broadcast_in_dim3A_913 : i32 to vector<16xi32>
          %scatter3A_915 = arith.constant 0 : i32
          %scatter3A_916 = arith.constant 0 : i32
          %scatter3A_917 = arith.constant 0 : i32
          %scatter3A_918 = tpu.memref_slice %arg7[%scatter3A_915, %scatter3A_916, %scatter3A_917] : memref<4x400x64xf32, #tpu.memory_space<vmem>> -> memref<1x400x64xf32, #tpu.memory_space<vmem>>
          %scatter3A_919 = tpu.memref_squeeze %scatter3A_918 : memref<1x400x64xf32, #tpu.memory_space<vmem>> -> memref<400x64xf32, #tpu.memory_space<vmem>>
          tpu.vector_store_idx %scatter3A_919[%add3A_708, %broadcast_in_dim3A_914], %broadcast_in_dim3A_710 masked %eq3A_704 : memref<400x64xf32, #tpu.memory_space<vmem>>[vector<16xi32>, vector<16xi32>], vector<16xf32>, vector<16xi1>
          %broadcast_in_dim3A_920 = arith.constant 30 : i32
          %broadcast_in_dim3A_921 = vector.broadcast %broadcast_in_dim3A_920 : i32 to vector<16xi32>
          %scatter3A_922 = arith.constant 0 : i32
          %scatter3A_923 = arith.constant 0 : i32
          %scatter3A_924 = arith.constant 0 : i32
          %scatter3A_925 = tpu.memref_slice %arg7[%scatter3A_922, %scatter3A_923, %scatter3A_924] : memref<4x400x64xf32, #tpu.memory_space<vmem>> -> memref<1x400x64xf32, #tpu.memory_space<vmem>>
          %scatter3A_926 = tpu.memref_squeeze %scatter3A_925 : memref<1x400x64xf32, #tpu.memory_space<vmem>> -> memref<400x64xf32, #tpu.memory_space<vmem>>
          tpu.vector_store_idx %scatter3A_926[%add3A_708, %broadcast_in_dim3A_921], %broadcast_in_dim3A_710 masked %eq3A_704 : memref<400x64xf32, #tpu.memory_space<vmem>>[vector<16xi32>, vector<16xi32>], vector<16xf32>, vector<16xi1>
          %broadcast_in_dim3A_927 = arith.constant 31 : i32
          %broadcast_in_dim3A_928 = vector.broadcast %broadcast_in_dim3A_927 : i32 to vector<16xi32>
          %scatter3A_929 = arith.constant 0 : i32
          %scatter3A_930 = arith.constant 0 : i32
          %scatter3A_931 = arith.constant 0 : i32
          %scatter3A_932 = tpu.memref_slice %arg7[%scatter3A_929, %scatter3A_930, %scatter3A_931] : memref<4x400x64xf32, #tpu.memory_space<vmem>> -> memref<1x400x64xf32, #tpu.memory_space<vmem>>
          %scatter3A_933 = tpu.memref_squeeze %scatter3A_932 : memref<1x400x64xf32, #tpu.memory_space<vmem>> -> memref<400x64xf32, #tpu.memory_space<vmem>>
          tpu.vector_store_idx %scatter3A_933[%add3A_708, %broadcast_in_dim3A_928], %broadcast_in_dim3A_710 masked %eq3A_704 : memref<400x64xf32, #tpu.memory_space<vmem>>[vector<16xi32>, vector<16xi32>], vector<16xf32>, vector<16xi1>
          %broadcast_in_dim3A_934 = arith.constant 32 : i32
          %broadcast_in_dim3A_935 = vector.broadcast %broadcast_in_dim3A_934 : i32 to vector<16xi32>
          %scatter3A_936 = arith.constant 0 : i32
          %scatter3A_937 = arith.constant 0 : i32
          %scatter3A_938 = arith.constant 0 : i32
          %scatter3A_939 = tpu.memref_slice %arg7[%scatter3A_936, %scatter3A_937, %scatter3A_938] : memref<4x400x64xf32, #tpu.memory_space<vmem>> -> memref<1x400x64xf32, #tpu.memory_space<vmem>>
          %scatter3A_940 = tpu.memref_squeeze %scatter3A_939 : memref<1x400x64xf32, #tpu.memory_space<vmem>> -> memref<400x64xf32, #tpu.memory_space<vmem>>
          tpu.vector_store_idx %scatter3A_940[%add3A_708, %broadcast_in_dim3A_935], %broadcast_in_dim3A_710 masked %eq3A_704 : memref<400x64xf32, #tpu.memory_space<vmem>>[vector<16xi32>, vector<16xi32>], vector<16xf32>, vector<16xi1>
          %broadcast_in_dim3A_941 = arith.constant 33 : i32
          %broadcast_in_dim3A_942 = vector.broadcast %broadcast_in_dim3A_941 : i32 to vector<16xi32>
          %scatter3A_943 = arith.constant 0 : i32
          %scatter3A_944 = arith.constant 0 : i32
          %scatter3A_945 = arith.constant 0 : i32
          %scatter3A_946 = tpu.memref_slice %arg7[%scatter3A_943, %scatter3A_944, %scatter3A_945] : memref<4x400x64xf32, #tpu.memory_space<vmem>> -> memref<1x400x64xf32, #tpu.memory_space<vmem>>
          %scatter3A_947 = tpu.memref_squeeze %scatter3A_946 : memref<1x400x64xf32, #tpu.memory_space<vmem>> -> memref<400x64xf32, #tpu.memory_space<vmem>>
          tpu.vector_store_idx %scatter3A_947[%add3A_708, %broadcast_in_dim3A_942], %broadcast_in_dim3A_710 masked %eq3A_704 : memref<400x64xf32, #tpu.memory_space<vmem>>[vector<16xi32>, vector<16xi32>], vector<16xf32>, vector<16xi1>
          %broadcast_in_dim3A_948 = arith.constant 34 : i32
          %broadcast_in_dim3A_949 = vector.broadcast %broadcast_in_dim3A_948 : i32 to vector<16xi32>
          %scatter3A_950 = arith.constant 0 : i32
          %scatter3A_951 = arith.constant 0 : i32
          %scatter3A_952 = arith.constant 0 : i32
          %scatter3A_953 = tpu.memref_slice %arg7[%scatter3A_950, %scatter3A_951, %scatter3A_952] : memref<4x400x64xf32, #tpu.memory_space<vmem>> -> memref<1x400x64xf32, #tpu.memory_space<vmem>>
          %scatter3A_954 = tpu.memref_squeeze %scatter3A_953 : memref<1x400x64xf32, #tpu.memory_space<vmem>> -> memref<400x64xf32, #tpu.memory_space<vmem>>
          tpu.vector_store_idx %scatter3A_954[%add3A_708, %broadcast_in_dim3A_949], %broadcast_in_dim3A_710 masked %eq3A_704 : memref<400x64xf32, #tpu.memory_space<vmem>>[vector<16xi32>, vector<16xi32>], vector<16xf32>, vector<16xi1>
          %broadcast_in_dim3A_955 = arith.constant 35 : i32
          %broadcast_in_dim3A_956 = vector.broadcast %broadcast_in_dim3A_955 : i32 to vector<16xi32>
          %scatter3A_957 = arith.constant 0 : i32
          %scatter3A_958 = arith.constant 0 : i32
          %scatter3A_959 = arith.constant 0 : i32
          %scatter3A_960 = tpu.memref_slice %arg7[%scatter3A_957, %scatter3A_958, %scatter3A_959] : memref<4x400x64xf32, #tpu.memory_space<vmem>> -> memref<1x400x64xf32, #tpu.memory_space<vmem>>
          %scatter3A_961 = tpu.memref_squeeze %scatter3A_960 : memref<1x400x64xf32, #tpu.memory_space<vmem>> -> memref<400x64xf32, #tpu.memory_space<vmem>>
          tpu.vector_store_idx %scatter3A_961[%add3A_708, %broadcast_in_dim3A_956], %broadcast_in_dim3A_710 masked %eq3A_704 : memref<400x64xf32, #tpu.memory_space<vmem>>[vector<16xi32>, vector<16xi32>], vector<16xf32>, vector<16xi1>
          %broadcast_in_dim3A_962 = arith.constant 36 : i32
          %broadcast_in_dim3A_963 = vector.broadcast %broadcast_in_dim3A_962 : i32 to vector<16xi32>
          %scatter3A_964 = arith.constant 0 : i32
          %scatter3A_965 = arith.constant 0 : i32
          %scatter3A_966 = arith.constant 0 : i32
          %scatter3A_967 = tpu.memref_slice %arg7[%scatter3A_964, %scatter3A_965, %scatter3A_966] : memref<4x400x64xf32, #tpu.memory_space<vmem>> -> memref<1x400x64xf32, #tpu.memory_space<vmem>>
          %scatter3A_968 = tpu.memref_squeeze %scatter3A_967 : memref<1x400x64xf32, #tpu.memory_space<vmem>> -> memref<400x64xf32, #tpu.memory_space<vmem>>
          tpu.vector_store_idx %scatter3A_968[%add3A_708, %broadcast_in_dim3A_963], %broadcast_in_dim3A_710 masked %eq3A_704 : memref<400x64xf32, #tpu.memory_space<vmem>>[vector<16xi32>, vector<16xi32>], vector<16xf32>, vector<16xi1>
          %broadcast_in_dim3A_969 = arith.constant 37 : i32
          %broadcast_in_dim3A_970 = vector.broadcast %broadcast_in_dim3A_969 : i32 to vector<16xi32>
          %scatter3A_971 = arith.constant 0 : i32
          %scatter3A_972 = arith.constant 0 : i32
          %scatter3A_973 = arith.constant 0 : i32
          %scatter3A_974 = tpu.memref_slice %arg7[%scatter3A_971, %scatter3A_972, %scatter3A_973] : memref<4x400x64xf32, #tpu.memory_space<vmem>> -> memref<1x400x64xf32, #tpu.memory_space<vmem>>
          %scatter3A_975 = tpu.memref_squeeze %scatter3A_974 : memref<1x400x64xf32, #tpu.memory_space<vmem>> -> memref<400x64xf32, #tpu.memory_space<vmem>>
          tpu.vector_store_idx %scatter3A_975[%add3A_708, %broadcast_in_dim3A_970], %broadcast_in_dim3A_710 masked %eq3A_704 : memref<400x64xf32, #tpu.memory_space<vmem>>[vector<16xi32>, vector<16xi32>], vector<16xf32>, vector<16xi1>
          %broadcast_in_dim3A_976 = arith.constant 38 : i32
          %broadcast_in_dim3A_977 = vector.broadcast %broadcast_in_dim3A_976 : i32 to vector<16xi32>
          %scatter3A_978 = arith.constant 0 : i32
          %scatter3A_979 = arith.constant 0 : i32
          %scatter3A_980 = arith.constant 0 : i32
          %scatter3A_981 = tpu.memref_slice %arg7[%scatter3A_978, %scatter3A_979, %scatter3A_980] : memref<4x400x64xf32, #tpu.memory_space<vmem>> -> memref<1x400x64xf32, #tpu.memory_space<vmem>>
          %scatter3A_982 = tpu.memref_squeeze %scatter3A_981 : memref<1x400x64xf32, #tpu.memory_space<vmem>> -> memref<400x64xf32, #tpu.memory_space<vmem>>
          tpu.vector_store_idx %scatter3A_982[%add3A_708, %broadcast_in_dim3A_977], %broadcast_in_dim3A_710 masked %eq3A_704 : memref<400x64xf32, #tpu.memory_space<vmem>>[vector<16xi32>, vector<16xi32>], vector<16xf32>, vector<16xi1>
          %broadcast_in_dim3A_983 = arith.constant 39 : i32
          %broadcast_in_dim3A_984 = vector.broadcast %broadcast_in_dim3A_983 : i32 to vector<16xi32>
          %scatter3A_985 = arith.constant 0 : i32
          %scatter3A_986 = arith.constant 0 : i32
          %scatter3A_987 = arith.constant 0 : i32
          %scatter3A_988 = tpu.memref_slice %arg7[%scatter3A_985, %scatter3A_986, %scatter3A_987] : memref<4x400x64xf32, #tpu.memory_space<vmem>> -> memref<1x400x64xf32, #tpu.memory_space<vmem>>
          %scatter3A_989 = tpu.memref_squeeze %scatter3A_988 : memref<1x400x64xf32, #tpu.memory_space<vmem>> -> memref<400x64xf32, #tpu.memory_space<vmem>>
          tpu.vector_store_idx %scatter3A_989[%add3A_708, %broadcast_in_dim3A_984], %broadcast_in_dim3A_710 masked %eq3A_704 : memref<400x64xf32, #tpu.memory_space<vmem>>[vector<16xi32>, vector<16xi32>], vector<16xf32>, vector<16xi1>
          %broadcast_in_dim3A_990 = arith.constant 40 : i32
          %broadcast_in_dim3A_991 = vector.broadcast %broadcast_in_dim3A_990 : i32 to vector<16xi32>
          %scatter3A_992 = arith.constant 0 : i32
          %scatter3A_993 = arith.constant 0 : i32
          %scatter3A_994 = arith.constant 0 : i32
          %scatter3A_995 = tpu.memref_slice %arg7[%scatter3A_992, %scatter3A_993, %scatter3A_994] : memref<4x400x64xf32, #tpu.memory_space<vmem>> -> memref<1x400x64xf32, #tpu.memory_space<vmem>>
          %scatter3A_996 = tpu.memref_squeeze %scatter3A_995 : memref<1x400x64xf32, #tpu.memory_space<vmem>> -> memref<400x64xf32, #tpu.memory_space<vmem>>
          tpu.vector_store_idx %scatter3A_996[%add3A_708, %broadcast_in_dim3A_991], %broadcast_in_dim3A_710 masked %eq3A_704 : memref<400x64xf32, #tpu.memory_space<vmem>>[vector<16xi32>, vector<16xi32>], vector<16xf32>, vector<16xi1>
          %broadcast_in_dim3A_997 = arith.constant 41 : i32
          %broadcast_in_dim3A_998 = vector.broadcast %broadcast_in_dim3A_997 : i32 to vector<16xi32>
          %scatter3A_999 = arith.constant 0 : i32
          %scatter3A_1000 = arith.constant 0 : i32
          %scatter3A_1001 = arith.constant 0 : i32
          %scatter3A_1002 = tpu.memref_slice %arg7[%scatter3A_999, %scatter3A_1000, %scatter3A_1001] : memref<4x400x64xf32, #tpu.memory_space<vmem>> -> memref<1x400x64xf32, #tpu.memory_space<vmem>>
          %scatter3A_1003 = tpu.memref_squeeze %scatter3A_1002 : memref<1x400x64xf32, #tpu.memory_space<vmem>> -> memref<400x64xf32, #tpu.memory_space<vmem>>
          tpu.vector_store_idx %scatter3A_1003[%add3A_708, %broadcast_in_dim3A_998], %broadcast_in_dim3A_710 masked %eq3A_704 : memref<400x64xf32, #tpu.memory_space<vmem>>[vector<16xi32>, vector<16xi32>], vector<16xf32>, vector<16xi1>
          %broadcast_in_dim3A_1004 = arith.constant 42 : i32
          %broadcast_in_dim3A_1005 = vector.broadcast %broadcast_in_dim3A_1004 : i32 to vector<16xi32>
          %scatter3A_1006 = arith.constant 0 : i32
          %scatter3A_1007 = arith.constant 0 : i32
          %scatter3A_1008 = arith.constant 0 : i32
          %scatter3A_1009 = tpu.memref_slice %arg7[%scatter3A_1006, %scatter3A_1007, %scatter3A_1008] : memref<4x400x64xf32, #tpu.memory_space<vmem>> -> memref<1x400x64xf32, #tpu.memory_space<vmem>>
          %scatter3A_1010 = tpu.memref_squeeze %scatter3A_1009 : memref<1x400x64xf32, #tpu.memory_space<vmem>> -> memref<400x64xf32, #tpu.memory_space<vmem>>
          tpu.vector_store_idx %scatter3A_1010[%add3A_708, %broadcast_in_dim3A_1005], %broadcast_in_dim3A_710 masked %eq3A_704 : memref<400x64xf32, #tpu.memory_space<vmem>>[vector<16xi32>, vector<16xi32>], vector<16xf32>, vector<16xi1>
          %broadcast_in_dim3A_1011 = arith.constant 43 : i32
          %broadcast_in_dim3A_1012 = vector.broadcast %broadcast_in_dim3A_1011 : i32 to vector<16xi32>
          %scatter3A_1013 = arith.constant 0 : i32
          %scatter3A_1014 = arith.constant 0 : i32
          %scatter3A_1015 = arith.constant 0 : i32
          %scatter3A_1016 = tpu.memref_slice %arg7[%scatter3A_1013, %scatter3A_1014, %scatter3A_1015] : memref<4x400x64xf32, #tpu.memory_space<vmem>> -> memref<1x400x64xf32, #tpu.memory_space<vmem>>
          %scatter3A_1017 = tpu.memref_squeeze %scatter3A_1016 : memref<1x400x64xf32, #tpu.memory_space<vmem>> -> memref<400x64xf32, #tpu.memory_space<vmem>>
          tpu.vector_store_idx %scatter3A_1017[%add3A_708, %broadcast_in_dim3A_1012], %broadcast_in_dim3A_710 masked %eq3A_704 : memref<400x64xf32, #tpu.memory_space<vmem>>[vector<16xi32>, vector<16xi32>], vector<16xf32>, vector<16xi1>
          %broadcast_in_dim3A_1018 = arith.constant 44 : i32
          %broadcast_in_dim3A_1019 = vector.broadcast %broadcast_in_dim3A_1018 : i32 to vector<16xi32>
          %scatter3A_1020 = arith.constant 0 : i32
          %scatter3A_1021 = arith.constant 0 : i32
          %scatter3A_1022 = arith.constant 0 : i32
          %scatter3A_1023 = tpu.memref_slice %arg7[%scatter3A_1020, %scatter3A_1021, %scatter3A_1022] : memref<4x400x64xf32, #tpu.memory_space<vmem>> -> memref<1x400x64xf32, #tpu.memory_space<vmem>>
          %scatter3A_1024 = tpu.memref_squeeze %scatter3A_1023 : memref<1x400x64xf32, #tpu.memory_space<vmem>> -> memref<400x64xf32, #tpu.memory_space<vmem>>
          tpu.vector_store_idx %scatter3A_1024[%add3A_708, %broadcast_in_dim3A_1019], %broadcast_in_dim3A_710 masked %eq3A_704 : memref<400x64xf32, #tpu.memory_space<vmem>>[vector<16xi32>, vector<16xi32>], vector<16xf32>, vector<16xi1>
          %broadcast_in_dim3A_1025 = arith.constant 45 : i32
          %broadcast_in_dim3A_1026 = vector.broadcast %broadcast_in_dim3A_1025 : i32 to vector<16xi32>
          %scatter3A_1027 = arith.constant 0 : i32
          %scatter3A_1028 = arith.constant 0 : i32
          %scatter3A_1029 = arith.constant 0 : i32
          %scatter3A_1030 = tpu.memref_slice %arg7[%scatter3A_1027, %scatter3A_1028, %scatter3A_1029] : memref<4x400x64xf32, #tpu.memory_space<vmem>> -> memref<1x400x64xf32, #tpu.memory_space<vmem>>
          %scatter3A_1031 = tpu.memref_squeeze %scatter3A_1030 : memref<1x400x64xf32, #tpu.memory_space<vmem>> -> memref<400x64xf32, #tpu.memory_space<vmem>>
          tpu.vector_store_idx %scatter3A_1031[%add3A_708, %broadcast_in_dim3A_1026], %broadcast_in_dim3A_710 masked %eq3A_704 : memref<400x64xf32, #tpu.memory_space<vmem>>[vector<16xi32>, vector<16xi32>], vector<16xf32>, vector<16xi1>
          %broadcast_in_dim3A_1032 = arith.constant 46 : i32
          %broadcast_in_dim3A_1033 = vector.broadcast %broadcast_in_dim3A_1032 : i32 to vector<16xi32>
          %scatter3A_1034 = arith.constant 0 : i32
          %scatter3A_1035 = arith.constant 0 : i32
          %scatter3A_1036 = arith.constant 0 : i32
          %scatter3A_1037 = tpu.memref_slice %arg7[%scatter3A_1034, %scatter3A_1035, %scatter3A_1036] : memref<4x400x64xf32, #tpu.memory_space<vmem>> -> memref<1x400x64xf32, #tpu.memory_space<vmem>>
          %scatter3A_1038 = tpu.memref_squeeze %scatter3A_1037 : memref<1x400x64xf32, #tpu.memory_space<vmem>> -> memref<400x64xf32, #tpu.memory_space<vmem>>
          tpu.vector_store_idx %scatter3A_1038[%add3A_708, %broadcast_in_dim3A_1033], %broadcast_in_dim3A_710 masked %eq3A_704 : memref<400x64xf32, #tpu.memory_space<vmem>>[vector<16xi32>, vector<16xi32>], vector<16xf32>, vector<16xi1>
          %broadcast_in_dim3A_1039 = arith.constant 47 : i32
          %broadcast_in_dim3A_1040 = vector.broadcast %broadcast_in_dim3A_1039 : i32 to vector<16xi32>
          %scatter3A_1041 = arith.constant 0 : i32
          %scatter3A_1042 = arith.constant 0 : i32
          %scatter3A_1043 = arith.constant 0 : i32
          %scatter3A_1044 = tpu.memref_slice %arg7[%scatter3A_1041, %scatter3A_1042, %scatter3A_1043] : memref<4x400x64xf32, #tpu.memory_space<vmem>> -> memref<1x400x64xf32, #tpu.memory_space<vmem>>
          %scatter3A_1045 = tpu.memref_squeeze %scatter3A_1044 : memref<1x400x64xf32, #tpu.memory_space<vmem>> -> memref<400x64xf32, #tpu.memory_space<vmem>>
          tpu.vector_store_idx %scatter3A_1045[%add3A_708, %broadcast_in_dim3A_1040], %broadcast_in_dim3A_710 masked %eq3A_704 : memref<400x64xf32, #tpu.memory_space<vmem>>[vector<16xi32>, vector<16xi32>], vector<16xf32>, vector<16xi1>
          %broadcast_in_dim3A_1046 = arith.constant 48 : i32
          %broadcast_in_dim3A_1047 = vector.broadcast %broadcast_in_dim3A_1046 : i32 to vector<16xi32>
          %scatter3A_1048 = arith.constant 0 : i32
          %scatter3A_1049 = arith.constant 0 : i32
          %scatter3A_1050 = arith.constant 0 : i32
          %scatter3A_1051 = tpu.memref_slice %arg7[%scatter3A_1048, %scatter3A_1049, %scatter3A_1050] : memref<4x400x64xf32, #tpu.memory_space<vmem>> -> memref<1x400x64xf32, #tpu.memory_space<vmem>>
          %scatter3A_1052 = tpu.memref_squeeze %scatter3A_1051 : memref<1x400x64xf32, #tpu.memory_space<vmem>> -> memref<400x64xf32, #tpu.memory_space<vmem>>
          tpu.vector_store_idx %scatter3A_1052[%add3A_708, %broadcast_in_dim3A_1047], %broadcast_in_dim3A_710 masked %eq3A_704 : memref<400x64xf32, #tpu.memory_space<vmem>>[vector<16xi32>, vector<16xi32>], vector<16xf32>, vector<16xi1>
          %broadcast_in_dim3A_1053 = arith.constant 49 : i32
          %broadcast_in_dim3A_1054 = vector.broadcast %broadcast_in_dim3A_1053 : i32 to vector<16xi32>
          %scatter3A_1055 = arith.constant 0 : i32
          %scatter3A_1056 = arith.constant 0 : i32
          %scatter3A_1057 = arith.constant 0 : i32
          %scatter3A_1058 = tpu.memref_slice %arg7[%scatter3A_1055, %scatter3A_1056, %scatter3A_1057] : memref<4x400x64xf32, #tpu.memory_space<vmem>> -> memref<1x400x64xf32, #tpu.memory_space<vmem>>
          %scatter3A_1059 = tpu.memref_squeeze %scatter3A_1058 : memref<1x400x64xf32, #tpu.memory_space<vmem>> -> memref<400x64xf32, #tpu.memory_space<vmem>>
          tpu.vector_store_idx %scatter3A_1059[%add3A_708, %broadcast_in_dim3A_1054], %broadcast_in_dim3A_710 masked %eq3A_704 : memref<400x64xf32, #tpu.memory_space<vmem>>[vector<16xi32>, vector<16xi32>], vector<16xf32>, vector<16xi1>
          %broadcast_in_dim3A_1060 = arith.constant 50 : i32
          %broadcast_in_dim3A_1061 = vector.broadcast %broadcast_in_dim3A_1060 : i32 to vector<16xi32>
          %scatter3A_1062 = arith.constant 0 : i32
          %scatter3A_1063 = arith.constant 0 : i32
          %scatter3A_1064 = arith.constant 0 : i32
          %scatter3A_1065 = tpu.memref_slice %arg7[%scatter3A_1062, %scatter3A_1063, %scatter3A_1064] : memref<4x400x64xf32, #tpu.memory_space<vmem>> -> memref<1x400x64xf32, #tpu.memory_space<vmem>>
          %scatter3A_1066 = tpu.memref_squeeze %scatter3A_1065 : memref<1x400x64xf32, #tpu.memory_space<vmem>> -> memref<400x64xf32, #tpu.memory_space<vmem>>
          tpu.vector_store_idx %scatter3A_1066[%add3A_708, %broadcast_in_dim3A_1061], %broadcast_in_dim3A_710 masked %eq3A_704 : memref<400x64xf32, #tpu.memory_space<vmem>>[vector<16xi32>, vector<16xi32>], vector<16xf32>, vector<16xi1>
          %broadcast_in_dim3A_1067 = arith.constant 51 : i32
          %broadcast_in_dim3A_1068 = vector.broadcast %broadcast_in_dim3A_1067 : i32 to vector<16xi32>
          %scatter3A_1069 = arith.constant 0 : i32
          %scatter3A_1070 = arith.constant 0 : i32
          %scatter3A_1071 = arith.constant 0 : i32
          %scatter3A_1072 = tpu.memref_slice %arg7[%scatter3A_1069, %scatter3A_1070, %scatter3A_1071] : memref<4x400x64xf32, #tpu.memory_space<vmem>> -> memref<1x400x64xf32, #tpu.memory_space<vmem>>
          %scatter3A_1073 = tpu.memref_squeeze %scatter3A_1072 : memref<1x400x64xf32, #tpu.memory_space<vmem>> -> memref<400x64xf32, #tpu.memory_space<vmem>>
          tpu.vector_store_idx %scatter3A_1073[%add3A_708, %broadcast_in_dim3A_1068], %broadcast_in_dim3A_710 masked %eq3A_704 : memref<400x64xf32, #tpu.memory_space<vmem>>[vector<16xi32>, vector<16xi32>], vector<16xf32>, vector<16xi1>
          %broadcast_in_dim3A_1074 = arith.constant 52 : i32
          %broadcast_in_dim3A_1075 = vector.broadcast %broadcast_in_dim3A_1074 : i32 to vector<16xi32>
          %scatter3A_1076 = arith.constant 0 : i32
          %scatter3A_1077 = arith.constant 0 : i32
          %scatter3A_1078 = arith.constant 0 : i32
          %scatter3A_1079 = tpu.memref_slice %arg7[%scatter3A_1076, %scatter3A_1077, %scatter3A_1078] : memref<4x400x64xf32, #tpu.memory_space<vmem>> -> memref<1x400x64xf32, #tpu.memory_space<vmem>>
          %scatter3A_1080 = tpu.memref_squeeze %scatter3A_1079 : memref<1x400x64xf32, #tpu.memory_space<vmem>> -> memref<400x64xf32, #tpu.memory_space<vmem>>
          tpu.vector_store_idx %scatter3A_1080[%add3A_708, %broadcast_in_dim3A_1075], %broadcast_in_dim3A_710 masked %eq3A_704 : memref<400x64xf32, #tpu.memory_space<vmem>>[vector<16xi32>, vector<16xi32>], vector<16xf32>, vector<16xi1>
          %broadcast_in_dim3A_1081 = arith.constant 53 : i32
          %broadcast_in_dim3A_1082 = vector.broadcast %broadcast_in_dim3A_1081 : i32 to vector<16xi32>
          %scatter3A_1083 = arith.constant 0 : i32
          %scatter3A_1084 = arith.constant 0 : i32
          %scatter3A_1085 = arith.constant 0 : i32
          %scatter3A_1086 = tpu.memref_slice %arg7[%scatter3A_1083, %scatter3A_1084, %scatter3A_1085] : memref<4x400x64xf32, #tpu.memory_space<vmem>> -> memref<1x400x64xf32, #tpu.memory_space<vmem>>
          %scatter3A_1087 = tpu.memref_squeeze %scatter3A_1086 : memref<1x400x64xf32, #tpu.memory_space<vmem>> -> memref<400x64xf32, #tpu.memory_space<vmem>>
          tpu.vector_store_idx %scatter3A_1087[%add3A_708, %broadcast_in_dim3A_1082], %broadcast_in_dim3A_710 masked %eq3A_704 : memref<400x64xf32, #tpu.memory_space<vmem>>[vector<16xi32>, vector<16xi32>], vector<16xf32>, vector<16xi1>
          %broadcast_in_dim3A_1088 = arith.constant 54 : i32
          %broadcast_in_dim3A_1089 = vector.broadcast %broadcast_in_dim3A_1088 : i32 to vector<16xi32>
          %scatter3A_1090 = arith.constant 0 : i32
          %scatter3A_1091 = arith.constant 0 : i32
          %scatter3A_1092 = arith.constant 0 : i32
          %scatter3A_1093 = tpu.memref_slice %arg7[%scatter3A_1090, %scatter3A_1091, %scatter3A_1092] : memref<4x400x64xf32, #tpu.memory_space<vmem>> -> memref<1x400x64xf32, #tpu.memory_space<vmem>>
          %scatter3A_1094 = tpu.memref_squeeze %scatter3A_1093 : memref<1x400x64xf32, #tpu.memory_space<vmem>> -> memref<400x64xf32, #tpu.memory_space<vmem>>
          tpu.vector_store_idx %scatter3A_1094[%add3A_708, %broadcast_in_dim3A_1089], %broadcast_in_dim3A_710 masked %eq3A_704 : memref<400x64xf32, #tpu.memory_space<vmem>>[vector<16xi32>, vector<16xi32>], vector<16xf32>, vector<16xi1>
          %broadcast_in_dim3A_1095 = arith.constant 55 : i32
          %broadcast_in_dim3A_1096 = vector.broadcast %broadcast_in_dim3A_1095 : i32 to vector<16xi32>
          %scatter3A_1097 = arith.constant 0 : i32
          %scatter3A_1098 = arith.constant 0 : i32
          %scatter3A_1099 = arith.constant 0 : i32
          %scatter3A_1100 = tpu.memref_slice %arg7[%scatter3A_1097, %scatter3A_1098, %scatter3A_1099] : memref<4x400x64xf32, #tpu.memory_space<vmem>> -> memref<1x400x64xf32, #tpu.memory_space<vmem>>
          %scatter3A_1101 = tpu.memref_squeeze %scatter3A_1100 : memref<1x400x64xf32, #tpu.memory_space<vmem>> -> memref<400x64xf32, #tpu.memory_space<vmem>>
          tpu.vector_store_idx %scatter3A_1101[%add3A_708, %broadcast_in_dim3A_1096], %broadcast_in_dim3A_710 masked %eq3A_704 : memref<400x64xf32, #tpu.memory_space<vmem>>[vector<16xi32>, vector<16xi32>], vector<16xf32>, vector<16xi1>
          %broadcast_in_dim3A_1102 = arith.constant 56 : i32
          %broadcast_in_dim3A_1103 = vector.broadcast %broadcast_in_dim3A_1102 : i32 to vector<16xi32>
          %scatter3A_1104 = arith.constant 0 : i32
          %scatter3A_1105 = arith.constant 0 : i32
          %scatter3A_1106 = arith.constant 0 : i32
          %scatter3A_1107 = tpu.memref_slice %arg7[%scatter3A_1104, %scatter3A_1105, %scatter3A_1106] : memref<4x400x64xf32, #tpu.memory_space<vmem>> -> memref<1x400x64xf32, #tpu.memory_space<vmem>>
          %scatter3A_1108 = tpu.memref_squeeze %scatter3A_1107 : memref<1x400x64xf32, #tpu.memory_space<vmem>> -> memref<400x64xf32, #tpu.memory_space<vmem>>
          tpu.vector_store_idx %scatter3A_1108[%add3A_708, %broadcast_in_dim3A_1103], %broadcast_in_dim3A_710 masked %eq3A_704 : memref<400x64xf32, #tpu.memory_space<vmem>>[vector<16xi32>, vector<16xi32>], vector<16xf32>, vector<16xi1>
          %broadcast_in_dim3A_1109 = arith.constant 57 : i32
          %broadcast_in_dim3A_1110 = vector.broadcast %broadcast_in_dim3A_1109 : i32 to vector<16xi32>
          %scatter3A_1111 = arith.constant 0 : i32
          %scatter3A_1112 = arith.constant 0 : i32
          %scatter3A_1113 = arith.constant 0 : i32
          %scatter3A_1114 = tpu.memref_slice %arg7[%scatter3A_1111, %scatter3A_1112, %scatter3A_1113] : memref<4x400x64xf32, #tpu.memory_space<vmem>> -> memref<1x400x64xf32, #tpu.memory_space<vmem>>
          %scatter3A_1115 = tpu.memref_squeeze %scatter3A_1114 : memref<1x400x64xf32, #tpu.memory_space<vmem>> -> memref<400x64xf32, #tpu.memory_space<vmem>>
          tpu.vector_store_idx %scatter3A_1115[%add3A_708, %broadcast_in_dim3A_1110], %broadcast_in_dim3A_710 masked %eq3A_704 : memref<400x64xf32, #tpu.memory_space<vmem>>[vector<16xi32>, vector<16xi32>], vector<16xf32>, vector<16xi1>
          %broadcast_in_dim3A_1116 = arith.constant 58 : i32
          %broadcast_in_dim3A_1117 = vector.broadcast %broadcast_in_dim3A_1116 : i32 to vector<16xi32>
          %scatter3A_1118 = arith.constant 0 : i32
          %scatter3A_1119 = arith.constant 0 : i32
          %scatter3A_1120 = arith.constant 0 : i32
          %scatter3A_1121 = tpu.memref_slice %arg7[%scatter3A_1118, %scatter3A_1119, %scatter3A_1120] : memref<4x400x64xf32, #tpu.memory_space<vmem>> -> memref<1x400x64xf32, #tpu.memory_space<vmem>>
          %scatter3A_1122 = tpu.memref_squeeze %scatter3A_1121 : memref<1x400x64xf32, #tpu.memory_space<vmem>> -> memref<400x64xf32, #tpu.memory_space<vmem>>
          tpu.vector_store_idx %scatter3A_1122[%add3A_708, %broadcast_in_dim3A_1117], %broadcast_in_dim3A_710 masked %eq3A_704 : memref<400x64xf32, #tpu.memory_space<vmem>>[vector<16xi32>, vector<16xi32>], vector<16xf32>, vector<16xi1>
          %broadcast_in_dim3A_1123 = arith.constant 59 : i32
          %broadcast_in_dim3A_1124 = vector.broadcast %broadcast_in_dim3A_1123 : i32 to vector<16xi32>
          %scatter3A_1125 = arith.constant 0 : i32
          %scatter3A_1126 = arith.constant 0 : i32
          %scatter3A_1127 = arith.constant 0 : i32
          %scatter3A_1128 = tpu.memref_slice %arg7[%scatter3A_1125, %scatter3A_1126, %scatter3A_1127] : memref<4x400x64xf32, #tpu.memory_space<vmem>> -> memref<1x400x64xf32, #tpu.memory_space<vmem>>
          %scatter3A_1129 = tpu.memref_squeeze %scatter3A_1128 : memref<1x400x64xf32, #tpu.memory_space<vmem>> -> memref<400x64xf32, #tpu.memory_space<vmem>>
          tpu.vector_store_idx %scatter3A_1129[%add3A_708, %broadcast_in_dim3A_1124], %broadcast_in_dim3A_710 masked %eq3A_704 : memref<400x64xf32, #tpu.memory_space<vmem>>[vector<16xi32>, vector<16xi32>], vector<16xf32>, vector<16xi1>
          %broadcast_in_dim3A_1130 = arith.constant 60 : i32
          %broadcast_in_dim3A_1131 = vector.broadcast %broadcast_in_dim3A_1130 : i32 to vector<16xi32>
          %scatter3A_1132 = arith.constant 0 : i32
          %scatter3A_1133 = arith.constant 0 : i32
          %scatter3A_1134 = arith.constant 0 : i32
          %scatter3A_1135 = tpu.memref_slice %arg7[%scatter3A_1132, %scatter3A_1133, %scatter3A_1134] : memref<4x400x64xf32, #tpu.memory_space<vmem>> -> memref<1x400x64xf32, #tpu.memory_space<vmem>>
          %scatter3A_1136 = tpu.memref_squeeze %scatter3A_1135 : memref<1x400x64xf32, #tpu.memory_space<vmem>> -> memref<400x64xf32, #tpu.memory_space<vmem>>
          tpu.vector_store_idx %scatter3A_1136[%add3A_708, %broadcast_in_dim3A_1131], %broadcast_in_dim3A_710 masked %eq3A_704 : memref<400x64xf32, #tpu.memory_space<vmem>>[vector<16xi32>, vector<16xi32>], vector<16xf32>, vector<16xi1>
          %broadcast_in_dim3A_1137 = arith.constant 61 : i32
          %broadcast_in_dim3A_1138 = vector.broadcast %broadcast_in_dim3A_1137 : i32 to vector<16xi32>
          %scatter3A_1139 = arith.constant 0 : i32
          %scatter3A_1140 = arith.constant 0 : i32
          %scatter3A_1141 = arith.constant 0 : i32
          %scatter3A_1142 = tpu.memref_slice %arg7[%scatter3A_1139, %scatter3A_1140, %scatter3A_1141] : memref<4x400x64xf32, #tpu.memory_space<vmem>> -> memref<1x400x64xf32, #tpu.memory_space<vmem>>
          %scatter3A_1143 = tpu.memref_squeeze %scatter3A_1142 : memref<1x400x64xf32, #tpu.memory_space<vmem>> -> memref<400x64xf32, #tpu.memory_space<vmem>>
          tpu.vector_store_idx %scatter3A_1143[%add3A_708, %broadcast_in_dim3A_1138], %broadcast_in_dim3A_710 masked %eq3A_704 : memref<400x64xf32, #tpu.memory_space<vmem>>[vector<16xi32>, vector<16xi32>], vector<16xf32>, vector<16xi1>
          %broadcast_in_dim3A_1144 = arith.constant 62 : i32
          %broadcast_in_dim3A_1145 = vector.broadcast %broadcast_in_dim3A_1144 : i32 to vector<16xi32>
          %scatter3A_1146 = arith.constant 0 : i32
          %scatter3A_1147 = arith.constant 0 : i32
          %scatter3A_1148 = arith.constant 0 : i32
          %scatter3A_1149 = tpu.memref_slice %arg7[%scatter3A_1146, %scatter3A_1147, %scatter3A_1148] : memref<4x400x64xf32, #tpu.memory_space<vmem>> -> memref<1x400x64xf32, #tpu.memory_space<vmem>>
          %scatter3A_1150 = tpu.memref_squeeze %scatter3A_1149 : memref<1x400x64xf32, #tpu.memory_space<vmem>> -> memref<400x64xf32, #tpu.memory_space<vmem>>
          tpu.vector_store_idx %scatter3A_1150[%add3A_708, %broadcast_in_dim3A_1145], %broadcast_in_dim3A_710 masked %eq3A_704 : memref<400x64xf32, #tpu.memory_space<vmem>>[vector<16xi32>, vector<16xi32>], vector<16xf32>, vector<16xi1>
          %broadcast_in_dim3A_1151 = arith.constant 63 : i32
          %broadcast_in_dim3A_1152 = vector.broadcast %broadcast_in_dim3A_1151 : i32 to vector<16xi32>
          %scatter3A_1153 = arith.constant 0 : i32
          %scatter3A_1154 = arith.constant 0 : i32
          %scatter3A_1155 = arith.constant 0 : i32
          %scatter3A_1156 = tpu.memref_slice %arg7[%scatter3A_1153, %scatter3A_1154, %scatter3A_1155] : memref<4x400x64xf32, #tpu.memory_space<vmem>> -> memref<1x400x64xf32, #tpu.memory_space<vmem>>
          %scatter3A_1157 = tpu.memref_squeeze %scatter3A_1156 : memref<1x400x64xf32, #tpu.memory_space<vmem>> -> memref<400x64xf32, #tpu.memory_space<vmem>>
          tpu.vector_store_idx %scatter3A_1157[%add3A_708, %broadcast_in_dim3A_1152], %broadcast_in_dim3A_710 masked %eq3A_704 : memref<400x64xf32, #tpu.memory_space<vmem>>[vector<16xi32>, vector<16xi32>], vector<16xf32>, vector<16xi1>
          %scan3A_1158 = arith.constant 0 : i32
          scf.yield %scan3A_1158 : i32
        }
        %scan3A_695 = arith.constant 25 : i32
      } else {
      }
      %scan3A_260 = arith.constant 0 : i32
      %scan3A_261 = arith.constant 0 : i32
      %scan3A_262 = arith.constant 200 : i32
      %scan3A_263 = arith.addi %scan3A_261, %scan3A_262 : i32
      %scan3A_264 = arith.constant 1 : i32
      %scan3A_265 = scf.for %scan3A_689 = %scan3A_261 to %scan3A_263 step %scan3A_264 iter_args(%scan3A_690 = %scan3A_260) -> (i32)  : i32 {
        %add3A_691 = arith.constant 0 : i32
        %add3A_692 = arith.addi %add3A_691, %scan3A_689 : i32
        %get3A = arith.constant 0 : i32
        %get3A_693 = arith.index_cast %get3A : i32 to index
        %get3A_694 = arith.index_cast %add3A_692 : i32 to index
        %get3A_695 = arith.constant 0 : index
        %get3A_696 = tpu.vector_load %arg7[%get3A_693, %get3A_694, %get3A_695] {strides = array<i32>} : memref<4x400x64xf32, #tpu.memory_space<vmem>>, vector<16xf32>,
        %get3A_697 = arith.index_cast %scan3A_689 : i32 to index
        %get3A_698 = arith.constant 0 : index
        %get3A_699 = tpu.vector_load %arg8[%get3A_697, %get3A_698] {strides = array<i32>} : memref<200x64xf32, #tpu.memory_space<vmem>>, vector<16xf32>,
        %add3A_700 = arith.addf %get3A_696, %get3A_699 : vector<16xf32>
        %swap3A = arith.constant 0 : i32
        %swap3A_701 = arith.index_cast %swap3A : i32 to index
        %swap3A_702 = arith.index_cast %add3A_692 : i32 to index
        %swap3A_703 = arith.constant 0 : index
        %swap3A_704 = tpu.vector_load %arg7[%swap3A_701, %swap3A_702, %swap3A_703] {strides = array<i32>} : memref<4x400x64xf32, #tpu.memory_space<vmem>>, vector<16xf32>,
        tpu.vector_store %arg7[%swap3A_701, %swap3A_702, %swap3A_703], %add3A_700 {strides = array<i32>} : memref<4x400x64xf32, #tpu.memory_space<vmem>>, vector<16xf32>,
        %add3A_705 = arith.constant 0 : i32
        %add3A_706 = arith.addi %add3A_705, %scan3A_689 : i32
        %get3A_707 = arith.constant 0 : i32
        %get3A_708 = arith.index_cast %get3A_707 : i32 to index
        %get3A_709 = arith.index_cast %add3A_706 : i32 to index
        %get3A_710 = arith.constant 16 : index
        %get3A_711 = tpu.vector_load %arg7[%get3A_708, %get3A_709, %get3A_710] {strides = array<i32>} : memref<4x400x64xf32, #tpu.memory_space<vmem>>, vector<16xf32>,
        %get3A_712 = arith.index_cast %scan3A_689 : i32 to index
        %get3A_713 = arith.constant 16 : index
        %get3A_714 = tpu.vector_load %arg8[%get3A_712, %get3A_713] {strides = array<i32>} : memref<200x64xf32, #tpu.memory_space<vmem>>, vector<16xf32>,
        %add3A_715 = arith.addf %get3A_711, %get3A_714 : vector<16xf32>
        %swap3A_716 = arith.constant 0 : i32
        %swap3A_717 = arith.index_cast %swap3A_716 : i32 to index
        %swap3A_718 = arith.index_cast %add3A_706 : i32 to index
        %swap3A_719 = arith.constant 16 : index
        %swap3A_720 = tpu.vector_load %arg7[%swap3A_717, %swap3A_718, %swap3A_719] {strides = array<i32>} : memref<4x400x64xf32, #tpu.memory_space<vmem>>, vector<16xf32>,
        tpu.vector_store %arg7[%swap3A_717, %swap3A_718, %swap3A_719], %add3A_715 {strides = array<i32>} : memref<4x400x64xf32, #tpu.memory_space<vmem>>, vector<16xf32>,
        %add3A_721 = arith.constant 0 : i32
        %add3A_722 = arith.addi %add3A_721, %scan3A_689 : i32
        %get3A_723 = arith.constant 0 : i32
        %get3A_724 = arith.index_cast %get3A_723 : i32 to index
        %get3A_725 = arith.index_cast %add3A_722 : i32 to index
        %get3A_726 = arith.constant 32 : index
        %get3A_727 = tpu.vector_load %arg7[%get3A_724, %get3A_725, %get3A_726] {strides = array<i32>} : memref<4x400x64xf32, #tpu.memory_space<vmem>>, vector<16xf32>,
        %get3A_728 = arith.index_cast %scan3A_689 : i32 to index
        %get3A_729 = arith.constant 32 : index
        %get3A_730 = tpu.vector_load %arg8[%get3A_728, %get3A_729] {strides = array<i32>} : memref<200x64xf32, #tpu.memory_space<vmem>>, vector<16xf32>,
        %add3A_731 = arith.addf %get3A_727, %get3A_730 : vector<16xf32>
        %swap3A_732 = arith.constant 0 : i32
        %swap3A_733 = arith.index_cast %swap3A_732 : i32 to index
        %swap3A_734 = arith.index_cast %add3A_722 : i32 to index
        %swap3A_735 = arith.constant 32 : index
        %swap3A_736 = tpu.vector_load %arg7[%swap3A_733, %swap3A_734, %swap3A_735] {strides = array<i32>} : memref<4x400x64xf32, #tpu.memory_space<vmem>>, vector<16xf32>,
        tpu.vector_store %arg7[%swap3A_733, %swap3A_734, %swap3A_735], %add3A_731 {strides = array<i32>} : memref<4x400x64xf32, #tpu.memory_space<vmem>>, vector<16xf32>,
        %add3A_737 = arith.constant 0 : i32
        %add3A_738 = arith.addi %add3A_737, %scan3A_689 : i32
        %get3A_739 = arith.constant 0 : i32
        %get3A_740 = arith.index_cast %get3A_739 : i32 to index
        %get3A_741 = arith.index_cast %add3A_738 : i32 to index
        %get3A_742 = arith.constant 48 : index
        %get3A_743 = tpu.vector_load %arg7[%get3A_740, %get3A_741, %get3A_742] {strides = array<i32>} : memref<4x400x64xf32, #tpu.memory_space<vmem>>, vector<16xf32>,
        %get3A_744 = arith.index_cast %scan3A_689 : i32 to index
        %get3A_745 = arith.constant 48 : index
        %get3A_746 = tpu.vector_load %arg8[%get3A_744, %get3A_745] {strides = array<i32>} : memref<200x64xf32, #tpu.memory_space<vmem>>, vector<16xf32>,
        %add3A_747 = arith.addf %get3A_743, %get3A_746 : vector<16xf32>
        %swap3A_748 = arith.constant 0 : i32
        %swap3A_749 = arith.index_cast %swap3A_748 : i32 to index
        %swap3A_750 = arith.index_cast %add3A_738 : i32 to index
        %swap3A_751 = arith.constant 48 : index
        %swap3A_752 = tpu.vector_load %arg7[%swap3A_749, %swap3A_750, %swap3A_751] {strides = array<i32>} : memref<4x400x64xf32, #tpu.memory_space<vmem>>, vector<16xf32>,
        tpu.vector_store %arg7[%swap3A_749, %swap3A_750, %swap3A_751], %add3A_747 {strides = array<i32>} : memref<4x400x64xf32, #tpu.memory_space<vmem>>, vector<16xf32>,
        %add3A_753 = arith.constant 200 : i32
        %add3A_754 = arith.addi %add3A_753, %scan3A_689 : i32
        %get3A_755 = arith.constant 0 : i32
        %get3A_756 = arith.index_cast %get3A_755 : i32 to index
        %get3A_757 = arith.index_cast %add3A_754 : i32 to index
        %get3A_758 = arith.constant 0 : index
        %get3A_759 = tpu.vector_load %arg7[%get3A_756, %get3A_757, %get3A_758] {strides = array<i32>} : memref<4x400x64xf32, #tpu.memory_space<vmem>>, vector<16xf32>,
        %get3A_760 = arith.index_cast %scan3A_689 : i32 to index
        %get3A_761 = arith.constant 0 : index
        %get3A_762 = tpu.vector_load %arg8[%get3A_760, %get3A_761] {strides = array<i32>} : memref<200x64xf32, #tpu.memory_space<vmem>>, vector<16xf32>,
        %add3A_763 = arith.addf %get3A_759, %get3A_762 : vector<16xf32>
        %swap3A_764 = arith.constant 0 : i32
        %swap3A_765 = arith.index_cast %swap3A_764 : i32 to index
        %swap3A_766 = arith.index_cast %add3A_754 : i32 to index
        %swap3A_767 = arith.constant 0 : index
        %swap3A_768 = tpu.vector_load %arg7[%swap3A_765, %swap3A_766, %swap3A_767] {strides = array<i32>} : memref<4x400x64xf32, #tpu.memory_space<vmem>>, vector<16xf32>,
        tpu.vector_store %arg7[%swap3A_765, %swap3A_766, %swap3A_767], %add3A_763 {strides = array<i32>} : memref<4x400x64xf32, #tpu.memory_space<vmem>>, vector<16xf32>,
        %add3A_769 = arith.constant 200 : i32
        %add3A_770 = arith.addi %add3A_769, %scan3A_689 : i32
        %get3A_771 = arith.constant 0 : i32
        %get3A_772 = arith.index_cast %get3A_771 : i32 to index
        %get3A_773 = arith.index_cast %add3A_770 : i32 to index
        %get3A_774 = arith.constant 16 : index
        %get3A_775 = tpu.vector_load %arg7[%get3A_772, %get3A_773, %get3A_774] {strides = array<i32>} : memref<4x400x64xf32, #tpu.memory_space<vmem>>, vector<16xf32>,
        %get3A_776 = arith.index_cast %scan3A_689 : i32 to index
        %get3A_777 = arith.constant 16 : index
        %get3A_778 = tpu.vector_load %arg8[%get3A_776, %get3A_777] {strides = array<i32>} : memref<200x64xf32, #tpu.memory_space<vmem>>, vector<16xf32>,
        %add3A_779 = arith.addf %get3A_775, %get3A_778 : vector<16xf32>
        %swap3A_780 = arith.constant 0 : i32
        %swap3A_781 = arith.index_cast %swap3A_780 : i32 to index
        %swap3A_782 = arith.index_cast %add3A_770 : i32 to index
        %swap3A_783 = arith.constant 16 : index
        %swap3A_784 = tpu.vector_load %arg7[%swap3A_781, %swap3A_782, %swap3A_783] {strides = array<i32>} : memref<4x400x64xf32, #tpu.memory_space<vmem>>, vector<16xf32>,
        tpu.vector_store %arg7[%swap3A_781, %swap3A_782, %swap3A_783], %add3A_779 {strides = array<i32>} : memref<4x400x64xf32, #tpu.memory_space<vmem>>, vector<16xf32>,
        %add3A_785 = arith.constant 200 : i32
        %add3A_786 = arith.addi %add3A_785, %scan3A_689 : i32
        %get3A_787 = arith.constant 0 : i32
        %get3A_788 = arith.index_cast %get3A_787 : i32 to index
        %get3A_789 = arith.index_cast %add3A_786 : i32 to index
        %get3A_790 = arith.constant 32 : index
        %get3A_791 = tpu.vector_load %arg7[%get3A_788, %get3A_789, %get3A_790] {strides = array<i32>} : memref<4x400x64xf32, #tpu.memory_space<vmem>>, vector<16xf32>,
        %get3A_792 = arith.index_cast %scan3A_689 : i32 to index
        %get3A_793 = arith.constant 32 : index
        %get3A_794 = tpu.vector_load %arg8[%get3A_792, %get3A_793] {strides = array<i32>} : memref<200x64xf32, #tpu.memory_space<vmem>>, vector<16xf32>,
        %add3A_795 = arith.addf %get3A_791, %get3A_794 : vector<16xf32>
        %swap3A_796 = arith.constant 0 : i32
        %swap3A_797 = arith.index_cast %swap3A_796 : i32 to index
        %swap3A_798 = arith.index_cast %add3A_786 : i32 to index
        %swap3A_799 = arith.constant 32 : index
        %swap3A_800 = tpu.vector_load %arg7[%swap3A_797, %swap3A_798, %swap3A_799] {strides = array<i32>} : memref<4x400x64xf32, #tpu.memory_space<vmem>>, vector<16xf32>,
        tpu.vector_store %arg7[%swap3A_797, %swap3A_798, %swap3A_799], %add3A_795 {strides = array<i32>} : memref<4x400x64xf32, #tpu.memory_space<vmem>>, vector<16xf32>,
        %add3A_801 = arith.constant 200 : i32
        %add3A_802 = arith.addi %add3A_801, %scan3A_689 : i32
        %get3A_803 = arith.constant 0 : i32
        %get3A_804 = arith.index_cast %get3A_803 : i32 to index
        %get3A_805 = arith.index_cast %add3A_802 : i32 to index
        %get3A_806 = arith.constant 48 : index
        %get3A_807 = tpu.vector_load %arg7[%get3A_804, %get3A_805, %get3A_806] {strides = array<i32>} : memref<4x400x64xf32, #tpu.memory_space<vmem>>, vector<16xf32>,
        %get3A_808 = arith.index_cast %scan3A_689 : i32 to index
        %get3A_809 = arith.constant 48 : index
        %get3A_810 = tpu.vector_load %arg8[%get3A_808, %get3A_809] {strides = array<i32>} : memref<200x64xf32, #tpu.memory_space<vmem>>, vector<16xf32>,
        %add3A_811 = arith.addf %get3A_807, %get3A_810 : vector<16xf32>
        %swap3A_812 = arith.constant 0 : i32
        %swap3A_813 = arith.index_cast %swap3A_812 : i32 to index
        %swap3A_814 = arith.index_cast %add3A_802 : i32 to index
        %swap3A_815 = arith.constant 48 : index
        %swap3A_816 = tpu.vector_load %arg7[%swap3A_813, %swap3A_814, %swap3A_815] {strides = array<i32>} : memref<4x400x64xf32, #tpu.memory_space<vmem>>, vector<16xf32>,
        tpu.vector_store %arg7[%swap3A_813, %swap3A_814, %swap3A_815], %add3A_811 {strides = array<i32>} : memref<4x400x64xf32, #tpu.memory_space<vmem>>, vector<16xf32>,
        %scan3A_817 = arith.constant 0 : i32
        scf.yield %scan3A_817 : i32
      }
      %scan3A_266 = arith.constant 200 : i32
      %mul3A_267 = arith.constant 400 : i32
      %mul3A_268 = arith.muli %add3A_159, %mul3A_267 : i32
      %add3A_269 = arith.addi %mul3A_2, %mul3A_268 : i32
      %dma_start3A_270 = arith.constant 0 : i32
      %dma_start3A_271 = arith.constant 0 : i32
      %dma_start3A_272 = arith.constant 0 : i32
      %dma_start3A_273 = tpu.memref_slice %arg7[%dma_start3A_270, %dma_start3A_271, %dma_start3A_272] : memref<4x400x64xf32, #tpu.memory_space<vmem>> -> memref<1x400x64xf32, #tpu.memory_space<vmem>>
      %dma_start3A_274 = tpu.memref_squeeze %dma_start3A_273 : memref<1x400x64xf32, #tpu.memory_space<vmem>> -> memref<400x64xf32, #tpu.memory_space<vmem>>
      %dma_start3A_275 = arith.constant 0 : i32
      %dma_start3A_276 = tpu.memref_slice %arg5[%add3A_269, %dma_start3A_275] : memref<819200x64xf32, #tpu.memory_space<hbm>> -> memref<400x64xf32, #tpu.memory_space<hbm>>
      %dma_start3A_277 = arith.constant 0 : i32
      %dma_start3A_278 = tpu.memref_slice %arg5[%add3A_269, %dma_start3A_277] : memref<819200x64xf32, #tpu.memory_space<hbm>> -> memref<400x64xf32, #tpu.memory_space<hbm>>
      %dma_start3A_279 = arith.constant 0 : i32
      %dma_start3A_280 = arith.constant 0 : i32
      %dma_start3A_281 = tpu.memref_slice %arg7[%dma_start3A_270, %dma_start3A_279, %dma_start3A_280] : memref<4x400x64xf32, #tpu.memory_space<vmem>> -> memref<1x400x64xf32, #tpu.memory_space<vmem>>
      %dma_start3A_282 = tpu.memref_squeeze %dma_start3A_281 : memref<1x400x64xf32, #tpu.memory_space<vmem>> -> memref<400x64xf32, #tpu.memory_space<vmem>>
      tpu.enqueue_dma source(%dma_start3A_282 : memref<400x64xf32, #tpu.memory_space<vmem>>) target(%dma_start3A_278 : memref<400x64xf32, #tpu.memory_space<hbm>>) target_semaphore(%arg13 : memref<!tpu.dma_semaphore, #tpu.memory_space<semaphore_mem>>)
      %mul3A_283 = arith.constant 4 : i32
      %mul3A_284 = arith.muli %scan3A_154, %mul3A_283 : i32
      %add3A_285 = arith.constant 1 : i32
      %add3A_286 = arith.addi %mul3A_284, %add3A_285 : i32
      %add3A_287 = arith.constant 1 : i32
      %add3A_288 = arith.addi %add3A_286, %add3A_287 : i32
      %lt3A_289 = arith.constant 64 : i32
      %lt3A_290 = arith.cmpi slt, %add3A_288, %lt3A_289 : i32
      %convert_element_type3A_291 = arith.extui %lt3A_290 : i1 to i32
      %cond3A_292 = arith.constant 0 : i32
      %cond3A_293 = arith.cmpi ne, %convert_element_type3A_291, %cond3A_292 : i32
      scf.if %cond3A_293 {
        %ge3A = arith.constant 3 : i32
        %ge3A_689 = arith.cmpi sge, %add3A_286, %ge3A : i32
        %convert_element_type3A_690 = arith.extui %ge3A_689 : i1 to i32
        %cond3A_691 = arith.constant 0 : i32
        %cond3A_692 = arith.cmpi ne, %convert_element_type3A_690, %cond3A_691 : i32
        scf.if %cond3A_692 {
          %sub3A = arith.constant 3 : i32
          %sub3A_784 = arith.subi %add3A_286, %sub3A : i32
          %mul3A_785 = arith.constant 400 : i32
          %mul3A_786 = arith.muli %sub3A_784, %mul3A_785 : i32
          %add3A_787 = arith.addi %mul3A_2, %mul3A_786 : i32
          %dma_wait3A_788 = arith.constant 2 : i32
          %dma_wait3A_789 = arith.constant 0 : i32
          %dma_wait3A_790 = arith.constant 0 : i32
          %dma_wait3A_791 = tpu.memref_slice %arg7[%dma_wait3A_788, %dma_wait3A_789, %dma_wait3A_790] : memref<4x400x64xf32, #tpu.memory_space<vmem>> -> memref<1x400x64xf32, #tpu.memory_space<vmem>>
          %dma_wait3A_792 = tpu.memref_squeeze %dma_wait3A_791 : memref<1x400x64xf32, #tpu.memory_space<vmem>> -> memref<400x64xf32, #tpu.memory_space<vmem>>
          %dma_wait3A_793 = arith.constant 0 : i32
          %dma_wait3A_794 = tpu.memref_slice %arg5[%add3A_787, %dma_wait3A_793] : memref<819200x64xf32, #tpu.memory_space<hbm>> -> memref<400x64xf32, #tpu.memory_space<hbm>>
          %dma_wait3A_795 = arith.constant 0 : i32
          %dma_wait3A_796 = tpu.memref_slice %arg5[%add3A_787, %dma_wait3A_795] : memref<819200x64xf32, #tpu.memory_space<hbm>> -> memref<400x64xf32, #tpu.memory_space<hbm>>
          %dma_wait3A_797 = arith.constant 0 : i32
          %dma_wait3A_798 = arith.constant 0 : i32
          %dma_wait3A_799 = tpu.memref_slice %arg7[%dma_wait3A_788, %dma_wait3A_797, %dma_wait3A_798] : memref<4x400x64xf32, #tpu.memory_space<vmem>> -> memref<1x400x64xf32, #tpu.memory_space<vmem>>
          %dma_wait3A_800 = tpu.memref_squeeze %dma_wait3A_799 : memref<1x400x64xf32, #tpu.memory_space<vmem>> -> memref<400x64xf32, #tpu.memory_space<vmem>>
          tpu.wait_dma2 semaphore(%arg15 : memref<!tpu.dma_semaphore, #tpu.memory_space<semaphore_mem>>) src(%dma_wait3A_800 : memref<400x64xf32, #tpu.memory_space<vmem>>) dst(%dma_wait3A_796 : memref<400x64xf32, #tpu.memory_space<hbm>>)
        } else {
        }
        %add3A_693 = arith.constant 1 : i32
        %add3A_694 = arith.addi %add3A_286, %add3A_693 : i32
        %mul3A_695 = arith.constant 400 : i32
        %mul3A_696 = arith.muli %add3A_694, %mul3A_695 : i32
        %add3A_697 = arith.addi %mul3A_2, %mul3A_696 : i32
        %run_scoped3A_698 = arith.constant 2 : i32
        "tpu.region"() ({
          %run_scoped3A_784 = tpu.sem_alloc : memref<!tpu.dma_semaphore, #tpu.memory_space<semaphore_mem>>
          %dma_start3A_785 = arith.constant 0 : i32
          %dma_start3A_786 = tpu.memref_slice %arg6[%run_scoped3A_698, %dma_start3A_785] : memref<4x400xi32, #tpu.memory_space<vmem>> -> memref<1x400xi32, #tpu.memory_space<vmem>>
          %dma_start3A_787 = tpu.memref_squeeze %dma_start3A_786 : memref<1x400xi32, #tpu.memory_space<vmem>> -> memref<400xi32, #tpu.memory_space<vmem>>
          %dma_start3A_788 = tpu.memref_slice %arg2[%add3A_697] : memref<819200xi32, #tpu.memory_space<hbm>> -> memref<400xi32, #tpu.memory_space<hbm>>
          %dma_start3A_789 = arith.constant 0 : i32
          %dma_start3A_790 = tpu.memref_slice %arg6[%run_scoped3A_698, %dma_start3A_789] : memref<4x400xi32, #tpu.memory_space<vmem>> -> memref<1x400xi32, #tpu.memory_space<vmem>>
          %dma_start3A_791 = tpu.memref_squeeze %dma_start3A_790 : memref<1x400xi32, #tpu.memory_space<vmem>> -> memref<400xi32, #tpu.memory_space<vmem>>
          %dma_start3A_792 = tpu.memref_slice %arg2[%add3A_697] : memref<819200xi32, #tpu.memory_space<hbm>> -> memref<400xi32, #tpu.memory_space<hbm>>
          tpu.enqueue_dma source(%dma_start3A_792 : memref<400xi32, #tpu.memory_space<hbm>>) target(%dma_start3A_791 : memref<400xi32, #tpu.memory_space<vmem>>) target_semaphore(%run_scoped3A_784 : memref<!tpu.dma_semaphore, #tpu.memory_space<semaphore_mem>>)
          %dma_wait3A_793 = arith.constant 0 : i32
          %dma_wait3A_794 = tpu.memref_slice %arg6[%run_scoped3A_698, %dma_wait3A_793] : memref<4x400xi32, #tpu.memory_space<vmem>> -> memref<1x400xi32, #tpu.memory_space<vmem>>
          %dma_wait3A_795 = tpu.memref_squeeze %dma_wait3A_794 : memref<1x400xi32, #tpu.memory_space<vmem>> -> memref<400xi32, #tpu.memory_space<vmem>>
          %dma_wait3A_796 = tpu.memref_slice %arg2[%add3A_697] : memref<819200xi32, #tpu.memory_space<hbm>> -> memref<400xi32, #tpu.memory_space<hbm>>
          %dma_wait3A_797 = arith.constant 0 : i32
          %dma_wait3A_798 = tpu.memref_slice %arg6[%run_scoped3A_698, %dma_wait3A_797] : memref<4x400xi32, #tpu.memory_space<vmem>> -> memref<1x400xi32, #tpu.memory_space<vmem>>
          %dma_wait3A_799 = tpu.memref_squeeze %dma_wait3A_798 : memref<1x400xi32, #tpu.memory_space<vmem>> -> memref<400xi32, #tpu.memory_space<vmem>>
          %dma_wait3A_800 = tpu.memref_slice %arg2[%add3A_697] : memref<819200xi32, #tpu.memory_space<hbm>> -> memref<400xi32, #tpu.memory_space<hbm>>
          tpu.wait_dma2 semaphore(%run_scoped3A_784 : memref<!tpu.dma_semaphore, #tpu.memory_space<semaphore_mem>>) src(%dma_wait3A_800 : memref<400xi32, #tpu.memory_space<hbm>>) dst(%dma_wait3A_799 : memref<400xi32, #tpu.memory_space<vmem>>)
          tpu.yield
        }) : () -> ()
        %dma_start3A_699 = arith.constant 2 : i32
        %dma_start3A_700 = arith.constant 2 : i32
        %dma_start3A_701 = arith.constant 0 : i32
        %dma_start3A_702 = arith.constant 0 : i32
        %dma_start3A_703 = tpu.memref_slice %arg7[%dma_start3A_700, %dma_start3A_701, %dma_start3A_702] : memref<4x400x64xf32, #tpu.memory_space<vmem>> -> memref<1x400x64xf32, #tpu.memory_space<vmem>>
        %dma_start3A_704 = tpu.memref_squeeze %dma_start3A_703 : memref<1x400x64xf32, #tpu.memory_space<vmem>> -> memref<400x64xf32, #tpu.memory_space<vmem>>
        %dma_start3A_705 = arith.constant 0 : i32
        %dma_start3A_706 = arith.constant 0 : i32
        %dma_start3A_707 = tpu.memref_slice %dma_start3A_704[%dma_start3A_705, %dma_start3A_706] : memref<400x64xf32, #tpu.memory_space<vmem>> -> memref<80x64xf32, #tpu.memory_space<vmem>>
        %dma_start3A_708 = arith.constant 0 : i32
        %dma_start3A_709 = tpu.memref_slice %arg6[%dma_start3A_699, %dma_start3A_708] : memref<4x400xi32, #tpu.memory_space<vmem>> -> memref<1x400xi32, #tpu.memory_space<vmem>>
        %dma_start3A_710 = tpu.memref_squeeze %dma_start3A_709 : memref<1x400xi32, #tpu.memory_space<vmem>> -> memref<400xi32, #tpu.memory_space<vmem>>
        %dma_start3A_711 = arith.constant 0 : i32
        %dma_start3A_712 = tpu.memref_slice %dma_start3A_710[%dma_start3A_711] : memref<400xi32, #tpu.memory_space<vmem>> -> memref<80xi32, #tpu.memory_space<vmem>>
        %dma_start3A_713 = arith.constant 0 : i32
        %dma_start3A_714 = arith.constant 0 : i32
        %dma_start3A_715 = tpu.memref_slice %arg3[%dma_start3A_713, %dma_start3A_714] : memref<100000x64xf32, #tpu.memory_space<hbm>> -> memref<100000x64xf32, #tpu.memory_space<hbm>>
        tpu.enqueue_indirect_dma source(%dma_start3A_715 : memref<100000x64xf32, #tpu.memory_space<hbm>>) target(%dma_start3A_707 : memref<80x64xf32, #tpu.memory_space<vmem>>) offsets(%dma_start3A_712 : memref<80xi32, #tpu.memory_space<vmem>>) semaphore(%arg11 : memref<!tpu.dma_semaphore, #tpu.memory_space<semaphore_mem>>)
        %dma_start3A_716 = arith.constant 2 : i32
        %dma_start3A_717 = arith.constant 2 : i32
        %dma_start3A_718 = arith.constant 0 : i32
        %dma_start3A_719 = arith.constant 0 : i32
        %dma_start3A_720 = tpu.memref_slice %arg7[%dma_start3A_717, %dma_start3A_718, %dma_start3A_719] : memref<4x400x64xf32, #tpu.memory_space<vmem>> -> memref<1x400x64xf32, #tpu.memory_space<vmem>>
        %dma_start3A_721 = tpu.memref_squeeze %dma_start3A_720 : memref<1x400x64xf32, #tpu.memory_space<vmem>> -> memref<400x64xf32, #tpu.memory_space<vmem>>
        %dma_start3A_722 = arith.constant 80 : i32
        %dma_start3A_723 = arith.constant 0 : i32
        %dma_start3A_724 = tpu.memref_slice %dma_start3A_721[%dma_start3A_722, %dma_start3A_723] : memref<400x64xf32, #tpu.memory_space<vmem>> -> memref<80x64xf32, #tpu.memory_space<vmem>>
        %dma_start3A_725 = arith.constant 0 : i32
        %dma_start3A_726 = tpu.memref_slice %arg6[%dma_start3A_716, %dma_start3A_725] : memref<4x400xi32, #tpu.memory_space<vmem>> -> memref<1x400xi32, #tpu.memory_space<vmem>>
        %dma_start3A_727 = tpu.memref_squeeze %dma_start3A_726 : memref<1x400xi32, #tpu.memory_space<vmem>> -> memref<400xi32, #tpu.memory_space<vmem>>
        %dma_start3A_728 = arith.constant 80 : i32
        %dma_start3A_729 = tpu.memref_slice %dma_start3A_727[%dma_start3A_728] : memref<400xi32, #tpu.memory_space<vmem>> -> memref<80xi32, #tpu.memory_space<vmem>>
        %dma_start3A_730 = arith.constant 0 : i32
        %dma_start3A_731 = arith.constant 0 : i32
        %dma_start3A_732 = tpu.memref_slice %arg3[%dma_start3A_730, %dma_start3A_731] : memref<100000x64xf32, #tpu.memory_space<hbm>> -> memref<100000x64xf32, #tpu.memory_space<hbm>>
        tpu.enqueue_indirect_dma source(%dma_start3A_732 : memref<100000x64xf32, #tpu.memory_space<hbm>>) target(%dma_start3A_724 : memref<80x64xf32, #tpu.memory_space<vmem>>) offsets(%dma_start3A_729 : memref<80xi32, #tpu.memory_space<vmem>>) semaphore(%arg11 : memref<!tpu.dma_semaphore, #tpu.memory_space<semaphore_mem>>)
        %dma_start3A_733 = arith.constant 2 : i32
        %dma_start3A_734 = arith.constant 2 : i32
        %dma_start3A_735 = arith.constant 0 : i32
        %dma_start3A_736 = arith.constant 0 : i32
        %dma_start3A_737 = tpu.memref_slice %arg7[%dma_start3A_734, %dma_start3A_735, %dma_start3A_736] : memref<4x400x64xf32, #tpu.memory_space<vmem>> -> memref<1x400x64xf32, #tpu.memory_space<vmem>>
        %dma_start3A_738 = tpu.memref_squeeze %dma_start3A_737 : memref<1x400x64xf32, #tpu.memory_space<vmem>> -> memref<400x64xf32, #tpu.memory_space<vmem>>
        %dma_start3A_739 = arith.constant 160 : i32
        %dma_start3A_740 = arith.constant 0 : i32
        %dma_start3A_741 = tpu.memref_slice %dma_start3A_738[%dma_start3A_739, %dma_start3A_740] : memref<400x64xf32, #tpu.memory_space<vmem>> -> memref<80x64xf32, #tpu.memory_space<vmem>>
        %dma_start3A_742 = arith.constant 0 : i32
        %dma_start3A_743 = tpu.memref_slice %arg6[%dma_start3A_733, %dma_start3A_742] : memref<4x400xi32, #tpu.memory_space<vmem>> -> memref<1x400xi32, #tpu.memory_space<vmem>>
        %dma_start3A_744 = tpu.memref_squeeze %dma_start3A_743 : memref<1x400xi32, #tpu.memory_space<vmem>> -> memref<400xi32, #tpu.memory_space<vmem>>
        %dma_start3A_745 = arith.constant 160 : i32
        %dma_start3A_746 = tpu.memref_slice %dma_start3A_744[%dma_start3A_745] : memref<400xi32, #tpu.memory_space<vmem>> -> memref<80xi32, #tpu.memory_space<vmem>>
        %dma_start3A_747 = arith.constant 0 : i32
        %dma_start3A_748 = arith.constant 0 : i32
        %dma_start3A_749 = tpu.memref_slice %arg3[%dma_start3A_747, %dma_start3A_748] : memref<100000x64xf32, #tpu.memory_space<hbm>> -> memref<100000x64xf32, #tpu.memory_space<hbm>>
        tpu.enqueue_indirect_dma source(%dma_start3A_749 : memref<100000x64xf32, #tpu.memory_space<hbm>>) target(%dma_start3A_741 : memref<80x64xf32, #tpu.memory_space<vmem>>) offsets(%dma_start3A_746 : memref<80xi32, #tpu.memory_space<vmem>>) semaphore(%arg11 : memref<!tpu.dma_semaphore, #tpu.memory_space<semaphore_mem>>)
        %dma_start3A_750 = arith.constant 2 : i32
        %dma_start3A_751 = arith.constant 2 : i32
        %dma_start3A_752 = arith.constant 0 : i32
        %dma_start3A_753 = arith.constant 0 : i32
        %dma_start3A_754 = tpu.memref_slice %arg7[%dma_start3A_751, %dma_start3A_752, %dma_start3A_753] : memref<4x400x64xf32, #tpu.memory_space<vmem>> -> memref<1x400x64xf32, #tpu.memory_space<vmem>>
        %dma_start3A_755 = tpu.memref_squeeze %dma_start3A_754 : memref<1x400x64xf32, #tpu.memory_space<vmem>> -> memref<400x64xf32, #tpu.memory_space<vmem>>
        %dma_start3A_756 = arith.constant 240 : i32
        %dma_start3A_757 = arith.constant 0 : i32
        %dma_start3A_758 = tpu.memref_slice %dma_start3A_755[%dma_start3A_756, %dma_start3A_757] : memref<400x64xf32, #tpu.memory_space<vmem>> -> memref<80x64xf32, #tpu.memory_space<vmem>>
        %dma_start3A_759 = arith.constant 0 : i32
        %dma_start3A_760 = tpu.memref_slice %arg6[%dma_start3A_750, %dma_start3A_759] : memref<4x400xi32, #tpu.memory_space<vmem>> -> memref<1x400xi32, #tpu.memory_space<vmem>>
        %dma_start3A_761 = tpu.memref_squeeze %dma_start3A_760 : memref<1x400xi32, #tpu.memory_space<vmem>> -> memref<400xi32, #tpu.memory_space<vmem>>
        %dma_start3A_762 = arith.constant 240 : i32
        %dma_start3A_763 = tpu.memref_slice %dma_start3A_761[%dma_start3A_762] : memref<400xi32, #tpu.memory_space<vmem>> -> memref<80xi32, #tpu.memory_space<vmem>>
        %dma_start3A_764 = arith.constant 0 : i32
        %dma_start3A_765 = arith.constant 0 : i32
        %dma_start3A_766 = tpu.memref_slice %arg3[%dma_start3A_764, %dma_start3A_765] : memref<100000x64xf32, #tpu.memory_space<hbm>> -> memref<100000x64xf32, #tpu.memory_space<hbm>>
        tpu.enqueue_indirect_dma source(%dma_start3A_766 : memref<100000x64xf32, #tpu.memory_space<hbm>>) target(%dma_start3A_758 : memref<80x64xf32, #tpu.memory_space<vmem>>) offsets(%dma_start3A_763 : memref<80xi32, #tpu.memory_space<vmem>>) semaphore(%arg11 : memref<!tpu.dma_semaphore, #tpu.memory_space<semaphore_mem>>)
        %dma_start3A_767 = arith.constant 2 : i32
        %dma_start3A_768 = arith.constant 2 : i32
        %dma_start3A_769 = arith.constant 0 : i32
        %dma_start3A_770 = arith.constant 0 : i32
        %dma_start3A_771 = tpu.memref_slice %arg7[%dma_start3A_768, %dma_start3A_769, %dma_start3A_770] : memref<4x400x64xf32, #tpu.memory_space<vmem>> -> memref<1x400x64xf32, #tpu.memory_space<vmem>>
        %dma_start3A_772 = tpu.memref_squeeze %dma_start3A_771 : memref<1x400x64xf32, #tpu.memory_space<vmem>> -> memref<400x64xf32, #tpu.memory_space<vmem>>
        %dma_start3A_773 = arith.constant 320 : i32
        %dma_start3A_774 = arith.constant 0 : i32
        %dma_start3A_775 = tpu.memref_slice %dma_start3A_772[%dma_start3A_773, %dma_start3A_774] : memref<400x64xf32, #tpu.memory_space<vmem>> -> memref<80x64xf32, #tpu.memory_space<vmem>>
        %dma_start3A_776 = arith.constant 0 : i32
        %dma_start3A_777 = tpu.memref_slice %arg6[%dma_start3A_767, %dma_start3A_776] : memref<4x400xi32, #tpu.memory_space<vmem>> -> memref<1x400xi32, #tpu.memory_space<vmem>>
        %dma_start3A_778 = tpu.memref_squeeze %dma_start3A_777 : memref<1x400xi32, #tpu.memory_space<vmem>> -> memref<400xi32, #tpu.memory_space<vmem>>
        %dma_start3A_779 = arith.constant 320 : i32
        %dma_start3A_780 = tpu.memref_slice %dma_start3A_778[%dma_start3A_779] : memref<400xi32, #tpu.memory_space<vmem>> -> memref<80xi32, #tpu.memory_space<vmem>>
        %dma_start3A_781 = arith.constant 0 : i32
        %dma_start3A_782 = arith.constant 0 : i32
        %dma_start3A_783 = tpu.memref_slice %arg3[%dma_start3A_781, %dma_start3A_782] : memref<100000x64xf32, #tpu.memory_space<hbm>> -> memref<100000x64xf32, #tpu.memory_space<hbm>>
        tpu.enqueue_indirect_dma source(%dma_start3A_783 : memref<100000x64xf32, #tpu.memory_space<hbm>>) target(%dma_start3A_775 : memref<80x64xf32, #tpu.memory_space<vmem>>) offsets(%dma_start3A_780 : memref<80xi32, #tpu.memory_space<vmem>>) semaphore(%arg11 : memref<!tpu.dma_semaphore, #tpu.memory_space<semaphore_mem>>)
      } else {
      }
      %dma_wait3A_294 = arith.constant 1 : i32
      %dma_wait3A_295 = arith.constant 1 : i32
      %dma_wait3A_296 = arith.constant 0 : i32
      %dma_wait3A_297 = arith.constant 0 : i32
      %dma_wait3A_298 = tpu.memref_slice %arg7[%dma_wait3A_295, %dma_wait3A_296, %dma_wait3A_297] : memref<4x400x64xf32, #tpu.memory_space<vmem>> -> memref<1x400x64xf32, #tpu.memory_space<vmem>>
      %dma_wait3A_299 = tpu.memref_squeeze %dma_wait3A_298 : memref<1x400x64xf32, #tpu.memory_space<vmem>> -> memref<400x64xf32, #tpu.memory_space<vmem>>
      %dma_wait3A_300 = arith.constant 0 : i32
      %dma_wait3A_301 = arith.constant 0 : i32
      %dma_wait3A_302 = tpu.memref_slice %dma_wait3A_299[%dma_wait3A_300, %dma_wait3A_301] : memref<400x64xf32, #tpu.memory_space<vmem>> -> memref<80x64xf32, #tpu.memory_space<vmem>>
      %dma_wait3A_303 = arith.constant 0 : i32
      %dma_wait3A_304 = tpu.memref_slice %arg6[%dma_wait3A_294, %dma_wait3A_303] : memref<4x400xi32, #tpu.memory_space<vmem>> -> memref<1x400xi32, #tpu.memory_space<vmem>>
      %dma_wait3A_305 = tpu.memref_squeeze %dma_wait3A_304 : memref<1x400xi32, #tpu.memory_space<vmem>> -> memref<400xi32, #tpu.memory_space<vmem>>
      %dma_wait3A_306 = arith.constant 0 : i32
      %dma_wait3A_307 = tpu.memref_slice %dma_wait3A_305[%dma_wait3A_306] : memref<400xi32, #tpu.memory_space<vmem>> -> memref<80xi32, #tpu.memory_space<vmem>>
      %dma_wait3A_308 = arith.constant 0 : i32
      %dma_wait3A_309 = arith.constant 0 : i32
      %dma_wait3A_310 = tpu.memref_slice %arg3[%dma_wait3A_308, %dma_wait3A_309] : memref<100000x64xf32, #tpu.memory_space<hbm>> -> memref<100000x64xf32, #tpu.memory_space<hbm>>
      tpu.wait_indirect_dma semaphore(%arg10 : memref<!tpu.dma_semaphore, #tpu.memory_space<semaphore_mem>>) src(%dma_wait3A_310 : memref<100000x64xf32, #tpu.memory_space<hbm>>) dst(%dma_wait3A_302 : memref<80x64xf32, #tpu.memory_space<vmem>>)
      %dma_wait3A_311 = arith.constant 1 : i32
      %dma_wait3A_312 = arith.constant 1 : i32
      %dma_wait3A_313 = arith.constant 0 : i32
      %dma_wait3A_314 = arith.constant 0 : i32
      %dma_wait3A_315 = tpu.memref_slice %arg7[%dma_wait3A_312, %dma_wait3A_313, %dma_wait3A_314] : memref<4x400x64xf32, #tpu.memory_space<vmem>> -> memref<1x400x64xf32, #tpu.memory_space<vmem>>
      %dma_wait3A_316 = tpu.memref_squeeze %dma_wait3A_315 : memref<1x400x64xf32, #tpu.memory_space<vmem>> -> memref<400x64xf32, #tpu.memory_space<vmem>>
      %dma_wait3A_317 = arith.constant 80 : i32
      %dma_wait3A_318 = arith.constant 0 : i32
      %dma_wait3A_319 = tpu.memref_slice %dma_wait3A_316[%dma_wait3A_317, %dma_wait3A_318] : memref<400x64xf32, #tpu.memory_space<vmem>> -> memref<80x64xf32, #tpu.memory_space<vmem>>
      %dma_wait3A_320 = arith.constant 0 : i32
      %dma_wait3A_321 = tpu.memref_slice %arg6[%dma_wait3A_311, %dma_wait3A_320] : memref<4x400xi32, #tpu.memory_space<vmem>> -> memref<1x400xi32, #tpu.memory_space<vmem>>
      %dma_wait3A_322 = tpu.memref_squeeze %dma_wait3A_321 : memref<1x400xi32, #tpu.memory_space<vmem>> -> memref<400xi32, #tpu.memory_space<vmem>>
      %dma_wait3A_323 = arith.constant 80 : i32
      %dma_wait3A_324 = tpu.memref_slice %dma_wait3A_322[%dma_wait3A_323] : memref<400xi32, #tpu.memory_space<vmem>> -> memref<80xi32, #tpu.memory_space<vmem>>
      %dma_wait3A_325 = arith.constant 0 : i32
      %dma_wait3A_326 = arith.constant 0 : i32
      %dma_wait3A_327 = tpu.memref_slice %arg3[%dma_wait3A_325, %dma_wait3A_326] : memref<100000x64xf32, #tpu.memory_space<hbm>> -> memref<100000x64xf32, #tpu.memory_space<hbm>>
      tpu.wait_indirect_dma semaphore(%arg10 : memref<!tpu.dma_semaphore, #tpu.memory_space<semaphore_mem>>) src(%dma_wait3A_327 : memref<100000x64xf32, #tpu.memory_space<hbm>>) dst(%dma_wait3A_319 : memref<80x64xf32, #tpu.memory_space<vmem>>)
      %dma_wait3A_328 = arith.constant 1 : i32
      %dma_wait3A_329 = arith.constant 1 : i32
      %dma_wait3A_330 = arith.constant 0 : i32
      %dma_wait3A_331 = arith.constant 0 : i32
      %dma_wait3A_332 = tpu.memref_slice %arg7[%dma_wait3A_329, %dma_wait3A_330, %dma_wait3A_331] : memref<4x400x64xf32, #tpu.memory_space<vmem>> -> memref<1x400x64xf32, #tpu.memory_space<vmem>>
      %dma_wait3A_333 = tpu.memref_squeeze %dma_wait3A_332 : memref<1x400x64xf32, #tpu.memory_space<vmem>> -> memref<400x64xf32, #tpu.memory_space<vmem>>
      %dma_wait3A_334 = arith.constant 160 : i32
      %dma_wait3A_335 = arith.constant 0 : i32
      %dma_wait3A_336 = tpu.memref_slice %dma_wait3A_333[%dma_wait3A_334, %dma_wait3A_335] : memref<400x64xf32, #tpu.memory_space<vmem>> -> memref<80x64xf32, #tpu.memory_space<vmem>>
      %dma_wait3A_337 = arith.constant 0 : i32
      %dma_wait3A_338 = tpu.memref_slice %arg6[%dma_wait3A_328, %dma_wait3A_337] : memref<4x400xi32, #tpu.memory_space<vmem>> -> memref<1x400xi32, #tpu.memory_space<vmem>>
      %dma_wait3A_339 = tpu.memref_squeeze %dma_wait3A_338 : memref<1x400xi32, #tpu.memory_space<vmem>> -> memref<400xi32, #tpu.memory_space<vmem>>
      %dma_wait3A_340 = arith.constant 160 : i32
      %dma_wait3A_341 = tpu.memref_slice %dma_wait3A_339[%dma_wait3A_340] : memref<400xi32, #tpu.memory_space<vmem>> -> memref<80xi32, #tpu.memory_space<vmem>>
      %dma_wait3A_342 = arith.constant 0 : i32
      %dma_wait3A_343 = arith.constant 0 : i32
      %dma_wait3A_344 = tpu.memref_slice %arg3[%dma_wait3A_342, %dma_wait3A_343] : memref<100000x64xf32, #tpu.memory_space<hbm>> -> memref<100000x64xf32, #tpu.memory_space<hbm>>
      tpu.wait_indirect_dma semaphore(%arg10 : memref<!tpu.dma_semaphore, #tpu.memory_space<semaphore_mem>>) src(%dma_wait3A_344 : memref<100000x64xf32, #tpu.memory_space<hbm>>) dst(%dma_wait3A_336 : memref<80x64xf32, #tpu.memory_space<vmem>>)
      %dma_wait3A_345 = arith.constant 1 : i32
      %dma_wait3A_346 = arith.constant 1 : i32
      %dma_wait3A_347 = arith.constant 0 : i32
      %dma_wait3A_348 = arith.constant 0 : i32
      %dma_wait3A_349 = tpu.memref_slice %arg7[%dma_wait3A_346, %dma_wait3A_347, %dma_wait3A_348] : memref<4x400x64xf32, #tpu.memory_space<vmem>> -> memref<1x400x64xf32, #tpu.memory_space<vmem>>
      %dma_wait3A_350 = tpu.memref_squeeze %dma_wait3A_349 : memref<1x400x64xf32, #tpu.memory_space<vmem>> -> memref<400x64xf32, #tpu.memory_space<vmem>>
      %dma_wait3A_351 = arith.constant 240 : i32
      %dma_wait3A_352 = arith.constant 0 : i32
      %dma_wait3A_353 = tpu.memref_slice %dma_wait3A_350[%dma_wait3A_351, %dma_wait3A_352] : memref<400x64xf32, #tpu.memory_space<vmem>> -> memref<80x64xf32, #tpu.memory_space<vmem>>
      %dma_wait3A_354 = arith.constant 0 : i32
      %dma_wait3A_355 = tpu.memref_slice %arg6[%dma_wait3A_345, %dma_wait3A_354] : memref<4x400xi32, #tpu.memory_space<vmem>> -> memref<1x400xi32, #tpu.memory_space<vmem>>
      %dma_wait3A_356 = tpu.memref_squeeze %dma_wait3A_355 : memref<1x400xi32, #tpu.memory_space<vmem>> -> memref<400xi32, #tpu.memory_space<vmem>>
      %dma_wait3A_357 = arith.constant 240 : i32
      %dma_wait3A_358 = tpu.memref_slice %dma_wait3A_356[%dma_wait3A_357] : memref<400xi32, #tpu.memory_space<vmem>> -> memref<80xi32, #tpu.memory_space<vmem>>
      %dma_wait3A_359 = arith.constant 0 : i32
      %dma_wait3A_360 = arith.constant 0 : i32
      %dma_wait3A_361 = tpu.memref_slice %arg3[%dma_wait3A_359, %dma_wait3A_360] : memref<100000x64xf32, #tpu.memory_space<hbm>> -> memref<100000x64xf32, #tpu.memory_space<hbm>>
      tpu.wait_indirect_dma semaphore(%arg10 : memref<!tpu.dma_semaphore, #tpu.memory_space<semaphore_mem>>) src(%dma_wait3A_361 : memref<100000x64xf32, #tpu.memory_space<hbm>>) dst(%dma_wait3A_353 : memref<80x64xf32, #tpu.memory_space<vmem>>)
      %dma_wait3A_362 = arith.constant 1 : i32
      %dma_wait3A_363 = arith.constant 1 : i32
      %dma_wait3A_364 = arith.constant 0 : i32
      %dma_wait3A_365 = arith.constant 0 : i32
      %dma_wait3A_366 = tpu.memref_slice %arg7[%dma_wait3A_363, %dma_wait3A_364, %dma_wait3A_365] : memref<4x400x64xf32, #tpu.memory_space<vmem>> -> memref<1x400x64xf32, #tpu.memory_space<vmem>>
      %dma_wait3A_367 = tpu.memref_squeeze %dma_wait3A_366 : memref<1x400x64xf32, #tpu.memory_space<vmem>> -> memref<400x64xf32, #tpu.memory_space<vmem>>
      %dma_wait3A_368 = arith.constant 320 : i32
      %dma_wait3A_369 = arith.constant 0 : i32
      %dma_wait3A_370 = tpu.memref_slice %dma_wait3A_367[%dma_wait3A_368, %dma_wait3A_369] : memref<400x64xf32, #tpu.memory_space<vmem>> -> memref<80x64xf32, #tpu.memory_space<vmem>>
      %dma_wait3A_371 = arith.constant 0 : i32
      %dma_wait3A_372 = tpu.memref_slice %arg6[%dma_wait3A_362, %dma_wait3A_371] : memref<4x400xi32, #tpu.memory_space<vmem>> -> memref<1x400xi32, #tpu.memory_space<vmem>>
      %dma_wait3A_373 = tpu.memref_squeeze %dma_wait3A_372 : memref<1x400xi32, #tpu.memory_space<vmem>> -> memref<400xi32, #tpu.memory_space<vmem>>
      %dma_wait3A_374 = arith.constant 320 : i32
      %dma_wait3A_375 = tpu.memref_slice %dma_wait3A_373[%dma_wait3A_374] : memref<400xi32, #tpu.memory_space<vmem>> -> memref<80xi32, #tpu.memory_space<vmem>>
      %dma_wait3A_376 = arith.constant 0 : i32
      %dma_wait3A_377 = arith.constant 0 : i32
      %dma_wait3A_378 = tpu.memref_slice %arg3[%dma_wait3A_376, %dma_wait3A_377] : memref<100000x64xf32, #tpu.memory_space<hbm>> -> memref<100000x64xf32, #tpu.memory_space<hbm>>
      tpu.wait_indirect_dma semaphore(%arg10 : memref<!tpu.dma_semaphore, #tpu.memory_space<semaphore_mem>>) src(%dma_wait3A_378 : memref<100000x64xf32, #tpu.memory_space<hbm>>) dst(%dma_wait3A_370 : memref<80x64xf32, #tpu.memory_space<vmem>>)
      %broadcast_in_dim3A_379 = arith.constant false
      %broadcast_in_dim3A_380 = vector.broadcast %broadcast_in_dim3A_379 : i1 to vector<16xi1>
      %scan3A_381 = arith.constant 0 : i32
      %scan3A_382 = arith.constant 25 : i32
      %scan3A_383 = arith.addi %scan3A_381, %scan3A_382 : i32
      %scan3A_384 = arith.constant 1 : i32
      %scan3A_385 = scf.for %scan3A_689 = %scan3A_381 to %scan3A_383 step %scan3A_384 iter_args(%scan3A_690 = %broadcast_in_dim3A_380) -> (vector<16xi1>)  : i32 {
        %mul3A_691 = arith.constant 16 : i32
        %mul3A_692 = arith.muli %scan3A_689, %mul3A_691 : i32
        %get3A = arith.constant 1 : i32
        %get3A_693 = arith.index_cast %get3A : i32 to index
        %get3A_694 = arith.index_cast %mul3A_692 : i32 to index
        %get3A_695 = tpu.vector_load %arg6[%get3A_693, %get3A_694] {strides = array<i32>} : memref<4x400xi32, #tpu.memory_space<vmem>>, vector<16xi32>,
        %eq3A = arith.constant 0 : i32
        %eq3A_696 = vector.broadcast %eq3A : i32 to vector<16xi32>
        %eq3A_697 = arith.cmpi eq, %get3A_695, %eq3A_696 : vector<16xi32>
        %or3A = arith.ori %scan3A_690, %eq3A_697 : vector<16xi1>
        scf.yield %or3A : vector<16xi1>
      }
      %scan3A_386 = arith.constant 25 : i32
      %all_reduce_population_count3A_387 = tpu.all_reduce %scan3A_385 {dim = 0 : i64, kind = #tpu.reduction_kind<sum>} : vector<16xi1> -> vector<16xi32>
      %slice3A_388 = vector.extract_strided_slice %all_reduce_population_count3A_387 {offsets = [0], sizes = [1], strides = [1]} : vector<16xi32> to vector<1xi32>
      %squeeze3A_389 = vector.extract %slice3A_388[0] : i32 from vector<1xi32>
      %gt3A_390 = arith.constant 0 : i32
      %gt3A_391 = arith.cmpi sgt, %squeeze3A_389, %gt3A_390 : i32
      %convert_element_type3A_392 = arith.extui %gt3A_391 : i1 to i32
      %cond3A_393 = arith.constant 0 : i32
      %cond3A_394 = arith.cmpi ne, %convert_element_type3A_392, %cond3A_393 : i32
      scf.if %cond3A_394 {
        %scan3A_689 = arith.constant 0 : i32
        %scan3A_690 = arith.constant 0 : i32
        %scan3A_691 = arith.constant 25 : i32
        %scan3A_692 = arith.addi %scan3A_690, %scan3A_691 : i32
        %scan3A_693 = arith.constant 1 : i32
        %scan3A_694 = scf.for %scan3A_696 = %scan3A_690 to %scan3A_692 step %scan3A_693 iter_args(%scan3A_697 = %scan3A_689) -> (i32)  : i32 {
          %mul3A_698 = arith.constant 16 : i32
          %mul3A_699 = arith.muli %scan3A_696, %mul3A_698 : i32
          %get3A = arith.constant 1 : i32
          %get3A_700 = arith.index_cast %get3A : i32 to index
          %get3A_701 = arith.index_cast %mul3A_699 : i32 to index
          %get3A_702 = tpu.vector_load %arg6[%get3A_700, %get3A_701] {strides = array<i32>} : memref<4x400xi32, #tpu.memory_space<vmem>>, vector<16xi32>,
          %eq3A = arith.constant 0 : i32
          %eq3A_703 = vector.broadcast %eq3A : i32 to vector<16xi32>
          %eq3A_704 = arith.cmpi eq, %get3A_702, %eq3A_703 : vector<16xi32>
          %mul3A_705 = arith.constant 16 : i32
          %mul3A_706 = arith.muli %scan3A_696, %mul3A_705 : i32
          %iota3A = tpu.iota {dimensions = array<i32: 0>} : vector<16xi32>
          %add3A_707 = vector.broadcast %mul3A_706 : i32 to vector<16xi32>
          %add3A_708 = arith.addi %add3A_707, %iota3A : vector<16xi32>
          %broadcast_in_dim3A_709 = arith.constant 0.000000e+00 : f32
          %broadcast_in_dim3A_710 = vector.broadcast %broadcast_in_dim3A_709 : f32 to vector<16xf32>
          %broadcast_in_dim3A_711 = arith.constant 0 : i32
          %broadcast_in_dim3A_712 = vector.broadcast %broadcast_in_dim3A_711 : i32 to vector<16xi32>
          %scatter3A = arith.constant 1 : i32
          %scatter3A_713 = arith.constant 0 : i32
          %scatter3A_714 = arith.constant 0 : i32
          %scatter3A_715 = tpu.memref_slice %arg7[%scatter3A, %scatter3A_713, %scatter3A_714] : memref<4x400x64xf32, #tpu.memory_space<vmem>> -> memref<1x400x64xf32, #tpu.memory_space<vmem>>
          %scatter3A_716 = tpu.memref_squeeze %scatter3A_715 : memref<1x400x64xf32, #tpu.memory_space<vmem>> -> memref<400x64xf32, #tpu.memory_space<vmem>>
          tpu.vector_store_idx %scatter3A_716[%add3A_708, %broadcast_in_dim3A_712], %broadcast_in_dim3A_710 masked %eq3A_704 : memref<400x64xf32, #tpu.memory_space<vmem>>[vector<16xi32>, vector<16xi32>], vector<16xf32>, vector<16xi1>
          %broadcast_in_dim3A_717 = arith.constant 1 : i32
          %broadcast_in_dim3A_718 = vector.broadcast %broadcast_in_dim3A_717 : i32 to vector<16xi32>
          %scatter3A_719 = arith.constant 1 : i32
          %scatter3A_720 = arith.constant 0 : i32
          %scatter3A_721 = arith.constant 0 : i32
          %scatter3A_722 = tpu.memref_slice %arg7[%scatter3A_719, %scatter3A_720, %scatter3A_721] : memref<4x400x64xf32, #tpu.memory_space<vmem>> -> memref<1x400x64xf32, #tpu.memory_space<vmem>>
          %scatter3A_723 = tpu.memref_squeeze %scatter3A_722 : memref<1x400x64xf32, #tpu.memory_space<vmem>> -> memref<400x64xf32, #tpu.memory_space<vmem>>
          tpu.vector_store_idx %scatter3A_723[%add3A_708, %broadcast_in_dim3A_718], %broadcast_in_dim3A_710 masked %eq3A_704 : memref<400x64xf32, #tpu.memory_space<vmem>>[vector<16xi32>, vector<16xi32>], vector<16xf32>, vector<16xi1>
          %broadcast_in_dim3A_724 = arith.constant 2 : i32
          %broadcast_in_dim3A_725 = vector.broadcast %broadcast_in_dim3A_724 : i32 to vector<16xi32>
          %scatter3A_726 = arith.constant 1 : i32
          %scatter3A_727 = arith.constant 0 : i32
          %scatter3A_728 = arith.constant 0 : i32
          %scatter3A_729 = tpu.memref_slice %arg7[%scatter3A_726, %scatter3A_727, %scatter3A_728] : memref<4x400x64xf32, #tpu.memory_space<vmem>> -> memref<1x400x64xf32, #tpu.memory_space<vmem>>
          %scatter3A_730 = tpu.memref_squeeze %scatter3A_729 : memref<1x400x64xf32, #tpu.memory_space<vmem>> -> memref<400x64xf32, #tpu.memory_space<vmem>>
          tpu.vector_store_idx %scatter3A_730[%add3A_708, %broadcast_in_dim3A_725], %broadcast_in_dim3A_710 masked %eq3A_704 : memref<400x64xf32, #tpu.memory_space<vmem>>[vector<16xi32>, vector<16xi32>], vector<16xf32>, vector<16xi1>
          %broadcast_in_dim3A_731 = arith.constant 3 : i32
          %broadcast_in_dim3A_732 = vector.broadcast %broadcast_in_dim3A_731 : i32 to vector<16xi32>
          %scatter3A_733 = arith.constant 1 : i32
          %scatter3A_734 = arith.constant 0 : i32
          %scatter3A_735 = arith.constant 0 : i32
          %scatter3A_736 = tpu.memref_slice %arg7[%scatter3A_733, %scatter3A_734, %scatter3A_735] : memref<4x400x64xf32, #tpu.memory_space<vmem>> -> memref<1x400x64xf32, #tpu.memory_space<vmem>>
          %scatter3A_737 = tpu.memref_squeeze %scatter3A_736 : memref<1x400x64xf32, #tpu.memory_space<vmem>> -> memref<400x64xf32, #tpu.memory_space<vmem>>
          tpu.vector_store_idx %scatter3A_737[%add3A_708, %broadcast_in_dim3A_732], %broadcast_in_dim3A_710 masked %eq3A_704 : memref<400x64xf32, #tpu.memory_space<vmem>>[vector<16xi32>, vector<16xi32>], vector<16xf32>, vector<16xi1>
          %broadcast_in_dim3A_738 = arith.constant 4 : i32
          %broadcast_in_dim3A_739 = vector.broadcast %broadcast_in_dim3A_738 : i32 to vector<16xi32>
          %scatter3A_740 = arith.constant 1 : i32
          %scatter3A_741 = arith.constant 0 : i32
          %scatter3A_742 = arith.constant 0 : i32
          %scatter3A_743 = tpu.memref_slice %arg7[%scatter3A_740, %scatter3A_741, %scatter3A_742] : memref<4x400x64xf32, #tpu.memory_space<vmem>> -> memref<1x400x64xf32, #tpu.memory_space<vmem>>
          %scatter3A_744 = tpu.memref_squeeze %scatter3A_743 : memref<1x400x64xf32, #tpu.memory_space<vmem>> -> memref<400x64xf32, #tpu.memory_space<vmem>>
          tpu.vector_store_idx %scatter3A_744[%add3A_708, %broadcast_in_dim3A_739], %broadcast_in_dim3A_710 masked %eq3A_704 : memref<400x64xf32, #tpu.memory_space<vmem>>[vector<16xi32>, vector<16xi32>], vector<16xf32>, vector<16xi1>
          %broadcast_in_dim3A_745 = arith.constant 5 : i32
          %broadcast_in_dim3A_746 = vector.broadcast %broadcast_in_dim3A_745 : i32 to vector<16xi32>
          %scatter3A_747 = arith.constant 1 : i32
          %scatter3A_748 = arith.constant 0 : i32
          %scatter3A_749 = arith.constant 0 : i32
          %scatter3A_750 = tpu.memref_slice %arg7[%scatter3A_747, %scatter3A_748, %scatter3A_749] : memref<4x400x64xf32, #tpu.memory_space<vmem>> -> memref<1x400x64xf32, #tpu.memory_space<vmem>>
          %scatter3A_751 = tpu.memref_squeeze %scatter3A_750 : memref<1x400x64xf32, #tpu.memory_space<vmem>> -> memref<400x64xf32, #tpu.memory_space<vmem>>
          tpu.vector_store_idx %scatter3A_751[%add3A_708, %broadcast_in_dim3A_746], %broadcast_in_dim3A_710 masked %eq3A_704 : memref<400x64xf32, #tpu.memory_space<vmem>>[vector<16xi32>, vector<16xi32>], vector<16xf32>, vector<16xi1>
          %broadcast_in_dim3A_752 = arith.constant 6 : i32
          %broadcast_in_dim3A_753 = vector.broadcast %broadcast_in_dim3A_752 : i32 to vector<16xi32>
          %scatter3A_754 = arith.constant 1 : i32
          %scatter3A_755 = arith.constant 0 : i32
          %scatter3A_756 = arith.constant 0 : i32
          %scatter3A_757 = tpu.memref_slice %arg7[%scatter3A_754, %scatter3A_755, %scatter3A_756] : memref<4x400x64xf32, #tpu.memory_space<vmem>> -> memref<1x400x64xf32, #tpu.memory_space<vmem>>
          %scatter3A_758 = tpu.memref_squeeze %scatter3A_757 : memref<1x400x64xf32, #tpu.memory_space<vmem>> -> memref<400x64xf32, #tpu.memory_space<vmem>>
          tpu.vector_store_idx %scatter3A_758[%add3A_708, %broadcast_in_dim3A_753], %broadcast_in_dim3A_710 masked %eq3A_704 : memref<400x64xf32, #tpu.memory_space<vmem>>[vector<16xi32>, vector<16xi32>], vector<16xf32>, vector<16xi1>
          %broadcast_in_dim3A_759 = arith.constant 7 : i32
          %broadcast_in_dim3A_760 = vector.broadcast %broadcast_in_dim3A_759 : i32 to vector<16xi32>
          %scatter3A_761 = arith.constant 1 : i32
          %scatter3A_762 = arith.constant 0 : i32
          %scatter3A_763 = arith.constant 0 : i32
          %scatter3A_764 = tpu.memref_slice %arg7[%scatter3A_761, %scatter3A_762, %scatter3A_763] : memref<4x400x64xf32, #tpu.memory_space<vmem>> -> memref<1x400x64xf32, #tpu.memory_space<vmem>>
          %scatter3A_765 = tpu.memref_squeeze %scatter3A_764 : memref<1x400x64xf32, #tpu.memory_space<vmem>> -> memref<400x64xf32, #tpu.memory_space<vmem>>
          tpu.vector_store_idx %scatter3A_765[%add3A_708, %broadcast_in_dim3A_760], %broadcast_in_dim3A_710 masked %eq3A_704 : memref<400x64xf32, #tpu.memory_space<vmem>>[vector<16xi32>, vector<16xi32>], vector<16xf32>, vector<16xi1>
          %broadcast_in_dim3A_766 = arith.constant 8 : i32
          %broadcast_in_dim3A_767 = vector.broadcast %broadcast_in_dim3A_766 : i32 to vector<16xi32>
          %scatter3A_768 = arith.constant 1 : i32
          %scatter3A_769 = arith.constant 0 : i32
          %scatter3A_770 = arith.constant 0 : i32
          %scatter3A_771 = tpu.memref_slice %arg7[%scatter3A_768, %scatter3A_769, %scatter3A_770] : memref<4x400x64xf32, #tpu.memory_space<vmem>> -> memref<1x400x64xf32, #tpu.memory_space<vmem>>
          %scatter3A_772 = tpu.memref_squeeze %scatter3A_771 : memref<1x400x64xf32, #tpu.memory_space<vmem>> -> memref<400x64xf32, #tpu.memory_space<vmem>>
          tpu.vector_store_idx %scatter3A_772[%add3A_708, %broadcast_in_dim3A_767], %broadcast_in_dim3A_710 masked %eq3A_704 : memref<400x64xf32, #tpu.memory_space<vmem>>[vector<16xi32>, vector<16xi32>], vector<16xf32>, vector<16xi1>
          %broadcast_in_dim3A_773 = arith.constant 9 : i32
          %broadcast_in_dim3A_774 = vector.broadcast %broadcast_in_dim3A_773 : i32 to vector<16xi32>
          %scatter3A_775 = arith.constant 1 : i32
          %scatter3A_776 = arith.constant 0 : i32
          %scatter3A_777 = arith.constant 0 : i32
          %scatter3A_778 = tpu.memref_slice %arg7[%scatter3A_775, %scatter3A_776, %scatter3A_777] : memref<4x400x64xf32, #tpu.memory_space<vmem>> -> memref<1x400x64xf32, #tpu.memory_space<vmem>>
          %scatter3A_779 = tpu.memref_squeeze %scatter3A_778 : memref<1x400x64xf32, #tpu.memory_space<vmem>> -> memref<400x64xf32, #tpu.memory_space<vmem>>
          tpu.vector_store_idx %scatter3A_779[%add3A_708, %broadcast_in_dim3A_774], %broadcast_in_dim3A_710 masked %eq3A_704 : memref<400x64xf32, #tpu.memory_space<vmem>>[vector<16xi32>, vector<16xi32>], vector<16xf32>, vector<16xi1>
          %broadcast_in_dim3A_780 = arith.constant 10 : i32
          %broadcast_in_dim3A_781 = vector.broadcast %broadcast_in_dim3A_780 : i32 to vector<16xi32>
          %scatter3A_782 = arith.constant 1 : i32
          %scatter3A_783 = arith.constant 0 : i32
          %scatter3A_784 = arith.constant 0 : i32
          %scatter3A_785 = tpu.memref_slice %arg7[%scatter3A_782, %scatter3A_783, %scatter3A_784] : memref<4x400x64xf32, #tpu.memory_space<vmem>> -> memref<1x400x64xf32, #tpu.memory_space<vmem>>
          %scatter3A_786 = tpu.memref_squeeze %scatter3A_785 : memref<1x400x64xf32, #tpu.memory_space<vmem>> -> memref<400x64xf32, #tpu.memory_space<vmem>>
          tpu.vector_store_idx %scatter3A_786[%add3A_708, %broadcast_in_dim3A_781], %broadcast_in_dim3A_710 masked %eq3A_704 : memref<400x64xf32, #tpu.memory_space<vmem>>[vector<16xi32>, vector<16xi32>], vector<16xf32>, vector<16xi1>
          %broadcast_in_dim3A_787 = arith.constant 11 : i32
          %broadcast_in_dim3A_788 = vector.broadcast %broadcast_in_dim3A_787 : i32 to vector<16xi32>
          %scatter3A_789 = arith.constant 1 : i32
          %scatter3A_790 = arith.constant 0 : i32
          %scatter3A_791 = arith.constant 0 : i32
          %scatter3A_792 = tpu.memref_slice %arg7[%scatter3A_789, %scatter3A_790, %scatter3A_791] : memref<4x400x64xf32, #tpu.memory_space<vmem>> -> memref<1x400x64xf32, #tpu.memory_space<vmem>>
          %scatter3A_793 = tpu.memref_squeeze %scatter3A_792 : memref<1x400x64xf32, #tpu.memory_space<vmem>> -> memref<400x64xf32, #tpu.memory_space<vmem>>
          tpu.vector_store_idx %scatter3A_793[%add3A_708, %broadcast_in_dim3A_788], %broadcast_in_dim3A_710 masked %eq3A_704 : memref<400x64xf32, #tpu.memory_space<vmem>>[vector<16xi32>, vector<16xi32>], vector<16xf32>, vector<16xi1>
          %broadcast_in_dim3A_794 = arith.constant 12 : i32
          %broadcast_in_dim3A_795 = vector.broadcast %broadcast_in_dim3A_794 : i32 to vector<16xi32>
          %scatter3A_796 = arith.constant 1 : i32
          %scatter3A_797 = arith.constant 0 : i32
          %scatter3A_798 = arith.constant 0 : i32
          %scatter3A_799 = tpu.memref_slice %arg7[%scatter3A_796, %scatter3A_797, %scatter3A_798] : memref<4x400x64xf32, #tpu.memory_space<vmem>> -> memref<1x400x64xf32, #tpu.memory_space<vmem>>
          %scatter3A_800 = tpu.memref_squeeze %scatter3A_799 : memref<1x400x64xf32, #tpu.memory_space<vmem>> -> memref<400x64xf32, #tpu.memory_space<vmem>>
          tpu.vector_store_idx %scatter3A_800[%add3A_708, %broadcast_in_dim3A_795], %broadcast_in_dim3A_710 masked %eq3A_704 : memref<400x64xf32, #tpu.memory_space<vmem>>[vector<16xi32>, vector<16xi32>], vector<16xf32>, vector<16xi1>
          %broadcast_in_dim3A_801 = arith.constant 13 : i32
          %broadcast_in_dim3A_802 = vector.broadcast %broadcast_in_dim3A_801 : i32 to vector<16xi32>
          %scatter3A_803 = arith.constant 1 : i32
          %scatter3A_804 = arith.constant 0 : i32
          %scatter3A_805 = arith.constant 0 : i32
          %scatter3A_806 = tpu.memref_slice %arg7[%scatter3A_803, %scatter3A_804, %scatter3A_805] : memref<4x400x64xf32, #tpu.memory_space<vmem>> -> memref<1x400x64xf32, #tpu.memory_space<vmem>>
          %scatter3A_807 = tpu.memref_squeeze %scatter3A_806 : memref<1x400x64xf32, #tpu.memory_space<vmem>> -> memref<400x64xf32, #tpu.memory_space<vmem>>
          tpu.vector_store_idx %scatter3A_807[%add3A_708, %broadcast_in_dim3A_802], %broadcast_in_dim3A_710 masked %eq3A_704 : memref<400x64xf32, #tpu.memory_space<vmem>>[vector<16xi32>, vector<16xi32>], vector<16xf32>, vector<16xi1>
          %broadcast_in_dim3A_808 = arith.constant 14 : i32
          %broadcast_in_dim3A_809 = vector.broadcast %broadcast_in_dim3A_808 : i32 to vector<16xi32>
          %scatter3A_810 = arith.constant 1 : i32
          %scatter3A_811 = arith.constant 0 : i32
          %scatter3A_812 = arith.constant 0 : i32
          %scatter3A_813 = tpu.memref_slice %arg7[%scatter3A_810, %scatter3A_811, %scatter3A_812] : memref<4x400x64xf32, #tpu.memory_space<vmem>> -> memref<1x400x64xf32, #tpu.memory_space<vmem>>
          %scatter3A_814 = tpu.memref_squeeze %scatter3A_813 : memref<1x400x64xf32, #tpu.memory_space<vmem>> -> memref<400x64xf32, #tpu.memory_space<vmem>>
          tpu.vector_store_idx %scatter3A_814[%add3A_708, %broadcast_in_dim3A_809], %broadcast_in_dim3A_710 masked %eq3A_704 : memref<400x64xf32, #tpu.memory_space<vmem>>[vector<16xi32>, vector<16xi32>], vector<16xf32>, vector<16xi1>
          %broadcast_in_dim3A_815 = arith.constant 15 : i32
          %broadcast_in_dim3A_816 = vector.broadcast %broadcast_in_dim3A_815 : i32 to vector<16xi32>
          %scatter3A_817 = arith.constant 1 : i32
          %scatter3A_818 = arith.constant 0 : i32
          %scatter3A_819 = arith.constant 0 : i32
          %scatter3A_820 = tpu.memref_slice %arg7[%scatter3A_817, %scatter3A_818, %scatter3A_819] : memref<4x400x64xf32, #tpu.memory_space<vmem>> -> memref<1x400x64xf32, #tpu.memory_space<vmem>>
          %scatter3A_821 = tpu.memref_squeeze %scatter3A_820 : memref<1x400x64xf32, #tpu.memory_space<vmem>> -> memref<400x64xf32, #tpu.memory_space<vmem>>
          tpu.vector_store_idx %scatter3A_821[%add3A_708, %broadcast_in_dim3A_816], %broadcast_in_dim3A_710 masked %eq3A_704 : memref<400x64xf32, #tpu.memory_space<vmem>>[vector<16xi32>, vector<16xi32>], vector<16xf32>, vector<16xi1>
          %broadcast_in_dim3A_822 = arith.constant 16 : i32
          %broadcast_in_dim3A_823 = vector.broadcast %broadcast_in_dim3A_822 : i32 to vector<16xi32>
          %scatter3A_824 = arith.constant 1 : i32
          %scatter3A_825 = arith.constant 0 : i32
          %scatter3A_826 = arith.constant 0 : i32
          %scatter3A_827 = tpu.memref_slice %arg7[%scatter3A_824, %scatter3A_825, %scatter3A_826] : memref<4x400x64xf32, #tpu.memory_space<vmem>> -> memref<1x400x64xf32, #tpu.memory_space<vmem>>
          %scatter3A_828 = tpu.memref_squeeze %scatter3A_827 : memref<1x400x64xf32, #tpu.memory_space<vmem>> -> memref<400x64xf32, #tpu.memory_space<vmem>>
          tpu.vector_store_idx %scatter3A_828[%add3A_708, %broadcast_in_dim3A_823], %broadcast_in_dim3A_710 masked %eq3A_704 : memref<400x64xf32, #tpu.memory_space<vmem>>[vector<16xi32>, vector<16xi32>], vector<16xf32>, vector<16xi1>
          %broadcast_in_dim3A_829 = arith.constant 17 : i32
          %broadcast_in_dim3A_830 = vector.broadcast %broadcast_in_dim3A_829 : i32 to vector<16xi32>
          %scatter3A_831 = arith.constant 1 : i32
          %scatter3A_832 = arith.constant 0 : i32
          %scatter3A_833 = arith.constant 0 : i32
          %scatter3A_834 = tpu.memref_slice %arg7[%scatter3A_831, %scatter3A_832, %scatter3A_833] : memref<4x400x64xf32, #tpu.memory_space<vmem>> -> memref<1x400x64xf32, #tpu.memory_space<vmem>>
          %scatter3A_835 = tpu.memref_squeeze %scatter3A_834 : memref<1x400x64xf32, #tpu.memory_space<vmem>> -> memref<400x64xf32, #tpu.memory_space<vmem>>
          tpu.vector_store_idx %scatter3A_835[%add3A_708, %broadcast_in_dim3A_830], %broadcast_in_dim3A_710 masked %eq3A_704 : memref<400x64xf32, #tpu.memory_space<vmem>>[vector<16xi32>, vector<16xi32>], vector<16xf32>, vector<16xi1>
          %broadcast_in_dim3A_836 = arith.constant 18 : i32
          %broadcast_in_dim3A_837 = vector.broadcast %broadcast_in_dim3A_836 : i32 to vector<16xi32>
          %scatter3A_838 = arith.constant 1 : i32
          %scatter3A_839 = arith.constant 0 : i32
          %scatter3A_840 = arith.constant 0 : i32
          %scatter3A_841 = tpu.memref_slice %arg7[%scatter3A_838, %scatter3A_839, %scatter3A_840] : memref<4x400x64xf32, #tpu.memory_space<vmem>> -> memref<1x400x64xf32, #tpu.memory_space<vmem>>
          %scatter3A_842 = tpu.memref_squeeze %scatter3A_841 : memref<1x400x64xf32, #tpu.memory_space<vmem>> -> memref<400x64xf32, #tpu.memory_space<vmem>>
          tpu.vector_store_idx %scatter3A_842[%add3A_708, %broadcast_in_dim3A_837], %broadcast_in_dim3A_710 masked %eq3A_704 : memref<400x64xf32, #tpu.memory_space<vmem>>[vector<16xi32>, vector<16xi32>], vector<16xf32>, vector<16xi1>
          %broadcast_in_dim3A_843 = arith.constant 19 : i32
          %broadcast_in_dim3A_844 = vector.broadcast %broadcast_in_dim3A_843 : i32 to vector<16xi32>
          %scatter3A_845 = arith.constant 1 : i32
          %scatter3A_846 = arith.constant 0 : i32
          %scatter3A_847 = arith.constant 0 : i32
          %scatter3A_848 = tpu.memref_slice %arg7[%scatter3A_845, %scatter3A_846, %scatter3A_847] : memref<4x400x64xf32, #tpu.memory_space<vmem>> -> memref<1x400x64xf32, #tpu.memory_space<vmem>>
          %scatter3A_849 = tpu.memref_squeeze %scatter3A_848 : memref<1x400x64xf32, #tpu.memory_space<vmem>> -> memref<400x64xf32, #tpu.memory_space<vmem>>
          tpu.vector_store_idx %scatter3A_849[%add3A_708, %broadcast_in_dim3A_844], %broadcast_in_dim3A_710 masked %eq3A_704 : memref<400x64xf32, #tpu.memory_space<vmem>>[vector<16xi32>, vector<16xi32>], vector<16xf32>, vector<16xi1>
          %broadcast_in_dim3A_850 = arith.constant 20 : i32
          %broadcast_in_dim3A_851 = vector.broadcast %broadcast_in_dim3A_850 : i32 to vector<16xi32>
          %scatter3A_852 = arith.constant 1 : i32
          %scatter3A_853 = arith.constant 0 : i32
          %scatter3A_854 = arith.constant 0 : i32
          %scatter3A_855 = tpu.memref_slice %arg7[%scatter3A_852, %scatter3A_853, %scatter3A_854] : memref<4x400x64xf32, #tpu.memory_space<vmem>> -> memref<1x400x64xf32, #tpu.memory_space<vmem>>
          %scatter3A_856 = tpu.memref_squeeze %scatter3A_855 : memref<1x400x64xf32, #tpu.memory_space<vmem>> -> memref<400x64xf32, #tpu.memory_space<vmem>>
          tpu.vector_store_idx %scatter3A_856[%add3A_708, %broadcast_in_dim3A_851], %broadcast_in_dim3A_710 masked %eq3A_704 : memref<400x64xf32, #tpu.memory_space<vmem>>[vector<16xi32>, vector<16xi32>], vector<16xf32>, vector<16xi1>
          %broadcast_in_dim3A_857 = arith.constant 21 : i32
          %broadcast_in_dim3A_858 = vector.broadcast %broadcast_in_dim3A_857 : i32 to vector<16xi32>
          %scatter3A_859 = arith.constant 1 : i32
          %scatter3A_860 = arith.constant 0 : i32
          %scatter3A_861 = arith.constant 0 : i32
          %scatter3A_862 = tpu.memref_slice %arg7[%scatter3A_859, %scatter3A_860, %scatter3A_861] : memref<4x400x64xf32, #tpu.memory_space<vmem>> -> memref<1x400x64xf32, #tpu.memory_space<vmem>>
          %scatter3A_863 = tpu.memref_squeeze %scatter3A_862 : memref<1x400x64xf32, #tpu.memory_space<vmem>> -> memref<400x64xf32, #tpu.memory_space<vmem>>
          tpu.vector_store_idx %scatter3A_863[%add3A_708, %broadcast_in_dim3A_858], %broadcast_in_dim3A_710 masked %eq3A_704 : memref<400x64xf32, #tpu.memory_space<vmem>>[vector<16xi32>, vector<16xi32>], vector<16xf32>, vector<16xi1>
          %broadcast_in_dim3A_864 = arith.constant 22 : i32
          %broadcast_in_dim3A_865 = vector.broadcast %broadcast_in_dim3A_864 : i32 to vector<16xi32>
          %scatter3A_866 = arith.constant 1 : i32
          %scatter3A_867 = arith.constant 0 : i32
          %scatter3A_868 = arith.constant 0 : i32
          %scatter3A_869 = tpu.memref_slice %arg7[%scatter3A_866, %scatter3A_867, %scatter3A_868] : memref<4x400x64xf32, #tpu.memory_space<vmem>> -> memref<1x400x64xf32, #tpu.memory_space<vmem>>
          %scatter3A_870 = tpu.memref_squeeze %scatter3A_869 : memref<1x400x64xf32, #tpu.memory_space<vmem>> -> memref<400x64xf32, #tpu.memory_space<vmem>>
          tpu.vector_store_idx %scatter3A_870[%add3A_708, %broadcast_in_dim3A_865], %broadcast_in_dim3A_710 masked %eq3A_704 : memref<400x64xf32, #tpu.memory_space<vmem>>[vector<16xi32>, vector<16xi32>], vector<16xf32>, vector<16xi1>
          %broadcast_in_dim3A_871 = arith.constant 23 : i32
          %broadcast_in_dim3A_872 = vector.broadcast %broadcast_in_dim3A_871 : i32 to vector<16xi32>
          %scatter3A_873 = arith.constant 1 : i32
          %scatter3A_874 = arith.constant 0 : i32
          %scatter3A_875 = arith.constant 0 : i32
          %scatter3A_876 = tpu.memref_slice %arg7[%scatter3A_873, %scatter3A_874, %scatter3A_875] : memref<4x400x64xf32, #tpu.memory_space<vmem>> -> memref<1x400x64xf32, #tpu.memory_space<vmem>>
          %scatter3A_877 = tpu.memref_squeeze %scatter3A_876 : memref<1x400x64xf32, #tpu.memory_space<vmem>> -> memref<400x64xf32, #tpu.memory_space<vmem>>
          tpu.vector_store_idx %scatter3A_877[%add3A_708, %broadcast_in_dim3A_872], %broadcast_in_dim3A_710 masked %eq3A_704 : memref<400x64xf32, #tpu.memory_space<vmem>>[vector<16xi32>, vector<16xi32>], vector<16xf32>, vector<16xi1>
          %broadcast_in_dim3A_878 = arith.constant 24 : i32
          %broadcast_in_dim3A_879 = vector.broadcast %broadcast_in_dim3A_878 : i32 to vector<16xi32>
          %scatter3A_880 = arith.constant 1 : i32
          %scatter3A_881 = arith.constant 0 : i32
          %scatter3A_882 = arith.constant 0 : i32
          %scatter3A_883 = tpu.memref_slice %arg7[%scatter3A_880, %scatter3A_881, %scatter3A_882] : memref<4x400x64xf32, #tpu.memory_space<vmem>> -> memref<1x400x64xf32, #tpu.memory_space<vmem>>
          %scatter3A_884 = tpu.memref_squeeze %scatter3A_883 : memref<1x400x64xf32, #tpu.memory_space<vmem>> -> memref<400x64xf32, #tpu.memory_space<vmem>>
          tpu.vector_store_idx %scatter3A_884[%add3A_708, %broadcast_in_dim3A_879], %broadcast_in_dim3A_710 masked %eq3A_704 : memref<400x64xf32, #tpu.memory_space<vmem>>[vector<16xi32>, vector<16xi32>], vector<16xf32>, vector<16xi1>
          %broadcast_in_dim3A_885 = arith.constant 25 : i32
          %broadcast_in_dim3A_886 = vector.broadcast %broadcast_in_dim3A_885 : i32 to vector<16xi32>
          %scatter3A_887 = arith.constant 1 : i32
          %scatter3A_888 = arith.constant 0 : i32
          %scatter3A_889 = arith.constant 0 : i32
          %scatter3A_890 = tpu.memref_slice %arg7[%scatter3A_887, %scatter3A_888, %scatter3A_889] : memref<4x400x64xf32, #tpu.memory_space<vmem>> -> memref<1x400x64xf32, #tpu.memory_space<vmem>>
          %scatter3A_891 = tpu.memref_squeeze %scatter3A_890 : memref<1x400x64xf32, #tpu.memory_space<vmem>> -> memref<400x64xf32, #tpu.memory_space<vmem>>
          tpu.vector_store_idx %scatter3A_891[%add3A_708, %broadcast_in_dim3A_886], %broadcast_in_dim3A_710 masked %eq3A_704 : memref<400x64xf32, #tpu.memory_space<vmem>>[vector<16xi32>, vector<16xi32>], vector<16xf32>, vector<16xi1>
          %broadcast_in_dim3A_892 = arith.constant 26 : i32
          %broadcast_in_dim3A_893 = vector.broadcast %broadcast_in_dim3A_892 : i32 to vector<16xi32>
          %scatter3A_894 = arith.constant 1 : i32
          %scatter3A_895 = arith.constant 0 : i32
          %scatter3A_896 = arith.constant 0 : i32
          %scatter3A_897 = tpu.memref_slice %arg7[%scatter3A_894, %scatter3A_895, %scatter3A_896] : memref<4x400x64xf32, #tpu.memory_space<vmem>> -> memref<1x400x64xf32, #tpu.memory_space<vmem>>
          %scatter3A_898 = tpu.memref_squeeze %scatter3A_897 : memref<1x400x64xf32, #tpu.memory_space<vmem>> -> memref<400x64xf32, #tpu.memory_space<vmem>>
          tpu.vector_store_idx %scatter3A_898[%add3A_708, %broadcast_in_dim3A_893], %broadcast_in_dim3A_710 masked %eq3A_704 : memref<400x64xf32, #tpu.memory_space<vmem>>[vector<16xi32>, vector<16xi32>], vector<16xf32>, vector<16xi1>
          %broadcast_in_dim3A_899 = arith.constant 27 : i32
          %broadcast_in_dim3A_900 = vector.broadcast %broadcast_in_dim3A_899 : i32 to vector<16xi32>
          %scatter3A_901 = arith.constant 1 : i32
          %scatter3A_902 = arith.constant 0 : i32
          %scatter3A_903 = arith.constant 0 : i32
          %scatter3A_904 = tpu.memref_slice %arg7[%scatter3A_901, %scatter3A_902, %scatter3A_903] : memref<4x400x64xf32, #tpu.memory_space<vmem>> -> memref<1x400x64xf32, #tpu.memory_space<vmem>>
          %scatter3A_905 = tpu.memref_squeeze %scatter3A_904 : memref<1x400x64xf32, #tpu.memory_space<vmem>> -> memref<400x64xf32, #tpu.memory_space<vmem>>
          tpu.vector_store_idx %scatter3A_905[%add3A_708, %broadcast_in_dim3A_900], %broadcast_in_dim3A_710 masked %eq3A_704 : memref<400x64xf32, #tpu.memory_space<vmem>>[vector<16xi32>, vector<16xi32>], vector<16xf32>, vector<16xi1>
          %broadcast_in_dim3A_906 = arith.constant 28 : i32
          %broadcast_in_dim3A_907 = vector.broadcast %broadcast_in_dim3A_906 : i32 to vector<16xi32>
          %scatter3A_908 = arith.constant 1 : i32
          %scatter3A_909 = arith.constant 0 : i32
          %scatter3A_910 = arith.constant 0 : i32
          %scatter3A_911 = tpu.memref_slice %arg7[%scatter3A_908, %scatter3A_909, %scatter3A_910] : memref<4x400x64xf32, #tpu.memory_space<vmem>> -> memref<1x400x64xf32, #tpu.memory_space<vmem>>
          %scatter3A_912 = tpu.memref_squeeze %scatter3A_911 : memref<1x400x64xf32, #tpu.memory_space<vmem>> -> memref<400x64xf32, #tpu.memory_space<vmem>>
          tpu.vector_store_idx %scatter3A_912[%add3A_708, %broadcast_in_dim3A_907], %broadcast_in_dim3A_710 masked %eq3A_704 : memref<400x64xf32, #tpu.memory_space<vmem>>[vector<16xi32>, vector<16xi32>], vector<16xf32>, vector<16xi1>
          %broadcast_in_dim3A_913 = arith.constant 29 : i32
          %broadcast_in_dim3A_914 = vector.broadcast %broadcast_in_dim3A_913 : i32 to vector<16xi32>
          %scatter3A_915 = arith.constant 1 : i32
          %scatter3A_916 = arith.constant 0 : i32
          %scatter3A_917 = arith.constant 0 : i32
          %scatter3A_918 = tpu.memref_slice %arg7[%scatter3A_915, %scatter3A_916, %scatter3A_917] : memref<4x400x64xf32, #tpu.memory_space<vmem>> -> memref<1x400x64xf32, #tpu.memory_space<vmem>>
          %scatter3A_919 = tpu.memref_squeeze %scatter3A_918 : memref<1x400x64xf32, #tpu.memory_space<vmem>> -> memref<400x64xf32, #tpu.memory_space<vmem>>
          tpu.vector_store_idx %scatter3A_919[%add3A_708, %broadcast_in_dim3A_914], %broadcast_in_dim3A_710 masked %eq3A_704 : memref<400x64xf32, #tpu.memory_space<vmem>>[vector<16xi32>, vector<16xi32>], vector<16xf32>, vector<16xi1>
          %broadcast_in_dim3A_920 = arith.constant 30 : i32
          %broadcast_in_dim3A_921 = vector.broadcast %broadcast_in_dim3A_920 : i32 to vector<16xi32>
          %scatter3A_922 = arith.constant 1 : i32
          %scatter3A_923 = arith.constant 0 : i32
          %scatter3A_924 = arith.constant 0 : i32
          %scatter3A_925 = tpu.memref_slice %arg7[%scatter3A_922, %scatter3A_923, %scatter3A_924] : memref<4x400x64xf32, #tpu.memory_space<vmem>> -> memref<1x400x64xf32, #tpu.memory_space<vmem>>
          %scatter3A_926 = tpu.memref_squeeze %scatter3A_925 : memref<1x400x64xf32, #tpu.memory_space<vmem>> -> memref<400x64xf32, #tpu.memory_space<vmem>>
          tpu.vector_store_idx %scatter3A_926[%add3A_708, %broadcast_in_dim3A_921], %broadcast_in_dim3A_710 masked %eq3A_704 : memref<400x64xf32, #tpu.memory_space<vmem>>[vector<16xi32>, vector<16xi32>], vector<16xf32>, vector<16xi1>
          %broadcast_in_dim3A_927 = arith.constant 31 : i32
          %broadcast_in_dim3A_928 = vector.broadcast %broadcast_in_dim3A_927 : i32 to vector<16xi32>
          %scatter3A_929 = arith.constant 1 : i32
          %scatter3A_930 = arith.constant 0 : i32
          %scatter3A_931 = arith.constant 0 : i32
          %scatter3A_932 = tpu.memref_slice %arg7[%scatter3A_929, %scatter3A_930, %scatter3A_931] : memref<4x400x64xf32, #tpu.memory_space<vmem>> -> memref<1x400x64xf32, #tpu.memory_space<vmem>>
          %scatter3A_933 = tpu.memref_squeeze %scatter3A_932 : memref<1x400x64xf32, #tpu.memory_space<vmem>> -> memref<400x64xf32, #tpu.memory_space<vmem>>
          tpu.vector_store_idx %scatter3A_933[%add3A_708, %broadcast_in_dim3A_928], %broadcast_in_dim3A_710 masked %eq3A_704 : memref<400x64xf32, #tpu.memory_space<vmem>>[vector<16xi32>, vector<16xi32>], vector<16xf32>, vector<16xi1>
          %broadcast_in_dim3A_934 = arith.constant 32 : i32
          %broadcast_in_dim3A_935 = vector.broadcast %broadcast_in_dim3A_934 : i32 to vector<16xi32>
          %scatter3A_936 = arith.constant 1 : i32
          %scatter3A_937 = arith.constant 0 : i32
          %scatter3A_938 = arith.constant 0 : i32
          %scatter3A_939 = tpu.memref_slice %arg7[%scatter3A_936, %scatter3A_937, %scatter3A_938] : memref<4x400x64xf32, #tpu.memory_space<vmem>> -> memref<1x400x64xf32, #tpu.memory_space<vmem>>
          %scatter3A_940 = tpu.memref_squeeze %scatter3A_939 : memref<1x400x64xf32, #tpu.memory_space<vmem>> -> memref<400x64xf32, #tpu.memory_space<vmem>>
          tpu.vector_store_idx %scatter3A_940[%add3A_708, %broadcast_in_dim3A_935], %broadcast_in_dim3A_710 masked %eq3A_704 : memref<400x64xf32, #tpu.memory_space<vmem>>[vector<16xi32>, vector<16xi32>], vector<16xf32>, vector<16xi1>
          %broadcast_in_dim3A_941 = arith.constant 33 : i32
          %broadcast_in_dim3A_942 = vector.broadcast %broadcast_in_dim3A_941 : i32 to vector<16xi32>
          %scatter3A_943 = arith.constant 1 : i32
          %scatter3A_944 = arith.constant 0 : i32
          %scatter3A_945 = arith.constant 0 : i32
          %scatter3A_946 = tpu.memref_slice %arg7[%scatter3A_943, %scatter3A_944, %scatter3A_945] : memref<4x400x64xf32, #tpu.memory_space<vmem>> -> memref<1x400x64xf32, #tpu.memory_space<vmem>>
          %scatter3A_947 = tpu.memref_squeeze %scatter3A_946 : memref<1x400x64xf32, #tpu.memory_space<vmem>> -> memref<400x64xf32, #tpu.memory_space<vmem>>
          tpu.vector_store_idx %scatter3A_947[%add3A_708, %broadcast_in_dim3A_942], %broadcast_in_dim3A_710 masked %eq3A_704 : memref<400x64xf32, #tpu.memory_space<vmem>>[vector<16xi32>, vector<16xi32>], vector<16xf32>, vector<16xi1>
          %broadcast_in_dim3A_948 = arith.constant 34 : i32
          %broadcast_in_dim3A_949 = vector.broadcast %broadcast_in_dim3A_948 : i32 to vector<16xi32>
          %scatter3A_950 = arith.constant 1 : i32
          %scatter3A_951 = arith.constant 0 : i32
          %scatter3A_952 = arith.constant 0 : i32
          %scatter3A_953 = tpu.memref_slice %arg7[%scatter3A_950, %scatter3A_951, %scatter3A_952] : memref<4x400x64xf32, #tpu.memory_space<vmem>> -> memref<1x400x64xf32, #tpu.memory_space<vmem>>
          %scatter3A_954 = tpu.memref_squeeze %scatter3A_953 : memref<1x400x64xf32, #tpu.memory_space<vmem>> -> memref<400x64xf32, #tpu.memory_space<vmem>>
          tpu.vector_store_idx %scatter3A_954[%add3A_708, %broadcast_in_dim3A_949], %broadcast_in_dim3A_710 masked %eq3A_704 : memref<400x64xf32, #tpu.memory_space<vmem>>[vector<16xi32>, vector<16xi32>], vector<16xf32>, vector<16xi1>
          %broadcast_in_dim3A_955 = arith.constant 35 : i32
          %broadcast_in_dim3A_956 = vector.broadcast %broadcast_in_dim3A_955 : i32 to vector<16xi32>
          %scatter3A_957 = arith.constant 1 : i32
          %scatter3A_958 = arith.constant 0 : i32
          %scatter3A_959 = arith.constant 0 : i32
          %scatter3A_960 = tpu.memref_slice %arg7[%scatter3A_957, %scatter3A_958, %scatter3A_959] : memref<4x400x64xf32, #tpu.memory_space<vmem>> -> memref<1x400x64xf32, #tpu.memory_space<vmem>>
          %scatter3A_961 = tpu.memref_squeeze %scatter3A_960 : memref<1x400x64xf32, #tpu.memory_space<vmem>> -> memref<400x64xf32, #tpu.memory_space<vmem>>
          tpu.vector_store_idx %scatter3A_961[%add3A_708, %broadcast_in_dim3A_956], %broadcast_in_dim3A_710 masked %eq3A_704 : memref<400x64xf32, #tpu.memory_space<vmem>>[vector<16xi32>, vector<16xi32>], vector<16xf32>, vector<16xi1>
          %broadcast_in_dim3A_962 = arith.constant 36 : i32
          %broadcast_in_dim3A_963 = vector.broadcast %broadcast_in_dim3A_962 : i32 to vector<16xi32>
          %scatter3A_964 = arith.constant 1 : i32
          %scatter3A_965 = arith.constant 0 : i32
          %scatter3A_966 = arith.constant 0 : i32
          %scatter3A_967 = tpu.memref_slice %arg7[%scatter3A_964, %scatter3A_965, %scatter3A_966] : memref<4x400x64xf32, #tpu.memory_space<vmem>> -> memref<1x400x64xf32, #tpu.memory_space<vmem>>
          %scatter3A_968 = tpu.memref_squeeze %scatter3A_967 : memref<1x400x64xf32, #tpu.memory_space<vmem>> -> memref<400x64xf32, #tpu.memory_space<vmem>>
          tpu.vector_store_idx %scatter3A_968[%add3A_708, %broadcast_in_dim3A_963], %broadcast_in_dim3A_710 masked %eq3A_704 : memref<400x64xf32, #tpu.memory_space<vmem>>[vector<16xi32>, vector<16xi32>], vector<16xf32>, vector<16xi1>
          %broadcast_in_dim3A_969 = arith.constant 37 : i32
          %broadcast_in_dim3A_970 = vector.broadcast %broadcast_in_dim3A_969 : i32 to vector<16xi32>
          %scatter3A_971 = arith.constant 1 : i32
          %scatter3A_972 = arith.constant 0 : i32
          %scatter3A_973 = arith.constant 0 : i32
          %scatter3A_974 = tpu.memref_slice %arg7[%scatter3A_971, %scatter3A_972, %scatter3A_973] : memref<4x400x64xf32, #tpu.memory_space<vmem>> -> memref<1x400x64xf32, #tpu.memory_space<vmem>>
          %scatter3A_975 = tpu.memref_squeeze %scatter3A_974 : memref<1x400x64xf32, #tpu.memory_space<vmem>> -> memref<400x64xf32, #tpu.memory_space<vmem>>
          tpu.vector_store_idx %scatter3A_975[%add3A_708, %broadcast_in_dim3A_970], %broadcast_in_dim3A_710 masked %eq3A_704 : memref<400x64xf32, #tpu.memory_space<vmem>>[vector<16xi32>, vector<16xi32>], vector<16xf32>, vector<16xi1>
          %broadcast_in_dim3A_976 = arith.constant 38 : i32
          %broadcast_in_dim3A_977 = vector.broadcast %broadcast_in_dim3A_976 : i32 to vector<16xi32>
          %scatter3A_978 = arith.constant 1 : i32
          %scatter3A_979 = arith.constant 0 : i32
          %scatter3A_980 = arith.constant 0 : i32
          %scatter3A_981 = tpu.memref_slice %arg7[%scatter3A_978, %scatter3A_979, %scatter3A_980] : memref<4x400x64xf32, #tpu.memory_space<vmem>> -> memref<1x400x64xf32, #tpu.memory_space<vmem>>
          %scatter3A_982 = tpu.memref_squeeze %scatter3A_981 : memref<1x400x64xf32, #tpu.memory_space<vmem>> -> memref<400x64xf32, #tpu.memory_space<vmem>>
          tpu.vector_store_idx %scatter3A_982[%add3A_708, %broadcast_in_dim3A_977], %broadcast_in_dim3A_710 masked %eq3A_704 : memref<400x64xf32, #tpu.memory_space<vmem>>[vector<16xi32>, vector<16xi32>], vector<16xf32>, vector<16xi1>
          %broadcast_in_dim3A_983 = arith.constant 39 : i32
          %broadcast_in_dim3A_984 = vector.broadcast %broadcast_in_dim3A_983 : i32 to vector<16xi32>
          %scatter3A_985 = arith.constant 1 : i32
          %scatter3A_986 = arith.constant 0 : i32
          %scatter3A_987 = arith.constant 0 : i32
          %scatter3A_988 = tpu.memref_slice %arg7[%scatter3A_985, %scatter3A_986, %scatter3A_987] : memref<4x400x64xf32, #tpu.memory_space<vmem>> -> memref<1x400x64xf32, #tpu.memory_space<vmem>>
          %scatter3A_989 = tpu.memref_squeeze %scatter3A_988 : memref<1x400x64xf32, #tpu.memory_space<vmem>> -> memref<400x64xf32, #tpu.memory_space<vmem>>
          tpu.vector_store_idx %scatter3A_989[%add3A_708, %broadcast_in_dim3A_984], %broadcast_in_dim3A_710 masked %eq3A_704 : memref<400x64xf32, #tpu.memory_space<vmem>>[vector<16xi32>, vector<16xi32>], vector<16xf32>, vector<16xi1>
          %broadcast_in_dim3A_990 = arith.constant 40 : i32
          %broadcast_in_dim3A_991 = vector.broadcast %broadcast_in_dim3A_990 : i32 to vector<16xi32>
          %scatter3A_992 = arith.constant 1 : i32
          %scatter3A_993 = arith.constant 0 : i32
          %scatter3A_994 = arith.constant 0 : i32
          %scatter3A_995 = tpu.memref_slice %arg7[%scatter3A_992, %scatter3A_993, %scatter3A_994] : memref<4x400x64xf32, #tpu.memory_space<vmem>> -> memref<1x400x64xf32, #tpu.memory_space<vmem>>
          %scatter3A_996 = tpu.memref_squeeze %scatter3A_995 : memref<1x400x64xf32, #tpu.memory_space<vmem>> -> memref<400x64xf32, #tpu.memory_space<vmem>>
          tpu.vector_store_idx %scatter3A_996[%add3A_708, %broadcast_in_dim3A_991], %broadcast_in_dim3A_710 masked %eq3A_704 : memref<400x64xf32, #tpu.memory_space<vmem>>[vector<16xi32>, vector<16xi32>], vector<16xf32>, vector<16xi1>
          %broadcast_in_dim3A_997 = arith.constant 41 : i32
          %broadcast_in_dim3A_998 = vector.broadcast %broadcast_in_dim3A_997 : i32 to vector<16xi32>
          %scatter3A_999 = arith.constant 1 : i32
          %scatter3A_1000 = arith.constant 0 : i32
          %scatter3A_1001 = arith.constant 0 : i32
          %scatter3A_1002 = tpu.memref_slice %arg7[%scatter3A_999, %scatter3A_1000, %scatter3A_1001] : memref<4x400x64xf32, #tpu.memory_space<vmem>> -> memref<1x400x64xf32, #tpu.memory_space<vmem>>
          %scatter3A_1003 = tpu.memref_squeeze %scatter3A_1002 : memref<1x400x64xf32, #tpu.memory_space<vmem>> -> memref<400x64xf32, #tpu.memory_space<vmem>>
          tpu.vector_store_idx %scatter3A_1003[%add3A_708, %broadcast_in_dim3A_998], %broadcast_in_dim3A_710 masked %eq3A_704 : memref<400x64xf32, #tpu.memory_space<vmem>>[vector<16xi32>, vector<16xi32>], vector<16xf32>, vector<16xi1>
          %broadcast_in_dim3A_1004 = arith.constant 42 : i32
          %broadcast_in_dim3A_1005 = vector.broadcast %broadcast_in_dim3A_1004 : i32 to vector<16xi32>
          %scatter3A_1006 = arith.constant 1 : i32
          %scatter3A_1007 = arith.constant 0 : i32
          %scatter3A_1008 = arith.constant 0 : i32
          %scatter3A_1009 = tpu.memref_slice %arg7[%scatter3A_1006, %scatter3A_1007, %scatter3A_1008] : memref<4x400x64xf32, #tpu.memory_space<vmem>> -> memref<1x400x64xf32, #tpu.memory_space<vmem>>
          %scatter3A_1010 = tpu.memref_squeeze %scatter3A_1009 : memref<1x400x64xf32, #tpu.memory_space<vmem>> -> memref<400x64xf32, #tpu.memory_space<vmem>>
          tpu.vector_store_idx %scatter3A_1010[%add3A_708, %broadcast_in_dim3A_1005], %broadcast_in_dim3A_710 masked %eq3A_704 : memref<400x64xf32, #tpu.memory_space<vmem>>[vector<16xi32>, vector<16xi32>], vector<16xf32>, vector<16xi1>
          %broadcast_in_dim3A_1011 = arith.constant 43 : i32
          %broadcast_in_dim3A_1012 = vector.broadcast %broadcast_in_dim3A_1011 : i32 to vector<16xi32>
          %scatter3A_1013 = arith.constant 1 : i32
          %scatter3A_1014 = arith.constant 0 : i32
          %scatter3A_1015 = arith.constant 0 : i32
          %scatter3A_1016 = tpu.memref_slice %arg7[%scatter3A_1013, %scatter3A_1014, %scatter3A_1015] : memref<4x400x64xf32, #tpu.memory_space<vmem>> -> memref<1x400x64xf32, #tpu.memory_space<vmem>>
          %scatter3A_1017 = tpu.memref_squeeze %scatter3A_1016 : memref<1x400x64xf32, #tpu.memory_space<vmem>> -> memref<400x64xf32, #tpu.memory_space<vmem>>
          tpu.vector_store_idx %scatter3A_1017[%add3A_708, %broadcast_in_dim3A_1012], %broadcast_in_dim3A_710 masked %eq3A_704 : memref<400x64xf32, #tpu.memory_space<vmem>>[vector<16xi32>, vector<16xi32>], vector<16xf32>, vector<16xi1>
          %broadcast_in_dim3A_1018 = arith.constant 44 : i32
          %broadcast_in_dim3A_1019 = vector.broadcast %broadcast_in_dim3A_1018 : i32 to vector<16xi32>
          %scatter3A_1020 = arith.constant 1 : i32
          %scatter3A_1021 = arith.constant 0 : i32
          %scatter3A_1022 = arith.constant 0 : i32
          %scatter3A_1023 = tpu.memref_slice %arg7[%scatter3A_1020, %scatter3A_1021, %scatter3A_1022] : memref<4x400x64xf32, #tpu.memory_space<vmem>> -> memref<1x400x64xf32, #tpu.memory_space<vmem>>
          %scatter3A_1024 = tpu.memref_squeeze %scatter3A_1023 : memref<1x400x64xf32, #tpu.memory_space<vmem>> -> memref<400x64xf32, #tpu.memory_space<vmem>>
          tpu.vector_store_idx %scatter3A_1024[%add3A_708, %broadcast_in_dim3A_1019], %broadcast_in_dim3A_710 masked %eq3A_704 : memref<400x64xf32, #tpu.memory_space<vmem>>[vector<16xi32>, vector<16xi32>], vector<16xf32>, vector<16xi1>
          %broadcast_in_dim3A_1025 = arith.constant 45 : i32
          %broadcast_in_dim3A_1026 = vector.broadcast %broadcast_in_dim3A_1025 : i32 to vector<16xi32>
          %scatter3A_1027 = arith.constant 1 : i32
          %scatter3A_1028 = arith.constant 0 : i32
          %scatter3A_1029 = arith.constant 0 : i32
          %scatter3A_1030 = tpu.memref_slice %arg7[%scatter3A_1027, %scatter3A_1028, %scatter3A_1029] : memref<4x400x64xf32, #tpu.memory_space<vmem>> -> memref<1x400x64xf32, #tpu.memory_space<vmem>>
          %scatter3A_1031 = tpu.memref_squeeze %scatter3A_1030 : memref<1x400x64xf32, #tpu.memory_space<vmem>> -> memref<400x64xf32, #tpu.memory_space<vmem>>
          tpu.vector_store_idx %scatter3A_1031[%add3A_708, %broadcast_in_dim3A_1026], %broadcast_in_dim3A_710 masked %eq3A_704 : memref<400x64xf32, #tpu.memory_space<vmem>>[vector<16xi32>, vector<16xi32>], vector<16xf32>, vector<16xi1>
          %broadcast_in_dim3A_1032 = arith.constant 46 : i32
          %broadcast_in_dim3A_1033 = vector.broadcast %broadcast_in_dim3A_1032 : i32 to vector<16xi32>
          %scatter3A_1034 = arith.constant 1 : i32
          %scatter3A_1035 = arith.constant 0 : i32
          %scatter3A_1036 = arith.constant 0 : i32
          %scatter3A_1037 = tpu.memref_slice %arg7[%scatter3A_1034, %scatter3A_1035, %scatter3A_1036] : memref<4x400x64xf32, #tpu.memory_space<vmem>> -> memref<1x400x64xf32, #tpu.memory_space<vmem>>
          %scatter3A_1038 = tpu.memref_squeeze %scatter3A_1037 : memref<1x400x64xf32, #tpu.memory_space<vmem>> -> memref<400x64xf32, #tpu.memory_space<vmem>>
          tpu.vector_store_idx %scatter3A_1038[%add3A_708, %broadcast_in_dim3A_1033], %broadcast_in_dim3A_710 masked %eq3A_704 : memref<400x64xf32, #tpu.memory_space<vmem>>[vector<16xi32>, vector<16xi32>], vector<16xf32>, vector<16xi1>
          %broadcast_in_dim3A_1039 = arith.constant 47 : i32
          %broadcast_in_dim3A_1040 = vector.broadcast %broadcast_in_dim3A_1039 : i32 to vector<16xi32>
          %scatter3A_1041 = arith.constant 1 : i32
          %scatter3A_1042 = arith.constant 0 : i32
          %scatter3A_1043 = arith.constant 0 : i32
          %scatter3A_1044 = tpu.memref_slice %arg7[%scatter3A_1041, %scatter3A_1042, %scatter3A_1043] : memref<4x400x64xf32, #tpu.memory_space<vmem>> -> memref<1x400x64xf32, #tpu.memory_space<vmem>>
          %scatter3A_1045 = tpu.memref_squeeze %scatter3A_1044 : memref<1x400x64xf32, #tpu.memory_space<vmem>> -> memref<400x64xf32, #tpu.memory_space<vmem>>
          tpu.vector_store_idx %scatter3A_1045[%add3A_708, %broadcast_in_dim3A_1040], %broadcast_in_dim3A_710 masked %eq3A_704 : memref<400x64xf32, #tpu.memory_space<vmem>>[vector<16xi32>, vector<16xi32>], vector<16xf32>, vector<16xi1>
          %broadcast_in_dim3A_1046 = arith.constant 48 : i32
          %broadcast_in_dim3A_1047 = vector.broadcast %broadcast_in_dim3A_1046 : i32 to vector<16xi32>
          %scatter3A_1048 = arith.constant 1 : i32
          %scatter3A_1049 = arith.constant 0 : i32
          %scatter3A_1050 = arith.constant 0 : i32
          %scatter3A_1051 = tpu.memref_slice %arg7[%scatter3A_1048, %scatter3A_1049, %scatter3A_1050] : memref<4x400x64xf32, #tpu.memory_space<vmem>> -> memref<1x400x64xf32, #tpu.memory_space<vmem>>
          %scatter3A_1052 = tpu.memref_squeeze %scatter3A_1051 : memref<1x400x64xf32, #tpu.memory_space<vmem>> -> memref<400x64xf32, #tpu.memory_space<vmem>>
          tpu.vector_store_idx %scatter3A_1052[%add3A_708, %broadcast_in_dim3A_1047], %broadcast_in_dim3A_710 masked %eq3A_704 : memref<400x64xf32, #tpu.memory_space<vmem>>[vector<16xi32>, vector<16xi32>], vector<16xf32>, vector<16xi1>
          %broadcast_in_dim3A_1053 = arith.constant 49 : i32
          %broadcast_in_dim3A_1054 = vector.broadcast %broadcast_in_dim3A_1053 : i32 to vector<16xi32>
          %scatter3A_1055 = arith.constant 1 : i32
          %scatter3A_1056 = arith.constant 0 : i32
          %scatter3A_1057 = arith.constant 0 : i32
          %scatter3A_1058 = tpu.memref_slice %arg7[%scatter3A_1055, %scatter3A_1056, %scatter3A_1057] : memref<4x400x64xf32, #tpu.memory_space<vmem>> -> memref<1x400x64xf32, #tpu.memory_space<vmem>>
          %scatter3A_1059 = tpu.memref_squeeze %scatter3A_1058 : memref<1x400x64xf32, #tpu.memory_space<vmem>> -> memref<400x64xf32, #tpu.memory_space<vmem>>
          tpu.vector_store_idx %scatter3A_1059[%add3A_708, %broadcast_in_dim3A_1054], %broadcast_in_dim3A_710 masked %eq3A_704 : memref<400x64xf32, #tpu.memory_space<vmem>>[vector<16xi32>, vector<16xi32>], vector<16xf32>, vector<16xi1>
          %broadcast_in_dim3A_1060 = arith.constant 50 : i32
          %broadcast_in_dim3A_1061 = vector.broadcast %broadcast_in_dim3A_1060 : i32 to vector<16xi32>
          %scatter3A_1062 = arith.constant 1 : i32
          %scatter3A_1063 = arith.constant 0 : i32
          %scatter3A_1064 = arith.constant 0 : i32
          %scatter3A_1065 = tpu.memref_slice %arg7[%scatter3A_1062, %scatter3A_1063, %scatter3A_1064] : memref<4x400x64xf32, #tpu.memory_space<vmem>> -> memref<1x400x64xf32, #tpu.memory_space<vmem>>
          %scatter3A_1066 = tpu.memref_squeeze %scatter3A_1065 : memref<1x400x64xf32, #tpu.memory_space<vmem>> -> memref<400x64xf32, #tpu.memory_space<vmem>>
          tpu.vector_store_idx %scatter3A_1066[%add3A_708, %broadcast_in_dim3A_1061], %broadcast_in_dim3A_710 masked %eq3A_704 : memref<400x64xf32, #tpu.memory_space<vmem>>[vector<16xi32>, vector<16xi32>], vector<16xf32>, vector<16xi1>
          %broadcast_in_dim3A_1067 = arith.constant 51 : i32
          %broadcast_in_dim3A_1068 = vector.broadcast %broadcast_in_dim3A_1067 : i32 to vector<16xi32>
          %scatter3A_1069 = arith.constant 1 : i32
          %scatter3A_1070 = arith.constant 0 : i32
          %scatter3A_1071 = arith.constant 0 : i32
          %scatter3A_1072 = tpu.memref_slice %arg7[%scatter3A_1069, %scatter3A_1070, %scatter3A_1071] : memref<4x400x64xf32, #tpu.memory_space<vmem>> -> memref<1x400x64xf32, #tpu.memory_space<vmem>>
          %scatter3A_1073 = tpu.memref_squeeze %scatter3A_1072 : memref<1x400x64xf32, #tpu.memory_space<vmem>> -> memref<400x64xf32, #tpu.memory_space<vmem>>
          tpu.vector_store_idx %scatter3A_1073[%add3A_708, %broadcast_in_dim3A_1068], %broadcast_in_dim3A_710 masked %eq3A_704 : memref<400x64xf32, #tpu.memory_space<vmem>>[vector<16xi32>, vector<16xi32>], vector<16xf32>, vector<16xi1>
          %broadcast_in_dim3A_1074 = arith.constant 52 : i32
          %broadcast_in_dim3A_1075 = vector.broadcast %broadcast_in_dim3A_1074 : i32 to vector<16xi32>
          %scatter3A_1076 = arith.constant 1 : i32
          %scatter3A_1077 = arith.constant 0 : i32
          %scatter3A_1078 = arith.constant 0 : i32
          %scatter3A_1079 = tpu.memref_slice %arg7[%scatter3A_1076, %scatter3A_1077, %scatter3A_1078] : memref<4x400x64xf32, #tpu.memory_space<vmem>> -> memref<1x400x64xf32, #tpu.memory_space<vmem>>
          %scatter3A_1080 = tpu.memref_squeeze %scatter3A_1079 : memref<1x400x64xf32, #tpu.memory_space<vmem>> -> memref<400x64xf32, #tpu.memory_space<vmem>>
          tpu.vector_store_idx %scatter3A_1080[%add3A_708, %broadcast_in_dim3A_1075], %broadcast_in_dim3A_710 masked %eq3A_704 : memref<400x64xf32, #tpu.memory_space<vmem>>[vector<16xi32>, vector<16xi32>], vector<16xf32>, vector<16xi1>
          %broadcast_in_dim3A_1081 = arith.constant 53 : i32
          %broadcast_in_dim3A_1082 = vector.broadcast %broadcast_in_dim3A_1081 : i32 to vector<16xi32>
          %scatter3A_1083 = arith.constant 1 : i32
          %scatter3A_1084 = arith.constant 0 : i32
          %scatter3A_1085 = arith.constant 0 : i32
          %scatter3A_1086 = tpu.memref_slice %arg7[%scatter3A_1083, %scatter3A_1084, %scatter3A_1085] : memref<4x400x64xf32, #tpu.memory_space<vmem>> -> memref<1x400x64xf32, #tpu.memory_space<vmem>>
          %scatter3A_1087 = tpu.memref_squeeze %scatter3A_1086 : memref<1x400x64xf32, #tpu.memory_space<vmem>> -> memref<400x64xf32, #tpu.memory_space<vmem>>
          tpu.vector_store_idx %scatter3A_1087[%add3A_708, %broadcast_in_dim3A_1082], %broadcast_in_dim3A_710 masked %eq3A_704 : memref<400x64xf32, #tpu.memory_space<vmem>>[vector<16xi32>, vector<16xi32>], vector<16xf32>, vector<16xi1>
          %broadcast_in_dim3A_1088 = arith.constant 54 : i32
          %broadcast_in_dim3A_1089 = vector.broadcast %broadcast_in_dim3A_1088 : i32 to vector<16xi32>
          %scatter3A_1090 = arith.constant 1 : i32
          %scatter3A_1091 = arith.constant 0 : i32
          %scatter3A_1092 = arith.constant 0 : i32
          %scatter3A_1093 = tpu.memref_slice %arg7[%scatter3A_1090, %scatter3A_1091, %scatter3A_1092] : memref<4x400x64xf32, #tpu.memory_space<vmem>> -> memref<1x400x64xf32, #tpu.memory_space<vmem>>
          %scatter3A_1094 = tpu.memref_squeeze %scatter3A_1093 : memref<1x400x64xf32, #tpu.memory_space<vmem>> -> memref<400x64xf32, #tpu.memory_space<vmem>>
          tpu.vector_store_idx %scatter3A_1094[%add3A_708, %broadcast_in_dim3A_1089], %broadcast_in_dim3A_710 masked %eq3A_704 : memref<400x64xf32, #tpu.memory_space<vmem>>[vector<16xi32>, vector<16xi32>], vector<16xf32>, vector<16xi1>
          %broadcast_in_dim3A_1095 = arith.constant 55 : i32
          %broadcast_in_dim3A_1096 = vector.broadcast %broadcast_in_dim3A_1095 : i32 to vector<16xi32>
          %scatter3A_1097 = arith.constant 1 : i32
          %scatter3A_1098 = arith.constant 0 : i32
          %scatter3A_1099 = arith.constant 0 : i32
          %scatter3A_1100 = tpu.memref_slice %arg7[%scatter3A_1097, %scatter3A_1098, %scatter3A_1099] : memref<4x400x64xf32, #tpu.memory_space<vmem>> -> memref<1x400x64xf32, #tpu.memory_space<vmem>>
          %scatter3A_1101 = tpu.memref_squeeze %scatter3A_1100 : memref<1x400x64xf32, #tpu.memory_space<vmem>> -> memref<400x64xf32, #tpu.memory_space<vmem>>
          tpu.vector_store_idx %scatter3A_1101[%add3A_708, %broadcast_in_dim3A_1096], %broadcast_in_dim3A_710 masked %eq3A_704 : memref<400x64xf32, #tpu.memory_space<vmem>>[vector<16xi32>, vector<16xi32>], vector<16xf32>, vector<16xi1>
          %broadcast_in_dim3A_1102 = arith.constant 56 : i32
          %broadcast_in_dim3A_1103 = vector.broadcast %broadcast_in_dim3A_1102 : i32 to vector<16xi32>
          %scatter3A_1104 = arith.constant 1 : i32
          %scatter3A_1105 = arith.constant 0 : i32
          %scatter3A_1106 = arith.constant 0 : i32
          %scatter3A_1107 = tpu.memref_slice %arg7[%scatter3A_1104, %scatter3A_1105, %scatter3A_1106] : memref<4x400x64xf32, #tpu.memory_space<vmem>> -> memref<1x400x64xf32, #tpu.memory_space<vmem>>
          %scatter3A_1108 = tpu.memref_squeeze %scatter3A_1107 : memref<1x400x64xf32, #tpu.memory_space<vmem>> -> memref<400x64xf32, #tpu.memory_space<vmem>>
          tpu.vector_store_idx %scatter3A_1108[%add3A_708, %broadcast_in_dim3A_1103], %broadcast_in_dim3A_710 masked %eq3A_704 : memref<400x64xf32, #tpu.memory_space<vmem>>[vector<16xi32>, vector<16xi32>], vector<16xf32>, vector<16xi1>
          %broadcast_in_dim3A_1109 = arith.constant 57 : i32
          %broadcast_in_dim3A_1110 = vector.broadcast %broadcast_in_dim3A_1109 : i32 to vector<16xi32>
          %scatter3A_1111 = arith.constant 1 : i32
          %scatter3A_1112 = arith.constant 0 : i32
          %scatter3A_1113 = arith.constant 0 : i32
          %scatter3A_1114 = tpu.memref_slice %arg7[%scatter3A_1111, %scatter3A_1112, %scatter3A_1113] : memref<4x400x64xf32, #tpu.memory_space<vmem>> -> memref<1x400x64xf32, #tpu.memory_space<vmem>>
          %scatter3A_1115 = tpu.memref_squeeze %scatter3A_1114 : memref<1x400x64xf32, #tpu.memory_space<vmem>> -> memref<400x64xf32, #tpu.memory_space<vmem>>
          tpu.vector_store_idx %scatter3A_1115[%add3A_708, %broadcast_in_dim3A_1110], %broadcast_in_dim3A_710 masked %eq3A_704 : memref<400x64xf32, #tpu.memory_space<vmem>>[vector<16xi32>, vector<16xi32>], vector<16xf32>, vector<16xi1>
          %broadcast_in_dim3A_1116 = arith.constant 58 : i32
          %broadcast_in_dim3A_1117 = vector.broadcast %broadcast_in_dim3A_1116 : i32 to vector<16xi32>
          %scatter3A_1118 = arith.constant 1 : i32
          %scatter3A_1119 = arith.constant 0 : i32
          %scatter3A_1120 = arith.constant 0 : i32
          %scatter3A_1121 = tpu.memref_slice %arg7[%scatter3A_1118, %scatter3A_1119, %scatter3A_1120] : memref<4x400x64xf32, #tpu.memory_space<vmem>> -> memref<1x400x64xf32, #tpu.memory_space<vmem>>
          %scatter3A_1122 = tpu.memref_squeeze %scatter3A_1121 : memref<1x400x64xf32, #tpu.memory_space<vmem>> -> memref<400x64xf32, #tpu.memory_space<vmem>>
          tpu.vector_store_idx %scatter3A_1122[%add3A_708, %broadcast_in_dim3A_1117], %broadcast_in_dim3A_710 masked %eq3A_704 : memref<400x64xf32, #tpu.memory_space<vmem>>[vector<16xi32>, vector<16xi32>], vector<16xf32>, vector<16xi1>
          %broadcast_in_dim3A_1123 = arith.constant 59 : i32
          %broadcast_in_dim3A_1124 = vector.broadcast %broadcast_in_dim3A_1123 : i32 to vector<16xi32>
          %scatter3A_1125 = arith.constant 1 : i32
          %scatter3A_1126 = arith.constant 0 : i32
          %scatter3A_1127 = arith.constant 0 : i32
          %scatter3A_1128 = tpu.memref_slice %arg7[%scatter3A_1125, %scatter3A_1126, %scatter3A_1127] : memref<4x400x64xf32, #tpu.memory_space<vmem>> -> memref<1x400x64xf32, #tpu.memory_space<vmem>>
          %scatter3A_1129 = tpu.memref_squeeze %scatter3A_1128 : memref<1x400x64xf32, #tpu.memory_space<vmem>> -> memref<400x64xf32, #tpu.memory_space<vmem>>
          tpu.vector_store_idx %scatter3A_1129[%add3A_708, %broadcast_in_dim3A_1124], %broadcast_in_dim3A_710 masked %eq3A_704 : memref<400x64xf32, #tpu.memory_space<vmem>>[vector<16xi32>, vector<16xi32>], vector<16xf32>, vector<16xi1>
          %broadcast_in_dim3A_1130 = arith.constant 60 : i32
          %broadcast_in_dim3A_1131 = vector.broadcast %broadcast_in_dim3A_1130 : i32 to vector<16xi32>
          %scatter3A_1132 = arith.constant 1 : i32
          %scatter3A_1133 = arith.constant 0 : i32
          %scatter3A_1134 = arith.constant 0 : i32
          %scatter3A_1135 = tpu.memref_slice %arg7[%scatter3A_1132, %scatter3A_1133, %scatter3A_1134] : memref<4x400x64xf32, #tpu.memory_space<vmem>> -> memref<1x400x64xf32, #tpu.memory_space<vmem>>
          %scatter3A_1136 = tpu.memref_squeeze %scatter3A_1135 : memref<1x400x64xf32, #tpu.memory_space<vmem>> -> memref<400x64xf32, #tpu.memory_space<vmem>>
          tpu.vector_store_idx %scatter3A_1136[%add3A_708, %broadcast_in_dim3A_1131], %broadcast_in_dim3A_710 masked %eq3A_704 : memref<400x64xf32, #tpu.memory_space<vmem>>[vector<16xi32>, vector<16xi32>], vector<16xf32>, vector<16xi1>
          %broadcast_in_dim3A_1137 = arith.constant 61 : i32
          %broadcast_in_dim3A_1138 = vector.broadcast %broadcast_in_dim3A_1137 : i32 to vector<16xi32>
          %scatter3A_1139 = arith.constant 1 : i32
          %scatter3A_1140 = arith.constant 0 : i32
          %scatter3A_1141 = arith.constant 0 : i32
          %scatter3A_1142 = tpu.memref_slice %arg7[%scatter3A_1139, %scatter3A_1140, %scatter3A_1141] : memref<4x400x64xf32, #tpu.memory_space<vmem>> -> memref<1x400x64xf32, #tpu.memory_space<vmem>>
          %scatter3A_1143 = tpu.memref_squeeze %scatter3A_1142 : memref<1x400x64xf32, #tpu.memory_space<vmem>> -> memref<400x64xf32, #tpu.memory_space<vmem>>
          tpu.vector_store_idx %scatter3A_1143[%add3A_708, %broadcast_in_dim3A_1138], %broadcast_in_dim3A_710 masked %eq3A_704 : memref<400x64xf32, #tpu.memory_space<vmem>>[vector<16xi32>, vector<16xi32>], vector<16xf32>, vector<16xi1>
          %broadcast_in_dim3A_1144 = arith.constant 62 : i32
          %broadcast_in_dim3A_1145 = vector.broadcast %broadcast_in_dim3A_1144 : i32 to vector<16xi32>
          %scatter3A_1146 = arith.constant 1 : i32
          %scatter3A_1147 = arith.constant 0 : i32
          %scatter3A_1148 = arith.constant 0 : i32
          %scatter3A_1149 = tpu.memref_slice %arg7[%scatter3A_1146, %scatter3A_1147, %scatter3A_1148] : memref<4x400x64xf32, #tpu.memory_space<vmem>> -> memref<1x400x64xf32, #tpu.memory_space<vmem>>
          %scatter3A_1150 = tpu.memref_squeeze %scatter3A_1149 : memref<1x400x64xf32, #tpu.memory_space<vmem>> -> memref<400x64xf32, #tpu.memory_space<vmem>>
          tpu.vector_store_idx %scatter3A_1150[%add3A_708, %broadcast_in_dim3A_1145], %broadcast_in_dim3A_710 masked %eq3A_704 : memref<400x64xf32, #tpu.memory_space<vmem>>[vector<16xi32>, vector<16xi32>], vector<16xf32>, vector<16xi1>
          %broadcast_in_dim3A_1151 = arith.constant 63 : i32
          %broadcast_in_dim3A_1152 = vector.broadcast %broadcast_in_dim3A_1151 : i32 to vector<16xi32>
          %scatter3A_1153 = arith.constant 1 : i32
          %scatter3A_1154 = arith.constant 0 : i32
          %scatter3A_1155 = arith.constant 0 : i32
          %scatter3A_1156 = tpu.memref_slice %arg7[%scatter3A_1153, %scatter3A_1154, %scatter3A_1155] : memref<4x400x64xf32, #tpu.memory_space<vmem>> -> memref<1x400x64xf32, #tpu.memory_space<vmem>>
          %scatter3A_1157 = tpu.memref_squeeze %scatter3A_1156 : memref<1x400x64xf32, #tpu.memory_space<vmem>> -> memref<400x64xf32, #tpu.memory_space<vmem>>
          tpu.vector_store_idx %scatter3A_1157[%add3A_708, %broadcast_in_dim3A_1152], %broadcast_in_dim3A_710 masked %eq3A_704 : memref<400x64xf32, #tpu.memory_space<vmem>>[vector<16xi32>, vector<16xi32>], vector<16xf32>, vector<16xi1>
          %scan3A_1158 = arith.constant 0 : i32
          scf.yield %scan3A_1158 : i32
        }
        %scan3A_695 = arith.constant 25 : i32
      } else {
      }
      %scan3A_395 = arith.constant 0 : i32
      %scan3A_396 = arith.constant 0 : i32
      %scan3A_397 = arith.constant 200 : i32
      %scan3A_398 = arith.addi %scan3A_396, %scan3A_397 : i32
      %scan3A_399 = arith.constant 1 : i32
      %scan3A_400 = scf.for %scan3A_689 = %scan3A_396 to %scan3A_398 step %scan3A_399 iter_args(%scan3A_690 = %scan3A_395) -> (i32)  : i32 {
        %add3A_691 = arith.constant 0 : i32
        %add3A_692 = arith.addi %add3A_691, %scan3A_689 : i32
        %get3A = arith.constant 1 : i32
        %get3A_693 = arith.index_cast %get3A : i32 to index
        %get3A_694 = arith.index_cast %add3A_692 : i32 to index
        %get3A_695 = arith.constant 0 : index
        %get3A_696 = tpu.vector_load %arg7[%get3A_693, %get3A_694, %get3A_695] {strides = array<i32>} : memref<4x400x64xf32, #tpu.memory_space<vmem>>, vector<16xf32>,
        %get3A_697 = arith.index_cast %scan3A_689 : i32 to index
        %get3A_698 = arith.constant 0 : index
        %get3A_699 = tpu.vector_load %arg8[%get3A_697, %get3A_698] {strides = array<i32>} : memref<200x64xf32, #tpu.memory_space<vmem>>, vector<16xf32>,
        %add3A_700 = arith.addf %get3A_696, %get3A_699 : vector<16xf32>
        %swap3A = arith.constant 1 : i32
        %swap3A_701 = arith.index_cast %swap3A : i32 to index
        %swap3A_702 = arith.index_cast %add3A_692 : i32 to index
        %swap3A_703 = arith.constant 0 : index
        %swap3A_704 = tpu.vector_load %arg7[%swap3A_701, %swap3A_702, %swap3A_703] {strides = array<i32>} : memref<4x400x64xf32, #tpu.memory_space<vmem>>, vector<16xf32>,
        tpu.vector_store %arg7[%swap3A_701, %swap3A_702, %swap3A_703], %add3A_700 {strides = array<i32>} : memref<4x400x64xf32, #tpu.memory_space<vmem>>, vector<16xf32>,
        %add3A_705 = arith.constant 0 : i32
        %add3A_706 = arith.addi %add3A_705, %scan3A_689 : i32
        %get3A_707 = arith.constant 1 : i32
        %get3A_708 = arith.index_cast %get3A_707 : i32 to index
        %get3A_709 = arith.index_cast %add3A_706 : i32 to index
        %get3A_710 = arith.constant 16 : index
        %get3A_711 = tpu.vector_load %arg7[%get3A_708, %get3A_709, %get3A_710] {strides = array<i32>} : memref<4x400x64xf32, #tpu.memory_space<vmem>>, vector<16xf32>,
        %get3A_712 = arith.index_cast %scan3A_689 : i32 to index
        %get3A_713 = arith.constant 16 : index
        %get3A_714 = tpu.vector_load %arg8[%get3A_712, %get3A_713] {strides = array<i32>} : memref<200x64xf32, #tpu.memory_space<vmem>>, vector<16xf32>,
        %add3A_715 = arith.addf %get3A_711, %get3A_714 : vector<16xf32>
        %swap3A_716 = arith.constant 1 : i32
        %swap3A_717 = arith.index_cast %swap3A_716 : i32 to index
        %swap3A_718 = arith.index_cast %add3A_706 : i32 to index
        %swap3A_719 = arith.constant 16 : index
        %swap3A_720 = tpu.vector_load %arg7[%swap3A_717, %swap3A_718, %swap3A_719] {strides = array<i32>} : memref<4x400x64xf32, #tpu.memory_space<vmem>>, vector<16xf32>,
        tpu.vector_store %arg7[%swap3A_717, %swap3A_718, %swap3A_719], %add3A_715 {strides = array<i32>} : memref<4x400x64xf32, #tpu.memory_space<vmem>>, vector<16xf32>,
        %add3A_721 = arith.constant 0 : i32
        %add3A_722 = arith.addi %add3A_721, %scan3A_689 : i32
        %get3A_723 = arith.constant 1 : i32
        %get3A_724 = arith.index_cast %get3A_723 : i32 to index
        %get3A_725 = arith.index_cast %add3A_722 : i32 to index
        %get3A_726 = arith.constant 32 : index
        %get3A_727 = tpu.vector_load %arg7[%get3A_724, %get3A_725, %get3A_726] {strides = array<i32>} : memref<4x400x64xf32, #tpu.memory_space<vmem>>, vector<16xf32>,
        %get3A_728 = arith.index_cast %scan3A_689 : i32 to index
        %get3A_729 = arith.constant 32 : index
        %get3A_730 = tpu.vector_load %arg8[%get3A_728, %get3A_729] {strides = array<i32>} : memref<200x64xf32, #tpu.memory_space<vmem>>, vector<16xf32>,
        %add3A_731 = arith.addf %get3A_727, %get3A_730 : vector<16xf32>
        %swap3A_732 = arith.constant 1 : i32
        %swap3A_733 = arith.index_cast %swap3A_732 : i32 to index
        %swap3A_734 = arith.index_cast %add3A_722 : i32 to index
        %swap3A_735 = arith.constant 32 : index
        %swap3A_736 = tpu.vector_load %arg7[%swap3A_733, %swap3A_734, %swap3A_735] {strides = array<i32>} : memref<4x400x64xf32, #tpu.memory_space<vmem>>, vector<16xf32>,
        tpu.vector_store %arg7[%swap3A_733, %swap3A_734, %swap3A_735], %add3A_731 {strides = array<i32>} : memref<4x400x64xf32, #tpu.memory_space<vmem>>, vector<16xf32>,
        %add3A_737 = arith.constant 0 : i32
        %add3A_738 = arith.addi %add3A_737, %scan3A_689 : i32
        %get3A_739 = arith.constant 1 : i32
        %get3A_740 = arith.index_cast %get3A_739 : i32 to index
        %get3A_741 = arith.index_cast %add3A_738 : i32 to index
        %get3A_742 = arith.constant 48 : index
        %get3A_743 = tpu.vector_load %arg7[%get3A_740, %get3A_741, %get3A_742] {strides = array<i32>} : memref<4x400x64xf32, #tpu.memory_space<vmem>>, vector<16xf32>,
        %get3A_744 = arith.index_cast %scan3A_689 : i32 to index
        %get3A_745 = arith.constant 48 : index
        %get3A_746 = tpu.vector_load %arg8[%get3A_744, %get3A_745] {strides = array<i32>} : memref<200x64xf32, #tpu.memory_space<vmem>>, vector<16xf32>,
        %add3A_747 = arith.addf %get3A_743, %get3A_746 : vector<16xf32>
        %swap3A_748 = arith.constant 1 : i32
        %swap3A_749 = arith.index_cast %swap3A_748 : i32 to index
        %swap3A_750 = arith.index_cast %add3A_738 : i32 to index
        %swap3A_751 = arith.constant 48 : index
        %swap3A_752 = tpu.vector_load %arg7[%swap3A_749, %swap3A_750, %swap3A_751] {strides = array<i32>} : memref<4x400x64xf32, #tpu.memory_space<vmem>>, vector<16xf32>,
        tpu.vector_store %arg7[%swap3A_749, %swap3A_750, %swap3A_751], %add3A_747 {strides = array<i32>} : memref<4x400x64xf32, #tpu.memory_space<vmem>>, vector<16xf32>,
        %add3A_753 = arith.constant 200 : i32
        %add3A_754 = arith.addi %add3A_753, %scan3A_689 : i32
        %get3A_755 = arith.constant 1 : i32
        %get3A_756 = arith.index_cast %get3A_755 : i32 to index
        %get3A_757 = arith.index_cast %add3A_754 : i32 to index
        %get3A_758 = arith.constant 0 : index
        %get3A_759 = tpu.vector_load %arg7[%get3A_756, %get3A_757, %get3A_758] {strides = array<i32>} : memref<4x400x64xf32, #tpu.memory_space<vmem>>, vector<16xf32>,
        %get3A_760 = arith.index_cast %scan3A_689 : i32 to index
        %get3A_761 = arith.constant 0 : index
        %get3A_762 = tpu.vector_load %arg8[%get3A_760, %get3A_761] {strides = array<i32>} : memref<200x64xf32, #tpu.memory_space<vmem>>, vector<16xf32>,
        %add3A_763 = arith.addf %get3A_759, %get3A_762 : vector<16xf32>
        %swap3A_764 = arith.constant 1 : i32
        %swap3A_765 = arith.index_cast %swap3A_764 : i32 to index
        %swap3A_766 = arith.index_cast %add3A_754 : i32 to index
        %swap3A_767 = arith.constant 0 : index
        %swap3A_768 = tpu.vector_load %arg7[%swap3A_765, %swap3A_766, %swap3A_767] {strides = array<i32>} : memref<4x400x64xf32, #tpu.memory_space<vmem>>, vector<16xf32>,
        tpu.vector_store %arg7[%swap3A_765, %swap3A_766, %swap3A_767], %add3A_763 {strides = array<i32>} : memref<4x400x64xf32, #tpu.memory_space<vmem>>, vector<16xf32>,
        %add3A_769 = arith.constant 200 : i32
        %add3A_770 = arith.addi %add3A_769, %scan3A_689 : i32
        %get3A_771 = arith.constant 1 : i32
        %get3A_772 = arith.index_cast %get3A_771 : i32 to index
        %get3A_773 = arith.index_cast %add3A_770 : i32 to index
        %get3A_774 = arith.constant 16 : index
        %get3A_775 = tpu.vector_load %arg7[%get3A_772, %get3A_773, %get3A_774] {strides = array<i32>} : memref<4x400x64xf32, #tpu.memory_space<vmem>>, vector<16xf32>,
        %get3A_776 = arith.index_cast %scan3A_689 : i32 to index
        %get3A_777 = arith.constant 16 : index
        %get3A_778 = tpu.vector_load %arg8[%get3A_776, %get3A_777] {strides = array<i32>} : memref<200x64xf32, #tpu.memory_space<vmem>>, vector<16xf32>,
        %add3A_779 = arith.addf %get3A_775, %get3A_778 : vector<16xf32>
        %swap3A_780 = arith.constant 1 : i32
        %swap3A_781 = arith.index_cast %swap3A_780 : i32 to index
        %swap3A_782 = arith.index_cast %add3A_770 : i32 to index
        %swap3A_783 = arith.constant 16 : index
        %swap3A_784 = tpu.vector_load %arg7[%swap3A_781, %swap3A_782, %swap3A_783] {strides = array<i32>} : memref<4x400x64xf32, #tpu.memory_space<vmem>>, vector<16xf32>,
        tpu.vector_store %arg7[%swap3A_781, %swap3A_782, %swap3A_783], %add3A_779 {strides = array<i32>} : memref<4x400x64xf32, #tpu.memory_space<vmem>>, vector<16xf32>,
        %add3A_785 = arith.constant 200 : i32
        %add3A_786 = arith.addi %add3A_785, %scan3A_689 : i32
        %get3A_787 = arith.constant 1 : i32
        %get3A_788 = arith.index_cast %get3A_787 : i32 to index
        %get3A_789 = arith.index_cast %add3A_786 : i32 to index
        %get3A_790 = arith.constant 32 : index
        %get3A_791 = tpu.vector_load %arg7[%get3A_788, %get3A_789, %get3A_790] {strides = array<i32>} : memref<4x400x64xf32, #tpu.memory_space<vmem>>, vector<16xf32>,
        %get3A_792 = arith.index_cast %scan3A_689 : i32 to index
        %get3A_793 = arith.constant 32 : index
        %get3A_794 = tpu.vector_load %arg8[%get3A_792, %get3A_793] {strides = array<i32>} : memref<200x64xf32, #tpu.memory_space<vmem>>, vector<16xf32>,
        %add3A_795 = arith.addf %get3A_791, %get3A_794 : vector<16xf32>
        %swap3A_796 = arith.constant 1 : i32
        %swap3A_797 = arith.index_cast %swap3A_796 : i32 to index
        %swap3A_798 = arith.index_cast %add3A_786 : i32 to index
        %swap3A_799 = arith.constant 32 : index
        %swap3A_800 = tpu.vector_load %arg7[%swap3A_797, %swap3A_798, %swap3A_799] {strides = array<i32>} : memref<4x400x64xf32, #tpu.memory_space<vmem>>, vector<16xf32>,
        tpu.vector_store %arg7[%swap3A_797, %swap3A_798, %swap3A_799], %add3A_795 {strides = array<i32>} : memref<4x400x64xf32, #tpu.memory_space<vmem>>, vector<16xf32>,
        %add3A_801 = arith.constant 200 : i32
        %add3A_802 = arith.addi %add3A_801, %scan3A_689 : i32
        %get3A_803 = arith.constant 1 : i32
        %get3A_804 = arith.index_cast %get3A_803 : i32 to index
        %get3A_805 = arith.index_cast %add3A_802 : i32 to index
        %get3A_806 = arith.constant 48 : index
        %get3A_807 = tpu.vector_load %arg7[%get3A_804, %get3A_805, %get3A_806] {strides = array<i32>} : memref<4x400x64xf32, #tpu.memory_space<vmem>>, vector<16xf32>,
        %get3A_808 = arith.index_cast %scan3A_689 : i32 to index
        %get3A_809 = arith.constant 48 : index
        %get3A_810 = tpu.vector_load %arg8[%get3A_808, %get3A_809] {strides = array<i32>} : memref<200x64xf32, #tpu.memory_space<vmem>>, vector<16xf32>,
        %add3A_811 = arith.addf %get3A_807, %get3A_810 : vector<16xf32>
        %swap3A_812 = arith.constant 1 : i32
        %swap3A_813 = arith.index_cast %swap3A_812 : i32 to index
        %swap3A_814 = arith.index_cast %add3A_802 : i32 to index
        %swap3A_815 = arith.constant 48 : index
        %swap3A_816 = tpu.vector_load %arg7[%swap3A_813, %swap3A_814, %swap3A_815] {strides = array<i32>} : memref<4x400x64xf32, #tpu.memory_space<vmem>>, vector<16xf32>,
        tpu.vector_store %arg7[%swap3A_813, %swap3A_814, %swap3A_815], %add3A_811 {strides = array<i32>} : memref<4x400x64xf32, #tpu.memory_space<vmem>>, vector<16xf32>,
        %scan3A_817 = arith.constant 0 : i32
        scf.yield %scan3A_817 : i32
      }
      %scan3A_401 = arith.constant 200 : i32
      %mul3A_402 = arith.constant 400 : i32
      %mul3A_403 = arith.muli %add3A_286, %mul3A_402 : i32
      %add3A_404 = arith.addi %mul3A_2, %mul3A_403 : i32
      %dma_start3A_405 = arith.constant 1 : i32
      %dma_start3A_406 = arith.constant 0 : i32
      %dma_start3A_407 = arith.constant 0 : i32
      %dma_start3A_408 = tpu.memref_slice %arg7[%dma_start3A_405, %dma_start3A_406, %dma_start3A_407] : memref<4x400x64xf32, #tpu.memory_space<vmem>> -> memref<1x400x64xf32, #tpu.memory_space<vmem>>
      %dma_start3A_409 = tpu.memref_squeeze %dma_start3A_408 : memref<1x400x64xf32, #tpu.memory_space<vmem>> -> memref<400x64xf32, #tpu.memory_space<vmem>>
      %dma_start3A_410 = arith.constant 0 : i32
      %dma_start3A_411 = tpu.memref_slice %arg5[%add3A_404, %dma_start3A_410] : memref<819200x64xf32, #tpu.memory_space<hbm>> -> memref<400x64xf32, #tpu.memory_space<hbm>>
      %dma_start3A_412 = arith.constant 0 : i32
      %dma_start3A_413 = tpu.memref_slice %arg5[%add3A_404, %dma_start3A_412] : memref<819200x64xf32, #tpu.memory_space<hbm>> -> memref<400x64xf32, #tpu.memory_space<hbm>>
      %dma_start3A_414 = arith.constant 0 : i32
      %dma_start3A_415 = arith.constant 0 : i32
      %dma_start3A_416 = tpu.memref_slice %arg7[%dma_start3A_405, %dma_start3A_414, %dma_start3A_415] : memref<4x400x64xf32, #tpu.memory_space<vmem>> -> memref<1x400x64xf32, #tpu.memory_space<vmem>>
      %dma_start3A_417 = tpu.memref_squeeze %dma_start3A_416 : memref<1x400x64xf32, #tpu.memory_space<vmem>> -> memref<400x64xf32, #tpu.memory_space<vmem>>
      tpu.enqueue_dma source(%dma_start3A_417 : memref<400x64xf32, #tpu.memory_space<vmem>>) target(%dma_start3A_413 : memref<400x64xf32, #tpu.memory_space<hbm>>) target_semaphore(%arg14 : memref<!tpu.dma_semaphore, #tpu.memory_space<semaphore_mem>>)
      %mul3A_418 = arith.constant 4 : i32
      %mul3A_419 = arith.muli %scan3A_154, %mul3A_418 : i32
      %add3A_420 = arith.constant 2 : i32
      %add3A_421 = arith.addi %mul3A_419, %add3A_420 : i32
      %add3A_422 = arith.constant 1 : i32
      %add3A_423 = arith.addi %add3A_421, %add3A_422 : i32
      %lt3A_424 = arith.constant 64 : i32
      %lt3A_425 = arith.cmpi slt, %add3A_423, %lt3A_424 : i32
      %convert_element_type3A_426 = arith.extui %lt3A_425 : i1 to i32
      %cond3A_427 = arith.constant 0 : i32
      %cond3A_428 = arith.cmpi ne, %convert_element_type3A_426, %cond3A_427 : i32
      scf.if %cond3A_428 {
        %ge3A = arith.constant 3 : i32
        %ge3A_689 = arith.cmpi sge, %add3A_421, %ge3A : i32
        %convert_element_type3A_690 = arith.extui %ge3A_689 : i1 to i32
        %cond3A_691 = arith.constant 0 : i32
        %cond3A_692 = arith.cmpi ne, %convert_element_type3A_690, %cond3A_691 : i32
        scf.if %cond3A_692 {
          %sub3A = arith.constant 3 : i32
          %sub3A_784 = arith.subi %add3A_421, %sub3A : i32
          %mul3A_785 = arith.constant 400 : i32
          %mul3A_786 = arith.muli %sub3A_784, %mul3A_785 : i32
          %add3A_787 = arith.addi %mul3A_2, %mul3A_786 : i32
          %dma_wait3A_788 = arith.constant 3 : i32
          %dma_wait3A_789 = arith.constant 0 : i32
          %dma_wait3A_790 = arith.constant 0 : i32
          %dma_wait3A_791 = tpu.memref_slice %arg7[%dma_wait3A_788, %dma_wait3A_789, %dma_wait3A_790] : memref<4x400x64xf32, #tpu.memory_space<vmem>> -> memref<1x400x64xf32, #tpu.memory_space<vmem>>
          %dma_wait3A_792 = tpu.memref_squeeze %dma_wait3A_791 : memref<1x400x64xf32, #tpu.memory_space<vmem>> -> memref<400x64xf32, #tpu.memory_space<vmem>>
          %dma_wait3A_793 = arith.constant 0 : i32
          %dma_wait3A_794 = tpu.memref_slice %arg5[%add3A_787, %dma_wait3A_793] : memref<819200x64xf32, #tpu.memory_space<hbm>> -> memref<400x64xf32, #tpu.memory_space<hbm>>
          %dma_wait3A_795 = arith.constant 0 : i32
          %dma_wait3A_796 = tpu.memref_slice %arg5[%add3A_787, %dma_wait3A_795] : memref<819200x64xf32, #tpu.memory_space<hbm>> -> memref<400x64xf32, #tpu.memory_space<hbm>>
          %dma_wait3A_797 = arith.constant 0 : i32
          %dma_wait3A_798 = arith.constant 0 : i32
          %dma_wait3A_799 = tpu.memref_slice %arg7[%dma_wait3A_788, %dma_wait3A_797, %dma_wait3A_798] : memref<4x400x64xf32, #tpu.memory_space<vmem>> -> memref<1x400x64xf32, #tpu.memory_space<vmem>>
          %dma_wait3A_800 = tpu.memref_squeeze %dma_wait3A_799 : memref<1x400x64xf32, #tpu.memory_space<vmem>> -> memref<400x64xf32, #tpu.memory_space<vmem>>
          tpu.wait_dma2 semaphore(%arg16 : memref<!tpu.dma_semaphore, #tpu.memory_space<semaphore_mem>>) src(%dma_wait3A_800 : memref<400x64xf32, #tpu.memory_space<vmem>>) dst(%dma_wait3A_796 : memref<400x64xf32, #tpu.memory_space<hbm>>)
        } else {
        }
        %add3A_693 = arith.constant 1 : i32
        %add3A_694 = arith.addi %add3A_421, %add3A_693 : i32
        %mul3A_695 = arith.constant 400 : i32
        %mul3A_696 = arith.muli %add3A_694, %mul3A_695 : i32
        %add3A_697 = arith.addi %mul3A_2, %mul3A_696 : i32
        %run_scoped3A_698 = arith.constant 3 : i32
        "tpu.region"() ({
          %run_scoped3A_784 = tpu.sem_alloc : memref<!tpu.dma_semaphore, #tpu.memory_space<semaphore_mem>>
          %dma_start3A_785 = arith.constant 0 : i32
          %dma_start3A_786 = tpu.memref_slice %arg6[%run_scoped3A_698, %dma_start3A_785] : memref<4x400xi32, #tpu.memory_space<vmem>> -> memref<1x400xi32, #tpu.memory_space<vmem>>
          %dma_start3A_787 = tpu.memref_squeeze %dma_start3A_786 : memref<1x400xi32, #tpu.memory_space<vmem>> -> memref<400xi32, #tpu.memory_space<vmem>>
          %dma_start3A_788 = tpu.memref_slice %arg2[%add3A_697] : memref<819200xi32, #tpu.memory_space<hbm>> -> memref<400xi32, #tpu.memory_space<hbm>>
          %dma_start3A_789 = arith.constant 0 : i32
          %dma_start3A_790 = tpu.memref_slice %arg6[%run_scoped3A_698, %dma_start3A_789] : memref<4x400xi32, #tpu.memory_space<vmem>> -> memref<1x400xi32, #tpu.memory_space<vmem>>
          %dma_start3A_791 = tpu.memref_squeeze %dma_start3A_790 : memref<1x400xi32, #tpu.memory_space<vmem>> -> memref<400xi32, #tpu.memory_space<vmem>>
          %dma_start3A_792 = tpu.memref_slice %arg2[%add3A_697] : memref<819200xi32, #tpu.memory_space<hbm>> -> memref<400xi32, #tpu.memory_space<hbm>>
          tpu.enqueue_dma source(%dma_start3A_792 : memref<400xi32, #tpu.memory_space<hbm>>) target(%dma_start3A_791 : memref<400xi32, #tpu.memory_space<vmem>>) target_semaphore(%run_scoped3A_784 : memref<!tpu.dma_semaphore, #tpu.memory_space<semaphore_mem>>)
          %dma_wait3A_793 = arith.constant 0 : i32
          %dma_wait3A_794 = tpu.memref_slice %arg6[%run_scoped3A_698, %dma_wait3A_793] : memref<4x400xi32, #tpu.memory_space<vmem>> -> memref<1x400xi32, #tpu.memory_space<vmem>>
          %dma_wait3A_795 = tpu.memref_squeeze %dma_wait3A_794 : memref<1x400xi32, #tpu.memory_space<vmem>> -> memref<400xi32, #tpu.memory_space<vmem>>
          %dma_wait3A_796 = tpu.memref_slice %arg2[%add3A_697] : memref<819200xi32, #tpu.memory_space<hbm>> -> memref<400xi32, #tpu.memory_space<hbm>>
          %dma_wait3A_797 = arith.constant 0 : i32
          %dma_wait3A_798 = tpu.memref_slice %arg6[%run_scoped3A_698, %dma_wait3A_797] : memref<4x400xi32, #tpu.memory_space<vmem>> -> memref<1x400xi32, #tpu.memory_space<vmem>>
          %dma_wait3A_799 = tpu.memref_squeeze %dma_wait3A_798 : memref<1x400xi32, #tpu.memory_space<vmem>> -> memref<400xi32, #tpu.memory_space<vmem>>
          %dma_wait3A_800 = tpu.memref_slice %arg2[%add3A_697] : memref<819200xi32, #tpu.memory_space<hbm>> -> memref<400xi32, #tpu.memory_space<hbm>>
          tpu.wait_dma2 semaphore(%run_scoped3A_784 : memref<!tpu.dma_semaphore, #tpu.memory_space<semaphore_mem>>) src(%dma_wait3A_800 : memref<400xi32, #tpu.memory_space<hbm>>) dst(%dma_wait3A_799 : memref<400xi32, #tpu.memory_space<vmem>>)
          tpu.yield
        }) : () -> ()
        %dma_start3A_699 = arith.constant 3 : i32
        %dma_start3A_700 = arith.constant 3 : i32
        %dma_start3A_701 = arith.constant 0 : i32
        %dma_start3A_702 = arith.constant 0 : i32
        %dma_start3A_703 = tpu.memref_slice %arg7[%dma_start3A_700, %dma_start3A_701, %dma_start3A_702] : memref<4x400x64xf32, #tpu.memory_space<vmem>> -> memref<1x400x64xf32, #tpu.memory_space<vmem>>
        %dma_start3A_704 = tpu.memref_squeeze %dma_start3A_703 : memref<1x400x64xf32, #tpu.memory_space<vmem>> -> memref<400x64xf32, #tpu.memory_space<vmem>>
        %dma_start3A_705 = arith.constant 0 : i32
        %dma_start3A_706 = arith.constant 0 : i32
        %dma_start3A_707 = tpu.memref_slice %dma_start3A_704[%dma_start3A_705, %dma_start3A_706] : memref<400x64xf32, #tpu.memory_space<vmem>> -> memref<80x64xf32, #tpu.memory_space<vmem>>
        %dma_start3A_708 = arith.constant 0 : i32
        %dma_start3A_709 = tpu.memref_slice %arg6[%dma_start3A_699, %dma_start3A_708] : memref<4x400xi32, #tpu.memory_space<vmem>> -> memref<1x400xi32, #tpu.memory_space<vmem>>
        %dma_start3A_710 = tpu.memref_squeeze %dma_start3A_709 : memref<1x400xi32, #tpu.memory_space<vmem>> -> memref<400xi32, #tpu.memory_space<vmem>>
        %dma_start3A_711 = arith.constant 0 : i32
        %dma_start3A_712 = tpu.memref_slice %dma_start3A_710[%dma_start3A_711] : memref<400xi32, #tpu.memory_space<vmem>> -> memref<80xi32, #tpu.memory_space<vmem>>
        %dma_start3A_713 = arith.constant 0 : i32
        %dma_start3A_714 = arith.constant 0 : i32
        %dma_start3A_715 = tpu.memref_slice %arg3[%dma_start3A_713, %dma_start3A_714] : memref<100000x64xf32, #tpu.memory_space<hbm>> -> memref<100000x64xf32, #tpu.memory_space<hbm>>
        tpu.enqueue_indirect_dma source(%dma_start3A_715 : memref<100000x64xf32, #tpu.memory_space<hbm>>) target(%dma_start3A_707 : memref<80x64xf32, #tpu.memory_space<vmem>>) offsets(%dma_start3A_712 : memref<80xi32, #tpu.memory_space<vmem>>) semaphore(%arg12 : memref<!tpu.dma_semaphore, #tpu.memory_space<semaphore_mem>>)
        %dma_start3A_716 = arith.constant 3 : i32
        %dma_start3A_717 = arith.constant 3 : i32
        %dma_start3A_718 = arith.constant 0 : i32
        %dma_start3A_719 = arith.constant 0 : i32
        %dma_start3A_720 = tpu.memref_slice %arg7[%dma_start3A_717, %dma_start3A_718, %dma_start3A_719] : memref<4x400x64xf32, #tpu.memory_space<vmem>> -> memref<1x400x64xf32, #tpu.memory_space<vmem>>
        %dma_start3A_721 = tpu.memref_squeeze %dma_start3A_720 : memref<1x400x64xf32, #tpu.memory_space<vmem>> -> memref<400x64xf32, #tpu.memory_space<vmem>>
        %dma_start3A_722 = arith.constant 80 : i32
        %dma_start3A_723 = arith.constant 0 : i32
        %dma_start3A_724 = tpu.memref_slice %dma_start3A_721[%dma_start3A_722, %dma_start3A_723] : memref<400x64xf32, #tpu.memory_space<vmem>> -> memref<80x64xf32, #tpu.memory_space<vmem>>
        %dma_start3A_725 = arith.constant 0 : i32
        %dma_start3A_726 = tpu.memref_slice %arg6[%dma_start3A_716, %dma_start3A_725] : memref<4x400xi32, #tpu.memory_space<vmem>> -> memref<1x400xi32, #tpu.memory_space<vmem>>
        %dma_start3A_727 = tpu.memref_squeeze %dma_start3A_726 : memref<1x400xi32, #tpu.memory_space<vmem>> -> memref<400xi32, #tpu.memory_space<vmem>>
        %dma_start3A_728 = arith.constant 80 : i32
        %dma_start3A_729 = tpu.memref_slice %dma_start3A_727[%dma_start3A_728] : memref<400xi32, #tpu.memory_space<vmem>> -> memref<80xi32, #tpu.memory_space<vmem>>
        %dma_start3A_730 = arith.constant 0 : i32
        %dma_start3A_731 = arith.constant 0 : i32
        %dma_start3A_732 = tpu.memref_slice %arg3[%dma_start3A_730, %dma_start3A_731] : memref<100000x64xf32, #tpu.memory_space<hbm>> -> memref<100000x64xf32, #tpu.memory_space<hbm>>
        tpu.enqueue_indirect_dma source(%dma_start3A_732 : memref<100000x64xf32, #tpu.memory_space<hbm>>) target(%dma_start3A_724 : memref<80x64xf32, #tpu.memory_space<vmem>>) offsets(%dma_start3A_729 : memref<80xi32, #tpu.memory_space<vmem>>) semaphore(%arg12 : memref<!tpu.dma_semaphore, #tpu.memory_space<semaphore_mem>>)
        %dma_start3A_733 = arith.constant 3 : i32
        %dma_start3A_734 = arith.constant 3 : i32
        %dma_start3A_735 = arith.constant 0 : i32
        %dma_start3A_736 = arith.constant 0 : i32
        %dma_start3A_737 = tpu.memref_slice %arg7[%dma_start3A_734, %dma_start3A_735, %dma_start3A_736] : memref<4x400x64xf32, #tpu.memory_space<vmem>> -> memref<1x400x64xf32, #tpu.memory_space<vmem>>
        %dma_start3A_738 = tpu.memref_squeeze %dma_start3A_737 : memref<1x400x64xf32, #tpu.memory_space<vmem>> -> memref<400x64xf32, #tpu.memory_space<vmem>>
        %dma_start3A_739 = arith.constant 160 : i32
        %dma_start3A_740 = arith.constant 0 : i32
        %dma_start3A_741 = tpu.memref_slice %dma_start3A_738[%dma_start3A_739, %dma_start3A_740] : memref<400x64xf32, #tpu.memory_space<vmem>> -> memref<80x64xf32, #tpu.memory_space<vmem>>
        %dma_start3A_742 = arith.constant 0 : i32
        %dma_start3A_743 = tpu.memref_slice %arg6[%dma_start3A_733, %dma_start3A_742] : memref<4x400xi32, #tpu.memory_space<vmem>> -> memref<1x400xi32, #tpu.memory_space<vmem>>
        %dma_start3A_744 = tpu.memref_squeeze %dma_start3A_743 : memref<1x400xi32, #tpu.memory_space<vmem>> -> memref<400xi32, #tpu.memory_space<vmem>>
        %dma_start3A_745 = arith.constant 160 : i32
        %dma_start3A_746 = tpu.memref_slice %dma_start3A_744[%dma_start3A_745] : memref<400xi32, #tpu.memory_space<vmem>> -> memref<80xi32, #tpu.memory_space<vmem>>
        %dma_start3A_747 = arith.constant 0 : i32
        %dma_start3A_748 = arith.constant 0 : i32
        %dma_start3A_749 = tpu.memref_slice %arg3[%dma_start3A_747, %dma_start3A_748] : memref<100000x64xf32, #tpu.memory_space<hbm>> -> memref<100000x64xf32, #tpu.memory_space<hbm>>
        tpu.enqueue_indirect_dma source(%dma_start3A_749 : memref<100000x64xf32, #tpu.memory_space<hbm>>) target(%dma_start3A_741 : memref<80x64xf32, #tpu.memory_space<vmem>>) offsets(%dma_start3A_746 : memref<80xi32, #tpu.memory_space<vmem>>) semaphore(%arg12 : memref<!tpu.dma_semaphore, #tpu.memory_space<semaphore_mem>>)
        %dma_start3A_750 = arith.constant 3 : i32
        %dma_start3A_751 = arith.constant 3 : i32
        %dma_start3A_752 = arith.constant 0 : i32
        %dma_start3A_753 = arith.constant 0 : i32
        %dma_start3A_754 = tpu.memref_slice %arg7[%dma_start3A_751, %dma_start3A_752, %dma_start3A_753] : memref<4x400x64xf32, #tpu.memory_space<vmem>> -> memref<1x400x64xf32, #tpu.memory_space<vmem>>
        %dma_start3A_755 = tpu.memref_squeeze %dma_start3A_754 : memref<1x400x64xf32, #tpu.memory_space<vmem>> -> memref<400x64xf32, #tpu.memory_space<vmem>>
        %dma_start3A_756 = arith.constant 240 : i32
        %dma_start3A_757 = arith.constant 0 : i32
        %dma_start3A_758 = tpu.memref_slice %dma_start3A_755[%dma_start3A_756, %dma_start3A_757] : memref<400x64xf32, #tpu.memory_space<vmem>> -> memref<80x64xf32, #tpu.memory_space<vmem>>
        %dma_start3A_759 = arith.constant 0 : i32
        %dma_start3A_760 = tpu.memref_slice %arg6[%dma_start3A_750, %dma_start3A_759] : memref<4x400xi32, #tpu.memory_space<vmem>> -> memref<1x400xi32, #tpu.memory_space<vmem>>
        %dma_start3A_761 = tpu.memref_squeeze %dma_start3A_760 : memref<1x400xi32, #tpu.memory_space<vmem>> -> memref<400xi32, #tpu.memory_space<vmem>>
        %dma_start3A_762 = arith.constant 240 : i32
        %dma_start3A_763 = tpu.memref_slice %dma_start3A_761[%dma_start3A_762] : memref<400xi32, #tpu.memory_space<vmem>> -> memref<80xi32, #tpu.memory_space<vmem>>
        %dma_start3A_764 = arith.constant 0 : i32
        %dma_start3A_765 = arith.constant 0 : i32
        %dma_start3A_766 = tpu.memref_slice %arg3[%dma_start3A_764, %dma_start3A_765] : memref<100000x64xf32, #tpu.memory_space<hbm>> -> memref<100000x64xf32, #tpu.memory_space<hbm>>
        tpu.enqueue_indirect_dma source(%dma_start3A_766 : memref<100000x64xf32, #tpu.memory_space<hbm>>) target(%dma_start3A_758 : memref<80x64xf32, #tpu.memory_space<vmem>>) offsets(%dma_start3A_763 : memref<80xi32, #tpu.memory_space<vmem>>) semaphore(%arg12 : memref<!tpu.dma_semaphore, #tpu.memory_space<semaphore_mem>>)
        %dma_start3A_767 = arith.constant 3 : i32
        %dma_start3A_768 = arith.constant 3 : i32
        %dma_start3A_769 = arith.constant 0 : i32
        %dma_start3A_770 = arith.constant 0 : i32
        %dma_start3A_771 = tpu.memref_slice %arg7[%dma_start3A_768, %dma_start3A_769, %dma_start3A_770] : memref<4x400x64xf32, #tpu.memory_space<vmem>> -> memref<1x400x64xf32, #tpu.memory_space<vmem>>
        %dma_start3A_772 = tpu.memref_squeeze %dma_start3A_771 : memref<1x400x64xf32, #tpu.memory_space<vmem>> -> memref<400x64xf32, #tpu.memory_space<vmem>>
        %dma_start3A_773 = arith.constant 320 : i32
        %dma_start3A_774 = arith.constant 0 : i32
        %dma_start3A_775 = tpu.memref_slice %dma_start3A_772[%dma_start3A_773, %dma_start3A_774] : memref<400x64xf32, #tpu.memory_space<vmem>> -> memref<80x64xf32, #tpu.memory_space<vmem>>
        %dma_start3A_776 = arith.constant 0 : i32
        %dma_start3A_777 = tpu.memref_slice %arg6[%dma_start3A_767, %dma_start3A_776] : memref<4x400xi32, #tpu.memory_space<vmem>> -> memref<1x400xi32, #tpu.memory_space<vmem>>
        %dma_start3A_778 = tpu.memref_squeeze %dma_start3A_777 : memref<1x400xi32, #tpu.memory_space<vmem>> -> memref<400xi32, #tpu.memory_space<vmem>>
        %dma_start3A_779 = arith.constant 320 : i32
        %dma_start3A_780 = tpu.memref_slice %dma_start3A_778[%dma_start3A_779] : memref<400xi32, #tpu.memory_space<vmem>> -> memref<80xi32, #tpu.memory_space<vmem>>
        %dma_start3A_781 = arith.constant 0 : i32
        %dma_start3A_782 = arith.constant 0 : i32
        %dma_start3A_783 = tpu.memref_slice %arg3[%dma_start3A_781, %dma_start3A_782] : memref<100000x64xf32, #tpu.memory_space<hbm>> -> memref<100000x64xf32, #tpu.memory_space<hbm>>
        tpu.enqueue_indirect_dma source(%dma_start3A_783 : memref<100000x64xf32, #tpu.memory_space<hbm>>) target(%dma_start3A_775 : memref<80x64xf32, #tpu.memory_space<vmem>>) offsets(%dma_start3A_780 : memref<80xi32, #tpu.memory_space<vmem>>) semaphore(%arg12 : memref<!tpu.dma_semaphore, #tpu.memory_space<semaphore_mem>>)
      } else {
      }
      %dma_wait3A_429 = arith.constant 2 : i32
      %dma_wait3A_430 = arith.constant 2 : i32
      %dma_wait3A_431 = arith.constant 0 : i32
      %dma_wait3A_432 = arith.constant 0 : i32
      %dma_wait3A_433 = tpu.memref_slice %arg7[%dma_wait3A_430, %dma_wait3A_431, %dma_wait3A_432] : memref<4x400x64xf32, #tpu.memory_space<vmem>> -> memref<1x400x64xf32, #tpu.memory_space<vmem>>
      %dma_wait3A_434 = tpu.memref_squeeze %dma_wait3A_433 : memref<1x400x64xf32, #tpu.memory_space<vmem>> -> memref<400x64xf32, #tpu.memory_space<vmem>>
      %dma_wait3A_435 = arith.constant 0 : i32
      %dma_wait3A_436 = arith.constant 0 : i32
      %dma_wait3A_437 = tpu.memref_slice %dma_wait3A_434[%dma_wait3A_435, %dma_wait3A_436] : memref<400x64xf32, #tpu.memory_space<vmem>> -> memref<80x64xf32, #tpu.memory_space<vmem>>
      %dma_wait3A_438 = arith.constant 0 : i32
      %dma_wait3A_439 = tpu.memref_slice %arg6[%dma_wait3A_429, %dma_wait3A_438] : memref<4x400xi32, #tpu.memory_space<vmem>> -> memref<1x400xi32, #tpu.memory_space<vmem>>
      %dma_wait3A_440 = tpu.memref_squeeze %dma_wait3A_439 : memref<1x400xi32, #tpu.memory_space<vmem>> -> memref<400xi32, #tpu.memory_space<vmem>>
      %dma_wait3A_441 = arith.constant 0 : i32
      %dma_wait3A_442 = tpu.memref_slice %dma_wait3A_440[%dma_wait3A_441] : memref<400xi32, #tpu.memory_space<vmem>> -> memref<80xi32, #tpu.memory_space<vmem>>
      %dma_wait3A_443 = arith.constant 0 : i32
      %dma_wait3A_444 = arith.constant 0 : i32
      %dma_wait3A_445 = tpu.memref_slice %arg3[%dma_wait3A_443, %dma_wait3A_444] : memref<100000x64xf32, #tpu.memory_space<hbm>> -> memref<100000x64xf32, #tpu.memory_space<hbm>>
      tpu.wait_indirect_dma semaphore(%arg11 : memref<!tpu.dma_semaphore, #tpu.memory_space<semaphore_mem>>) src(%dma_wait3A_445 : memref<100000x64xf32, #tpu.memory_space<hbm>>) dst(%dma_wait3A_437 : memref<80x64xf32, #tpu.memory_space<vmem>>)
      %dma_wait3A_446 = arith.constant 2 : i32
      %dma_wait3A_447 = arith.constant 2 : i32
      %dma_wait3A_448 = arith.constant 0 : i32
      %dma_wait3A_449 = arith.constant 0 : i32
      %dma_wait3A_450 = tpu.memref_slice %arg7[%dma_wait3A_447, %dma_wait3A_448, %dma_wait3A_449] : memref<4x400x64xf32, #tpu.memory_space<vmem>> -> memref<1x400x64xf32, #tpu.memory_space<vmem>>
      %dma_wait3A_451 = tpu.memref_squeeze %dma_wait3A_450 : memref<1x400x64xf32, #tpu.memory_space<vmem>> -> memref<400x64xf32, #tpu.memory_space<vmem>>
      %dma_wait3A_452 = arith.constant 80 : i32
      %dma_wait3A_453 = arith.constant 0 : i32
      %dma_wait3A_454 = tpu.memref_slice %dma_wait3A_451[%dma_wait3A_452, %dma_wait3A_453] : memref<400x64xf32, #tpu.memory_space<vmem>> -> memref<80x64xf32, #tpu.memory_space<vmem>>
      %dma_wait3A_455 = arith.constant 0 : i32
      %dma_wait3A_456 = tpu.memref_slice %arg6[%dma_wait3A_446, %dma_wait3A_455] : memref<4x400xi32, #tpu.memory_space<vmem>> -> memref<1x400xi32, #tpu.memory_space<vmem>>
      %dma_wait3A_457 = tpu.memref_squeeze %dma_wait3A_456 : memref<1x400xi32, #tpu.memory_space<vmem>> -> memref<400xi32, #tpu.memory_space<vmem>>
      %dma_wait3A_458 = arith.constant 80 : i32
      %dma_wait3A_459 = tpu.memref_slice %dma_wait3A_457[%dma_wait3A_458] : memref<400xi32, #tpu.memory_space<vmem>> -> memref<80xi32, #tpu.memory_space<vmem>>
      %dma_wait3A_460 = arith.constant 0 : i32
      %dma_wait3A_461 = arith.constant 0 : i32
      %dma_wait3A_462 = tpu.memref_slice %arg3[%dma_wait3A_460, %dma_wait3A_461] : memref<100000x64xf32, #tpu.memory_space<hbm>> -> memref<100000x64xf32, #tpu.memory_space<hbm>>
      tpu.wait_indirect_dma semaphore(%arg11 : memref<!tpu.dma_semaphore, #tpu.memory_space<semaphore_mem>>) src(%dma_wait3A_462 : memref<100000x64xf32, #tpu.memory_space<hbm>>) dst(%dma_wait3A_454 : memref<80x64xf32, #tpu.memory_space<vmem>>)
      %dma_wait3A_463 = arith.constant 2 : i32
      %dma_wait3A_464 = arith.constant 2 : i32
      %dma_wait3A_465 = arith.constant 0 : i32
      %dma_wait3A_466 = arith.constant 0 : i32
      %dma_wait3A_467 = tpu.memref_slice %arg7[%dma_wait3A_464, %dma_wait3A_465, %dma_wait3A_466] : memref<4x400x64xf32, #tpu.memory_space<vmem>> -> memref<1x400x64xf32, #tpu.memory_space<vmem>>
      %dma_wait3A_468 = tpu.memref_squeeze %dma_wait3A_467 : memref<1x400x64xf32, #tpu.memory_space<vmem>> -> memref<400x64xf32, #tpu.memory_space<vmem>>
      %dma_wait3A_469 = arith.constant 160 : i32
      %dma_wait3A_470 = arith.constant 0 : i32
      %dma_wait3A_471 = tpu.memref_slice %dma_wait3A_468[%dma_wait3A_469, %dma_wait3A_470] : memref<400x64xf32, #tpu.memory_space<vmem>> -> memref<80x64xf32, #tpu.memory_space<vmem>>
      %dma_wait3A_472 = arith.constant 0 : i32
      %dma_wait3A_473 = tpu.memref_slice %arg6[%dma_wait3A_463, %dma_wait3A_472] : memref<4x400xi32, #tpu.memory_space<vmem>> -> memref<1x400xi32, #tpu.memory_space<vmem>>
      %dma_wait3A_474 = tpu.memref_squeeze %dma_wait3A_473 : memref<1x400xi32, #tpu.memory_space<vmem>> -> memref<400xi32, #tpu.memory_space<vmem>>
      %dma_wait3A_475 = arith.constant 160 : i32
      %dma_wait3A_476 = tpu.memref_slice %dma_wait3A_474[%dma_wait3A_475] : memref<400xi32, #tpu.memory_space<vmem>> -> memref<80xi32, #tpu.memory_space<vmem>>
      %dma_wait3A_477 = arith.constant 0 : i32
      %dma_wait3A_478 = arith.constant 0 : i32
      %dma_wait3A_479 = tpu.memref_slice %arg3[%dma_wait3A_477, %dma_wait3A_478] : memref<100000x64xf32, #tpu.memory_space<hbm>> -> memref<100000x64xf32, #tpu.memory_space<hbm>>
      tpu.wait_indirect_dma semaphore(%arg11 : memref<!tpu.dma_semaphore, #tpu.memory_space<semaphore_mem>>) src(%dma_wait3A_479 : memref<100000x64xf32, #tpu.memory_space<hbm>>) dst(%dma_wait3A_471 : memref<80x64xf32, #tpu.memory_space<vmem>>)
      %dma_wait3A_480 = arith.constant 2 : i32
      %dma_wait3A_481 = arith.constant 2 : i32
      %dma_wait3A_482 = arith.constant 0 : i32
      %dma_wait3A_483 = arith.constant 0 : i32
      %dma_wait3A_484 = tpu.memref_slice %arg7[%dma_wait3A_481, %dma_wait3A_482, %dma_wait3A_483] : memref<4x400x64xf32, #tpu.memory_space<vmem>> -> memref<1x400x64xf32, #tpu.memory_space<vmem>>
      %dma_wait3A_485 = tpu.memref_squeeze %dma_wait3A_484 : memref<1x400x64xf32, #tpu.memory_space<vmem>> -> memref<400x64xf32, #tpu.memory_space<vmem>>
      %dma_wait3A_486 = arith.constant 240 : i32
      %dma_wait3A_487 = arith.constant 0 : i32
      %dma_wait3A_488 = tpu.memref_slice %dma_wait3A_485[%dma_wait3A_486, %dma_wait3A_487] : memref<400x64xf32, #tpu.memory_space<vmem>> -> memref<80x64xf32, #tpu.memory_space<vmem>>
      %dma_wait3A_489 = arith.constant 0 : i32
      %dma_wait3A_490 = tpu.memref_slice %arg6[%dma_wait3A_480, %dma_wait3A_489] : memref<4x400xi32, #tpu.memory_space<vmem>> -> memref<1x400xi32, #tpu.memory_space<vmem>>
      %dma_wait3A_491 = tpu.memref_squeeze %dma_wait3A_490 : memref<1x400xi32, #tpu.memory_space<vmem>> -> memref<400xi32, #tpu.memory_space<vmem>>
      %dma_wait3A_492 = arith.constant 240 : i32
      %dma_wait3A_493 = tpu.memref_slice %dma_wait3A_491[%dma_wait3A_492] : memref<400xi32, #tpu.memory_space<vmem>> -> memref<80xi32, #tpu.memory_space<vmem>>
      %dma_wait3A_494 = arith.constant 0 : i32
      %dma_wait3A_495 = arith.constant 0 : i32
      %dma_wait3A_496 = tpu.memref_slice %arg3[%dma_wait3A_494, %dma_wait3A_495] : memref<100000x64xf32, #tpu.memory_space<hbm>> -> memref<100000x64xf32, #tpu.memory_space<hbm>>
      tpu.wait_indirect_dma semaphore(%arg11 : memref<!tpu.dma_semaphore, #tpu.memory_space<semaphore_mem>>) src(%dma_wait3A_496 : memref<100000x64xf32, #tpu.memory_space<hbm>>) dst(%dma_wait3A_488 : memref<80x64xf32, #tpu.memory_space<vmem>>)
      %dma_wait3A_497 = arith.constant 2 : i32
      %dma_wait3A_498 = arith.constant 2 : i32
      %dma_wait3A_499 = arith.constant 0 : i32
      %dma_wait3A_500 = arith.constant 0 : i32
      %dma_wait3A_501 = tpu.memref_slice %arg7[%dma_wait3A_498, %dma_wait3A_499, %dma_wait3A_500] : memref<4x400x64xf32, #tpu.memory_space<vmem>> -> memref<1x400x64xf32, #tpu.memory_space<vmem>>
      %dma_wait3A_502 = tpu.memref_squeeze %dma_wait3A_501 : memref<1x400x64xf32, #tpu.memory_space<vmem>> -> memref<400x64xf32, #tpu.memory_space<vmem>>
      %dma_wait3A_503 = arith.constant 320 : i32
      %dma_wait3A_504 = arith.constant 0 : i32
      %dma_wait3A_505 = tpu.memref_slice %dma_wait3A_502[%dma_wait3A_503, %dma_wait3A_504] : memref<400x64xf32, #tpu.memory_space<vmem>> -> memref<80x64xf32, #tpu.memory_space<vmem>>
      %dma_wait3A_506 = arith.constant 0 : i32
      %dma_wait3A_507 = tpu.memref_slice %arg6[%dma_wait3A_497, %dma_wait3A_506] : memref<4x400xi32, #tpu.memory_space<vmem>> -> memref<1x400xi32, #tpu.memory_space<vmem>>
      %dma_wait3A_508 = tpu.memref_squeeze %dma_wait3A_507 : memref<1x400xi32, #tpu.memory_space<vmem>> -> memref<400xi32, #tpu.memory_space<vmem>>
      %dma_wait3A_509 = arith.constant 320 : i32
      %dma_wait3A_510 = tpu.memref_slice %dma_wait3A_508[%dma_wait3A_509] : memref<400xi32, #tpu.memory_space<vmem>> -> memref<80xi32, #tpu.memory_space<vmem>>
      %dma_wait3A_511 = arith.constant 0 : i32
      %dma_wait3A_512 = arith.constant 0 : i32
      %dma_wait3A_513 = tpu.memref_slice %arg3[%dma_wait3A_511, %dma_wait3A_512] : memref<100000x64xf32, #tpu.memory_space<hbm>> -> memref<100000x64xf32, #tpu.memory_space<hbm>>
      tpu.wait_indirect_dma semaphore(%arg11 : memref<!tpu.dma_semaphore, #tpu.memory_space<semaphore_mem>>) src(%dma_wait3A_513 : memref<100000x64xf32, #tpu.memory_space<hbm>>) dst(%dma_wait3A_505 : memref<80x64xf32, #tpu.memory_space<vmem>>)
      %broadcast_in_dim3A_514 = arith.constant false
      %broadcast_in_dim3A_515 = vector.broadcast %broadcast_in_dim3A_514 : i1 to vector<16xi1>
      %scan3A_516 = arith.constant 0 : i32
      %scan3A_517 = arith.constant 25 : i32
      %scan3A_518 = arith.addi %scan3A_516, %scan3A_517 : i32
      %scan3A_519 = arith.constant 1 : i32
      %scan3A_520 = scf.for %scan3A_689 = %scan3A_516 to %scan3A_518 step %scan3A_519 iter_args(%scan3A_690 = %broadcast_in_dim3A_515) -> (vector<16xi1>)  : i32 {
        %mul3A_691 = arith.constant 16 : i32
        %mul3A_692 = arith.muli %scan3A_689, %mul3A_691 : i32
        %get3A = arith.constant 2 : i32
        %get3A_693 = arith.index_cast %get3A : i32 to index
        %get3A_694 = arith.index_cast %mul3A_692 : i32 to index
        %get3A_695 = tpu.vector_load %arg6[%get3A_693, %get3A_694] {strides = array<i32>} : memref<4x400xi32, #tpu.memory_space<vmem>>, vector<16xi32>,
        %eq3A = arith.constant 0 : i32
        %eq3A_696 = vector.broadcast %eq3A : i32 to vector<16xi32>
        %eq3A_697 = arith.cmpi eq, %get3A_695, %eq3A_696 : vector<16xi32>
        %or3A = arith.ori %scan3A_690, %eq3A_697 : vector<16xi1>
        scf.yield %or3A : vector<16xi1>
      }
      %scan3A_521 = arith.constant 25 : i32
      %all_reduce_population_count3A_522 = tpu.all_reduce %scan3A_520 {dim = 0 : i64, kind = #tpu.reduction_kind<sum>} : vector<16xi1> -> vector<16xi32>
      %slice3A_523 = vector.extract_strided_slice %all_reduce_population_count3A_522 {offsets = [0], sizes = [1], strides = [1]} : vector<16xi32> to vector<1xi32>
      %squeeze3A_524 = vector.extract %slice3A_523[0] : i32 from vector<1xi32>
      %gt3A_525 = arith.constant 0 : i32
      %gt3A_526 = arith.cmpi sgt, %squeeze3A_524, %gt3A_525 : i32
      %convert_element_type3A_527 = arith.extui %gt3A_526 : i1 to i32
      %cond3A_528 = arith.constant 0 : i32
      %cond3A_529 = arith.cmpi ne, %convert_element_type3A_527, %cond3A_528 : i32
      scf.if %cond3A_529 {
        %scan3A_689 = arith.constant 0 : i32
        %scan3A_690 = arith.constant 0 : i32
        %scan3A_691 = arith.constant 25 : i32
        %scan3A_692 = arith.addi %scan3A_690, %scan3A_691 : i32
        %scan3A_693 = arith.constant 1 : i32
        %scan3A_694 = scf.for %scan3A_696 = %scan3A_690 to %scan3A_692 step %scan3A_693 iter_args(%scan3A_697 = %scan3A_689) -> (i32)  : i32 {
          %mul3A_698 = arith.constant 16 : i32
          %mul3A_699 = arith.muli %scan3A_696, %mul3A_698 : i32
          %get3A = arith.constant 2 : i32
          %get3A_700 = arith.index_cast %get3A : i32 to index
          %get3A_701 = arith.index_cast %mul3A_699 : i32 to index
          %get3A_702 = tpu.vector_load %arg6[%get3A_700, %get3A_701] {strides = array<i32>} : memref<4x400xi32, #tpu.memory_space<vmem>>, vector<16xi32>,
          %eq3A = arith.constant 0 : i32
          %eq3A_703 = vector.broadcast %eq3A : i32 to vector<16xi32>
          %eq3A_704 = arith.cmpi eq, %get3A_702, %eq3A_703 : vector<16xi32>
          %mul3A_705 = arith.constant 16 : i32
          %mul3A_706 = arith.muli %scan3A_696, %mul3A_705 : i32
          %iota3A = tpu.iota {dimensions = array<i32: 0>} : vector<16xi32>
          %add3A_707 = vector.broadcast %mul3A_706 : i32 to vector<16xi32>
          %add3A_708 = arith.addi %add3A_707, %iota3A : vector<16xi32>
          %broadcast_in_dim3A_709 = arith.constant 0.000000e+00 : f32
          %broadcast_in_dim3A_710 = vector.broadcast %broadcast_in_dim3A_709 : f32 to vector<16xf32>
          %broadcast_in_dim3A_711 = arith.constant 0 : i32
          %broadcast_in_dim3A_712 = vector.broadcast %broadcast_in_dim3A_711 : i32 to vector<16xi32>
          %scatter3A = arith.constant 2 : i32
          %scatter3A_713 = arith.constant 0 : i32
          %scatter3A_714 = arith.constant 0 : i32
          %scatter3A_715 = tpu.memref_slice %arg7[%scatter3A, %scatter3A_713, %scatter3A_714] : memref<4x400x64xf32, #tpu.memory_space<vmem>> -> memref<1x400x64xf32, #tpu.memory_space<vmem>>
          %scatter3A_716 = tpu.memref_squeeze %scatter3A_715 : memref<1x400x64xf32, #tpu.memory_space<vmem>> -> memref<400x64xf32, #tpu.memory_space<vmem>>
          tpu.vector_store_idx %scatter3A_716[%add3A_708, %broadcast_in_dim3A_712], %broadcast_in_dim3A_710 masked %eq3A_704 : memref<400x64xf32, #tpu.memory_space<vmem>>[vector<16xi32>, vector<16xi32>], vector<16xf32>, vector<16xi1>
          %broadcast_in_dim3A_717 = arith.constant 1 : i32
          %broadcast_in_dim3A_718 = vector.broadcast %broadcast_in_dim3A_717 : i32 to vector<16xi32>
          %scatter3A_719 = arith.constant 2 : i32
          %scatter3A_720 = arith.constant 0 : i32
          %scatter3A_721 = arith.constant 0 : i32
          %scatter3A_722 = tpu.memref_slice %arg7[%scatter3A_719, %scatter3A_720, %scatter3A_721] : memref<4x400x64xf32, #tpu.memory_space<vmem>> -> memref<1x400x64xf32, #tpu.memory_space<vmem>>
          %scatter3A_723 = tpu.memref_squeeze %scatter3A_722 : memref<1x400x64xf32, #tpu.memory_space<vmem>> -> memref<400x64xf32, #tpu.memory_space<vmem>>
          tpu.vector_store_idx %scatter3A_723[%add3A_708, %broadcast_in_dim3A_718], %broadcast_in_dim3A_710 masked %eq3A_704 : memref<400x64xf32, #tpu.memory_space<vmem>>[vector<16xi32>, vector<16xi32>], vector<16xf32>, vector<16xi1>
          %broadcast_in_dim3A_724 = arith.constant 2 : i32
          %broadcast_in_dim3A_725 = vector.broadcast %broadcast_in_dim3A_724 : i32 to vector<16xi32>
          %scatter3A_726 = arith.constant 2 : i32
          %scatter3A_727 = arith.constant 0 : i32
          %scatter3A_728 = arith.constant 0 : i32
          %scatter3A_729 = tpu.memref_slice %arg7[%scatter3A_726, %scatter3A_727, %scatter3A_728] : memref<4x400x64xf32, #tpu.memory_space<vmem>> -> memref<1x400x64xf32, #tpu.memory_space<vmem>>
          %scatter3A_730 = tpu.memref_squeeze %scatter3A_729 : memref<1x400x64xf32, #tpu.memory_space<vmem>> -> memref<400x64xf32, #tpu.memory_space<vmem>>
          tpu.vector_store_idx %scatter3A_730[%add3A_708, %broadcast_in_dim3A_725], %broadcast_in_dim3A_710 masked %eq3A_704 : memref<400x64xf32, #tpu.memory_space<vmem>>[vector<16xi32>, vector<16xi32>], vector<16xf32>, vector<16xi1>
          %broadcast_in_dim3A_731 = arith.constant 3 : i32
          %broadcast_in_dim3A_732 = vector.broadcast %broadcast_in_dim3A_731 : i32 to vector<16xi32>
          %scatter3A_733 = arith.constant 2 : i32
          %scatter3A_734 = arith.constant 0 : i32
          %scatter3A_735 = arith.constant 0 : i32
          %scatter3A_736 = tpu.memref_slice %arg7[%scatter3A_733, %scatter3A_734, %scatter3A_735] : memref<4x400x64xf32, #tpu.memory_space<vmem>> -> memref<1x400x64xf32, #tpu.memory_space<vmem>>
          %scatter3A_737 = tpu.memref_squeeze %scatter3A_736 : memref<1x400x64xf32, #tpu.memory_space<vmem>> -> memref<400x64xf32, #tpu.memory_space<vmem>>
          tpu.vector_store_idx %scatter3A_737[%add3A_708, %broadcast_in_dim3A_732], %broadcast_in_dim3A_710 masked %eq3A_704 : memref<400x64xf32, #tpu.memory_space<vmem>>[vector<16xi32>, vector<16xi32>], vector<16xf32>, vector<16xi1>
          %broadcast_in_dim3A_738 = arith.constant 4 : i32
          %broadcast_in_dim3A_739 = vector.broadcast %broadcast_in_dim3A_738 : i32 to vector<16xi32>
          %scatter3A_740 = arith.constant 2 : i32
          %scatter3A_741 = arith.constant 0 : i32
          %scatter3A_742 = arith.constant 0 : i32
          %scatter3A_743 = tpu.memref_slice %arg7[%scatter3A_740, %scatter3A_741, %scatter3A_742] : memref<4x400x64xf32, #tpu.memory_space<vmem>> -> memref<1x400x64xf32, #tpu.memory_space<vmem>>
          %scatter3A_744 = tpu.memref_squeeze %scatter3A_743 : memref<1x400x64xf32, #tpu.memory_space<vmem>> -> memref<400x64xf32, #tpu.memory_space<vmem>>
          tpu.vector_store_idx %scatter3A_744[%add3A_708, %broadcast_in_dim3A_739], %broadcast_in_dim3A_710 masked %eq3A_704 : memref<400x64xf32, #tpu.memory_space<vmem>>[vector<16xi32>, vector<16xi32>], vector<16xf32>, vector<16xi1>
          %broadcast_in_dim3A_745 = arith.constant 5 : i32
          %broadcast_in_dim3A_746 = vector.broadcast %broadcast_in_dim3A_745 : i32 to vector<16xi32>
          %scatter3A_747 = arith.constant 2 : i32
          %scatter3A_748 = arith.constant 0 : i32
          %scatter3A_749 = arith.constant 0 : i32
          %scatter3A_750 = tpu.memref_slice %arg7[%scatter3A_747, %scatter3A_748, %scatter3A_749] : memref<4x400x64xf32, #tpu.memory_space<vmem>> -> memref<1x400x64xf32, #tpu.memory_space<vmem>>
          %scatter3A_751 = tpu.memref_squeeze %scatter3A_750 : memref<1x400x64xf32, #tpu.memory_space<vmem>> -> memref<400x64xf32, #tpu.memory_space<vmem>>
          tpu.vector_store_idx %scatter3A_751[%add3A_708, %broadcast_in_dim3A_746], %broadcast_in_dim3A_710 masked %eq3A_704 : memref<400x64xf32, #tpu.memory_space<vmem>>[vector<16xi32>, vector<16xi32>], vector<16xf32>, vector<16xi1>
          %broadcast_in_dim3A_752 = arith.constant 6 : i32
          %broadcast_in_dim3A_753 = vector.broadcast %broadcast_in_dim3A_752 : i32 to vector<16xi32>
          %scatter3A_754 = arith.constant 2 : i32
          %scatter3A_755 = arith.constant 0 : i32
          %scatter3A_756 = arith.constant 0 : i32
          %scatter3A_757 = tpu.memref_slice %arg7[%scatter3A_754, %scatter3A_755, %scatter3A_756] : memref<4x400x64xf32, #tpu.memory_space<vmem>> -> memref<1x400x64xf32, #tpu.memory_space<vmem>>
          %scatter3A_758 = tpu.memref_squeeze %scatter3A_757 : memref<1x400x64xf32, #tpu.memory_space<vmem>> -> memref<400x64xf32, #tpu.memory_space<vmem>>
          tpu.vector_store_idx %scatter3A_758[%add3A_708, %broadcast_in_dim3A_753], %broadcast_in_dim3A_710 masked %eq3A_704 : memref<400x64xf32, #tpu.memory_space<vmem>>[vector<16xi32>, vector<16xi32>], vector<16xf32>, vector<16xi1>
          %broadcast_in_dim3A_759 = arith.constant 7 : i32
          %broadcast_in_dim3A_760 = vector.broadcast %broadcast_in_dim3A_759 : i32 to vector<16xi32>
          %scatter3A_761 = arith.constant 2 : i32
          %scatter3A_762 = arith.constant 0 : i32
          %scatter3A_763 = arith.constant 0 : i32
          %scatter3A_764 = tpu.memref_slice %arg7[%scatter3A_761, %scatter3A_762, %scatter3A_763] : memref<4x400x64xf32, #tpu.memory_space<vmem>> -> memref<1x400x64xf32, #tpu.memory_space<vmem>>
          %scatter3A_765 = tpu.memref_squeeze %scatter3A_764 : memref<1x400x64xf32, #tpu.memory_space<vmem>> -> memref<400x64xf32, #tpu.memory_space<vmem>>
          tpu.vector_store_idx %scatter3A_765[%add3A_708, %broadcast_in_dim3A_760], %broadcast_in_dim3A_710 masked %eq3A_704 : memref<400x64xf32, #tpu.memory_space<vmem>>[vector<16xi32>, vector<16xi32>], vector<16xf32>, vector<16xi1>
          %broadcast_in_dim3A_766 = arith.constant 8 : i32
          %broadcast_in_dim3A_767 = vector.broadcast %broadcast_in_dim3A_766 : i32 to vector<16xi32>
          %scatter3A_768 = arith.constant 2 : i32
          %scatter3A_769 = arith.constant 0 : i32
          %scatter3A_770 = arith.constant 0 : i32
          %scatter3A_771 = tpu.memref_slice %arg7[%scatter3A_768, %scatter3A_769, %scatter3A_770] : memref<4x400x64xf32, #tpu.memory_space<vmem>> -> memref<1x400x64xf32, #tpu.memory_space<vmem>>
          %scatter3A_772 = tpu.memref_squeeze %scatter3A_771 : memref<1x400x64xf32, #tpu.memory_space<vmem>> -> memref<400x64xf32, #tpu.memory_space<vmem>>
          tpu.vector_store_idx %scatter3A_772[%add3A_708, %broadcast_in_dim3A_767], %broadcast_in_dim3A_710 masked %eq3A_704 : memref<400x64xf32, #tpu.memory_space<vmem>>[vector<16xi32>, vector<16xi32>], vector<16xf32>, vector<16xi1>
          %broadcast_in_dim3A_773 = arith.constant 9 : i32
          %broadcast_in_dim3A_774 = vector.broadcast %broadcast_in_dim3A_773 : i32 to vector<16xi32>
          %scatter3A_775 = arith.constant 2 : i32
          %scatter3A_776 = arith.constant 0 : i32
          %scatter3A_777 = arith.constant 0 : i32
          %scatter3A_778 = tpu.memref_slice %arg7[%scatter3A_775, %scatter3A_776, %scatter3A_777] : memref<4x400x64xf32, #tpu.memory_space<vmem>> -> memref<1x400x64xf32, #tpu.memory_space<vmem>>
          %scatter3A_779 = tpu.memref_squeeze %scatter3A_778 : memref<1x400x64xf32, #tpu.memory_space<vmem>> -> memref<400x64xf32, #tpu.memory_space<vmem>>
          tpu.vector_store_idx %scatter3A_779[%add3A_708, %broadcast_in_dim3A_774], %broadcast_in_dim3A_710 masked %eq3A_704 : memref<400x64xf32, #tpu.memory_space<vmem>>[vector<16xi32>, vector<16xi32>], vector<16xf32>, vector<16xi1>
          %broadcast_in_dim3A_780 = arith.constant 10 : i32
          %broadcast_in_dim3A_781 = vector.broadcast %broadcast_in_dim3A_780 : i32 to vector<16xi32>
          %scatter3A_782 = arith.constant 2 : i32
          %scatter3A_783 = arith.constant 0 : i32
          %scatter3A_784 = arith.constant 0 : i32
          %scatter3A_785 = tpu.memref_slice %arg7[%scatter3A_782, %scatter3A_783, %scatter3A_784] : memref<4x400x64xf32, #tpu.memory_space<vmem>> -> memref<1x400x64xf32, #tpu.memory_space<vmem>>
          %scatter3A_786 = tpu.memref_squeeze %scatter3A_785 : memref<1x400x64xf32, #tpu.memory_space<vmem>> -> memref<400x64xf32, #tpu.memory_space<vmem>>
          tpu.vector_store_idx %scatter3A_786[%add3A_708, %broadcast_in_dim3A_781], %broadcast_in_dim3A_710 masked %eq3A_704 : memref<400x64xf32, #tpu.memory_space<vmem>>[vector<16xi32>, vector<16xi32>], vector<16xf32>, vector<16xi1>
          %broadcast_in_dim3A_787 = arith.constant 11 : i32
          %broadcast_in_dim3A_788 = vector.broadcast %broadcast_in_dim3A_787 : i32 to vector<16xi32>
          %scatter3A_789 = arith.constant 2 : i32
          %scatter3A_790 = arith.constant 0 : i32
          %scatter3A_791 = arith.constant 0 : i32
          %scatter3A_792 = tpu.memref_slice %arg7[%scatter3A_789, %scatter3A_790, %scatter3A_791] : memref<4x400x64xf32, #tpu.memory_space<vmem>> -> memref<1x400x64xf32, #tpu.memory_space<vmem>>
          %scatter3A_793 = tpu.memref_squeeze %scatter3A_792 : memref<1x400x64xf32, #tpu.memory_space<vmem>> -> memref<400x64xf32, #tpu.memory_space<vmem>>
          tpu.vector_store_idx %scatter3A_793[%add3A_708, %broadcast_in_dim3A_788], %broadcast_in_dim3A_710 masked %eq3A_704 : memref<400x64xf32, #tpu.memory_space<vmem>>[vector<16xi32>, vector<16xi32>], vector<16xf32>, vector<16xi1>
          %broadcast_in_dim3A_794 = arith.constant 12 : i32
          %broadcast_in_dim3A_795 = vector.broadcast %broadcast_in_dim3A_794 : i32 to vector<16xi32>
          %scatter3A_796 = arith.constant 2 : i32
          %scatter3A_797 = arith.constant 0 : i32
          %scatter3A_798 = arith.constant 0 : i32
          %scatter3A_799 = tpu.memref_slice %arg7[%scatter3A_796, %scatter3A_797, %scatter3A_798] : memref<4x400x64xf32, #tpu.memory_space<vmem>> -> memref<1x400x64xf32, #tpu.memory_space<vmem>>
          %scatter3A_800 = tpu.memref_squeeze %scatter3A_799 : memref<1x400x64xf32, #tpu.memory_space<vmem>> -> memref<400x64xf32, #tpu.memory_space<vmem>>
          tpu.vector_store_idx %scatter3A_800[%add3A_708, %broadcast_in_dim3A_795], %broadcast_in_dim3A_710 masked %eq3A_704 : memref<400x64xf32, #tpu.memory_space<vmem>>[vector<16xi32>, vector<16xi32>], vector<16xf32>, vector<16xi1>
          %broadcast_in_dim3A_801 = arith.constant 13 : i32
          %broadcast_in_dim3A_802 = vector.broadcast %broadcast_in_dim3A_801 : i32 to vector<16xi32>
          %scatter3A_803 = arith.constant 2 : i32
          %scatter3A_804 = arith.constant 0 : i32
          %scatter3A_805 = arith.constant 0 : i32
          %scatter3A_806 = tpu.memref_slice %arg7[%scatter3A_803, %scatter3A_804, %scatter3A_805] : memref<4x400x64xf32, #tpu.memory_space<vmem>> -> memref<1x400x64xf32, #tpu.memory_space<vmem>>
          %scatter3A_807 = tpu.memref_squeeze %scatter3A_806 : memref<1x400x64xf32, #tpu.memory_space<vmem>> -> memref<400x64xf32, #tpu.memory_space<vmem>>
          tpu.vector_store_idx %scatter3A_807[%add3A_708, %broadcast_in_dim3A_802], %broadcast_in_dim3A_710 masked %eq3A_704 : memref<400x64xf32, #tpu.memory_space<vmem>>[vector<16xi32>, vector<16xi32>], vector<16xf32>, vector<16xi1>
          %broadcast_in_dim3A_808 = arith.constant 14 : i32
          %broadcast_in_dim3A_809 = vector.broadcast %broadcast_in_dim3A_808 : i32 to vector<16xi32>
          %scatter3A_810 = arith.constant 2 : i32
          %scatter3A_811 = arith.constant 0 : i32
          %scatter3A_812 = arith.constant 0 : i32
          %scatter3A_813 = tpu.memref_slice %arg7[%scatter3A_810, %scatter3A_811, %scatter3A_812] : memref<4x400x64xf32, #tpu.memory_space<vmem>> -> memref<1x400x64xf32, #tpu.memory_space<vmem>>
          %scatter3A_814 = tpu.memref_squeeze %scatter3A_813 : memref<1x400x64xf32, #tpu.memory_space<vmem>> -> memref<400x64xf32, #tpu.memory_space<vmem>>
          tpu.vector_store_idx %scatter3A_814[%add3A_708, %broadcast_in_dim3A_809], %broadcast_in_dim3A_710 masked %eq3A_704 : memref<400x64xf32, #tpu.memory_space<vmem>>[vector<16xi32>, vector<16xi32>], vector<16xf32>, vector<16xi1>
          %broadcast_in_dim3A_815 = arith.constant 15 : i32
          %broadcast_in_dim3A_816 = vector.broadcast %broadcast_in_dim3A_815 : i32 to vector<16xi32>
          %scatter3A_817 = arith.constant 2 : i32
          %scatter3A_818 = arith.constant 0 : i32
          %scatter3A_819 = arith.constant 0 : i32
          %scatter3A_820 = tpu.memref_slice %arg7[%scatter3A_817, %scatter3A_818, %scatter3A_819] : memref<4x400x64xf32, #tpu.memory_space<vmem>> -> memref<1x400x64xf32, #tpu.memory_space<vmem>>
          %scatter3A_821 = tpu.memref_squeeze %scatter3A_820 : memref<1x400x64xf32, #tpu.memory_space<vmem>> -> memref<400x64xf32, #tpu.memory_space<vmem>>
          tpu.vector_store_idx %scatter3A_821[%add3A_708, %broadcast_in_dim3A_816], %broadcast_in_dim3A_710 masked %eq3A_704 : memref<400x64xf32, #tpu.memory_space<vmem>>[vector<16xi32>, vector<16xi32>], vector<16xf32>, vector<16xi1>
          %broadcast_in_dim3A_822 = arith.constant 16 : i32
          %broadcast_in_dim3A_823 = vector.broadcast %broadcast_in_dim3A_822 : i32 to vector<16xi32>
          %scatter3A_824 = arith.constant 2 : i32
          %scatter3A_825 = arith.constant 0 : i32
          %scatter3A_826 = arith.constant 0 : i32
          %scatter3A_827 = tpu.memref_slice %arg7[%scatter3A_824, %scatter3A_825, %scatter3A_826] : memref<4x400x64xf32, #tpu.memory_space<vmem>> -> memref<1x400x64xf32, #tpu.memory_space<vmem>>
          %scatter3A_828 = tpu.memref_squeeze %scatter3A_827 : memref<1x400x64xf32, #tpu.memory_space<vmem>> -> memref<400x64xf32, #tpu.memory_space<vmem>>
          tpu.vector_store_idx %scatter3A_828[%add3A_708, %broadcast_in_dim3A_823], %broadcast_in_dim3A_710 masked %eq3A_704 : memref<400x64xf32, #tpu.memory_space<vmem>>[vector<16xi32>, vector<16xi32>], vector<16xf32>, vector<16xi1>
          %broadcast_in_dim3A_829 = arith.constant 17 : i32
          %broadcast_in_dim3A_830 = vector.broadcast %broadcast_in_dim3A_829 : i32 to vector<16xi32>
          %scatter3A_831 = arith.constant 2 : i32
          %scatter3A_832 = arith.constant 0 : i32
          %scatter3A_833 = arith.constant 0 : i32
          %scatter3A_834 = tpu.memref_slice %arg7[%scatter3A_831, %scatter3A_832, %scatter3A_833] : memref<4x400x64xf32, #tpu.memory_space<vmem>> -> memref<1x400x64xf32, #tpu.memory_space<vmem>>
          %scatter3A_835 = tpu.memref_squeeze %scatter3A_834 : memref<1x400x64xf32, #tpu.memory_space<vmem>> -> memref<400x64xf32, #tpu.memory_space<vmem>>
          tpu.vector_store_idx %scatter3A_835[%add3A_708, %broadcast_in_dim3A_830], %broadcast_in_dim3A_710 masked %eq3A_704 : memref<400x64xf32, #tpu.memory_space<vmem>>[vector<16xi32>, vector<16xi32>], vector<16xf32>, vector<16xi1>
          %broadcast_in_dim3A_836 = arith.constant 18 : i32
          %broadcast_in_dim3A_837 = vector.broadcast %broadcast_in_dim3A_836 : i32 to vector<16xi32>
          %scatter3A_838 = arith.constant 2 : i32
          %scatter3A_839 = arith.constant 0 : i32
          %scatter3A_840 = arith.constant 0 : i32
          %scatter3A_841 = tpu.memref_slice %arg7[%scatter3A_838, %scatter3A_839, %scatter3A_840] : memref<4x400x64xf32, #tpu.memory_space<vmem>> -> memref<1x400x64xf32, #tpu.memory_space<vmem>>
          %scatter3A_842 = tpu.memref_squeeze %scatter3A_841 : memref<1x400x64xf32, #tpu.memory_space<vmem>> -> memref<400x64xf32, #tpu.memory_space<vmem>>
          tpu.vector_store_idx %scatter3A_842[%add3A_708, %broadcast_in_dim3A_837], %broadcast_in_dim3A_710 masked %eq3A_704 : memref<400x64xf32, #tpu.memory_space<vmem>>[vector<16xi32>, vector<16xi32>], vector<16xf32>, vector<16xi1>
          %broadcast_in_dim3A_843 = arith.constant 19 : i32
          %broadcast_in_dim3A_844 = vector.broadcast %broadcast_in_dim3A_843 : i32 to vector<16xi32>
          %scatter3A_845 = arith.constant 2 : i32
          %scatter3A_846 = arith.constant 0 : i32
          %scatter3A_847 = arith.constant 0 : i32
          %scatter3A_848 = tpu.memref_slice %arg7[%scatter3A_845, %scatter3A_846, %scatter3A_847] : memref<4x400x64xf32, #tpu.memory_space<vmem>> -> memref<1x400x64xf32, #tpu.memory_space<vmem>>
          %scatter3A_849 = tpu.memref_squeeze %scatter3A_848 : memref<1x400x64xf32, #tpu.memory_space<vmem>> -> memref<400x64xf32, #tpu.memory_space<vmem>>
          tpu.vector_store_idx %scatter3A_849[%add3A_708, %broadcast_in_dim3A_844], %broadcast_in_dim3A_710 masked %eq3A_704 : memref<400x64xf32, #tpu.memory_space<vmem>>[vector<16xi32>, vector<16xi32>], vector<16xf32>, vector<16xi1>
          %broadcast_in_dim3A_850 = arith.constant 20 : i32
          %broadcast_in_dim3A_851 = vector.broadcast %broadcast_in_dim3A_850 : i32 to vector<16xi32>
          %scatter3A_852 = arith.constant 2 : i32
          %scatter3A_853 = arith.constant 0 : i32
          %scatter3A_854 = arith.constant 0 : i32
          %scatter3A_855 = tpu.memref_slice %arg7[%scatter3A_852, %scatter3A_853, %scatter3A_854] : memref<4x400x64xf32, #tpu.memory_space<vmem>> -> memref<1x400x64xf32, #tpu.memory_space<vmem>>
          %scatter3A_856 = tpu.memref_squeeze %scatter3A_855 : memref<1x400x64xf32, #tpu.memory_space<vmem>> -> memref<400x64xf32, #tpu.memory_space<vmem>>
          tpu.vector_store_idx %scatter3A_856[%add3A_708, %broadcast_in_dim3A_851], %broadcast_in_dim3A_710 masked %eq3A_704 : memref<400x64xf32, #tpu.memory_space<vmem>>[vector<16xi32>, vector<16xi32>], vector<16xf32>, vector<16xi1>
          %broadcast_in_dim3A_857 = arith.constant 21 : i32
          %broadcast_in_dim3A_858 = vector.broadcast %broadcast_in_dim3A_857 : i32 to vector<16xi32>
          %scatter3A_859 = arith.constant 2 : i32
          %scatter3A_860 = arith.constant 0 : i32
          %scatter3A_861 = arith.constant 0 : i32
          %scatter3A_862 = tpu.memref_slice %arg7[%scatter3A_859, %scatter3A_860, %scatter3A_861] : memref<4x400x64xf32, #tpu.memory_space<vmem>> -> memref<1x400x64xf32, #tpu.memory_space<vmem>>
          %scatter3A_863 = tpu.memref_squeeze %scatter3A_862 : memref<1x400x64xf32, #tpu.memory_space<vmem>> -> memref<400x64xf32, #tpu.memory_space<vmem>>
          tpu.vector_store_idx %scatter3A_863[%add3A_708, %broadcast_in_dim3A_858], %broadcast_in_dim3A_710 masked %eq3A_704 : memref<400x64xf32, #tpu.memory_space<vmem>>[vector<16xi32>, vector<16xi32>], vector<16xf32>, vector<16xi1>
          %broadcast_in_dim3A_864 = arith.constant 22 : i32
          %broadcast_in_dim3A_865 = vector.broadcast %broadcast_in_dim3A_864 : i32 to vector<16xi32>
          %scatter3A_866 = arith.constant 2 : i32
          %scatter3A_867 = arith.constant 0 : i32
          %scatter3A_868 = arith.constant 0 : i32
          %scatter3A_869 = tpu.memref_slice %arg7[%scatter3A_866, %scatter3A_867, %scatter3A_868] : memref<4x400x64xf32, #tpu.memory_space<vmem>> -> memref<1x400x64xf32, #tpu.memory_space<vmem>>
          %scatter3A_870 = tpu.memref_squeeze %scatter3A_869 : memref<1x400x64xf32, #tpu.memory_space<vmem>> -> memref<400x64xf32, #tpu.memory_space<vmem>>
          tpu.vector_store_idx %scatter3A_870[%add3A_708, %broadcast_in_dim3A_865], %broadcast_in_dim3A_710 masked %eq3A_704 : memref<400x64xf32, #tpu.memory_space<vmem>>[vector<16xi32>, vector<16xi32>], vector<16xf32>, vector<16xi1>
          %broadcast_in_dim3A_871 = arith.constant 23 : i32
          %broadcast_in_dim3A_872 = vector.broadcast %broadcast_in_dim3A_871 : i32 to vector<16xi32>
          %scatter3A_873 = arith.constant 2 : i32
          %scatter3A_874 = arith.constant 0 : i32
          %scatter3A_875 = arith.constant 0 : i32
          %scatter3A_876 = tpu.memref_slice %arg7[%scatter3A_873, %scatter3A_874, %scatter3A_875] : memref<4x400x64xf32, #tpu.memory_space<vmem>> -> memref<1x400x64xf32, #tpu.memory_space<vmem>>
          %scatter3A_877 = tpu.memref_squeeze %scatter3A_876 : memref<1x400x64xf32, #tpu.memory_space<vmem>> -> memref<400x64xf32, #tpu.memory_space<vmem>>
          tpu.vector_store_idx %scatter3A_877[%add3A_708, %broadcast_in_dim3A_872], %broadcast_in_dim3A_710 masked %eq3A_704 : memref<400x64xf32, #tpu.memory_space<vmem>>[vector<16xi32>, vector<16xi32>], vector<16xf32>, vector<16xi1>
          %broadcast_in_dim3A_878 = arith.constant 24 : i32
          %broadcast_in_dim3A_879 = vector.broadcast %broadcast_in_dim3A_878 : i32 to vector<16xi32>
          %scatter3A_880 = arith.constant 2 : i32
          %scatter3A_881 = arith.constant 0 : i32
          %scatter3A_882 = arith.constant 0 : i32
          %scatter3A_883 = tpu.memref_slice %arg7[%scatter3A_880, %scatter3A_881, %scatter3A_882] : memref<4x400x64xf32, #tpu.memory_space<vmem>> -> memref<1x400x64xf32, #tpu.memory_space<vmem>>
          %scatter3A_884 = tpu.memref_squeeze %scatter3A_883 : memref<1x400x64xf32, #tpu.memory_space<vmem>> -> memref<400x64xf32, #tpu.memory_space<vmem>>
          tpu.vector_store_idx %scatter3A_884[%add3A_708, %broadcast_in_dim3A_879], %broadcast_in_dim3A_710 masked %eq3A_704 : memref<400x64xf32, #tpu.memory_space<vmem>>[vector<16xi32>, vector<16xi32>], vector<16xf32>, vector<16xi1>
          %broadcast_in_dim3A_885 = arith.constant 25 : i32
          %broadcast_in_dim3A_886 = vector.broadcast %broadcast_in_dim3A_885 : i32 to vector<16xi32>
          %scatter3A_887 = arith.constant 2 : i32
          %scatter3A_888 = arith.constant 0 : i32
          %scatter3A_889 = arith.constant 0 : i32
          %scatter3A_890 = tpu.memref_slice %arg7[%scatter3A_887, %scatter3A_888, %scatter3A_889] : memref<4x400x64xf32, #tpu.memory_space<vmem>> -> memref<1x400x64xf32, #tpu.memory_space<vmem>>
          %scatter3A_891 = tpu.memref_squeeze %scatter3A_890 : memref<1x400x64xf32, #tpu.memory_space<vmem>> -> memref<400x64xf32, #tpu.memory_space<vmem>>
          tpu.vector_store_idx %scatter3A_891[%add3A_708, %broadcast_in_dim3A_886], %broadcast_in_dim3A_710 masked %eq3A_704 : memref<400x64xf32, #tpu.memory_space<vmem>>[vector<16xi32>, vector<16xi32>], vector<16xf32>, vector<16xi1>
          %broadcast_in_dim3A_892 = arith.constant 26 : i32
          %broadcast_in_dim3A_893 = vector.broadcast %broadcast_in_dim3A_892 : i32 to vector<16xi32>
          %scatter3A_894 = arith.constant 2 : i32
          %scatter3A_895 = arith.constant 0 : i32
          %scatter3A_896 = arith.constant 0 : i32
          %scatter3A_897 = tpu.memref_slice %arg7[%scatter3A_894, %scatter3A_895, %scatter3A_896] : memref<4x400x64xf32, #tpu.memory_space<vmem>> -> memref<1x400x64xf32, #tpu.memory_space<vmem>>
          %scatter3A_898 = tpu.memref_squeeze %scatter3A_897 : memref<1x400x64xf32, #tpu.memory_space<vmem>> -> memref<400x64xf32, #tpu.memory_space<vmem>>
          tpu.vector_store_idx %scatter3A_898[%add3A_708, %broadcast_in_dim3A_893], %broadcast_in_dim3A_710 masked %eq3A_704 : memref<400x64xf32, #tpu.memory_space<vmem>>[vector<16xi32>, vector<16xi32>], vector<16xf32>, vector<16xi1>
          %broadcast_in_dim3A_899 = arith.constant 27 : i32
          %broadcast_in_dim3A_900 = vector.broadcast %broadcast_in_dim3A_899 : i32 to vector<16xi32>
          %scatter3A_901 = arith.constant 2 : i32
          %scatter3A_902 = arith.constant 0 : i32
          %scatter3A_903 = arith.constant 0 : i32
          %scatter3A_904 = tpu.memref_slice %arg7[%scatter3A_901, %scatter3A_902, %scatter3A_903] : memref<4x400x64xf32, #tpu.memory_space<vmem>> -> memref<1x400x64xf32, #tpu.memory_space<vmem>>
          %scatter3A_905 = tpu.memref_squeeze %scatter3A_904 : memref<1x400x64xf32, #tpu.memory_space<vmem>> -> memref<400x64xf32, #tpu.memory_space<vmem>>
          tpu.vector_store_idx %scatter3A_905[%add3A_708, %broadcast_in_dim3A_900], %broadcast_in_dim3A_710 masked %eq3A_704 : memref<400x64xf32, #tpu.memory_space<vmem>>[vector<16xi32>, vector<16xi32>], vector<16xf32>, vector<16xi1>
          %broadcast_in_dim3A_906 = arith.constant 28 : i32
          %broadcast_in_dim3A_907 = vector.broadcast %broadcast_in_dim3A_906 : i32 to vector<16xi32>
          %scatter3A_908 = arith.constant 2 : i32
          %scatter3A_909 = arith.constant 0 : i32
          %scatter3A_910 = arith.constant 0 : i32
          %scatter3A_911 = tpu.memref_slice %arg7[%scatter3A_908, %scatter3A_909, %scatter3A_910] : memref<4x400x64xf32, #tpu.memory_space<vmem>> -> memref<1x400x64xf32, #tpu.memory_space<vmem>>
          %scatter3A_912 = tpu.memref_squeeze %scatter3A_911 : memref<1x400x64xf32, #tpu.memory_space<vmem>> -> memref<400x64xf32, #tpu.memory_space<vmem>>
          tpu.vector_store_idx %scatter3A_912[%add3A_708, %broadcast_in_dim3A_907], %broadcast_in_dim3A_710 masked %eq3A_704 : memref<400x64xf32, #tpu.memory_space<vmem>>[vector<16xi32>, vector<16xi32>], vector<16xf32>, vector<16xi1>
          %broadcast_in_dim3A_913 = arith.constant 29 : i32
          %broadcast_in_dim3A_914 = vector.broadcast %broadcast_in_dim3A_913 : i32 to vector<16xi32>
          %scatter3A_915 = arith.constant 2 : i32
          %scatter3A_916 = arith.constant 0 : i32
          %scatter3A_917 = arith.constant 0 : i32
          %scatter3A_918 = tpu.memref_slice %arg7[%scatter3A_915, %scatter3A_916, %scatter3A_917] : memref<4x400x64xf32, #tpu.memory_space<vmem>> -> memref<1x400x64xf32, #tpu.memory_space<vmem>>
          %scatter3A_919 = tpu.memref_squeeze %scatter3A_918 : memref<1x400x64xf32, #tpu.memory_space<vmem>> -> memref<400x64xf32, #tpu.memory_space<vmem>>
          tpu.vector_store_idx %scatter3A_919[%add3A_708, %broadcast_in_dim3A_914], %broadcast_in_dim3A_710 masked %eq3A_704 : memref<400x64xf32, #tpu.memory_space<vmem>>[vector<16xi32>, vector<16xi32>], vector<16xf32>, vector<16xi1>
          %broadcast_in_dim3A_920 = arith.constant 30 : i32
          %broadcast_in_dim3A_921 = vector.broadcast %broadcast_in_dim3A_920 : i32 to vector<16xi32>
          %scatter3A_922 = arith.constant 2 : i32
          %scatter3A_923 = arith.constant 0 : i32
          %scatter3A_924 = arith.constant 0 : i32
          %scatter3A_925 = tpu.memref_slice %arg7[%scatter3A_922, %scatter3A_923, %scatter3A_924] : memref<4x400x64xf32, #tpu.memory_space<vmem>> -> memref<1x400x64xf32, #tpu.memory_space<vmem>>
          %scatter3A_926 = tpu.memref_squeeze %scatter3A_925 : memref<1x400x64xf32, #tpu.memory_space<vmem>> -> memref<400x64xf32, #tpu.memory_space<vmem>>
          tpu.vector_store_idx %scatter3A_926[%add3A_708, %broadcast_in_dim3A_921], %broadcast_in_dim3A_710 masked %eq3A_704 : memref<400x64xf32, #tpu.memory_space<vmem>>[vector<16xi32>, vector<16xi32>], vector<16xf32>, vector<16xi1>
          %broadcast_in_dim3A_927 = arith.constant 31 : i32
          %broadcast_in_dim3A_928 = vector.broadcast %broadcast_in_dim3A_927 : i32 to vector<16xi32>
          %scatter3A_929 = arith.constant 2 : i32
          %scatter3A_930 = arith.constant 0 : i32
          %scatter3A_931 = arith.constant 0 : i32
          %scatter3A_932 = tpu.memref_slice %arg7[%scatter3A_929, %scatter3A_930, %scatter3A_931] : memref<4x400x64xf32, #tpu.memory_space<vmem>> -> memref<1x400x64xf32, #tpu.memory_space<vmem>>
          %scatter3A_933 = tpu.memref_squeeze %scatter3A_932 : memref<1x400x64xf32, #tpu.memory_space<vmem>> -> memref<400x64xf32, #tpu.memory_space<vmem>>
          tpu.vector_store_idx %scatter3A_933[%add3A_708, %broadcast_in_dim3A_928], %broadcast_in_dim3A_710 masked %eq3A_704 : memref<400x64xf32, #tpu.memory_space<vmem>>[vector<16xi32>, vector<16xi32>], vector<16xf32>, vector<16xi1>
          %broadcast_in_dim3A_934 = arith.constant 32 : i32
          %broadcast_in_dim3A_935 = vector.broadcast %broadcast_in_dim3A_934 : i32 to vector<16xi32>
          %scatter3A_936 = arith.constant 2 : i32
          %scatter3A_937 = arith.constant 0 : i32
          %scatter3A_938 = arith.constant 0 : i32
          %scatter3A_939 = tpu.memref_slice %arg7[%scatter3A_936, %scatter3A_937, %scatter3A_938] : memref<4x400x64xf32, #tpu.memory_space<vmem>> -> memref<1x400x64xf32, #tpu.memory_space<vmem>>
          %scatter3A_940 = tpu.memref_squeeze %scatter3A_939 : memref<1x400x64xf32, #tpu.memory_space<vmem>> -> memref<400x64xf32, #tpu.memory_space<vmem>>
          tpu.vector_store_idx %scatter3A_940[%add3A_708, %broadcast_in_dim3A_935], %broadcast_in_dim3A_710 masked %eq3A_704 : memref<400x64xf32, #tpu.memory_space<vmem>>[vector<16xi32>, vector<16xi32>], vector<16xf32>, vector<16xi1>
          %broadcast_in_dim3A_941 = arith.constant 33 : i32
          %broadcast_in_dim3A_942 = vector.broadcast %broadcast_in_dim3A_941 : i32 to vector<16xi32>
          %scatter3A_943 = arith.constant 2 : i32
          %scatter3A_944 = arith.constant 0 : i32
          %scatter3A_945 = arith.constant 0 : i32
          %scatter3A_946 = tpu.memref_slice %arg7[%scatter3A_943, %scatter3A_944, %scatter3A_945] : memref<4x400x64xf32, #tpu.memory_space<vmem>> -> memref<1x400x64xf32, #tpu.memory_space<vmem>>
          %scatter3A_947 = tpu.memref_squeeze %scatter3A_946 : memref<1x400x64xf32, #tpu.memory_space<vmem>> -> memref<400x64xf32, #tpu.memory_space<vmem>>
          tpu.vector_store_idx %scatter3A_947[%add3A_708, %broadcast_in_dim3A_942], %broadcast_in_dim3A_710 masked %eq3A_704 : memref<400x64xf32, #tpu.memory_space<vmem>>[vector<16xi32>, vector<16xi32>], vector<16xf32>, vector<16xi1>
          %broadcast_in_dim3A_948 = arith.constant 34 : i32
          %broadcast_in_dim3A_949 = vector.broadcast %broadcast_in_dim3A_948 : i32 to vector<16xi32>
          %scatter3A_950 = arith.constant 2 : i32
          %scatter3A_951 = arith.constant 0 : i32
          %scatter3A_952 = arith.constant 0 : i32
          %scatter3A_953 = tpu.memref_slice %arg7[%scatter3A_950, %scatter3A_951, %scatter3A_952] : memref<4x400x64xf32, #tpu.memory_space<vmem>> -> memref<1x400x64xf32, #tpu.memory_space<vmem>>
          %scatter3A_954 = tpu.memref_squeeze %scatter3A_953 : memref<1x400x64xf32, #tpu.memory_space<vmem>> -> memref<400x64xf32, #tpu.memory_space<vmem>>
          tpu.vector_store_idx %scatter3A_954[%add3A_708, %broadcast_in_dim3A_949], %broadcast_in_dim3A_710 masked %eq3A_704 : memref<400x64xf32, #tpu.memory_space<vmem>>[vector<16xi32>, vector<16xi32>], vector<16xf32>, vector<16xi1>
          %broadcast_in_dim3A_955 = arith.constant 35 : i32
          %broadcast_in_dim3A_956 = vector.broadcast %broadcast_in_dim3A_955 : i32 to vector<16xi32>
          %scatter3A_957 = arith.constant 2 : i32
          %scatter3A_958 = arith.constant 0 : i32
          %scatter3A_959 = arith.constant 0 : i32
          %scatter3A_960 = tpu.memref_slice %arg7[%scatter3A_957, %scatter3A_958, %scatter3A_959] : memref<4x400x64xf32, #tpu.memory_space<vmem>> -> memref<1x400x64xf32, #tpu.memory_space<vmem>>
          %scatter3A_961 = tpu.memref_squeeze %scatter3A_960 : memref<1x400x64xf32, #tpu.memory_space<vmem>> -> memref<400x64xf32, #tpu.memory_space<vmem>>
          tpu.vector_store_idx %scatter3A_961[%add3A_708, %broadcast_in_dim3A_956], %broadcast_in_dim3A_710 masked %eq3A_704 : memref<400x64xf32, #tpu.memory_space<vmem>>[vector<16xi32>, vector<16xi32>], vector<16xf32>, vector<16xi1>
          %broadcast_in_dim3A_962 = arith.constant 36 : i32
          %broadcast_in_dim3A_963 = vector.broadcast %broadcast_in_dim3A_962 : i32 to vector<16xi32>
          %scatter3A_964 = arith.constant 2 : i32
          %scatter3A_965 = arith.constant 0 : i32
          %scatter3A_966 = arith.constant 0 : i32
          %scatter3A_967 = tpu.memref_slice %arg7[%scatter3A_964, %scatter3A_965, %scatter3A_966] : memref<4x400x64xf32, #tpu.memory_space<vmem>> -> memref<1x400x64xf32, #tpu.memory_space<vmem>>
          %scatter3A_968 = tpu.memref_squeeze %scatter3A_967 : memref<1x400x64xf32, #tpu.memory_space<vmem>> -> memref<400x64xf32, #tpu.memory_space<vmem>>
          tpu.vector_store_idx %scatter3A_968[%add3A_708, %broadcast_in_dim3A_963], %broadcast_in_dim3A_710 masked %eq3A_704 : memref<400x64xf32, #tpu.memory_space<vmem>>[vector<16xi32>, vector<16xi32>], vector<16xf32>, vector<16xi1>
          %broadcast_in_dim3A_969 = arith.constant 37 : i32
          %broadcast_in_dim3A_970 = vector.broadcast %broadcast_in_dim3A_969 : i32 to vector<16xi32>
          %scatter3A_971 = arith.constant 2 : i32
          %scatter3A_972 = arith.constant 0 : i32
          %scatter3A_973 = arith.constant 0 : i32
          %scatter3A_974 = tpu.memref_slice %arg7[%scatter3A_971, %scatter3A_972, %scatter3A_973] : memref<4x400x64xf32, #tpu.memory_space<vmem>> -> memref<1x400x64xf32, #tpu.memory_space<vmem>>
          %scatter3A_975 = tpu.memref_squeeze %scatter3A_974 : memref<1x400x64xf32, #tpu.memory_space<vmem>> -> memref<400x64xf32, #tpu.memory_space<vmem>>
          tpu.vector_store_idx %scatter3A_975[%add3A_708, %broadcast_in_dim3A_970], %broadcast_in_dim3A_710 masked %eq3A_704 : memref<400x64xf32, #tpu.memory_space<vmem>>[vector<16xi32>, vector<16xi32>], vector<16xf32>, vector<16xi1>
          %broadcast_in_dim3A_976 = arith.constant 38 : i32
          %broadcast_in_dim3A_977 = vector.broadcast %broadcast_in_dim3A_976 : i32 to vector<16xi32>
          %scatter3A_978 = arith.constant 2 : i32
          %scatter3A_979 = arith.constant 0 : i32
          %scatter3A_980 = arith.constant 0 : i32
          %scatter3A_981 = tpu.memref_slice %arg7[%scatter3A_978, %scatter3A_979, %scatter3A_980] : memref<4x400x64xf32, #tpu.memory_space<vmem>> -> memref<1x400x64xf32, #tpu.memory_space<vmem>>
          %scatter3A_982 = tpu.memref_squeeze %scatter3A_981 : memref<1x400x64xf32, #tpu.memory_space<vmem>> -> memref<400x64xf32, #tpu.memory_space<vmem>>
          tpu.vector_store_idx %scatter3A_982[%add3A_708, %broadcast_in_dim3A_977], %broadcast_in_dim3A_710 masked %eq3A_704 : memref<400x64xf32, #tpu.memory_space<vmem>>[vector<16xi32>, vector<16xi32>], vector<16xf32>, vector<16xi1>
          %broadcast_in_dim3A_983 = arith.constant 39 : i32
          %broadcast_in_dim3A_984 = vector.broadcast %broadcast_in_dim3A_983 : i32 to vector<16xi32>
          %scatter3A_985 = arith.constant 2 : i32
          %scatter3A_986 = arith.constant 0 : i32
          %scatter3A_987 = arith.constant 0 : i32
          %scatter3A_988 = tpu.memref_slice %arg7[%scatter3A_985, %scatter3A_986, %scatter3A_987] : memref<4x400x64xf32, #tpu.memory_space<vmem>> -> memref<1x400x64xf32, #tpu.memory_space<vmem>>
          %scatter3A_989 = tpu.memref_squeeze %scatter3A_988 : memref<1x400x64xf32, #tpu.memory_space<vmem>> -> memref<400x64xf32, #tpu.memory_space<vmem>>
          tpu.vector_store_idx %scatter3A_989[%add3A_708, %broadcast_in_dim3A_984], %broadcast_in_dim3A_710 masked %eq3A_704 : memref<400x64xf32, #tpu.memory_space<vmem>>[vector<16xi32>, vector<16xi32>], vector<16xf32>, vector<16xi1>
          %broadcast_in_dim3A_990 = arith.constant 40 : i32
          %broadcast_in_dim3A_991 = vector.broadcast %broadcast_in_dim3A_990 : i32 to vector<16xi32>
          %scatter3A_992 = arith.constant 2 : i32
          %scatter3A_993 = arith.constant 0 : i32
          %scatter3A_994 = arith.constant 0 : i32
          %scatter3A_995 = tpu.memref_slice %arg7[%scatter3A_992, %scatter3A_993, %scatter3A_994] : memref<4x400x64xf32, #tpu.memory_space<vmem>> -> memref<1x400x64xf32, #tpu.memory_space<vmem>>
          %scatter3A_996 = tpu.memref_squeeze %scatter3A_995 : memref<1x400x64xf32, #tpu.memory_space<vmem>> -> memref<400x64xf32, #tpu.memory_space<vmem>>
          tpu.vector_store_idx %scatter3A_996[%add3A_708, %broadcast_in_dim3A_991], %broadcast_in_dim3A_710 masked %eq3A_704 : memref<400x64xf32, #tpu.memory_space<vmem>>[vector<16xi32>, vector<16xi32>], vector<16xf32>, vector<16xi1>
          %broadcast_in_dim3A_997 = arith.constant 41 : i32
          %broadcast_in_dim3A_998 = vector.broadcast %broadcast_in_dim3A_997 : i32 to vector<16xi32>
          %scatter3A_999 = arith.constant 2 : i32
          %scatter3A_1000 = arith.constant 0 : i32
          %scatter3A_1001 = arith.constant 0 : i32
          %scatter3A_1002 = tpu.memref_slice %arg7[%scatter3A_999, %scatter3A_1000, %scatter3A_1001] : memref<4x400x64xf32, #tpu.memory_space<vmem>> -> memref<1x400x64xf32, #tpu.memory_space<vmem>>
          %scatter3A_1003 = tpu.memref_squeeze %scatter3A_1002 : memref<1x400x64xf32, #tpu.memory_space<vmem>> -> memref<400x64xf32, #tpu.memory_space<vmem>>
          tpu.vector_store_idx %scatter3A_1003[%add3A_708, %broadcast_in_dim3A_998], %broadcast_in_dim3A_710 masked %eq3A_704 : memref<400x64xf32, #tpu.memory_space<vmem>>[vector<16xi32>, vector<16xi32>], vector<16xf32>, vector<16xi1>
          %broadcast_in_dim3A_1004 = arith.constant 42 : i32
          %broadcast_in_dim3A_1005 = vector.broadcast %broadcast_in_dim3A_1004 : i32 to vector<16xi32>
          %scatter3A_1006 = arith.constant 2 : i32
          %scatter3A_1007 = arith.constant 0 : i32
          %scatter3A_1008 = arith.constant 0 : i32
          %scatter3A_1009 = tpu.memref_slice %arg7[%scatter3A_1006, %scatter3A_1007, %scatter3A_1008] : memref<4x400x64xf32, #tpu.memory_space<vmem>> -> memref<1x400x64xf32, #tpu.memory_space<vmem>>
          %scatter3A_1010 = tpu.memref_squeeze %scatter3A_1009 : memref<1x400x64xf32, #tpu.memory_space<vmem>> -> memref<400x64xf32, #tpu.memory_space<vmem>>
          tpu.vector_store_idx %scatter3A_1010[%add3A_708, %broadcast_in_dim3A_1005], %broadcast_in_dim3A_710 masked %eq3A_704 : memref<400x64xf32, #tpu.memory_space<vmem>>[vector<16xi32>, vector<16xi32>], vector<16xf32>, vector<16xi1>
          %broadcast_in_dim3A_1011 = arith.constant 43 : i32
          %broadcast_in_dim3A_1012 = vector.broadcast %broadcast_in_dim3A_1011 : i32 to vector<16xi32>
          %scatter3A_1013 = arith.constant 2 : i32
          %scatter3A_1014 = arith.constant 0 : i32
          %scatter3A_1015 = arith.constant 0 : i32
          %scatter3A_1016 = tpu.memref_slice %arg7[%scatter3A_1013, %scatter3A_1014, %scatter3A_1015] : memref<4x400x64xf32, #tpu.memory_space<vmem>> -> memref<1x400x64xf32, #tpu.memory_space<vmem>>
          %scatter3A_1017 = tpu.memref_squeeze %scatter3A_1016 : memref<1x400x64xf32, #tpu.memory_space<vmem>> -> memref<400x64xf32, #tpu.memory_space<vmem>>
          tpu.vector_store_idx %scatter3A_1017[%add3A_708, %broadcast_in_dim3A_1012], %broadcast_in_dim3A_710 masked %eq3A_704 : memref<400x64xf32, #tpu.memory_space<vmem>>[vector<16xi32>, vector<16xi32>], vector<16xf32>, vector<16xi1>
          %broadcast_in_dim3A_1018 = arith.constant 44 : i32
          %broadcast_in_dim3A_1019 = vector.broadcast %broadcast_in_dim3A_1018 : i32 to vector<16xi32>
          %scatter3A_1020 = arith.constant 2 : i32
          %scatter3A_1021 = arith.constant 0 : i32
          %scatter3A_1022 = arith.constant 0 : i32
          %scatter3A_1023 = tpu.memref_slice %arg7[%scatter3A_1020, %scatter3A_1021, %scatter3A_1022] : memref<4x400x64xf32, #tpu.memory_space<vmem>> -> memref<1x400x64xf32, #tpu.memory_space<vmem>>
          %scatter3A_1024 = tpu.memref_squeeze %scatter3A_1023 : memref<1x400x64xf32, #tpu.memory_space<vmem>> -> memref<400x64xf32, #tpu.memory_space<vmem>>
          tpu.vector_store_idx %scatter3A_1024[%add3A_708, %broadcast_in_dim3A_1019], %broadcast_in_dim3A_710 masked %eq3A_704 : memref<400x64xf32, #tpu.memory_space<vmem>>[vector<16xi32>, vector<16xi32>], vector<16xf32>, vector<16xi1>
          %broadcast_in_dim3A_1025 = arith.constant 45 : i32
          %broadcast_in_dim3A_1026 = vector.broadcast %broadcast_in_dim3A_1025 : i32 to vector<16xi32>
          %scatter3A_1027 = arith.constant 2 : i32
          %scatter3A_1028 = arith.constant 0 : i32
          %scatter3A_1029 = arith.constant 0 : i32
          %scatter3A_1030 = tpu.memref_slice %arg7[%scatter3A_1027, %scatter3A_1028, %scatter3A_1029] : memref<4x400x64xf32, #tpu.memory_space<vmem>> -> memref<1x400x64xf32, #tpu.memory_space<vmem>>
          %scatter3A_1031 = tpu.memref_squeeze %scatter3A_1030 : memref<1x400x64xf32, #tpu.memory_space<vmem>> -> memref<400x64xf32, #tpu.memory_space<vmem>>
          tpu.vector_store_idx %scatter3A_1031[%add3A_708, %broadcast_in_dim3A_1026], %broadcast_in_dim3A_710 masked %eq3A_704 : memref<400x64xf32, #tpu.memory_space<vmem>>[vector<16xi32>, vector<16xi32>], vector<16xf32>, vector<16xi1>
          %broadcast_in_dim3A_1032 = arith.constant 46 : i32
          %broadcast_in_dim3A_1033 = vector.broadcast %broadcast_in_dim3A_1032 : i32 to vector<16xi32>
          %scatter3A_1034 = arith.constant 2 : i32
          %scatter3A_1035 = arith.constant 0 : i32
          %scatter3A_1036 = arith.constant 0 : i32
          %scatter3A_1037 = tpu.memref_slice %arg7[%scatter3A_1034, %scatter3A_1035, %scatter3A_1036] : memref<4x400x64xf32, #tpu.memory_space<vmem>> -> memref<1x400x64xf32, #tpu.memory_space<vmem>>
          %scatter3A_1038 = tpu.memref_squeeze %scatter3A_1037 : memref<1x400x64xf32, #tpu.memory_space<vmem>> -> memref<400x64xf32, #tpu.memory_space<vmem>>
          tpu.vector_store_idx %scatter3A_1038[%add3A_708, %broadcast_in_dim3A_1033], %broadcast_in_dim3A_710 masked %eq3A_704 : memref<400x64xf32, #tpu.memory_space<vmem>>[vector<16xi32>, vector<16xi32>], vector<16xf32>, vector<16xi1>
          %broadcast_in_dim3A_1039 = arith.constant 47 : i32
          %broadcast_in_dim3A_1040 = vector.broadcast %broadcast_in_dim3A_1039 : i32 to vector<16xi32>
          %scatter3A_1041 = arith.constant 2 : i32
          %scatter3A_1042 = arith.constant 0 : i32
          %scatter3A_1043 = arith.constant 0 : i32
          %scatter3A_1044 = tpu.memref_slice %arg7[%scatter3A_1041, %scatter3A_1042, %scatter3A_1043] : memref<4x400x64xf32, #tpu.memory_space<vmem>> -> memref<1x400x64xf32, #tpu.memory_space<vmem>>
          %scatter3A_1045 = tpu.memref_squeeze %scatter3A_1044 : memref<1x400x64xf32, #tpu.memory_space<vmem>> -> memref<400x64xf32, #tpu.memory_space<vmem>>
          tpu.vector_store_idx %scatter3A_1045[%add3A_708, %broadcast_in_dim3A_1040], %broadcast_in_dim3A_710 masked %eq3A_704 : memref<400x64xf32, #tpu.memory_space<vmem>>[vector<16xi32>, vector<16xi32>], vector<16xf32>, vector<16xi1>
          %broadcast_in_dim3A_1046 = arith.constant 48 : i32
          %broadcast_in_dim3A_1047 = vector.broadcast %broadcast_in_dim3A_1046 : i32 to vector<16xi32>
          %scatter3A_1048 = arith.constant 2 : i32
          %scatter3A_1049 = arith.constant 0 : i32
          %scatter3A_1050 = arith.constant 0 : i32
          %scatter3A_1051 = tpu.memref_slice %arg7[%scatter3A_1048, %scatter3A_1049, %scatter3A_1050] : memref<4x400x64xf32, #tpu.memory_space<vmem>> -> memref<1x400x64xf32, #tpu.memory_space<vmem>>
          %scatter3A_1052 = tpu.memref_squeeze %scatter3A_1051 : memref<1x400x64xf32, #tpu.memory_space<vmem>> -> memref<400x64xf32, #tpu.memory_space<vmem>>
          tpu.vector_store_idx %scatter3A_1052[%add3A_708, %broadcast_in_dim3A_1047], %broadcast_in_dim3A_710 masked %eq3A_704 : memref<400x64xf32, #tpu.memory_space<vmem>>[vector<16xi32>, vector<16xi32>], vector<16xf32>, vector<16xi1>
          %broadcast_in_dim3A_1053 = arith.constant 49 : i32
          %broadcast_in_dim3A_1054 = vector.broadcast %broadcast_in_dim3A_1053 : i32 to vector<16xi32>
          %scatter3A_1055 = arith.constant 2 : i32
          %scatter3A_1056 = arith.constant 0 : i32
          %scatter3A_1057 = arith.constant 0 : i32
          %scatter3A_1058 = tpu.memref_slice %arg7[%scatter3A_1055, %scatter3A_1056, %scatter3A_1057] : memref<4x400x64xf32, #tpu.memory_space<vmem>> -> memref<1x400x64xf32, #tpu.memory_space<vmem>>
          %scatter3A_1059 = tpu.memref_squeeze %scatter3A_1058 : memref<1x400x64xf32, #tpu.memory_space<vmem>> -> memref<400x64xf32, #tpu.memory_space<vmem>>
          tpu.vector_store_idx %scatter3A_1059[%add3A_708, %broadcast_in_dim3A_1054], %broadcast_in_dim3A_710 masked %eq3A_704 : memref<400x64xf32, #tpu.memory_space<vmem>>[vector<16xi32>, vector<16xi32>], vector<16xf32>, vector<16xi1>
          %broadcast_in_dim3A_1060 = arith.constant 50 : i32
          %broadcast_in_dim3A_1061 = vector.broadcast %broadcast_in_dim3A_1060 : i32 to vector<16xi32>
          %scatter3A_1062 = arith.constant 2 : i32
          %scatter3A_1063 = arith.constant 0 : i32
          %scatter3A_1064 = arith.constant 0 : i32
          %scatter3A_1065 = tpu.memref_slice %arg7[%scatter3A_1062, %scatter3A_1063, %scatter3A_1064] : memref<4x400x64xf32, #tpu.memory_space<vmem>> -> memref<1x400x64xf32, #tpu.memory_space<vmem>>
          %scatter3A_1066 = tpu.memref_squeeze %scatter3A_1065 : memref<1x400x64xf32, #tpu.memory_space<vmem>> -> memref<400x64xf32, #tpu.memory_space<vmem>>
          tpu.vector_store_idx %scatter3A_1066[%add3A_708, %broadcast_in_dim3A_1061], %broadcast_in_dim3A_710 masked %eq3A_704 : memref<400x64xf32, #tpu.memory_space<vmem>>[vector<16xi32>, vector<16xi32>], vector<16xf32>, vector<16xi1>
          %broadcast_in_dim3A_1067 = arith.constant 51 : i32
          %broadcast_in_dim3A_1068 = vector.broadcast %broadcast_in_dim3A_1067 : i32 to vector<16xi32>
          %scatter3A_1069 = arith.constant 2 : i32
          %scatter3A_1070 = arith.constant 0 : i32
          %scatter3A_1071 = arith.constant 0 : i32
          %scatter3A_1072 = tpu.memref_slice %arg7[%scatter3A_1069, %scatter3A_1070, %scatter3A_1071] : memref<4x400x64xf32, #tpu.memory_space<vmem>> -> memref<1x400x64xf32, #tpu.memory_space<vmem>>
          %scatter3A_1073 = tpu.memref_squeeze %scatter3A_1072 : memref<1x400x64xf32, #tpu.memory_space<vmem>> -> memref<400x64xf32, #tpu.memory_space<vmem>>
          tpu.vector_store_idx %scatter3A_1073[%add3A_708, %broadcast_in_dim3A_1068], %broadcast_in_dim3A_710 masked %eq3A_704 : memref<400x64xf32, #tpu.memory_space<vmem>>[vector<16xi32>, vector<16xi32>], vector<16xf32>, vector<16xi1>
          %broadcast_in_dim3A_1074 = arith.constant 52 : i32
          %broadcast_in_dim3A_1075 = vector.broadcast %broadcast_in_dim3A_1074 : i32 to vector<16xi32>
          %scatter3A_1076 = arith.constant 2 : i32
          %scatter3A_1077 = arith.constant 0 : i32
          %scatter3A_1078 = arith.constant 0 : i32
          %scatter3A_1079 = tpu.memref_slice %arg7[%scatter3A_1076, %scatter3A_1077, %scatter3A_1078] : memref<4x400x64xf32, #tpu.memory_space<vmem>> -> memref<1x400x64xf32, #tpu.memory_space<vmem>>
          %scatter3A_1080 = tpu.memref_squeeze %scatter3A_1079 : memref<1x400x64xf32, #tpu.memory_space<vmem>> -> memref<400x64xf32, #tpu.memory_space<vmem>>
          tpu.vector_store_idx %scatter3A_1080[%add3A_708, %broadcast_in_dim3A_1075], %broadcast_in_dim3A_710 masked %eq3A_704 : memref<400x64xf32, #tpu.memory_space<vmem>>[vector<16xi32>, vector<16xi32>], vector<16xf32>, vector<16xi1>
          %broadcast_in_dim3A_1081 = arith.constant 53 : i32
          %broadcast_in_dim3A_1082 = vector.broadcast %broadcast_in_dim3A_1081 : i32 to vector<16xi32>
          %scatter3A_1083 = arith.constant 2 : i32
          %scatter3A_1084 = arith.constant 0 : i32
          %scatter3A_1085 = arith.constant 0 : i32
          %scatter3A_1086 = tpu.memref_slice %arg7[%scatter3A_1083, %scatter3A_1084, %scatter3A_1085] : memref<4x400x64xf32, #tpu.memory_space<vmem>> -> memref<1x400x64xf32, #tpu.memory_space<vmem>>
          %scatter3A_1087 = tpu.memref_squeeze %scatter3A_1086 : memref<1x400x64xf32, #tpu.memory_space<vmem>> -> memref<400x64xf32, #tpu.memory_space<vmem>>
          tpu.vector_store_idx %scatter3A_1087[%add3A_708, %broadcast_in_dim3A_1082], %broadcast_in_dim3A_710 masked %eq3A_704 : memref<400x64xf32, #tpu.memory_space<vmem>>[vector<16xi32>, vector<16xi32>], vector<16xf32>, vector<16xi1>
          %broadcast_in_dim3A_1088 = arith.constant 54 : i32
          %broadcast_in_dim3A_1089 = vector.broadcast %broadcast_in_dim3A_1088 : i32 to vector<16xi32>
          %scatter3A_1090 = arith.constant 2 : i32
          %scatter3A_1091 = arith.constant 0 : i32
          %scatter3A_1092 = arith.constant 0 : i32
          %scatter3A_1093 = tpu.memref_slice %arg7[%scatter3A_1090, %scatter3A_1091, %scatter3A_1092] : memref<4x400x64xf32, #tpu.memory_space<vmem>> -> memref<1x400x64xf32, #tpu.memory_space<vmem>>
          %scatter3A_1094 = tpu.memref_squeeze %scatter3A_1093 : memref<1x400x64xf32, #tpu.memory_space<vmem>> -> memref<400x64xf32, #tpu.memory_space<vmem>>
          tpu.vector_store_idx %scatter3A_1094[%add3A_708, %broadcast_in_dim3A_1089], %broadcast_in_dim3A_710 masked %eq3A_704 : memref<400x64xf32, #tpu.memory_space<vmem>>[vector<16xi32>, vector<16xi32>], vector<16xf32>, vector<16xi1>
          %broadcast_in_dim3A_1095 = arith.constant 55 : i32
          %broadcast_in_dim3A_1096 = vector.broadcast %broadcast_in_dim3A_1095 : i32 to vector<16xi32>
          %scatter3A_1097 = arith.constant 2 : i32
          %scatter3A_1098 = arith.constant 0 : i32
          %scatter3A_1099 = arith.constant 0 : i32
          %scatter3A_1100 = tpu.memref_slice %arg7[%scatter3A_1097, %scatter3A_1098, %scatter3A_1099] : memref<4x400x64xf32, #tpu.memory_space<vmem>> -> memref<1x400x64xf32, #tpu.memory_space<vmem>>
          %scatter3A_1101 = tpu.memref_squeeze %scatter3A_1100 : memref<1x400x64xf32, #tpu.memory_space<vmem>> -> memref<400x64xf32, #tpu.memory_space<vmem>>
          tpu.vector_store_idx %scatter3A_1101[%add3A_708, %broadcast_in_dim3A_1096], %broadcast_in_dim3A_710 masked %eq3A_704 : memref<400x64xf32, #tpu.memory_space<vmem>>[vector<16xi32>, vector<16xi32>], vector<16xf32>, vector<16xi1>
          %broadcast_in_dim3A_1102 = arith.constant 56 : i32
          %broadcast_in_dim3A_1103 = vector.broadcast %broadcast_in_dim3A_1102 : i32 to vector<16xi32>
          %scatter3A_1104 = arith.constant 2 : i32
          %scatter3A_1105 = arith.constant 0 : i32
          %scatter3A_1106 = arith.constant 0 : i32
          %scatter3A_1107 = tpu.memref_slice %arg7[%scatter3A_1104, %scatter3A_1105, %scatter3A_1106] : memref<4x400x64xf32, #tpu.memory_space<vmem>> -> memref<1x400x64xf32, #tpu.memory_space<vmem>>
          %scatter3A_1108 = tpu.memref_squeeze %scatter3A_1107 : memref<1x400x64xf32, #tpu.memory_space<vmem>> -> memref<400x64xf32, #tpu.memory_space<vmem>>
          tpu.vector_store_idx %scatter3A_1108[%add3A_708, %broadcast_in_dim3A_1103], %broadcast_in_dim3A_710 masked %eq3A_704 : memref<400x64xf32, #tpu.memory_space<vmem>>[vector<16xi32>, vector<16xi32>], vector<16xf32>, vector<16xi1>
          %broadcast_in_dim3A_1109 = arith.constant 57 : i32
          %broadcast_in_dim3A_1110 = vector.broadcast %broadcast_in_dim3A_1109 : i32 to vector<16xi32>
          %scatter3A_1111 = arith.constant 2 : i32
          %scatter3A_1112 = arith.constant 0 : i32
          %scatter3A_1113 = arith.constant 0 : i32
          %scatter3A_1114 = tpu.memref_slice %arg7[%scatter3A_1111, %scatter3A_1112, %scatter3A_1113] : memref<4x400x64xf32, #tpu.memory_space<vmem>> -> memref<1x400x64xf32, #tpu.memory_space<vmem>>
          %scatter3A_1115 = tpu.memref_squeeze %scatter3A_1114 : memref<1x400x64xf32, #tpu.memory_space<vmem>> -> memref<400x64xf32, #tpu.memory_space<vmem>>
          tpu.vector_store_idx %scatter3A_1115[%add3A_708, %broadcast_in_dim3A_1110], %broadcast_in_dim3A_710 masked %eq3A_704 : memref<400x64xf32, #tpu.memory_space<vmem>>[vector<16xi32>, vector<16xi32>], vector<16xf32>, vector<16xi1>
          %broadcast_in_dim3A_1116 = arith.constant 58 : i32
          %broadcast_in_dim3A_1117 = vector.broadcast %broadcast_in_dim3A_1116 : i32 to vector<16xi32>
          %scatter3A_1118 = arith.constant 2 : i32
          %scatter3A_1119 = arith.constant 0 : i32
          %scatter3A_1120 = arith.constant 0 : i32
          %scatter3A_1121 = tpu.memref_slice %arg7[%scatter3A_1118, %scatter3A_1119, %scatter3A_1120] : memref<4x400x64xf32, #tpu.memory_space<vmem>> -> memref<1x400x64xf32, #tpu.memory_space<vmem>>
          %scatter3A_1122 = tpu.memref_squeeze %scatter3A_1121 : memref<1x400x64xf32, #tpu.memory_space<vmem>> -> memref<400x64xf32, #tpu.memory_space<vmem>>
          tpu.vector_store_idx %scatter3A_1122[%add3A_708, %broadcast_in_dim3A_1117], %broadcast_in_dim3A_710 masked %eq3A_704 : memref<400x64xf32, #tpu.memory_space<vmem>>[vector<16xi32>, vector<16xi32>], vector<16xf32>, vector<16xi1>
          %broadcast_in_dim3A_1123 = arith.constant 59 : i32
          %broadcast_in_dim3A_1124 = vector.broadcast %broadcast_in_dim3A_1123 : i32 to vector<16xi32>
          %scatter3A_1125 = arith.constant 2 : i32
          %scatter3A_1126 = arith.constant 0 : i32
          %scatter3A_1127 = arith.constant 0 : i32
          %scatter3A_1128 = tpu.memref_slice %arg7[%scatter3A_1125, %scatter3A_1126, %scatter3A_1127] : memref<4x400x64xf32, #tpu.memory_space<vmem>> -> memref<1x400x64xf32, #tpu.memory_space<vmem>>
          %scatter3A_1129 = tpu.memref_squeeze %scatter3A_1128 : memref<1x400x64xf32, #tpu.memory_space<vmem>> -> memref<400x64xf32, #tpu.memory_space<vmem>>
          tpu.vector_store_idx %scatter3A_1129[%add3A_708, %broadcast_in_dim3A_1124], %broadcast_in_dim3A_710 masked %eq3A_704 : memref<400x64xf32, #tpu.memory_space<vmem>>[vector<16xi32>, vector<16xi32>], vector<16xf32>, vector<16xi1>
          %broadcast_in_dim3A_1130 = arith.constant 60 : i32
          %broadcast_in_dim3A_1131 = vector.broadcast %broadcast_in_dim3A_1130 : i32 to vector<16xi32>
          %scatter3A_1132 = arith.constant 2 : i32
          %scatter3A_1133 = arith.constant 0 : i32
          %scatter3A_1134 = arith.constant 0 : i32
          %scatter3A_1135 = tpu.memref_slice %arg7[%scatter3A_1132, %scatter3A_1133, %scatter3A_1134] : memref<4x400x64xf32, #tpu.memory_space<vmem>> -> memref<1x400x64xf32, #tpu.memory_space<vmem>>
          %scatter3A_1136 = tpu.memref_squeeze %scatter3A_1135 : memref<1x400x64xf32, #tpu.memory_space<vmem>> -> memref<400x64xf32, #tpu.memory_space<vmem>>
          tpu.vector_store_idx %scatter3A_1136[%add3A_708, %broadcast_in_dim3A_1131], %broadcast_in_dim3A_710 masked %eq3A_704 : memref<400x64xf32, #tpu.memory_space<vmem>>[vector<16xi32>, vector<16xi32>], vector<16xf32>, vector<16xi1>
          %broadcast_in_dim3A_1137 = arith.constant 61 : i32
          %broadcast_in_dim3A_1138 = vector.broadcast %broadcast_in_dim3A_1137 : i32 to vector<16xi32>
          %scatter3A_1139 = arith.constant 2 : i32
          %scatter3A_1140 = arith.constant 0 : i32
          %scatter3A_1141 = arith.constant 0 : i32
          %scatter3A_1142 = tpu.memref_slice %arg7[%scatter3A_1139, %scatter3A_1140, %scatter3A_1141] : memref<4x400x64xf32, #tpu.memory_space<vmem>> -> memref<1x400x64xf32, #tpu.memory_space<vmem>>
          %scatter3A_1143 = tpu.memref_squeeze %scatter3A_1142 : memref<1x400x64xf32, #tpu.memory_space<vmem>> -> memref<400x64xf32, #tpu.memory_space<vmem>>
          tpu.vector_store_idx %scatter3A_1143[%add3A_708, %broadcast_in_dim3A_1138], %broadcast_in_dim3A_710 masked %eq3A_704 : memref<400x64xf32, #tpu.memory_space<vmem>>[vector<16xi32>, vector<16xi32>], vector<16xf32>, vector<16xi1>
          %broadcast_in_dim3A_1144 = arith.constant 62 : i32
          %broadcast_in_dim3A_1145 = vector.broadcast %broadcast_in_dim3A_1144 : i32 to vector<16xi32>
          %scatter3A_1146 = arith.constant 2 : i32
          %scatter3A_1147 = arith.constant 0 : i32
          %scatter3A_1148 = arith.constant 0 : i32
          %scatter3A_1149 = tpu.memref_slice %arg7[%scatter3A_1146, %scatter3A_1147, %scatter3A_1148] : memref<4x400x64xf32, #tpu.memory_space<vmem>> -> memref<1x400x64xf32, #tpu.memory_space<vmem>>
          %scatter3A_1150 = tpu.memref_squeeze %scatter3A_1149 : memref<1x400x64xf32, #tpu.memory_space<vmem>> -> memref<400x64xf32, #tpu.memory_space<vmem>>
          tpu.vector_store_idx %scatter3A_1150[%add3A_708, %broadcast_in_dim3A_1145], %broadcast_in_dim3A_710 masked %eq3A_704 : memref<400x64xf32, #tpu.memory_space<vmem>>[vector<16xi32>, vector<16xi32>], vector<16xf32>, vector<16xi1>
          %broadcast_in_dim3A_1151 = arith.constant 63 : i32
          %broadcast_in_dim3A_1152 = vector.broadcast %broadcast_in_dim3A_1151 : i32 to vector<16xi32>
          %scatter3A_1153 = arith.constant 2 : i32
          %scatter3A_1154 = arith.constant 0 : i32
          %scatter3A_1155 = arith.constant 0 : i32
          %scatter3A_1156 = tpu.memref_slice %arg7[%scatter3A_1153, %scatter3A_1154, %scatter3A_1155] : memref<4x400x64xf32, #tpu.memory_space<vmem>> -> memref<1x400x64xf32, #tpu.memory_space<vmem>>
          %scatter3A_1157 = tpu.memref_squeeze %scatter3A_1156 : memref<1x400x64xf32, #tpu.memory_space<vmem>> -> memref<400x64xf32, #tpu.memory_space<vmem>>
          tpu.vector_store_idx %scatter3A_1157[%add3A_708, %broadcast_in_dim3A_1152], %broadcast_in_dim3A_710 masked %eq3A_704 : memref<400x64xf32, #tpu.memory_space<vmem>>[vector<16xi32>, vector<16xi32>], vector<16xf32>, vector<16xi1>
          %scan3A_1158 = arith.constant 0 : i32
          scf.yield %scan3A_1158 : i32
        }
        %scan3A_695 = arith.constant 25 : i32
      } else {
      }
      %scan3A_530 = arith.constant 0 : i32
      %scan3A_531 = arith.constant 0 : i32
      %scan3A_532 = arith.constant 200 : i32
      %scan3A_533 = arith.addi %scan3A_531, %scan3A_532 : i32
      %scan3A_534 = arith.constant 1 : i32
      %scan3A_535 = scf.for %scan3A_689 = %scan3A_531 to %scan3A_533 step %scan3A_534 iter_args(%scan3A_690 = %scan3A_530) -> (i32)  : i32 {
        %add3A_691 = arith.constant 0 : i32
        %add3A_692 = arith.addi %add3A_691, %scan3A_689 : i32
        %get3A = arith.constant 2 : i32
        %get3A_693 = arith.index_cast %get3A : i32 to index
        %get3A_694 = arith.index_cast %add3A_692 : i32 to index
        %get3A_695 = arith.constant 0 : index
        %get3A_696 = tpu.vector_load %arg7[%get3A_693, %get3A_694, %get3A_695] {strides = array<i32>} : memref<4x400x64xf32, #tpu.memory_space<vmem>>, vector<16xf32>,
        %get3A_697 = arith.index_cast %scan3A_689 : i32 to index
        %get3A_698 = arith.constant 0 : index
        %get3A_699 = tpu.vector_load %arg8[%get3A_697, %get3A_698] {strides = array<i32>} : memref<200x64xf32, #tpu.memory_space<vmem>>, vector<16xf32>,
        %add3A_700 = arith.addf %get3A_696, %get3A_699 : vector<16xf32>
        %swap3A = arith.constant 2 : i32
        %swap3A_701 = arith.index_cast %swap3A : i32 to index
        %swap3A_702 = arith.index_cast %add3A_692 : i32 to index
        %swap3A_703 = arith.constant 0 : index
        %swap3A_704 = tpu.vector_load %arg7[%swap3A_701, %swap3A_702, %swap3A_703] {strides = array<i32>} : memref<4x400x64xf32, #tpu.memory_space<vmem>>, vector<16xf32>,
        tpu.vector_store %arg7[%swap3A_701, %swap3A_702, %swap3A_703], %add3A_700 {strides = array<i32>} : memref<4x400x64xf32, #tpu.memory_space<vmem>>, vector<16xf32>,
        %add3A_705 = arith.constant 0 : i32
        %add3A_706 = arith.addi %add3A_705, %scan3A_689 : i32
        %get3A_707 = arith.constant 2 : i32
        %get3A_708 = arith.index_cast %get3A_707 : i32 to index
        %get3A_709 = arith.index_cast %add3A_706 : i32 to index
        %get3A_710 = arith.constant 16 : index
        %get3A_711 = tpu.vector_load %arg7[%get3A_708, %get3A_709, %get3A_710] {strides = array<i32>} : memref<4x400x64xf32, #tpu.memory_space<vmem>>, vector<16xf32>,
        %get3A_712 = arith.index_cast %scan3A_689 : i32 to index
        %get3A_713 = arith.constant 16 : index
        %get3A_714 = tpu.vector_load %arg8[%get3A_712, %get3A_713] {strides = array<i32>} : memref<200x64xf32, #tpu.memory_space<vmem>>, vector<16xf32>,
        %add3A_715 = arith.addf %get3A_711, %get3A_714 : vector<16xf32>
        %swap3A_716 = arith.constant 2 : i32
        %swap3A_717 = arith.index_cast %swap3A_716 : i32 to index
        %swap3A_718 = arith.index_cast %add3A_706 : i32 to index
        %swap3A_719 = arith.constant 16 : index
        %swap3A_720 = tpu.vector_load %arg7[%swap3A_717, %swap3A_718, %swap3A_719] {strides = array<i32>} : memref<4x400x64xf32, #tpu.memory_space<vmem>>, vector<16xf32>,
        tpu.vector_store %arg7[%swap3A_717, %swap3A_718, %swap3A_719], %add3A_715 {strides = array<i32>} : memref<4x400x64xf32, #tpu.memory_space<vmem>>, vector<16xf32>,
        %add3A_721 = arith.constant 0 : i32
        %add3A_722 = arith.addi %add3A_721, %scan3A_689 : i32
        %get3A_723 = arith.constant 2 : i32
        %get3A_724 = arith.index_cast %get3A_723 : i32 to index
        %get3A_725 = arith.index_cast %add3A_722 : i32 to index
        %get3A_726 = arith.constant 32 : index
        %get3A_727 = tpu.vector_load %arg7[%get3A_724, %get3A_725, %get3A_726] {strides = array<i32>} : memref<4x400x64xf32, #tpu.memory_space<vmem>>, vector<16xf32>,
        %get3A_728 = arith.index_cast %scan3A_689 : i32 to index
        %get3A_729 = arith.constant 32 : index
        %get3A_730 = tpu.vector_load %arg8[%get3A_728, %get3A_729] {strides = array<i32>} : memref<200x64xf32, #tpu.memory_space<vmem>>, vector<16xf32>,
        %add3A_731 = arith.addf %get3A_727, %get3A_730 : vector<16xf32>
        %swap3A_732 = arith.constant 2 : i32
        %swap3A_733 = arith.index_cast %swap3A_732 : i32 to index
        %swap3A_734 = arith.index_cast %add3A_722 : i32 to index
        %swap3A_735 = arith.constant 32 : index
        %swap3A_736 = tpu.vector_load %arg7[%swap3A_733, %swap3A_734, %swap3A_735] {strides = array<i32>} : memref<4x400x64xf32, #tpu.memory_space<vmem>>, vector<16xf32>,
        tpu.vector_store %arg7[%swap3A_733, %swap3A_734, %swap3A_735], %add3A_731 {strides = array<i32>} : memref<4x400x64xf32, #tpu.memory_space<vmem>>, vector<16xf32>,
        %add3A_737 = arith.constant 0 : i32
        %add3A_738 = arith.addi %add3A_737, %scan3A_689 : i32
        %get3A_739 = arith.constant 2 : i32
        %get3A_740 = arith.index_cast %get3A_739 : i32 to index
        %get3A_741 = arith.index_cast %add3A_738 : i32 to index
        %get3A_742 = arith.constant 48 : index
        %get3A_743 = tpu.vector_load %arg7[%get3A_740, %get3A_741, %get3A_742] {strides = array<i32>} : memref<4x400x64xf32, #tpu.memory_space<vmem>>, vector<16xf32>,
        %get3A_744 = arith.index_cast %scan3A_689 : i32 to index
        %get3A_745 = arith.constant 48 : index
        %get3A_746 = tpu.vector_load %arg8[%get3A_744, %get3A_745] {strides = array<i32>} : memref<200x64xf32, #tpu.memory_space<vmem>>, vector<16xf32>,
        %add3A_747 = arith.addf %get3A_743, %get3A_746 : vector<16xf32>
        %swap3A_748 = arith.constant 2 : i32
        %swap3A_749 = arith.index_cast %swap3A_748 : i32 to index
        %swap3A_750 = arith.index_cast %add3A_738 : i32 to index
        %swap3A_751 = arith.constant 48 : index
        %swap3A_752 = tpu.vector_load %arg7[%swap3A_749, %swap3A_750, %swap3A_751] {strides = array<i32>} : memref<4x400x64xf32, #tpu.memory_space<vmem>>, vector<16xf32>,
        tpu.vector_store %arg7[%swap3A_749, %swap3A_750, %swap3A_751], %add3A_747 {strides = array<i32>} : memref<4x400x64xf32, #tpu.memory_space<vmem>>, vector<16xf32>,
        %add3A_753 = arith.constant 200 : i32
        %add3A_754 = arith.addi %add3A_753, %scan3A_689 : i32
        %get3A_755 = arith.constant 2 : i32
        %get3A_756 = arith.index_cast %get3A_755 : i32 to index
        %get3A_757 = arith.index_cast %add3A_754 : i32 to index
        %get3A_758 = arith.constant 0 : index
        %get3A_759 = tpu.vector_load %arg7[%get3A_756, %get3A_757, %get3A_758] {strides = array<i32>} : memref<4x400x64xf32, #tpu.memory_space<vmem>>, vector<16xf32>,
        %get3A_760 = arith.index_cast %scan3A_689 : i32 to index
        %get3A_761 = arith.constant 0 : index
        %get3A_762 = tpu.vector_load %arg8[%get3A_760, %get3A_761] {strides = array<i32>} : memref<200x64xf32, #tpu.memory_space<vmem>>, vector<16xf32>,
        %add3A_763 = arith.addf %get3A_759, %get3A_762 : vector<16xf32>
        %swap3A_764 = arith.constant 2 : i32
        %swap3A_765 = arith.index_cast %swap3A_764 : i32 to index
        %swap3A_766 = arith.index_cast %add3A_754 : i32 to index
        %swap3A_767 = arith.constant 0 : index
        %swap3A_768 = tpu.vector_load %arg7[%swap3A_765, %swap3A_766, %swap3A_767] {strides = array<i32>} : memref<4x400x64xf32, #tpu.memory_space<vmem>>, vector<16xf32>,
        tpu.vector_store %arg7[%swap3A_765, %swap3A_766, %swap3A_767], %add3A_763 {strides = array<i32>} : memref<4x400x64xf32, #tpu.memory_space<vmem>>, vector<16xf32>,
        %add3A_769 = arith.constant 200 : i32
        %add3A_770 = arith.addi %add3A_769, %scan3A_689 : i32
        %get3A_771 = arith.constant 2 : i32
        %get3A_772 = arith.index_cast %get3A_771 : i32 to index
        %get3A_773 = arith.index_cast %add3A_770 : i32 to index
        %get3A_774 = arith.constant 16 : index
        %get3A_775 = tpu.vector_load %arg7[%get3A_772, %get3A_773, %get3A_774] {strides = array<i32>} : memref<4x400x64xf32, #tpu.memory_space<vmem>>, vector<16xf32>,
        %get3A_776 = arith.index_cast %scan3A_689 : i32 to index
        %get3A_777 = arith.constant 16 : index
        %get3A_778 = tpu.vector_load %arg8[%get3A_776, %get3A_777] {strides = array<i32>} : memref<200x64xf32, #tpu.memory_space<vmem>>, vector<16xf32>,
        %add3A_779 = arith.addf %get3A_775, %get3A_778 : vector<16xf32>
        %swap3A_780 = arith.constant 2 : i32
        %swap3A_781 = arith.index_cast %swap3A_780 : i32 to index
        %swap3A_782 = arith.index_cast %add3A_770 : i32 to index
        %swap3A_783 = arith.constant 16 : index
        %swap3A_784 = tpu.vector_load %arg7[%swap3A_781, %swap3A_782, %swap3A_783] {strides = array<i32>} : memref<4x400x64xf32, #tpu.memory_space<vmem>>, vector<16xf32>,
        tpu.vector_store %arg7[%swap3A_781, %swap3A_782, %swap3A_783], %add3A_779 {strides = array<i32>} : memref<4x400x64xf32, #tpu.memory_space<vmem>>, vector<16xf32>,
        %add3A_785 = arith.constant 200 : i32
        %add3A_786 = arith.addi %add3A_785, %scan3A_689 : i32
        %get3A_787 = arith.constant 2 : i32
        %get3A_788 = arith.index_cast %get3A_787 : i32 to index
        %get3A_789 = arith.index_cast %add3A_786 : i32 to index
        %get3A_790 = arith.constant 32 : index
        %get3A_791 = tpu.vector_load %arg7[%get3A_788, %get3A_789, %get3A_790] {strides = array<i32>} : memref<4x400x64xf32, #tpu.memory_space<vmem>>, vector<16xf32>,
        %get3A_792 = arith.index_cast %scan3A_689 : i32 to index
        %get3A_793 = arith.constant 32 : index
        %get3A_794 = tpu.vector_load %arg8[%get3A_792, %get3A_793] {strides = array<i32>} : memref<200x64xf32, #tpu.memory_space<vmem>>, vector<16xf32>,
        %add3A_795 = arith.addf %get3A_791, %get3A_794 : vector<16xf32>
        %swap3A_796 = arith.constant 2 : i32
        %swap3A_797 = arith.index_cast %swap3A_796 : i32 to index
        %swap3A_798 = arith.index_cast %add3A_786 : i32 to index
        %swap3A_799 = arith.constant 32 : index
        %swap3A_800 = tpu.vector_load %arg7[%swap3A_797, %swap3A_798, %swap3A_799] {strides = array<i32>} : memref<4x400x64xf32, #tpu.memory_space<vmem>>, vector<16xf32>,
        tpu.vector_store %arg7[%swap3A_797, %swap3A_798, %swap3A_799], %add3A_795 {strides = array<i32>} : memref<4x400x64xf32, #tpu.memory_space<vmem>>, vector<16xf32>,
        %add3A_801 = arith.constant 200 : i32
        %add3A_802 = arith.addi %add3A_801, %scan3A_689 : i32
        %get3A_803 = arith.constant 2 : i32
        %get3A_804 = arith.index_cast %get3A_803 : i32 to index
        %get3A_805 = arith.index_cast %add3A_802 : i32 to index
        %get3A_806 = arith.constant 48 : index
        %get3A_807 = tpu.vector_load %arg7[%get3A_804, %get3A_805, %get3A_806] {strides = array<i32>} : memref<4x400x64xf32, #tpu.memory_space<vmem>>, vector<16xf32>,
        %get3A_808 = arith.index_cast %scan3A_689 : i32 to index
        %get3A_809 = arith.constant 48 : index
        %get3A_810 = tpu.vector_load %arg8[%get3A_808, %get3A_809] {strides = array<i32>} : memref<200x64xf32, #tpu.memory_space<vmem>>, vector<16xf32>,
        %add3A_811 = arith.addf %get3A_807, %get3A_810 : vector<16xf32>
        %swap3A_812 = arith.constant 2 : i32
        %swap3A_813 = arith.index_cast %swap3A_812 : i32 to index
        %swap3A_814 = arith.index_cast %add3A_802 : i32 to index
        %swap3A_815 = arith.constant 48 : index
        %swap3A_816 = tpu.vector_load %arg7[%swap3A_813, %swap3A_814, %swap3A_815] {strides = array<i32>} : memref<4x400x64xf32, #tpu.memory_space<vmem>>, vector<16xf32>,
        tpu.vector_store %arg7[%swap3A_813, %swap3A_814, %swap3A_815], %add3A_811 {strides = array<i32>} : memref<4x400x64xf32, #tpu.memory_space<vmem>>, vector<16xf32>,
        %scan3A_817 = arith.constant 0 : i32
        scf.yield %scan3A_817 : i32
      }
      %scan3A_536 = arith.constant 200 : i32
      %mul3A_537 = arith.constant 400 : i32
      %mul3A_538 = arith.muli %add3A_421, %mul3A_537 : i32
      %add3A_539 = arith.addi %mul3A_2, %mul3A_538 : i32
      %dma_start3A_540 = arith.constant 2 : i32
      %dma_start3A_541 = arith.constant 0 : i32
      %dma_start3A_542 = arith.constant 0 : i32
      %dma_start3A_543 = tpu.memref_slice %arg7[%dma_start3A_540, %dma_start3A_541, %dma_start3A_542] : memref<4x400x64xf32, #tpu.memory_space<vmem>> -> memref<1x400x64xf32, #tpu.memory_space<vmem>>
      %dma_start3A_544 = tpu.memref_squeeze %dma_start3A_543 : memref<1x400x64xf32, #tpu.memory_space<vmem>> -> memref<400x64xf32, #tpu.memory_space<vmem>>
      %dma_start3A_545 = arith.constant 0 : i32
      %dma_start3A_546 = tpu.memref_slice %arg5[%add3A_539, %dma_start3A_545] : memref<819200x64xf32, #tpu.memory_space<hbm>> -> memref<400x64xf32, #tpu.memory_space<hbm>>
      %dma_start3A_547 = arith.constant 0 : i32
      %dma_start3A_548 = tpu.memref_slice %arg5[%add3A_539, %dma_start3A_547] : memref<819200x64xf32, #tpu.memory_space<hbm>> -> memref<400x64xf32, #tpu.memory_space<hbm>>
      %dma_start3A_549 = arith.constant 0 : i32
      %dma_start3A_550 = arith.constant 0 : i32
      %dma_start3A_551 = tpu.memref_slice %arg7[%dma_start3A_540, %dma_start3A_549, %dma_start3A_550] : memref<4x400x64xf32, #tpu.memory_space<vmem>> -> memref<1x400x64xf32, #tpu.memory_space<vmem>>
      %dma_start3A_552 = tpu.memref_squeeze %dma_start3A_551 : memref<1x400x64xf32, #tpu.memory_space<vmem>> -> memref<400x64xf32, #tpu.memory_space<vmem>>
      tpu.enqueue_dma source(%dma_start3A_552 : memref<400x64xf32, #tpu.memory_space<vmem>>) target(%dma_start3A_548 : memref<400x64xf32, #tpu.memory_space<hbm>>) target_semaphore(%arg15 : memref<!tpu.dma_semaphore, #tpu.memory_space<semaphore_mem>>)
      %mul3A_553 = arith.constant 4 : i32
      %mul3A_554 = arith.muli %scan3A_154, %mul3A_553 : i32
      %add3A_555 = arith.constant 3 : i32
      %add3A_556 = arith.addi %mul3A_554, %add3A_555 : i32
      %add3A_557 = arith.constant 1 : i32
      %add3A_558 = arith.addi %add3A_556, %add3A_557 : i32
      %lt3A_559 = arith.constant 64 : i32
      %lt3A_560 = arith.cmpi slt, %add3A_558, %lt3A_559 : i32
      %convert_element_type3A_561 = arith.extui %lt3A_560 : i1 to i32
      %cond3A_562 = arith.constant 0 : i32
      %cond3A_563 = arith.cmpi ne, %convert_element_type3A_561, %cond3A_562 : i32
      scf.if %cond3A_563 {
        %ge3A = arith.constant 3 : i32
        %ge3A_689 = arith.cmpi sge, %add3A_556, %ge3A : i32
        %convert_element_type3A_690 = arith.extui %ge3A_689 : i1 to i32
        %cond3A_691 = arith.constant 0 : i32
        %cond3A_692 = arith.cmpi ne, %convert_element_type3A_690, %cond3A_691 : i32
        scf.if %cond3A_692 {
          %sub3A = arith.constant 3 : i32
          %sub3A_784 = arith.subi %add3A_556, %sub3A : i32
          %mul3A_785 = arith.constant 400 : i32
          %mul3A_786 = arith.muli %sub3A_784, %mul3A_785 : i32
          %add3A_787 = arith.addi %mul3A_2, %mul3A_786 : i32
          %dma_wait3A_788 = arith.constant 0 : i32
          %dma_wait3A_789 = arith.constant 0 : i32
          %dma_wait3A_790 = arith.constant 0 : i32
          %dma_wait3A_791 = tpu.memref_slice %arg7[%dma_wait3A_788, %dma_wait3A_789, %dma_wait3A_790] : memref<4x400x64xf32, #tpu.memory_space<vmem>> -> memref<1x400x64xf32, #tpu.memory_space<vmem>>
          %dma_wait3A_792 = tpu.memref_squeeze %dma_wait3A_791 : memref<1x400x64xf32, #tpu.memory_space<vmem>> -> memref<400x64xf32, #tpu.memory_space<vmem>>
          %dma_wait3A_793 = arith.constant 0 : i32
          %dma_wait3A_794 = tpu.memref_slice %arg5[%add3A_787, %dma_wait3A_793] : memref<819200x64xf32, #tpu.memory_space<hbm>> -> memref<400x64xf32, #tpu.memory_space<hbm>>
          %dma_wait3A_795 = arith.constant 0 : i32
          %dma_wait3A_796 = tpu.memref_slice %arg5[%add3A_787, %dma_wait3A_795] : memref<819200x64xf32, #tpu.memory_space<hbm>> -> memref<400x64xf32, #tpu.memory_space<hbm>>
          %dma_wait3A_797 = arith.constant 0 : i32
          %dma_wait3A_798 = arith.constant 0 : i32
          %dma_wait3A_799 = tpu.memref_slice %arg7[%dma_wait3A_788, %dma_wait3A_797, %dma_wait3A_798] : memref<4x400x64xf32, #tpu.memory_space<vmem>> -> memref<1x400x64xf32, #tpu.memory_space<vmem>>
          %dma_wait3A_800 = tpu.memref_squeeze %dma_wait3A_799 : memref<1x400x64xf32, #tpu.memory_space<vmem>> -> memref<400x64xf32, #tpu.memory_space<vmem>>
          tpu.wait_dma2 semaphore(%arg13 : memref<!tpu.dma_semaphore, #tpu.memory_space<semaphore_mem>>) src(%dma_wait3A_800 : memref<400x64xf32, #tpu.memory_space<vmem>>) dst(%dma_wait3A_796 : memref<400x64xf32, #tpu.memory_space<hbm>>)
        } else {
        }
        %add3A_693 = arith.constant 1 : i32
        %add3A_694 = arith.addi %add3A_556, %add3A_693 : i32
        %mul3A_695 = arith.constant 400 : i32
        %mul3A_696 = arith.muli %add3A_694, %mul3A_695 : i32
        %add3A_697 = arith.addi %mul3A_2, %mul3A_696 : i32
        %run_scoped3A_698 = arith.constant 0 : i32
        "tpu.region"() ({
          %run_scoped3A_784 = tpu.sem_alloc : memref<!tpu.dma_semaphore, #tpu.memory_space<semaphore_mem>>
          %dma_start3A_785 = arith.constant 0 : i32
          %dma_start3A_786 = tpu.memref_slice %arg6[%run_scoped3A_698, %dma_start3A_785] : memref<4x400xi32, #tpu.memory_space<vmem>> -> memref<1x400xi32, #tpu.memory_space<vmem>>
          %dma_start3A_787 = tpu.memref_squeeze %dma_start3A_786 : memref<1x400xi32, #tpu.memory_space<vmem>> -> memref<400xi32, #tpu.memory_space<vmem>>
          %dma_start3A_788 = tpu.memref_slice %arg2[%add3A_697] : memref<819200xi32, #tpu.memory_space<hbm>> -> memref<400xi32, #tpu.memory_space<hbm>>
          %dma_start3A_789 = arith.constant 0 : i32
          %dma_start3A_790 = tpu.memref_slice %arg6[%run_scoped3A_698, %dma_start3A_789] : memref<4x400xi32, #tpu.memory_space<vmem>> -> memref<1x400xi32, #tpu.memory_space<vmem>>
          %dma_start3A_791 = tpu.memref_squeeze %dma_start3A_790 : memref<1x400xi32, #tpu.memory_space<vmem>> -> memref<400xi32, #tpu.memory_space<vmem>>
          %dma_start3A_792 = tpu.memref_slice %arg2[%add3A_697] : memref<819200xi32, #tpu.memory_space<hbm>> -> memref<400xi32, #tpu.memory_space<hbm>>
          tpu.enqueue_dma source(%dma_start3A_792 : memref<400xi32, #tpu.memory_space<hbm>>) target(%dma_start3A_791 : memref<400xi32, #tpu.memory_space<vmem>>) target_semaphore(%run_scoped3A_784 : memref<!tpu.dma_semaphore, #tpu.memory_space<semaphore_mem>>)
          %dma_wait3A_793 = arith.constant 0 : i32
          %dma_wait3A_794 = tpu.memref_slice %arg6[%run_scoped3A_698, %dma_wait3A_793] : memref<4x400xi32, #tpu.memory_space<vmem>> -> memref<1x400xi32, #tpu.memory_space<vmem>>
          %dma_wait3A_795 = tpu.memref_squeeze %dma_wait3A_794 : memref<1x400xi32, #tpu.memory_space<vmem>> -> memref<400xi32, #tpu.memory_space<vmem>>
          %dma_wait3A_796 = tpu.memref_slice %arg2[%add3A_697] : memref<819200xi32, #tpu.memory_space<hbm>> -> memref<400xi32, #tpu.memory_space<hbm>>
          %dma_wait3A_797 = arith.constant 0 : i32
          %dma_wait3A_798 = tpu.memref_slice %arg6[%run_scoped3A_698, %dma_wait3A_797] : memref<4x400xi32, #tpu.memory_space<vmem>> -> memref<1x400xi32, #tpu.memory_space<vmem>>
          %dma_wait3A_799 = tpu.memref_squeeze %dma_wait3A_798 : memref<1x400xi32, #tpu.memory_space<vmem>> -> memref<400xi32, #tpu.memory_space<vmem>>
          %dma_wait3A_800 = tpu.memref_slice %arg2[%add3A_697] : memref<819200xi32, #tpu.memory_space<hbm>> -> memref<400xi32, #tpu.memory_space<hbm>>
          tpu.wait_dma2 semaphore(%run_scoped3A_784 : memref<!tpu.dma_semaphore, #tpu.memory_space<semaphore_mem>>) src(%dma_wait3A_800 : memref<400xi32, #tpu.memory_space<hbm>>) dst(%dma_wait3A_799 : memref<400xi32, #tpu.memory_space<vmem>>)
          tpu.yield
        }) : () -> ()
        %dma_start3A_699 = arith.constant 0 : i32
        %dma_start3A_700 = arith.constant 0 : i32
        %dma_start3A_701 = arith.constant 0 : i32
        %dma_start3A_702 = arith.constant 0 : i32
        %dma_start3A_703 = tpu.memref_slice %arg7[%dma_start3A_700, %dma_start3A_701, %dma_start3A_702] : memref<4x400x64xf32, #tpu.memory_space<vmem>> -> memref<1x400x64xf32, #tpu.memory_space<vmem>>
        %dma_start3A_704 = tpu.memref_squeeze %dma_start3A_703 : memref<1x400x64xf32, #tpu.memory_space<vmem>> -> memref<400x64xf32, #tpu.memory_space<vmem>>
        %dma_start3A_705 = arith.constant 0 : i32
        %dma_start3A_706 = arith.constant 0 : i32
        %dma_start3A_707 = tpu.memref_slice %dma_start3A_704[%dma_start3A_705, %dma_start3A_706] : memref<400x64xf32, #tpu.memory_space<vmem>> -> memref<80x64xf32, #tpu.memory_space<vmem>>
        %dma_start3A_708 = arith.constant 0 : i32
        %dma_start3A_709 = tpu.memref_slice %arg6[%dma_start3A_699, %dma_start3A_708] : memref<4x400xi32, #tpu.memory_space<vmem>> -> memref<1x400xi32, #tpu.memory_space<vmem>>
        %dma_start3A_710 = tpu.memref_squeeze %dma_start3A_709 : memref<1x400xi32, #tpu.memory_space<vmem>> -> memref<400xi32, #tpu.memory_space<vmem>>
        %dma_start3A_711 = arith.constant 0 : i32
        %dma_start3A_712 = tpu.memref_slice %dma_start3A_710[%dma_start3A_711] : memref<400xi32, #tpu.memory_space<vmem>> -> memref<80xi32, #tpu.memory_space<vmem>>
        %dma_start3A_713 = arith.constant 0 : i32
        %dma_start3A_714 = arith.constant 0 : i32
        %dma_start3A_715 = tpu.memref_slice %arg3[%dma_start3A_713, %dma_start3A_714] : memref<100000x64xf32, #tpu.memory_space<hbm>> -> memref<100000x64xf32, #tpu.memory_space<hbm>>
        tpu.enqueue_indirect_dma source(%dma_start3A_715 : memref<100000x64xf32, #tpu.memory_space<hbm>>) target(%dma_start3A_707 : memref<80x64xf32, #tpu.memory_space<vmem>>) offsets(%dma_start3A_712 : memref<80xi32, #tpu.memory_space<vmem>>) semaphore(%arg9 : memref<!tpu.dma_semaphore, #tpu.memory_space<semaphore_mem>>)
        %dma_start3A_716 = arith.constant 0 : i32
        %dma_start3A_717 = arith.constant 0 : i32
        %dma_start3A_718 = arith.constant 0 : i32
        %dma_start3A_719 = arith.constant 0 : i32
        %dma_start3A_720 = tpu.memref_slice %arg7[%dma_start3A_717, %dma_start3A_718, %dma_start3A_719] : memref<4x400x64xf32, #tpu.memory_space<vmem>> -> memref<1x400x64xf32, #tpu.memory_space<vmem>>
        %dma_start3A_721 = tpu.memref_squeeze %dma_start3A_720 : memref<1x400x64xf32, #tpu.memory_space<vmem>> -> memref<400x64xf32, #tpu.memory_space<vmem>>
        %dma_start3A_722 = arith.constant 80 : i32
        %dma_start3A_723 = arith.constant 0 : i32
        %dma_start3A_724 = tpu.memref_slice %dma_start3A_721[%dma_start3A_722, %dma_start3A_723] : memref<400x64xf32, #tpu.memory_space<vmem>> -> memref<80x64xf32, #tpu.memory_space<vmem>>
        %dma_start3A_725 = arith.constant 0 : i32
        %dma_start3A_726 = tpu.memref_slice %arg6[%dma_start3A_716, %dma_start3A_725] : memref<4x400xi32, #tpu.memory_space<vmem>> -> memref<1x400xi32, #tpu.memory_space<vmem>>
        %dma_start3A_727 = tpu.memref_squeeze %dma_start3A_726 : memref<1x400xi32, #tpu.memory_space<vmem>> -> memref<400xi32, #tpu.memory_space<vmem>>
        %dma_start3A_728 = arith.constant 80 : i32
        %dma_start3A_729 = tpu.memref_slice %dma_start3A_727[%dma_start3A_728] : memref<400xi32, #tpu.memory_space<vmem>> -> memref<80xi32, #tpu.memory_space<vmem>>
        %dma_start3A_730 = arith.constant 0 : i32
        %dma_start3A_731 = arith.constant 0 : i32
        %dma_start3A_732 = tpu.memref_slice %arg3[%dma_start3A_730, %dma_start3A_731] : memref<100000x64xf32, #tpu.memory_space<hbm>> -> memref<100000x64xf32, #tpu.memory_space<hbm>>
        tpu.enqueue_indirect_dma source(%dma_start3A_732 : memref<100000x64xf32, #tpu.memory_space<hbm>>) target(%dma_start3A_724 : memref<80x64xf32, #tpu.memory_space<vmem>>) offsets(%dma_start3A_729 : memref<80xi32, #tpu.memory_space<vmem>>) semaphore(%arg9 : memref<!tpu.dma_semaphore, #tpu.memory_space<semaphore_mem>>)
        %dma_start3A_733 = arith.constant 0 : i32
        %dma_start3A_734 = arith.constant 0 : i32
        %dma_start3A_735 = arith.constant 0 : i32
        %dma_start3A_736 = arith.constant 0 : i32
        %dma_start3A_737 = tpu.memref_slice %arg7[%dma_start3A_734, %dma_start3A_735, %dma_start3A_736] : memref<4x400x64xf32, #tpu.memory_space<vmem>> -> memref<1x400x64xf32, #tpu.memory_space<vmem>>
        %dma_start3A_738 = tpu.memref_squeeze %dma_start3A_737 : memref<1x400x64xf32, #tpu.memory_space<vmem>> -> memref<400x64xf32, #tpu.memory_space<vmem>>
        %dma_start3A_739 = arith.constant 160 : i32
        %dma_start3A_740 = arith.constant 0 : i32
        %dma_start3A_741 = tpu.memref_slice %dma_start3A_738[%dma_start3A_739, %dma_start3A_740] : memref<400x64xf32, #tpu.memory_space<vmem>> -> memref<80x64xf32, #tpu.memory_space<vmem>>
        %dma_start3A_742 = arith.constant 0 : i32
        %dma_start3A_743 = tpu.memref_slice %arg6[%dma_start3A_733, %dma_start3A_742] : memref<4x400xi32, #tpu.memory_space<vmem>> -> memref<1x400xi32, #tpu.memory_space<vmem>>
        %dma_start3A_744 = tpu.memref_squeeze %dma_start3A_743 : memref<1x400xi32, #tpu.memory_space<vmem>> -> memref<400xi32, #tpu.memory_space<vmem>>
        %dma_start3A_745 = arith.constant 160 : i32
        %dma_start3A_746 = tpu.memref_slice %dma_start3A_744[%dma_start3A_745] : memref<400xi32, #tpu.memory_space<vmem>> -> memref<80xi32, #tpu.memory_space<vmem>>
        %dma_start3A_747 = arith.constant 0 : i32
        %dma_start3A_748 = arith.constant 0 : i32
        %dma_start3A_749 = tpu.memref_slice %arg3[%dma_start3A_747, %dma_start3A_748] : memref<100000x64xf32, #tpu.memory_space<hbm>> -> memref<100000x64xf32, #tpu.memory_space<hbm>>
        tpu.enqueue_indirect_dma source(%dma_start3A_749 : memref<100000x64xf32, #tpu.memory_space<hbm>>) target(%dma_start3A_741 : memref<80x64xf32, #tpu.memory_space<vmem>>) offsets(%dma_start3A_746 : memref<80xi32, #tpu.memory_space<vmem>>) semaphore(%arg9 : memref<!tpu.dma_semaphore, #tpu.memory_space<semaphore_mem>>)
        %dma_start3A_750 = arith.constant 0 : i32
        %dma_start3A_751 = arith.constant 0 : i32
        %dma_start3A_752 = arith.constant 0 : i32
        %dma_start3A_753 = arith.constant 0 : i32
        %dma_start3A_754 = tpu.memref_slice %arg7[%dma_start3A_751, %dma_start3A_752, %dma_start3A_753] : memref<4x400x64xf32, #tpu.memory_space<vmem>> -> memref<1x400x64xf32, #tpu.memory_space<vmem>>
        %dma_start3A_755 = tpu.memref_squeeze %dma_start3A_754 : memref<1x400x64xf32, #tpu.memory_space<vmem>> -> memref<400x64xf32, #tpu.memory_space<vmem>>
        %dma_start3A_756 = arith.constant 240 : i32
        %dma_start3A_757 = arith.constant 0 : i32
        %dma_start3A_758 = tpu.memref_slice %dma_start3A_755[%dma_start3A_756, %dma_start3A_757] : memref<400x64xf32, #tpu.memory_space<vmem>> -> memref<80x64xf32, #tpu.memory_space<vmem>>
        %dma_start3A_759 = arith.constant 0 : i32
        %dma_start3A_760 = tpu.memref_slice %arg6[%dma_start3A_750, %dma_start3A_759] : memref<4x400xi32, #tpu.memory_space<vmem>> -> memref<1x400xi32, #tpu.memory_space<vmem>>
        %dma_start3A_761 = tpu.memref_squeeze %dma_start3A_760 : memref<1x400xi32, #tpu.memory_space<vmem>> -> memref<400xi32, #tpu.memory_space<vmem>>
        %dma_start3A_762 = arith.constant 240 : i32
        %dma_start3A_763 = tpu.memref_slice %dma_start3A_761[%dma_start3A_762] : memref<400xi32, #tpu.memory_space<vmem>> -> memref<80xi32, #tpu.memory_space<vmem>>
        %dma_start3A_764 = arith.constant 0 : i32
        %dma_start3A_765 = arith.constant 0 : i32
        %dma_start3A_766 = tpu.memref_slice %arg3[%dma_start3A_764, %dma_start3A_765] : memref<100000x64xf32, #tpu.memory_space<hbm>> -> memref<100000x64xf32, #tpu.memory_space<hbm>>
        tpu.enqueue_indirect_dma source(%dma_start3A_766 : memref<100000x64xf32, #tpu.memory_space<hbm>>) target(%dma_start3A_758 : memref<80x64xf32, #tpu.memory_space<vmem>>) offsets(%dma_start3A_763 : memref<80xi32, #tpu.memory_space<vmem>>) semaphore(%arg9 : memref<!tpu.dma_semaphore, #tpu.memory_space<semaphore_mem>>)
        %dma_start3A_767 = arith.constant 0 : i32
        %dma_start3A_768 = arith.constant 0 : i32
        %dma_start3A_769 = arith.constant 0 : i32
        %dma_start3A_770 = arith.constant 0 : i32
        %dma_start3A_771 = tpu.memref_slice %arg7[%dma_start3A_768, %dma_start3A_769, %dma_start3A_770] : memref<4x400x64xf32, #tpu.memory_space<vmem>> -> memref<1x400x64xf32, #tpu.memory_space<vmem>>
        %dma_start3A_772 = tpu.memref_squeeze %dma_start3A_771 : memref<1x400x64xf32, #tpu.memory_space<vmem>> -> memref<400x64xf32, #tpu.memory_space<vmem>>
        %dma_start3A_773 = arith.constant 320 : i32
        %dma_start3A_774 = arith.constant 0 : i32
        %dma_start3A_775 = tpu.memref_slice %dma_start3A_772[%dma_start3A_773, %dma_start3A_774] : memref<400x64xf32, #tpu.memory_space<vmem>> -> memref<80x64xf32, #tpu.memory_space<vmem>>
        %dma_start3A_776 = arith.constant 0 : i32
        %dma_start3A_777 = tpu.memref_slice %arg6[%dma_start3A_767, %dma_start3A_776] : memref<4x400xi32, #tpu.memory_space<vmem>> -> memref<1x400xi32, #tpu.memory_space<vmem>>
        %dma_start3A_778 = tpu.memref_squeeze %dma_start3A_777 : memref<1x400xi32, #tpu.memory_space<vmem>> -> memref<400xi32, #tpu.memory_space<vmem>>
        %dma_start3A_779 = arith.constant 320 : i32
        %dma_start3A_780 = tpu.memref_slice %dma_start3A_778[%dma_start3A_779] : memref<400xi32, #tpu.memory_space<vmem>> -> memref<80xi32, #tpu.memory_space<vmem>>
        %dma_start3A_781 = arith.constant 0 : i32
        %dma_start3A_782 = arith.constant 0 : i32
        %dma_start3A_783 = tpu.memref_slice %arg3[%dma_start3A_781, %dma_start3A_782] : memref<100000x64xf32, #tpu.memory_space<hbm>> -> memref<100000x64xf32, #tpu.memory_space<hbm>>
        tpu.enqueue_indirect_dma source(%dma_start3A_783 : memref<100000x64xf32, #tpu.memory_space<hbm>>) target(%dma_start3A_775 : memref<80x64xf32, #tpu.memory_space<vmem>>) offsets(%dma_start3A_780 : memref<80xi32, #tpu.memory_space<vmem>>) semaphore(%arg9 : memref<!tpu.dma_semaphore, #tpu.memory_space<semaphore_mem>>)
      } else {
      }
      %dma_wait3A_564 = arith.constant 3 : i32
      %dma_wait3A_565 = arith.constant 3 : i32
      %dma_wait3A_566 = arith.constant 0 : i32
      %dma_wait3A_567 = arith.constant 0 : i32
      %dma_wait3A_568 = tpu.memref_slice %arg7[%dma_wait3A_565, %dma_wait3A_566, %dma_wait3A_567] : memref<4x400x64xf32, #tpu.memory_space<vmem>> -> memref<1x400x64xf32, #tpu.memory_space<vmem>>
      %dma_wait3A_569 = tpu.memref_squeeze %dma_wait3A_568 : memref<1x400x64xf32, #tpu.memory_space<vmem>> -> memref<400x64xf32, #tpu.memory_space<vmem>>
      %dma_wait3A_570 = arith.constant 0 : i32
      %dma_wait3A_571 = arith.constant 0 : i32
      %dma_wait3A_572 = tpu.memref_slice %dma_wait3A_569[%dma_wait3A_570, %dma_wait3A_571] : memref<400x64xf32, #tpu.memory_space<vmem>> -> memref<80x64xf32, #tpu.memory_space<vmem>>
      %dma_wait3A_573 = arith.constant 0 : i32
      %dma_wait3A_574 = tpu.memref_slice %arg6[%dma_wait3A_564, %dma_wait3A_573] : memref<4x400xi32, #tpu.memory_space<vmem>> -> memref<1x400xi32, #tpu.memory_space<vmem>>
      %dma_wait3A_575 = tpu.memref_squeeze %dma_wait3A_574 : memref<1x400xi32, #tpu.memory_space<vmem>> -> memref<400xi32, #tpu.memory_space<vmem>>
      %dma_wait3A_576 = arith.constant 0 : i32
      %dma_wait3A_577 = tpu.memref_slice %dma_wait3A_575[%dma_wait3A_576] : memref<400xi32, #tpu.memory_space<vmem>> -> memref<80xi32, #tpu.memory_space<vmem>>
      %dma_wait3A_578 = arith.constant 0 : i32
      %dma_wait3A_579 = arith.constant 0 : i32
      %dma_wait3A_580 = tpu.memref_slice %arg3[%dma_wait3A_578, %dma_wait3A_579] : memref<100000x64xf32, #tpu.memory_space<hbm>> -> memref<100000x64xf32, #tpu.memory_space<hbm>>
      tpu.wait_indirect_dma semaphore(%arg12 : memref<!tpu.dma_semaphore, #tpu.memory_space<semaphore_mem>>) src(%dma_wait3A_580 : memref<100000x64xf32, #tpu.memory_space<hbm>>) dst(%dma_wait3A_572 : memref<80x64xf32, #tpu.memory_space<vmem>>)
      %dma_wait3A_581 = arith.constant 3 : i32
      %dma_wait3A_582 = arith.constant 3 : i32
      %dma_wait3A_583 = arith.constant 0 : i32
      %dma_wait3A_584 = arith.constant 0 : i32
      %dma_wait3A_585 = tpu.memref_slice %arg7[%dma_wait3A_582, %dma_wait3A_583, %dma_wait3A_584] : memref<4x400x64xf32, #tpu.memory_space<vmem>> -> memref<1x400x64xf32, #tpu.memory_space<vmem>>
      %dma_wait3A_586 = tpu.memref_squeeze %dma_wait3A_585 : memref<1x400x64xf32, #tpu.memory_space<vmem>> -> memref<400x64xf32, #tpu.memory_space<vmem>>
      %dma_wait3A_587 = arith.constant 80 : i32
      %dma_wait3A_588 = arith.constant 0 : i32
      %dma_wait3A_589 = tpu.memref_slice %dma_wait3A_586[%dma_wait3A_587, %dma_wait3A_588] : memref<400x64xf32, #tpu.memory_space<vmem>> -> memref<80x64xf32, #tpu.memory_space<vmem>>
      %dma_wait3A_590 = arith.constant 0 : i32
      %dma_wait3A_591 = tpu.memref_slice %arg6[%dma_wait3A_581, %dma_wait3A_590] : memref<4x400xi32, #tpu.memory_space<vmem>> -> memref<1x400xi32, #tpu.memory_space<vmem>>
      %dma_wait3A_592 = tpu.memref_squeeze %dma_wait3A_591 : memref<1x400xi32, #tpu.memory_space<vmem>> -> memref<400xi32, #tpu.memory_space<vmem>>
      %dma_wait3A_593 = arith.constant 80 : i32
      %dma_wait3A_594 = tpu.memref_slice %dma_wait3A_592[%dma_wait3A_593] : memref<400xi32, #tpu.memory_space<vmem>> -> memref<80xi32, #tpu.memory_space<vmem>>
      %dma_wait3A_595 = arith.constant 0 : i32
      %dma_wait3A_596 = arith.constant 0 : i32
      %dma_wait3A_597 = tpu.memref_slice %arg3[%dma_wait3A_595, %dma_wait3A_596] : memref<100000x64xf32, #tpu.memory_space<hbm>> -> memref<100000x64xf32, #tpu.memory_space<hbm>>
      tpu.wait_indirect_dma semaphore(%arg12 : memref<!tpu.dma_semaphore, #tpu.memory_space<semaphore_mem>>) src(%dma_wait3A_597 : memref<100000x64xf32, #tpu.memory_space<hbm>>) dst(%dma_wait3A_589 : memref<80x64xf32, #tpu.memory_space<vmem>>)
      %dma_wait3A_598 = arith.constant 3 : i32
      %dma_wait3A_599 = arith.constant 3 : i32
      %dma_wait3A_600 = arith.constant 0 : i32
      %dma_wait3A_601 = arith.constant 0 : i32
      %dma_wait3A_602 = tpu.memref_slice %arg7[%dma_wait3A_599, %dma_wait3A_600, %dma_wait3A_601] : memref<4x400x64xf32, #tpu.memory_space<vmem>> -> memref<1x400x64xf32, #tpu.memory_space<vmem>>
      %dma_wait3A_603 = tpu.memref_squeeze %dma_wait3A_602 : memref<1x400x64xf32, #tpu.memory_space<vmem>> -> memref<400x64xf32, #tpu.memory_space<vmem>>
      %dma_wait3A_604 = arith.constant 160 : i32
      %dma_wait3A_605 = arith.constant 0 : i32
      %dma_wait3A_606 = tpu.memref_slice %dma_wait3A_603[%dma_wait3A_604, %dma_wait3A_605] : memref<400x64xf32, #tpu.memory_space<vmem>> -> memref<80x64xf32, #tpu.memory_space<vmem>>
      %dma_wait3A_607 = arith.constant 0 : i32
      %dma_wait3A_608 = tpu.memref_slice %arg6[%dma_wait3A_598, %dma_wait3A_607] : memref<4x400xi32, #tpu.memory_space<vmem>> -> memref<1x400xi32, #tpu.memory_space<vmem>>
      %dma_wait3A_609 = tpu.memref_squeeze %dma_wait3A_608 : memref<1x400xi32, #tpu.memory_space<vmem>> -> memref<400xi32, #tpu.memory_space<vmem>>
      %dma_wait3A_610 = arith.constant 160 : i32
      %dma_wait3A_611 = tpu.memref_slice %dma_wait3A_609[%dma_wait3A_610] : memref<400xi32, #tpu.memory_space<vmem>> -> memref<80xi32, #tpu.memory_space<vmem>>
      %dma_wait3A_612 = arith.constant 0 : i32
      %dma_wait3A_613 = arith.constant 0 : i32
      %dma_wait3A_614 = tpu.memref_slice %arg3[%dma_wait3A_612, %dma_wait3A_613] : memref<100000x64xf32, #tpu.memory_space<hbm>> -> memref<100000x64xf32, #tpu.memory_space<hbm>>
      tpu.wait_indirect_dma semaphore(%arg12 : memref<!tpu.dma_semaphore, #tpu.memory_space<semaphore_mem>>) src(%dma_wait3A_614 : memref<100000x64xf32, #tpu.memory_space<hbm>>) dst(%dma_wait3A_606 : memref<80x64xf32, #tpu.memory_space<vmem>>)
      %dma_wait3A_615 = arith.constant 3 : i32
      %dma_wait3A_616 = arith.constant 3 : i32
      %dma_wait3A_617 = arith.constant 0 : i32
      %dma_wait3A_618 = arith.constant 0 : i32
      %dma_wait3A_619 = tpu.memref_slice %arg7[%dma_wait3A_616, %dma_wait3A_617, %dma_wait3A_618] : memref<4x400x64xf32, #tpu.memory_space<vmem>> -> memref<1x400x64xf32, #tpu.memory_space<vmem>>
      %dma_wait3A_620 = tpu.memref_squeeze %dma_wait3A_619 : memref<1x400x64xf32, #tpu.memory_space<vmem>> -> memref<400x64xf32, #tpu.memory_space<vmem>>
      %dma_wait3A_621 = arith.constant 240 : i32
      %dma_wait3A_622 = arith.constant 0 : i32
      %dma_wait3A_623 = tpu.memref_slice %dma_wait3A_620[%dma_wait3A_621, %dma_wait3A_622] : memref<400x64xf32, #tpu.memory_space<vmem>> -> memref<80x64xf32, #tpu.memory_space<vmem>>
      %dma_wait3A_624 = arith.constant 0 : i32
      %dma_wait3A_625 = tpu.memref_slice %arg6[%dma_wait3A_615, %dma_wait3A_624] : memref<4x400xi32, #tpu.memory_space<vmem>> -> memref<1x400xi32, #tpu.memory_space<vmem>>
      %dma_wait3A_626 = tpu.memref_squeeze %dma_wait3A_625 : memref<1x400xi32, #tpu.memory_space<vmem>> -> memref<400xi32, #tpu.memory_space<vmem>>
      %dma_wait3A_627 = arith.constant 240 : i32
      %dma_wait3A_628 = tpu.memref_slice %dma_wait3A_626[%dma_wait3A_627] : memref<400xi32, #tpu.memory_space<vmem>> -> memref<80xi32, #tpu.memory_space<vmem>>
      %dma_wait3A_629 = arith.constant 0 : i32
      %dma_wait3A_630 = arith.constant 0 : i32
      %dma_wait3A_631 = tpu.memref_slice %arg3[%dma_wait3A_629, %dma_wait3A_630] : memref<100000x64xf32, #tpu.memory_space<hbm>> -> memref<100000x64xf32, #tpu.memory_space<hbm>>
      tpu.wait_indirect_dma semaphore(%arg12 : memref<!tpu.dma_semaphore, #tpu.memory_space<semaphore_mem>>) src(%dma_wait3A_631 : memref<100000x64xf32, #tpu.memory_space<hbm>>) dst(%dma_wait3A_623 : memref<80x64xf32, #tpu.memory_space<vmem>>)
      %dma_wait3A_632 = arith.constant 3 : i32
      %dma_wait3A_633 = arith.constant 3 : i32
      %dma_wait3A_634 = arith.constant 0 : i32
      %dma_wait3A_635 = arith.constant 0 : i32
      %dma_wait3A_636 = tpu.memref_slice %arg7[%dma_wait3A_633, %dma_wait3A_634, %dma_wait3A_635] : memref<4x400x64xf32, #tpu.memory_space<vmem>> -> memref<1x400x64xf32, #tpu.memory_space<vmem>>
      %dma_wait3A_637 = tpu.memref_squeeze %dma_wait3A_636 : memref<1x400x64xf32, #tpu.memory_space<vmem>> -> memref<400x64xf32, #tpu.memory_space<vmem>>
      %dma_wait3A_638 = arith.constant 320 : i32
      %dma_wait3A_639 = arith.constant 0 : i32
      %dma_wait3A_640 = tpu.memref_slice %dma_wait3A_637[%dma_wait3A_638, %dma_wait3A_639] : memref<400x64xf32, #tpu.memory_space<vmem>> -> memref<80x64xf32, #tpu.memory_space<vmem>>
      %dma_wait3A_641 = arith.constant 0 : i32
      %dma_wait3A_642 = tpu.memref_slice %arg6[%dma_wait3A_632, %dma_wait3A_641] : memref<4x400xi32, #tpu.memory_space<vmem>> -> memref<1x400xi32, #tpu.memory_space<vmem>>
      %dma_wait3A_643 = tpu.memref_squeeze %dma_wait3A_642 : memref<1x400xi32, #tpu.memory_space<vmem>> -> memref<400xi32, #tpu.memory_space<vmem>>
      %dma_wait3A_644 = arith.constant 320 : i32
      %dma_wait3A_645 = tpu.memref_slice %dma_wait3A_643[%dma_wait3A_644] : memref<400xi32, #tpu.memory_space<vmem>> -> memref<80xi32, #tpu.memory_space<vmem>>
      %dma_wait3A_646 = arith.constant 0 : i32
      %dma_wait3A_647 = arith.constant 0 : i32
      %dma_wait3A_648 = tpu.memref_slice %arg3[%dma_wait3A_646, %dma_wait3A_647] : memref<100000x64xf32, #tpu.memory_space<hbm>> -> memref<100000x64xf32, #tpu.memory_space<hbm>>
      tpu.wait_indirect_dma semaphore(%arg12 : memref<!tpu.dma_semaphore, #tpu.memory_space<semaphore_mem>>) src(%dma_wait3A_648 : memref<100000x64xf32, #tpu.memory_space<hbm>>) dst(%dma_wait3A_640 : memref<80x64xf32, #tpu.memory_space<vmem>>)
      %broadcast_in_dim3A_649 = arith.constant false
      %broadcast_in_dim3A_650 = vector.broadcast %broadcast_in_dim3A_649 : i1 to vector<16xi1>
      %scan3A_651 = arith.constant 0 : i32
      %scan3A_652 = arith.constant 25 : i32
      %scan3A_653 = arith.addi %scan3A_651, %scan3A_652 : i32
      %scan3A_654 = arith.constant 1 : i32
      %scan3A_655 = scf.for %scan3A_689 = %scan3A_651 to %scan3A_653 step %scan3A_654 iter_args(%scan3A_690 = %broadcast_in_dim3A_650) -> (vector<16xi1>)  : i32 {
        %mul3A_691 = arith.constant 16 : i32
        %mul3A_692 = arith.muli %scan3A_689, %mul3A_691 : i32
        %get3A = arith.constant 3 : i32
        %get3A_693 = arith.index_cast %get3A : i32 to index
        %get3A_694 = arith.index_cast %mul3A_692 : i32 to index
        %get3A_695 = tpu.vector_load %arg6[%get3A_693, %get3A_694] {strides = array<i32>} : memref<4x400xi32, #tpu.memory_space<vmem>>, vector<16xi32>,
        %eq3A = arith.constant 0 : i32
        %eq3A_696 = vector.broadcast %eq3A : i32 to vector<16xi32>
        %eq3A_697 = arith.cmpi eq, %get3A_695, %eq3A_696 : vector<16xi32>
        %or3A = arith.ori %scan3A_690, %eq3A_697 : vector<16xi1>
        scf.yield %or3A : vector<16xi1>
      }
      %scan3A_656 = arith.constant 25 : i32
      %all_reduce_population_count3A_657 = tpu.all_reduce %scan3A_655 {dim = 0 : i64, kind = #tpu.reduction_kind<sum>} : vector<16xi1> -> vector<16xi32>
      %slice3A_658 = vector.extract_strided_slice %all_reduce_population_count3A_657 {offsets = [0], sizes = [1], strides = [1]} : vector<16xi32> to vector<1xi32>
      %squeeze3A_659 = vector.extract %slice3A_658[0] : i32 from vector<1xi32>
      %gt3A_660 = arith.constant 0 : i32
      %gt3A_661 = arith.cmpi sgt, %squeeze3A_659, %gt3A_660 : i32
      %convert_element_type3A_662 = arith.extui %gt3A_661 : i1 to i32
      %cond3A_663 = arith.constant 0 : i32
      %cond3A_664 = arith.cmpi ne, %convert_element_type3A_662, %cond3A_663 : i32
      scf.if %cond3A_664 {
        %scan3A_689 = arith.constant 0 : i32
        %scan3A_690 = arith.constant 0 : i32
        %scan3A_691 = arith.constant 25 : i32
        %scan3A_692 = arith.addi %scan3A_690, %scan3A_691 : i32
        %scan3A_693 = arith.constant 1 : i32
        %scan3A_694 = scf.for %scan3A_696 = %scan3A_690 to %scan3A_692 step %scan3A_693 iter_args(%scan3A_697 = %scan3A_689) -> (i32)  : i32 {
          %mul3A_698 = arith.constant 16 : i32
          %mul3A_699 = arith.muli %scan3A_696, %mul3A_698 : i32
          %get3A = arith.constant 3 : i32
          %get3A_700 = arith.index_cast %get3A : i32 to index
          %get3A_701 = arith.index_cast %mul3A_699 : i32 to index
          %get3A_702 = tpu.vector_load %arg6[%get3A_700, %get3A_701] {strides = array<i32>} : memref<4x400xi32, #tpu.memory_space<vmem>>, vector<16xi32>,
          %eq3A = arith.constant 0 : i32
          %eq3A_703 = vector.broadcast %eq3A : i32 to vector<16xi32>
          %eq3A_704 = arith.cmpi eq, %get3A_702, %eq3A_703 : vector<16xi32>
          %mul3A_705 = arith.constant 16 : i32
          %mul3A_706 = arith.muli %scan3A_696, %mul3A_705 : i32
          %iota3A = tpu.iota {dimensions = array<i32: 0>} : vector<16xi32>
          %add3A_707 = vector.broadcast %mul3A_706 : i32 to vector<16xi32>
          %add3A_708 = arith.addi %add3A_707, %iota3A : vector<16xi32>
          %broadcast_in_dim3A_709 = arith.constant 0.000000e+00 : f32
          %broadcast_in_dim3A_710 = vector.broadcast %broadcast_in_dim3A_709 : f32 to vector<16xf32>
          %broadcast_in_dim3A_711 = arith.constant 0 : i32
          %broadcast_in_dim3A_712 = vector.broadcast %broadcast_in_dim3A_711 : i32 to vector<16xi32>
          %scatter3A = arith.constant 3 : i32
          %scatter3A_713 = arith.constant 0 : i32
          %scatter3A_714 = arith.constant 0 : i32
          %scatter3A_715 = tpu.memref_slice %arg7[%scatter3A, %scatter3A_713, %scatter3A_714] : memref<4x400x64xf32, #tpu.memory_space<vmem>> -> memref<1x400x64xf32, #tpu.memory_space<vmem>>
          %scatter3A_716 = tpu.memref_squeeze %scatter3A_715 : memref<1x400x64xf32, #tpu.memory_space<vmem>> -> memref<400x64xf32, #tpu.memory_space<vmem>>
          tpu.vector_store_idx %scatter3A_716[%add3A_708, %broadcast_in_dim3A_712], %broadcast_in_dim3A_710 masked %eq3A_704 : memref<400x64xf32, #tpu.memory_space<vmem>>[vector<16xi32>, vector<16xi32>], vector<16xf32>, vector<16xi1>
          %broadcast_in_dim3A_717 = arith.constant 1 : i32
          %broadcast_in_dim3A_718 = vector.broadcast %broadcast_in_dim3A_717 : i32 to vector<16xi32>
          %scatter3A_719 = arith.constant 3 : i32
          %scatter3A_720 = arith.constant 0 : i32
          %scatter3A_721 = arith.constant 0 : i32
          %scatter3A_722 = tpu.memref_slice %arg7[%scatter3A_719, %scatter3A_720, %scatter3A_721] : memref<4x400x64xf32, #tpu.memory_space<vmem>> -> memref<1x400x64xf32, #tpu.memory_space<vmem>>
          %scatter3A_723 = tpu.memref_squeeze %scatter3A_722 : memref<1x400x64xf32, #tpu.memory_space<vmem>> -> memref<400x64xf32, #tpu.memory_space<vmem>>
          tpu.vector_store_idx %scatter3A_723[%add3A_708, %broadcast_in_dim3A_718], %broadcast_in_dim3A_710 masked %eq3A_704 : memref<400x64xf32, #tpu.memory_space<vmem>>[vector<16xi32>, vector<16xi32>], vector<16xf32>, vector<16xi1>
          %broadcast_in_dim3A_724 = arith.constant 2 : i32
          %broadcast_in_dim3A_725 = vector.broadcast %broadcast_in_dim3A_724 : i32 to vector<16xi32>
          %scatter3A_726 = arith.constant 3 : i32
          %scatter3A_727 = arith.constant 0 : i32
          %scatter3A_728 = arith.constant 0 : i32
          %scatter3A_729 = tpu.memref_slice %arg7[%scatter3A_726, %scatter3A_727, %scatter3A_728] : memref<4x400x64xf32, #tpu.memory_space<vmem>> -> memref<1x400x64xf32, #tpu.memory_space<vmem>>
          %scatter3A_730 = tpu.memref_squeeze %scatter3A_729 : memref<1x400x64xf32, #tpu.memory_space<vmem>> -> memref<400x64xf32, #tpu.memory_space<vmem>>
          tpu.vector_store_idx %scatter3A_730[%add3A_708, %broadcast_in_dim3A_725], %broadcast_in_dim3A_710 masked %eq3A_704 : memref<400x64xf32, #tpu.memory_space<vmem>>[vector<16xi32>, vector<16xi32>], vector<16xf32>, vector<16xi1>
          %broadcast_in_dim3A_731 = arith.constant 3 : i32
          %broadcast_in_dim3A_732 = vector.broadcast %broadcast_in_dim3A_731 : i32 to vector<16xi32>
          %scatter3A_733 = arith.constant 3 : i32
          %scatter3A_734 = arith.constant 0 : i32
          %scatter3A_735 = arith.constant 0 : i32
          %scatter3A_736 = tpu.memref_slice %arg7[%scatter3A_733, %scatter3A_734, %scatter3A_735] : memref<4x400x64xf32, #tpu.memory_space<vmem>> -> memref<1x400x64xf32, #tpu.memory_space<vmem>>
          %scatter3A_737 = tpu.memref_squeeze %scatter3A_736 : memref<1x400x64xf32, #tpu.memory_space<vmem>> -> memref<400x64xf32, #tpu.memory_space<vmem>>
          tpu.vector_store_idx %scatter3A_737[%add3A_708, %broadcast_in_dim3A_732], %broadcast_in_dim3A_710 masked %eq3A_704 : memref<400x64xf32, #tpu.memory_space<vmem>>[vector<16xi32>, vector<16xi32>], vector<16xf32>, vector<16xi1>
          %broadcast_in_dim3A_738 = arith.constant 4 : i32
          %broadcast_in_dim3A_739 = vector.broadcast %broadcast_in_dim3A_738 : i32 to vector<16xi32>
          %scatter3A_740 = arith.constant 3 : i32
          %scatter3A_741 = arith.constant 0 : i32
          %scatter3A_742 = arith.constant 0 : i32
          %scatter3A_743 = tpu.memref_slice %arg7[%scatter3A_740, %scatter3A_741, %scatter3A_742] : memref<4x400x64xf32, #tpu.memory_space<vmem>> -> memref<1x400x64xf32, #tpu.memory_space<vmem>>
          %scatter3A_744 = tpu.memref_squeeze %scatter3A_743 : memref<1x400x64xf32, #tpu.memory_space<vmem>> -> memref<400x64xf32, #tpu.memory_space<vmem>>
          tpu.vector_store_idx %scatter3A_744[%add3A_708, %broadcast_in_dim3A_739], %broadcast_in_dim3A_710 masked %eq3A_704 : memref<400x64xf32, #tpu.memory_space<vmem>>[vector<16xi32>, vector<16xi32>], vector<16xf32>, vector<16xi1>
          %broadcast_in_dim3A_745 = arith.constant 5 : i32
          %broadcast_in_dim3A_746 = vector.broadcast %broadcast_in_dim3A_745 : i32 to vector<16xi32>
          %scatter3A_747 = arith.constant 3 : i32
          %scatter3A_748 = arith.constant 0 : i32
          %scatter3A_749 = arith.constant 0 : i32
          %scatter3A_750 = tpu.memref_slice %arg7[%scatter3A_747, %scatter3A_748, %scatter3A_749] : memref<4x400x64xf32, #tpu.memory_space<vmem>> -> memref<1x400x64xf32, #tpu.memory_space<vmem>>
          %scatter3A_751 = tpu.memref_squeeze %scatter3A_750 : memref<1x400x64xf32, #tpu.memory_space<vmem>> -> memref<400x64xf32, #tpu.memory_space<vmem>>
          tpu.vector_store_idx %scatter3A_751[%add3A_708, %broadcast_in_dim3A_746], %broadcast_in_dim3A_710 masked %eq3A_704 : memref<400x64xf32, #tpu.memory_space<vmem>>[vector<16xi32>, vector<16xi32>], vector<16xf32>, vector<16xi1>
          %broadcast_in_dim3A_752 = arith.constant 6 : i32
          %broadcast_in_dim3A_753 = vector.broadcast %broadcast_in_dim3A_752 : i32 to vector<16xi32>
          %scatter3A_754 = arith.constant 3 : i32
          %scatter3A_755 = arith.constant 0 : i32
          %scatter3A_756 = arith.constant 0 : i32
          %scatter3A_757 = tpu.memref_slice %arg7[%scatter3A_754, %scatter3A_755, %scatter3A_756] : memref<4x400x64xf32, #tpu.memory_space<vmem>> -> memref<1x400x64xf32, #tpu.memory_space<vmem>>
          %scatter3A_758 = tpu.memref_squeeze %scatter3A_757 : memref<1x400x64xf32, #tpu.memory_space<vmem>> -> memref<400x64xf32, #tpu.memory_space<vmem>>
          tpu.vector_store_idx %scatter3A_758[%add3A_708, %broadcast_in_dim3A_753], %broadcast_in_dim3A_710 masked %eq3A_704 : memref<400x64xf32, #tpu.memory_space<vmem>>[vector<16xi32>, vector<16xi32>], vector<16xf32>, vector<16xi1>
          %broadcast_in_dim3A_759 = arith.constant 7 : i32
          %broadcast_in_dim3A_760 = vector.broadcast %broadcast_in_dim3A_759 : i32 to vector<16xi32>
          %scatter3A_761 = arith.constant 3 : i32
          %scatter3A_762 = arith.constant 0 : i32
          %scatter3A_763 = arith.constant 0 : i32
          %scatter3A_764 = tpu.memref_slice %arg7[%scatter3A_761, %scatter3A_762, %scatter3A_763] : memref<4x400x64xf32, #tpu.memory_space<vmem>> -> memref<1x400x64xf32, #tpu.memory_space<vmem>>
          %scatter3A_765 = tpu.memref_squeeze %scatter3A_764 : memref<1x400x64xf32, #tpu.memory_space<vmem>> -> memref<400x64xf32, #tpu.memory_space<vmem>>
          tpu.vector_store_idx %scatter3A_765[%add3A_708, %broadcast_in_dim3A_760], %broadcast_in_dim3A_710 masked %eq3A_704 : memref<400x64xf32, #tpu.memory_space<vmem>>[vector<16xi32>, vector<16xi32>], vector<16xf32>, vector<16xi1>
          %broadcast_in_dim3A_766 = arith.constant 8 : i32
          %broadcast_in_dim3A_767 = vector.broadcast %broadcast_in_dim3A_766 : i32 to vector<16xi32>
          %scatter3A_768 = arith.constant 3 : i32
          %scatter3A_769 = arith.constant 0 : i32
          %scatter3A_770 = arith.constant 0 : i32
          %scatter3A_771 = tpu.memref_slice %arg7[%scatter3A_768, %scatter3A_769, %scatter3A_770] : memref<4x400x64xf32, #tpu.memory_space<vmem>> -> memref<1x400x64xf32, #tpu.memory_space<vmem>>
          %scatter3A_772 = tpu.memref_squeeze %scatter3A_771 : memref<1x400x64xf32, #tpu.memory_space<vmem>> -> memref<400x64xf32, #tpu.memory_space<vmem>>
          tpu.vector_store_idx %scatter3A_772[%add3A_708, %broadcast_in_dim3A_767], %broadcast_in_dim3A_710 masked %eq3A_704 : memref<400x64xf32, #tpu.memory_space<vmem>>[vector<16xi32>, vector<16xi32>], vector<16xf32>, vector<16xi1>
          %broadcast_in_dim3A_773 = arith.constant 9 : i32
          %broadcast_in_dim3A_774 = vector.broadcast %broadcast_in_dim3A_773 : i32 to vector<16xi32>
          %scatter3A_775 = arith.constant 3 : i32
          %scatter3A_776 = arith.constant 0 : i32
          %scatter3A_777 = arith.constant 0 : i32
          %scatter3A_778 = tpu.memref_slice %arg7[%scatter3A_775, %scatter3A_776, %scatter3A_777] : memref<4x400x64xf32, #tpu.memory_space<vmem>> -> memref<1x400x64xf32, #tpu.memory_space<vmem>>
          %scatter3A_779 = tpu.memref_squeeze %scatter3A_778 : memref<1x400x64xf32, #tpu.memory_space<vmem>> -> memref<400x64xf32, #tpu.memory_space<vmem>>
          tpu.vector_store_idx %scatter3A_779[%add3A_708, %broadcast_in_dim3A_774], %broadcast_in_dim3A_710 masked %eq3A_704 : memref<400x64xf32, #tpu.memory_space<vmem>>[vector<16xi32>, vector<16xi32>], vector<16xf32>, vector<16xi1>
          %broadcast_in_dim3A_780 = arith.constant 10 : i32
          %broadcast_in_dim3A_781 = vector.broadcast %broadcast_in_dim3A_780 : i32 to vector<16xi32>
          %scatter3A_782 = arith.constant 3 : i32
          %scatter3A_783 = arith.constant 0 : i32
          %scatter3A_784 = arith.constant 0 : i32
          %scatter3A_785 = tpu.memref_slice %arg7[%scatter3A_782, %scatter3A_783, %scatter3A_784] : memref<4x400x64xf32, #tpu.memory_space<vmem>> -> memref<1x400x64xf32, #tpu.memory_space<vmem>>
          %scatter3A_786 = tpu.memref_squeeze %scatter3A_785 : memref<1x400x64xf32, #tpu.memory_space<vmem>> -> memref<400x64xf32, #tpu.memory_space<vmem>>
          tpu.vector_store_idx %scatter3A_786[%add3A_708, %broadcast_in_dim3A_781], %broadcast_in_dim3A_710 masked %eq3A_704 : memref<400x64xf32, #tpu.memory_space<vmem>>[vector<16xi32>, vector<16xi32>], vector<16xf32>, vector<16xi1>
          %broadcast_in_dim3A_787 = arith.constant 11 : i32
          %broadcast_in_dim3A_788 = vector.broadcast %broadcast_in_dim3A_787 : i32 to vector<16xi32>
          %scatter3A_789 = arith.constant 3 : i32
          %scatter3A_790 = arith.constant 0 : i32
          %scatter3A_791 = arith.constant 0 : i32
          %scatter3A_792 = tpu.memref_slice %arg7[%scatter3A_789, %scatter3A_790, %scatter3A_791] : memref<4x400x64xf32, #tpu.memory_space<vmem>> -> memref<1x400x64xf32, #tpu.memory_space<vmem>>
          %scatter3A_793 = tpu.memref_squeeze %scatter3A_792 : memref<1x400x64xf32, #tpu.memory_space<vmem>> -> memref<400x64xf32, #tpu.memory_space<vmem>>
          tpu.vector_store_idx %scatter3A_793[%add3A_708, %broadcast_in_dim3A_788], %broadcast_in_dim3A_710 masked %eq3A_704 : memref<400x64xf32, #tpu.memory_space<vmem>>[vector<16xi32>, vector<16xi32>], vector<16xf32>, vector<16xi1>
          %broadcast_in_dim3A_794 = arith.constant 12 : i32
          %broadcast_in_dim3A_795 = vector.broadcast %broadcast_in_dim3A_794 : i32 to vector<16xi32>
          %scatter3A_796 = arith.constant 3 : i32
          %scatter3A_797 = arith.constant 0 : i32
          %scatter3A_798 = arith.constant 0 : i32
          %scatter3A_799 = tpu.memref_slice %arg7[%scatter3A_796, %scatter3A_797, %scatter3A_798] : memref<4x400x64xf32, #tpu.memory_space<vmem>> -> memref<1x400x64xf32, #tpu.memory_space<vmem>>
          %scatter3A_800 = tpu.memref_squeeze %scatter3A_799 : memref<1x400x64xf32, #tpu.memory_space<vmem>> -> memref<400x64xf32, #tpu.memory_space<vmem>>
          tpu.vector_store_idx %scatter3A_800[%add3A_708, %broadcast_in_dim3A_795], %broadcast_in_dim3A_710 masked %eq3A_704 : memref<400x64xf32, #tpu.memory_space<vmem>>[vector<16xi32>, vector<16xi32>], vector<16xf32>, vector<16xi1>
          %broadcast_in_dim3A_801 = arith.constant 13 : i32
          %broadcast_in_dim3A_802 = vector.broadcast %broadcast_in_dim3A_801 : i32 to vector<16xi32>
          %scatter3A_803 = arith.constant 3 : i32
          %scatter3A_804 = arith.constant 0 : i32
          %scatter3A_805 = arith.constant 0 : i32
          %scatter3A_806 = tpu.memref_slice %arg7[%scatter3A_803, %scatter3A_804, %scatter3A_805] : memref<4x400x64xf32, #tpu.memory_space<vmem>> -> memref<1x400x64xf32, #tpu.memory_space<vmem>>
          %scatter3A_807 = tpu.memref_squeeze %scatter3A_806 : memref<1x400x64xf32, #tpu.memory_space<vmem>> -> memref<400x64xf32, #tpu.memory_space<vmem>>
          tpu.vector_store_idx %scatter3A_807[%add3A_708, %broadcast_in_dim3A_802], %broadcast_in_dim3A_710 masked %eq3A_704 : memref<400x64xf32, #tpu.memory_space<vmem>>[vector<16xi32>, vector<16xi32>], vector<16xf32>, vector<16xi1>
          %broadcast_in_dim3A_808 = arith.constant 14 : i32
          %broadcast_in_dim3A_809 = vector.broadcast %broadcast_in_dim3A_808 : i32 to vector<16xi32>
          %scatter3A_810 = arith.constant 3 : i32
          %scatter3A_811 = arith.constant 0 : i32
          %scatter3A_812 = arith.constant 0 : i32
          %scatter3A_813 = tpu.memref_slice %arg7[%scatter3A_810, %scatter3A_811, %scatter3A_812] : memref<4x400x64xf32, #tpu.memory_space<vmem>> -> memref<1x400x64xf32, #tpu.memory_space<vmem>>
          %scatter3A_814 = tpu.memref_squeeze %scatter3A_813 : memref<1x400x64xf32, #tpu.memory_space<vmem>> -> memref<400x64xf32, #tpu.memory_space<vmem>>
          tpu.vector_store_idx %scatter3A_814[%add3A_708, %broadcast_in_dim3A_809], %broadcast_in_dim3A_710 masked %eq3A_704 : memref<400x64xf32, #tpu.memory_space<vmem>>[vector<16xi32>, vector<16xi32>], vector<16xf32>, vector<16xi1>
          %broadcast_in_dim3A_815 = arith.constant 15 : i32
          %broadcast_in_dim3A_816 = vector.broadcast %broadcast_in_dim3A_815 : i32 to vector<16xi32>
          %scatter3A_817 = arith.constant 3 : i32
          %scatter3A_818 = arith.constant 0 : i32
          %scatter3A_819 = arith.constant 0 : i32
          %scatter3A_820 = tpu.memref_slice %arg7[%scatter3A_817, %scatter3A_818, %scatter3A_819] : memref<4x400x64xf32, #tpu.memory_space<vmem>> -> memref<1x400x64xf32, #tpu.memory_space<vmem>>
          %scatter3A_821 = tpu.memref_squeeze %scatter3A_820 : memref<1x400x64xf32, #tpu.memory_space<vmem>> -> memref<400x64xf32, #tpu.memory_space<vmem>>
          tpu.vector_store_idx %scatter3A_821[%add3A_708, %broadcast_in_dim3A_816], %broadcast_in_dim3A_710 masked %eq3A_704 : memref<400x64xf32, #tpu.memory_space<vmem>>[vector<16xi32>, vector<16xi32>], vector<16xf32>, vector<16xi1>
          %broadcast_in_dim3A_822 = arith.constant 16 : i32
          %broadcast_in_dim3A_823 = vector.broadcast %broadcast_in_dim3A_822 : i32 to vector<16xi32>
          %scatter3A_824 = arith.constant 3 : i32
          %scatter3A_825 = arith.constant 0 : i32
          %scatter3A_826 = arith.constant 0 : i32
          %scatter3A_827 = tpu.memref_slice %arg7[%scatter3A_824, %scatter3A_825, %scatter3A_826] : memref<4x400x64xf32, #tpu.memory_space<vmem>> -> memref<1x400x64xf32, #tpu.memory_space<vmem>>
          %scatter3A_828 = tpu.memref_squeeze %scatter3A_827 : memref<1x400x64xf32, #tpu.memory_space<vmem>> -> memref<400x64xf32, #tpu.memory_space<vmem>>
          tpu.vector_store_idx %scatter3A_828[%add3A_708, %broadcast_in_dim3A_823], %broadcast_in_dim3A_710 masked %eq3A_704 : memref<400x64xf32, #tpu.memory_space<vmem>>[vector<16xi32>, vector<16xi32>], vector<16xf32>, vector<16xi1>
          %broadcast_in_dim3A_829 = arith.constant 17 : i32
          %broadcast_in_dim3A_830 = vector.broadcast %broadcast_in_dim3A_829 : i32 to vector<16xi32>
          %scatter3A_831 = arith.constant 3 : i32
          %scatter3A_832 = arith.constant 0 : i32
          %scatter3A_833 = arith.constant 0 : i32
          %scatter3A_834 = tpu.memref_slice %arg7[%scatter3A_831, %scatter3A_832, %scatter3A_833] : memref<4x400x64xf32, #tpu.memory_space<vmem>> -> memref<1x400x64xf32, #tpu.memory_space<vmem>>
          %scatter3A_835 = tpu.memref_squeeze %scatter3A_834 : memref<1x400x64xf32, #tpu.memory_space<vmem>> -> memref<400x64xf32, #tpu.memory_space<vmem>>
          tpu.vector_store_idx %scatter3A_835[%add3A_708, %broadcast_in_dim3A_830], %broadcast_in_dim3A_710 masked %eq3A_704 : memref<400x64xf32, #tpu.memory_space<vmem>>[vector<16xi32>, vector<16xi32>], vector<16xf32>, vector<16xi1>
          %broadcast_in_dim3A_836 = arith.constant 18 : i32
          %broadcast_in_dim3A_837 = vector.broadcast %broadcast_in_dim3A_836 : i32 to vector<16xi32>
          %scatter3A_838 = arith.constant 3 : i32
          %scatter3A_839 = arith.constant 0 : i32
          %scatter3A_840 = arith.constant 0 : i32
          %scatter3A_841 = tpu.memref_slice %arg7[%scatter3A_838, %scatter3A_839, %scatter3A_840] : memref<4x400x64xf32, #tpu.memory_space<vmem>> -> memref<1x400x64xf32, #tpu.memory_space<vmem>>
          %scatter3A_842 = tpu.memref_squeeze %scatter3A_841 : memref<1x400x64xf32, #tpu.memory_space<vmem>> -> memref<400x64xf32, #tpu.memory_space<vmem>>
          tpu.vector_store_idx %scatter3A_842[%add3A_708, %broadcast_in_dim3A_837], %broadcast_in_dim3A_710 masked %eq3A_704 : memref<400x64xf32, #tpu.memory_space<vmem>>[vector<16xi32>, vector<16xi32>], vector<16xf32>, vector<16xi1>
          %broadcast_in_dim3A_843 = arith.constant 19 : i32
          %broadcast_in_dim3A_844 = vector.broadcast %broadcast_in_dim3A_843 : i32 to vector<16xi32>
          %scatter3A_845 = arith.constant 3 : i32
          %scatter3A_846 = arith.constant 0 : i32
          %scatter3A_847 = arith.constant 0 : i32
          %scatter3A_848 = tpu.memref_slice %arg7[%scatter3A_845, %scatter3A_846, %scatter3A_847] : memref<4x400x64xf32, #tpu.memory_space<vmem>> -> memref<1x400x64xf32, #tpu.memory_space<vmem>>
          %scatter3A_849 = tpu.memref_squeeze %scatter3A_848 : memref<1x400x64xf32, #tpu.memory_space<vmem>> -> memref<400x64xf32, #tpu.memory_space<vmem>>
          tpu.vector_store_idx %scatter3A_849[%add3A_708, %broadcast_in_dim3A_844], %broadcast_in_dim3A_710 masked %eq3A_704 : memref<400x64xf32, #tpu.memory_space<vmem>>[vector<16xi32>, vector<16xi32>], vector<16xf32>, vector<16xi1>
          %broadcast_in_dim3A_850 = arith.constant 20 : i32
          %broadcast_in_dim3A_851 = vector.broadcast %broadcast_in_dim3A_850 : i32 to vector<16xi32>
          %scatter3A_852 = arith.constant 3 : i32
          %scatter3A_853 = arith.constant 0 : i32
          %scatter3A_854 = arith.constant 0 : i32
          %scatter3A_855 = tpu.memref_slice %arg7[%scatter3A_852, %scatter3A_853, %scatter3A_854] : memref<4x400x64xf32, #tpu.memory_space<vmem>> -> memref<1x400x64xf32, #tpu.memory_space<vmem>>
          %scatter3A_856 = tpu.memref_squeeze %scatter3A_855 : memref<1x400x64xf32, #tpu.memory_space<vmem>> -> memref<400x64xf32, #tpu.memory_space<vmem>>
          tpu.vector_store_idx %scatter3A_856[%add3A_708, %broadcast_in_dim3A_851], %broadcast_in_dim3A_710 masked %eq3A_704 : memref<400x64xf32, #tpu.memory_space<vmem>>[vector<16xi32>, vector<16xi32>], vector<16xf32>, vector<16xi1>
          %broadcast_in_dim3A_857 = arith.constant 21 : i32
          %broadcast_in_dim3A_858 = vector.broadcast %broadcast_in_dim3A_857 : i32 to vector<16xi32>
          %scatter3A_859 = arith.constant 3 : i32
          %scatter3A_860 = arith.constant 0 : i32
          %scatter3A_861 = arith.constant 0 : i32
          %scatter3A_862 = tpu.memref_slice %arg7[%scatter3A_859, %scatter3A_860, %scatter3A_861] : memref<4x400x64xf32, #tpu.memory_space<vmem>> -> memref<1x400x64xf32, #tpu.memory_space<vmem>>
          %scatter3A_863 = tpu.memref_squeeze %scatter3A_862 : memref<1x400x64xf32, #tpu.memory_space<vmem>> -> memref<400x64xf32, #tpu.memory_space<vmem>>
          tpu.vector_store_idx %scatter3A_863[%add3A_708, %broadcast_in_dim3A_858], %broadcast_in_dim3A_710 masked %eq3A_704 : memref<400x64xf32, #tpu.memory_space<vmem>>[vector<16xi32>, vector<16xi32>], vector<16xf32>, vector<16xi1>
          %broadcast_in_dim3A_864 = arith.constant 22 : i32
          %broadcast_in_dim3A_865 = vector.broadcast %broadcast_in_dim3A_864 : i32 to vector<16xi32>
          %scatter3A_866 = arith.constant 3 : i32
          %scatter3A_867 = arith.constant 0 : i32
          %scatter3A_868 = arith.constant 0 : i32
          %scatter3A_869 = tpu.memref_slice %arg7[%scatter3A_866, %scatter3A_867, %scatter3A_868] : memref<4x400x64xf32, #tpu.memory_space<vmem>> -> memref<1x400x64xf32, #tpu.memory_space<vmem>>
          %scatter3A_870 = tpu.memref_squeeze %scatter3A_869 : memref<1x400x64xf32, #tpu.memory_space<vmem>> -> memref<400x64xf32, #tpu.memory_space<vmem>>
          tpu.vector_store_idx %scatter3A_870[%add3A_708, %broadcast_in_dim3A_865], %broadcast_in_dim3A_710 masked %eq3A_704 : memref<400x64xf32, #tpu.memory_space<vmem>>[vector<16xi32>, vector<16xi32>], vector<16xf32>, vector<16xi1>
          %broadcast_in_dim3A_871 = arith.constant 23 : i32
          %broadcast_in_dim3A_872 = vector.broadcast %broadcast_in_dim3A_871 : i32 to vector<16xi32>
          %scatter3A_873 = arith.constant 3 : i32
          %scatter3A_874 = arith.constant 0 : i32
          %scatter3A_875 = arith.constant 0 : i32
          %scatter3A_876 = tpu.memref_slice %arg7[%scatter3A_873, %scatter3A_874, %scatter3A_875] : memref<4x400x64xf32, #tpu.memory_space<vmem>> -> memref<1x400x64xf32, #tpu.memory_space<vmem>>
          %scatter3A_877 = tpu.memref_squeeze %scatter3A_876 : memref<1x400x64xf32, #tpu.memory_space<vmem>> -> memref<400x64xf32, #tpu.memory_space<vmem>>
          tpu.vector_store_idx %scatter3A_877[%add3A_708, %broadcast_in_dim3A_872], %broadcast_in_dim3A_710 masked %eq3A_704 : memref<400x64xf32, #tpu.memory_space<vmem>>[vector<16xi32>, vector<16xi32>], vector<16xf32>, vector<16xi1>
          %broadcast_in_dim3A_878 = arith.constant 24 : i32
          %broadcast_in_dim3A_879 = vector.broadcast %broadcast_in_dim3A_878 : i32 to vector<16xi32>
          %scatter3A_880 = arith.constant 3 : i32
          %scatter3A_881 = arith.constant 0 : i32
          %scatter3A_882 = arith.constant 0 : i32
          %scatter3A_883 = tpu.memref_slice %arg7[%scatter3A_880, %scatter3A_881, %scatter3A_882] : memref<4x400x64xf32, #tpu.memory_space<vmem>> -> memref<1x400x64xf32, #tpu.memory_space<vmem>>
          %scatter3A_884 = tpu.memref_squeeze %scatter3A_883 : memref<1x400x64xf32, #tpu.memory_space<vmem>> -> memref<400x64xf32, #tpu.memory_space<vmem>>
          tpu.vector_store_idx %scatter3A_884[%add3A_708, %broadcast_in_dim3A_879], %broadcast_in_dim3A_710 masked %eq3A_704 : memref<400x64xf32, #tpu.memory_space<vmem>>[vector<16xi32>, vector<16xi32>], vector<16xf32>, vector<16xi1>
          %broadcast_in_dim3A_885 = arith.constant 25 : i32
          %broadcast_in_dim3A_886 = vector.broadcast %broadcast_in_dim3A_885 : i32 to vector<16xi32>
          %scatter3A_887 = arith.constant 3 : i32
          %scatter3A_888 = arith.constant 0 : i32
          %scatter3A_889 = arith.constant 0 : i32
          %scatter3A_890 = tpu.memref_slice %arg7[%scatter3A_887, %scatter3A_888, %scatter3A_889] : memref<4x400x64xf32, #tpu.memory_space<vmem>> -> memref<1x400x64xf32, #tpu.memory_space<vmem>>
          %scatter3A_891 = tpu.memref_squeeze %scatter3A_890 : memref<1x400x64xf32, #tpu.memory_space<vmem>> -> memref<400x64xf32, #tpu.memory_space<vmem>>
          tpu.vector_store_idx %scatter3A_891[%add3A_708, %broadcast_in_dim3A_886], %broadcast_in_dim3A_710 masked %eq3A_704 : memref<400x64xf32, #tpu.memory_space<vmem>>[vector<16xi32>, vector<16xi32>], vector<16xf32>, vector<16xi1>
          %broadcast_in_dim3A_892 = arith.constant 26 : i32
          %broadcast_in_dim3A_893 = vector.broadcast %broadcast_in_dim3A_892 : i32 to vector<16xi32>
          %scatter3A_894 = arith.constant 3 : i32
          %scatter3A_895 = arith.constant 0 : i32
          %scatter3A_896 = arith.constant 0 : i32
          %scatter3A_897 = tpu.memref_slice %arg7[%scatter3A_894, %scatter3A_895, %scatter3A_896] : memref<4x400x64xf32, #tpu.memory_space<vmem>> -> memref<1x400x64xf32, #tpu.memory_space<vmem>>
          %scatter3A_898 = tpu.memref_squeeze %scatter3A_897 : memref<1x400x64xf32, #tpu.memory_space<vmem>> -> memref<400x64xf32, #tpu.memory_space<vmem>>
          tpu.vector_store_idx %scatter3A_898[%add3A_708, %broadcast_in_dim3A_893], %broadcast_in_dim3A_710 masked %eq3A_704 : memref<400x64xf32, #tpu.memory_space<vmem>>[vector<16xi32>, vector<16xi32>], vector<16xf32>, vector<16xi1>
          %broadcast_in_dim3A_899 = arith.constant 27 : i32
          %broadcast_in_dim3A_900 = vector.broadcast %broadcast_in_dim3A_899 : i32 to vector<16xi32>
          %scatter3A_901 = arith.constant 3 : i32
          %scatter3A_902 = arith.constant 0 : i32
          %scatter3A_903 = arith.constant 0 : i32
          %scatter3A_904 = tpu.memref_slice %arg7[%scatter3A_901, %scatter3A_902, %scatter3A_903] : memref<4x400x64xf32, #tpu.memory_space<vmem>> -> memref<1x400x64xf32, #tpu.memory_space<vmem>>
          %scatter3A_905 = tpu.memref_squeeze %scatter3A_904 : memref<1x400x64xf32, #tpu.memory_space<vmem>> -> memref<400x64xf32, #tpu.memory_space<vmem>>
          tpu.vector_store_idx %scatter3A_905[%add3A_708, %broadcast_in_dim3A_900], %broadcast_in_dim3A_710 masked %eq3A_704 : memref<400x64xf32, #tpu.memory_space<vmem>>[vector<16xi32>, vector<16xi32>], vector<16xf32>, vector<16xi1>
          %broadcast_in_dim3A_906 = arith.constant 28 : i32
          %broadcast_in_dim3A_907 = vector.broadcast %broadcast_in_dim3A_906 : i32 to vector<16xi32>
          %scatter3A_908 = arith.constant 3 : i32
          %scatter3A_909 = arith.constant 0 : i32
          %scatter3A_910 = arith.constant 0 : i32
          %scatter3A_911 = tpu.memref_slice %arg7[%scatter3A_908, %scatter3A_909, %scatter3A_910] : memref<4x400x64xf32, #tpu.memory_space<vmem>> -> memref<1x400x64xf32, #tpu.memory_space<vmem>>
          %scatter3A_912 = tpu.memref_squeeze %scatter3A_911 : memref<1x400x64xf32, #tpu.memory_space<vmem>> -> memref<400x64xf32, #tpu.memory_space<vmem>>
          tpu.vector_store_idx %scatter3A_912[%add3A_708, %broadcast_in_dim3A_907], %broadcast_in_dim3A_710 masked %eq3A_704 : memref<400x64xf32, #tpu.memory_space<vmem>>[vector<16xi32>, vector<16xi32>], vector<16xf32>, vector<16xi1>
          %broadcast_in_dim3A_913 = arith.constant 29 : i32
          %broadcast_in_dim3A_914 = vector.broadcast %broadcast_in_dim3A_913 : i32 to vector<16xi32>
          %scatter3A_915 = arith.constant 3 : i32
          %scatter3A_916 = arith.constant 0 : i32
          %scatter3A_917 = arith.constant 0 : i32
          %scatter3A_918 = tpu.memref_slice %arg7[%scatter3A_915, %scatter3A_916, %scatter3A_917] : memref<4x400x64xf32, #tpu.memory_space<vmem>> -> memref<1x400x64xf32, #tpu.memory_space<vmem>>
          %scatter3A_919 = tpu.memref_squeeze %scatter3A_918 : memref<1x400x64xf32, #tpu.memory_space<vmem>> -> memref<400x64xf32, #tpu.memory_space<vmem>>
          tpu.vector_store_idx %scatter3A_919[%add3A_708, %broadcast_in_dim3A_914], %broadcast_in_dim3A_710 masked %eq3A_704 : memref<400x64xf32, #tpu.memory_space<vmem>>[vector<16xi32>, vector<16xi32>], vector<16xf32>, vector<16xi1>
          %broadcast_in_dim3A_920 = arith.constant 30 : i32
          %broadcast_in_dim3A_921 = vector.broadcast %broadcast_in_dim3A_920 : i32 to vector<16xi32>
          %scatter3A_922 = arith.constant 3 : i32
          %scatter3A_923 = arith.constant 0 : i32
          %scatter3A_924 = arith.constant 0 : i32
          %scatter3A_925 = tpu.memref_slice %arg7[%scatter3A_922, %scatter3A_923, %scatter3A_924] : memref<4x400x64xf32, #tpu.memory_space<vmem>> -> memref<1x400x64xf32, #tpu.memory_space<vmem>>
          %scatter3A_926 = tpu.memref_squeeze %scatter3A_925 : memref<1x400x64xf32, #tpu.memory_space<vmem>> -> memref<400x64xf32, #tpu.memory_space<vmem>>
          tpu.vector_store_idx %scatter3A_926[%add3A_708, %broadcast_in_dim3A_921], %broadcast_in_dim3A_710 masked %eq3A_704 : memref<400x64xf32, #tpu.memory_space<vmem>>[vector<16xi32>, vector<16xi32>], vector<16xf32>, vector<16xi1>
          %broadcast_in_dim3A_927 = arith.constant 31 : i32
          %broadcast_in_dim3A_928 = vector.broadcast %broadcast_in_dim3A_927 : i32 to vector<16xi32>
          %scatter3A_929 = arith.constant 3 : i32
          %scatter3A_930 = arith.constant 0 : i32
          %scatter3A_931 = arith.constant 0 : i32
          %scatter3A_932 = tpu.memref_slice %arg7[%scatter3A_929, %scatter3A_930, %scatter3A_931] : memref<4x400x64xf32, #tpu.memory_space<vmem>> -> memref<1x400x64xf32, #tpu.memory_space<vmem>>
          %scatter3A_933 = tpu.memref_squeeze %scatter3A_932 : memref<1x400x64xf32, #tpu.memory_space<vmem>> -> memref<400x64xf32, #tpu.memory_space<vmem>>
          tpu.vector_store_idx %scatter3A_933[%add3A_708, %broadcast_in_dim3A_928], %broadcast_in_dim3A_710 masked %eq3A_704 : memref<400x64xf32, #tpu.memory_space<vmem>>[vector<16xi32>, vector<16xi32>], vector<16xf32>, vector<16xi1>
          %broadcast_in_dim3A_934 = arith.constant 32 : i32
          %broadcast_in_dim3A_935 = vector.broadcast %broadcast_in_dim3A_934 : i32 to vector<16xi32>
          %scatter3A_936 = arith.constant 3 : i32
          %scatter3A_937 = arith.constant 0 : i32
          %scatter3A_938 = arith.constant 0 : i32
          %scatter3A_939 = tpu.memref_slice %arg7[%scatter3A_936, %scatter3A_937, %scatter3A_938] : memref<4x400x64xf32, #tpu.memory_space<vmem>> -> memref<1x400x64xf32, #tpu.memory_space<vmem>>
          %scatter3A_940 = tpu.memref_squeeze %scatter3A_939 : memref<1x400x64xf32, #tpu.memory_space<vmem>> -> memref<400x64xf32, #tpu.memory_space<vmem>>
          tpu.vector_store_idx %scatter3A_940[%add3A_708, %broadcast_in_dim3A_935], %broadcast_in_dim3A_710 masked %eq3A_704 : memref<400x64xf32, #tpu.memory_space<vmem>>[vector<16xi32>, vector<16xi32>], vector<16xf32>, vector<16xi1>
          %broadcast_in_dim3A_941 = arith.constant 33 : i32
          %broadcast_in_dim3A_942 = vector.broadcast %broadcast_in_dim3A_941 : i32 to vector<16xi32>
          %scatter3A_943 = arith.constant 3 : i32
          %scatter3A_944 = arith.constant 0 : i32
          %scatter3A_945 = arith.constant 0 : i32
          %scatter3A_946 = tpu.memref_slice %arg7[%scatter3A_943, %scatter3A_944, %scatter3A_945] : memref<4x400x64xf32, #tpu.memory_space<vmem>> -> memref<1x400x64xf32, #tpu.memory_space<vmem>>
          %scatter3A_947 = tpu.memref_squeeze %scatter3A_946 : memref<1x400x64xf32, #tpu.memory_space<vmem>> -> memref<400x64xf32, #tpu.memory_space<vmem>>
          tpu.vector_store_idx %scatter3A_947[%add3A_708, %broadcast_in_dim3A_942], %broadcast_in_dim3A_710 masked %eq3A_704 : memref<400x64xf32, #tpu.memory_space<vmem>>[vector<16xi32>, vector<16xi32>], vector<16xf32>, vector<16xi1>
          %broadcast_in_dim3A_948 = arith.constant 34 : i32
          %broadcast_in_dim3A_949 = vector.broadcast %broadcast_in_dim3A_948 : i32 to vector<16xi32>
          %scatter3A_950 = arith.constant 3 : i32
          %scatter3A_951 = arith.constant 0 : i32
          %scatter3A_952 = arith.constant 0 : i32
          %scatter3A_953 = tpu.memref_slice %arg7[%scatter3A_950, %scatter3A_951, %scatter3A_952] : memref<4x400x64xf32, #tpu.memory_space<vmem>> -> memref<1x400x64xf32, #tpu.memory_space<vmem>>
          %scatter3A_954 = tpu.memref_squeeze %scatter3A_953 : memref<1x400x64xf32, #tpu.memory_space<vmem>> -> memref<400x64xf32, #tpu.memory_space<vmem>>
          tpu.vector_store_idx %scatter3A_954[%add3A_708, %broadcast_in_dim3A_949], %broadcast_in_dim3A_710 masked %eq3A_704 : memref<400x64xf32, #tpu.memory_space<vmem>>[vector<16xi32>, vector<16xi32>], vector<16xf32>, vector<16xi1>
          %broadcast_in_dim3A_955 = arith.constant 35 : i32
          %broadcast_in_dim3A_956 = vector.broadcast %broadcast_in_dim3A_955 : i32 to vector<16xi32>
          %scatter3A_957 = arith.constant 3 : i32
          %scatter3A_958 = arith.constant 0 : i32
          %scatter3A_959 = arith.constant 0 : i32
          %scatter3A_960 = tpu.memref_slice %arg7[%scatter3A_957, %scatter3A_958, %scatter3A_959] : memref<4x400x64xf32, #tpu.memory_space<vmem>> -> memref<1x400x64xf32, #tpu.memory_space<vmem>>
          %scatter3A_961 = tpu.memref_squeeze %scatter3A_960 : memref<1x400x64xf32, #tpu.memory_space<vmem>> -> memref<400x64xf32, #tpu.memory_space<vmem>>
          tpu.vector_store_idx %scatter3A_961[%add3A_708, %broadcast_in_dim3A_956], %broadcast_in_dim3A_710 masked %eq3A_704 : memref<400x64xf32, #tpu.memory_space<vmem>>[vector<16xi32>, vector<16xi32>], vector<16xf32>, vector<16xi1>
          %broadcast_in_dim3A_962 = arith.constant 36 : i32
          %broadcast_in_dim3A_963 = vector.broadcast %broadcast_in_dim3A_962 : i32 to vector<16xi32>
          %scatter3A_964 = arith.constant 3 : i32
          %scatter3A_965 = arith.constant 0 : i32
          %scatter3A_966 = arith.constant 0 : i32
          %scatter3A_967 = tpu.memref_slice %arg7[%scatter3A_964, %scatter3A_965, %scatter3A_966] : memref<4x400x64xf32, #tpu.memory_space<vmem>> -> memref<1x400x64xf32, #tpu.memory_space<vmem>>
          %scatter3A_968 = tpu.memref_squeeze %scatter3A_967 : memref<1x400x64xf32, #tpu.memory_space<vmem>> -> memref<400x64xf32, #tpu.memory_space<vmem>>
          tpu.vector_store_idx %scatter3A_968[%add3A_708, %broadcast_in_dim3A_963], %broadcast_in_dim3A_710 masked %eq3A_704 : memref<400x64xf32, #tpu.memory_space<vmem>>[vector<16xi32>, vector<16xi32>], vector<16xf32>, vector<16xi1>
          %broadcast_in_dim3A_969 = arith.constant 37 : i32
          %broadcast_in_dim3A_970 = vector.broadcast %broadcast_in_dim3A_969 : i32 to vector<16xi32>
          %scatter3A_971 = arith.constant 3 : i32
          %scatter3A_972 = arith.constant 0 : i32
          %scatter3A_973 = arith.constant 0 : i32
          %scatter3A_974 = tpu.memref_slice %arg7[%scatter3A_971, %scatter3A_972, %scatter3A_973] : memref<4x400x64xf32, #tpu.memory_space<vmem>> -> memref<1x400x64xf32, #tpu.memory_space<vmem>>
          %scatter3A_975 = tpu.memref_squeeze %scatter3A_974 : memref<1x400x64xf32, #tpu.memory_space<vmem>> -> memref<400x64xf32, #tpu.memory_space<vmem>>
          tpu.vector_store_idx %scatter3A_975[%add3A_708, %broadcast_in_dim3A_970], %broadcast_in_dim3A_710 masked %eq3A_704 : memref<400x64xf32, #tpu.memory_space<vmem>>[vector<16xi32>, vector<16xi32>], vector<16xf32>, vector<16xi1>
          %broadcast_in_dim3A_976 = arith.constant 38 : i32
          %broadcast_in_dim3A_977 = vector.broadcast %broadcast_in_dim3A_976 : i32 to vector<16xi32>
          %scatter3A_978 = arith.constant 3 : i32
          %scatter3A_979 = arith.constant 0 : i32
          %scatter3A_980 = arith.constant 0 : i32
          %scatter3A_981 = tpu.memref_slice %arg7[%scatter3A_978, %scatter3A_979, %scatter3A_980] : memref<4x400x64xf32, #tpu.memory_space<vmem>> -> memref<1x400x64xf32, #tpu.memory_space<vmem>>
          %scatter3A_982 = tpu.memref_squeeze %scatter3A_981 : memref<1x400x64xf32, #tpu.memory_space<vmem>> -> memref<400x64xf32, #tpu.memory_space<vmem>>
          tpu.vector_store_idx %scatter3A_982[%add3A_708, %broadcast_in_dim3A_977], %broadcast_in_dim3A_710 masked %eq3A_704 : memref<400x64xf32, #tpu.memory_space<vmem>>[vector<16xi32>, vector<16xi32>], vector<16xf32>, vector<16xi1>
          %broadcast_in_dim3A_983 = arith.constant 39 : i32
          %broadcast_in_dim3A_984 = vector.broadcast %broadcast_in_dim3A_983 : i32 to vector<16xi32>
          %scatter3A_985 = arith.constant 3 : i32
          %scatter3A_986 = arith.constant 0 : i32
          %scatter3A_987 = arith.constant 0 : i32
          %scatter3A_988 = tpu.memref_slice %arg7[%scatter3A_985, %scatter3A_986, %scatter3A_987] : memref<4x400x64xf32, #tpu.memory_space<vmem>> -> memref<1x400x64xf32, #tpu.memory_space<vmem>>
          %scatter3A_989 = tpu.memref_squeeze %scatter3A_988 : memref<1x400x64xf32, #tpu.memory_space<vmem>> -> memref<400x64xf32, #tpu.memory_space<vmem>>
          tpu.vector_store_idx %scatter3A_989[%add3A_708, %broadcast_in_dim3A_984], %broadcast_in_dim3A_710 masked %eq3A_704 : memref<400x64xf32, #tpu.memory_space<vmem>>[vector<16xi32>, vector<16xi32>], vector<16xf32>, vector<16xi1>
          %broadcast_in_dim3A_990 = arith.constant 40 : i32
          %broadcast_in_dim3A_991 = vector.broadcast %broadcast_in_dim3A_990 : i32 to vector<16xi32>
          %scatter3A_992 = arith.constant 3 : i32
          %scatter3A_993 = arith.constant 0 : i32
          %scatter3A_994 = arith.constant 0 : i32
          %scatter3A_995 = tpu.memref_slice %arg7[%scatter3A_992, %scatter3A_993, %scatter3A_994] : memref<4x400x64xf32, #tpu.memory_space<vmem>> -> memref<1x400x64xf32, #tpu.memory_space<vmem>>
          %scatter3A_996 = tpu.memref_squeeze %scatter3A_995 : memref<1x400x64xf32, #tpu.memory_space<vmem>> -> memref<400x64xf32, #tpu.memory_space<vmem>>
          tpu.vector_store_idx %scatter3A_996[%add3A_708, %broadcast_in_dim3A_991], %broadcast_in_dim3A_710 masked %eq3A_704 : memref<400x64xf32, #tpu.memory_space<vmem>>[vector<16xi32>, vector<16xi32>], vector<16xf32>, vector<16xi1>
          %broadcast_in_dim3A_997 = arith.constant 41 : i32
          %broadcast_in_dim3A_998 = vector.broadcast %broadcast_in_dim3A_997 : i32 to vector<16xi32>
          %scatter3A_999 = arith.constant 3 : i32
          %scatter3A_1000 = arith.constant 0 : i32
          %scatter3A_1001 = arith.constant 0 : i32
          %scatter3A_1002 = tpu.memref_slice %arg7[%scatter3A_999, %scatter3A_1000, %scatter3A_1001] : memref<4x400x64xf32, #tpu.memory_space<vmem>> -> memref<1x400x64xf32, #tpu.memory_space<vmem>>
          %scatter3A_1003 = tpu.memref_squeeze %scatter3A_1002 : memref<1x400x64xf32, #tpu.memory_space<vmem>> -> memref<400x64xf32, #tpu.memory_space<vmem>>
          tpu.vector_store_idx %scatter3A_1003[%add3A_708, %broadcast_in_dim3A_998], %broadcast_in_dim3A_710 masked %eq3A_704 : memref<400x64xf32, #tpu.memory_space<vmem>>[vector<16xi32>, vector<16xi32>], vector<16xf32>, vector<16xi1>
          %broadcast_in_dim3A_1004 = arith.constant 42 : i32
          %broadcast_in_dim3A_1005 = vector.broadcast %broadcast_in_dim3A_1004 : i32 to vector<16xi32>
          %scatter3A_1006 = arith.constant 3 : i32
          %scatter3A_1007 = arith.constant 0 : i32
          %scatter3A_1008 = arith.constant 0 : i32
          %scatter3A_1009 = tpu.memref_slice %arg7[%scatter3A_1006, %scatter3A_1007, %scatter3A_1008] : memref<4x400x64xf32, #tpu.memory_space<vmem>> -> memref<1x400x64xf32, #tpu.memory_space<vmem>>
          %scatter3A_1010 = tpu.memref_squeeze %scatter3A_1009 : memref<1x400x64xf32, #tpu.memory_space<vmem>> -> memref<400x64xf32, #tpu.memory_space<vmem>>
          tpu.vector_store_idx %scatter3A_1010[%add3A_708, %broadcast_in_dim3A_1005], %broadcast_in_dim3A_710 masked %eq3A_704 : memref<400x64xf32, #tpu.memory_space<vmem>>[vector<16xi32>, vector<16xi32>], vector<16xf32>, vector<16xi1>
          %broadcast_in_dim3A_1011 = arith.constant 43 : i32
          %broadcast_in_dim3A_1012 = vector.broadcast %broadcast_in_dim3A_1011 : i32 to vector<16xi32>
          %scatter3A_1013 = arith.constant 3 : i32
          %scatter3A_1014 = arith.constant 0 : i32
          %scatter3A_1015 = arith.constant 0 : i32
          %scatter3A_1016 = tpu.memref_slice %arg7[%scatter3A_1013, %scatter3A_1014, %scatter3A_1015] : memref<4x400x64xf32, #tpu.memory_space<vmem>> -> memref<1x400x64xf32, #tpu.memory_space<vmem>>
          %scatter3A_1017 = tpu.memref_squeeze %scatter3A_1016 : memref<1x400x64xf32, #tpu.memory_space<vmem>> -> memref<400x64xf32, #tpu.memory_space<vmem>>
          tpu.vector_store_idx %scatter3A_1017[%add3A_708, %broadcast_in_dim3A_1012], %broadcast_in_dim3A_710 masked %eq3A_704 : memref<400x64xf32, #tpu.memory_space<vmem>>[vector<16xi32>, vector<16xi32>], vector<16xf32>, vector<16xi1>
          %broadcast_in_dim3A_1018 = arith.constant 44 : i32
          %broadcast_in_dim3A_1019 = vector.broadcast %broadcast_in_dim3A_1018 : i32 to vector<16xi32>
          %scatter3A_1020 = arith.constant 3 : i32
          %scatter3A_1021 = arith.constant 0 : i32
          %scatter3A_1022 = arith.constant 0 : i32
          %scatter3A_1023 = tpu.memref_slice %arg7[%scatter3A_1020, %scatter3A_1021, %scatter3A_1022] : memref<4x400x64xf32, #tpu.memory_space<vmem>> -> memref<1x400x64xf32, #tpu.memory_space<vmem>>
          %scatter3A_1024 = tpu.memref_squeeze %scatter3A_1023 : memref<1x400x64xf32, #tpu.memory_space<vmem>> -> memref<400x64xf32, #tpu.memory_space<vmem>>
          tpu.vector_store_idx %scatter3A_1024[%add3A_708, %broadcast_in_dim3A_1019], %broadcast_in_dim3A_710 masked %eq3A_704 : memref<400x64xf32, #tpu.memory_space<vmem>>[vector<16xi32>, vector<16xi32>], vector<16xf32>, vector<16xi1>
          %broadcast_in_dim3A_1025 = arith.constant 45 : i32
          %broadcast_in_dim3A_1026 = vector.broadcast %broadcast_in_dim3A_1025 : i32 to vector<16xi32>
          %scatter3A_1027 = arith.constant 3 : i32
          %scatter3A_1028 = arith.constant 0 : i32
          %scatter3A_1029 = arith.constant 0 : i32
          %scatter3A_1030 = tpu.memref_slice %arg7[%scatter3A_1027, %scatter3A_1028, %scatter3A_1029] : memref<4x400x64xf32, #tpu.memory_space<vmem>> -> memref<1x400x64xf32, #tpu.memory_space<vmem>>
          %scatter3A_1031 = tpu.memref_squeeze %scatter3A_1030 : memref<1x400x64xf32, #tpu.memory_space<vmem>> -> memref<400x64xf32, #tpu.memory_space<vmem>>
          tpu.vector_store_idx %scatter3A_1031[%add3A_708, %broadcast_in_dim3A_1026], %broadcast_in_dim3A_710 masked %eq3A_704 : memref<400x64xf32, #tpu.memory_space<vmem>>[vector<16xi32>, vector<16xi32>], vector<16xf32>, vector<16xi1>
          %broadcast_in_dim3A_1032 = arith.constant 46 : i32
          %broadcast_in_dim3A_1033 = vector.broadcast %broadcast_in_dim3A_1032 : i32 to vector<16xi32>
          %scatter3A_1034 = arith.constant 3 : i32
          %scatter3A_1035 = arith.constant 0 : i32
          %scatter3A_1036 = arith.constant 0 : i32
          %scatter3A_1037 = tpu.memref_slice %arg7[%scatter3A_1034, %scatter3A_1035, %scatter3A_1036] : memref<4x400x64xf32, #tpu.memory_space<vmem>> -> memref<1x400x64xf32, #tpu.memory_space<vmem>>
          %scatter3A_1038 = tpu.memref_squeeze %scatter3A_1037 : memref<1x400x64xf32, #tpu.memory_space<vmem>> -> memref<400x64xf32, #tpu.memory_space<vmem>>
          tpu.vector_store_idx %scatter3A_1038[%add3A_708, %broadcast_in_dim3A_1033], %broadcast_in_dim3A_710 masked %eq3A_704 : memref<400x64xf32, #tpu.memory_space<vmem>>[vector<16xi32>, vector<16xi32>], vector<16xf32>, vector<16xi1>
          %broadcast_in_dim3A_1039 = arith.constant 47 : i32
          %broadcast_in_dim3A_1040 = vector.broadcast %broadcast_in_dim3A_1039 : i32 to vector<16xi32>
          %scatter3A_1041 = arith.constant 3 : i32
          %scatter3A_1042 = arith.constant 0 : i32
          %scatter3A_1043 = arith.constant 0 : i32
          %scatter3A_1044 = tpu.memref_slice %arg7[%scatter3A_1041, %scatter3A_1042, %scatter3A_1043] : memref<4x400x64xf32, #tpu.memory_space<vmem>> -> memref<1x400x64xf32, #tpu.memory_space<vmem>>
          %scatter3A_1045 = tpu.memref_squeeze %scatter3A_1044 : memref<1x400x64xf32, #tpu.memory_space<vmem>> -> memref<400x64xf32, #tpu.memory_space<vmem>>
          tpu.vector_store_idx %scatter3A_1045[%add3A_708, %broadcast_in_dim3A_1040], %broadcast_in_dim3A_710 masked %eq3A_704 : memref<400x64xf32, #tpu.memory_space<vmem>>[vector<16xi32>, vector<16xi32>], vector<16xf32>, vector<16xi1>
          %broadcast_in_dim3A_1046 = arith.constant 48 : i32
          %broadcast_in_dim3A_1047 = vector.broadcast %broadcast_in_dim3A_1046 : i32 to vector<16xi32>
          %scatter3A_1048 = arith.constant 3 : i32
          %scatter3A_1049 = arith.constant 0 : i32
          %scatter3A_1050 = arith.constant 0 : i32
          %scatter3A_1051 = tpu.memref_slice %arg7[%scatter3A_1048, %scatter3A_1049, %scatter3A_1050] : memref<4x400x64xf32, #tpu.memory_space<vmem>> -> memref<1x400x64xf32, #tpu.memory_space<vmem>>
          %scatter3A_1052 = tpu.memref_squeeze %scatter3A_1051 : memref<1x400x64xf32, #tpu.memory_space<vmem>> -> memref<400x64xf32, #tpu.memory_space<vmem>>
          tpu.vector_store_idx %scatter3A_1052[%add3A_708, %broadcast_in_dim3A_1047], %broadcast_in_dim3A_710 masked %eq3A_704 : memref<400x64xf32, #tpu.memory_space<vmem>>[vector<16xi32>, vector<16xi32>], vector<16xf32>, vector<16xi1>
          %broadcast_in_dim3A_1053 = arith.constant 49 : i32
          %broadcast_in_dim3A_1054 = vector.broadcast %broadcast_in_dim3A_1053 : i32 to vector<16xi32>
          %scatter3A_1055 = arith.constant 3 : i32
          %scatter3A_1056 = arith.constant 0 : i32
          %scatter3A_1057 = arith.constant 0 : i32
          %scatter3A_1058 = tpu.memref_slice %arg7[%scatter3A_1055, %scatter3A_1056, %scatter3A_1057] : memref<4x400x64xf32, #tpu.memory_space<vmem>> -> memref<1x400x64xf32, #tpu.memory_space<vmem>>
          %scatter3A_1059 = tpu.memref_squeeze %scatter3A_1058 : memref<1x400x64xf32, #tpu.memory_space<vmem>> -> memref<400x64xf32, #tpu.memory_space<vmem>>
          tpu.vector_store_idx %scatter3A_1059[%add3A_708, %broadcast_in_dim3A_1054], %broadcast_in_dim3A_710 masked %eq3A_704 : memref<400x64xf32, #tpu.memory_space<vmem>>[vector<16xi32>, vector<16xi32>], vector<16xf32>, vector<16xi1>
          %broadcast_in_dim3A_1060 = arith.constant 50 : i32
          %broadcast_in_dim3A_1061 = vector.broadcast %broadcast_in_dim3A_1060 : i32 to vector<16xi32>
          %scatter3A_1062 = arith.constant 3 : i32
          %scatter3A_1063 = arith.constant 0 : i32
          %scatter3A_1064 = arith.constant 0 : i32
          %scatter3A_1065 = tpu.memref_slice %arg7[%scatter3A_1062, %scatter3A_1063, %scatter3A_1064] : memref<4x400x64xf32, #tpu.memory_space<vmem>> -> memref<1x400x64xf32, #tpu.memory_space<vmem>>
          %scatter3A_1066 = tpu.memref_squeeze %scatter3A_1065 : memref<1x400x64xf32, #tpu.memory_space<vmem>> -> memref<400x64xf32, #tpu.memory_space<vmem>>
          tpu.vector_store_idx %scatter3A_1066[%add3A_708, %broadcast_in_dim3A_1061], %broadcast_in_dim3A_710 masked %eq3A_704 : memref<400x64xf32, #tpu.memory_space<vmem>>[vector<16xi32>, vector<16xi32>], vector<16xf32>, vector<16xi1>
          %broadcast_in_dim3A_1067 = arith.constant 51 : i32
          %broadcast_in_dim3A_1068 = vector.broadcast %broadcast_in_dim3A_1067 : i32 to vector<16xi32>
          %scatter3A_1069 = arith.constant 3 : i32
          %scatter3A_1070 = arith.constant 0 : i32
          %scatter3A_1071 = arith.constant 0 : i32
          %scatter3A_1072 = tpu.memref_slice %arg7[%scatter3A_1069, %scatter3A_1070, %scatter3A_1071] : memref<4x400x64xf32, #tpu.memory_space<vmem>> -> memref<1x400x64xf32, #tpu.memory_space<vmem>>
          %scatter3A_1073 = tpu.memref_squeeze %scatter3A_1072 : memref<1x400x64xf32, #tpu.memory_space<vmem>> -> memref<400x64xf32, #tpu.memory_space<vmem>>
          tpu.vector_store_idx %scatter3A_1073[%add3A_708, %broadcast_in_dim3A_1068], %broadcast_in_dim3A_710 masked %eq3A_704 : memref<400x64xf32, #tpu.memory_space<vmem>>[vector<16xi32>, vector<16xi32>], vector<16xf32>, vector<16xi1>
          %broadcast_in_dim3A_1074 = arith.constant 52 : i32
          %broadcast_in_dim3A_1075 = vector.broadcast %broadcast_in_dim3A_1074 : i32 to vector<16xi32>
          %scatter3A_1076 = arith.constant 3 : i32
          %scatter3A_1077 = arith.constant 0 : i32
          %scatter3A_1078 = arith.constant 0 : i32
          %scatter3A_1079 = tpu.memref_slice %arg7[%scatter3A_1076, %scatter3A_1077, %scatter3A_1078] : memref<4x400x64xf32, #tpu.memory_space<vmem>> -> memref<1x400x64xf32, #tpu.memory_space<vmem>>
          %scatter3A_1080 = tpu.memref_squeeze %scatter3A_1079 : memref<1x400x64xf32, #tpu.memory_space<vmem>> -> memref<400x64xf32, #tpu.memory_space<vmem>>
          tpu.vector_store_idx %scatter3A_1080[%add3A_708, %broadcast_in_dim3A_1075], %broadcast_in_dim3A_710 masked %eq3A_704 : memref<400x64xf32, #tpu.memory_space<vmem>>[vector<16xi32>, vector<16xi32>], vector<16xf32>, vector<16xi1>
          %broadcast_in_dim3A_1081 = arith.constant 53 : i32
          %broadcast_in_dim3A_1082 = vector.broadcast %broadcast_in_dim3A_1081 : i32 to vector<16xi32>
          %scatter3A_1083 = arith.constant 3 : i32
          %scatter3A_1084 = arith.constant 0 : i32
          %scatter3A_1085 = arith.constant 0 : i32
          %scatter3A_1086 = tpu.memref_slice %arg7[%scatter3A_1083, %scatter3A_1084, %scatter3A_1085] : memref<4x400x64xf32, #tpu.memory_space<vmem>> -> memref<1x400x64xf32, #tpu.memory_space<vmem>>
          %scatter3A_1087 = tpu.memref_squeeze %scatter3A_1086 : memref<1x400x64xf32, #tpu.memory_space<vmem>> -> memref<400x64xf32, #tpu.memory_space<vmem>>
          tpu.vector_store_idx %scatter3A_1087[%add3A_708, %broadcast_in_dim3A_1082], %broadcast_in_dim3A_710 masked %eq3A_704 : memref<400x64xf32, #tpu.memory_space<vmem>>[vector<16xi32>, vector<16xi32>], vector<16xf32>, vector<16xi1>
          %broadcast_in_dim3A_1088 = arith.constant 54 : i32
          %broadcast_in_dim3A_1089 = vector.broadcast %broadcast_in_dim3A_1088 : i32 to vector<16xi32>
          %scatter3A_1090 = arith.constant 3 : i32
          %scatter3A_1091 = arith.constant 0 : i32
          %scatter3A_1092 = arith.constant 0 : i32
          %scatter3A_1093 = tpu.memref_slice %arg7[%scatter3A_1090, %scatter3A_1091, %scatter3A_1092] : memref<4x400x64xf32, #tpu.memory_space<vmem>> -> memref<1x400x64xf32, #tpu.memory_space<vmem>>
          %scatter3A_1094 = tpu.memref_squeeze %scatter3A_1093 : memref<1x400x64xf32, #tpu.memory_space<vmem>> -> memref<400x64xf32, #tpu.memory_space<vmem>>
          tpu.vector_store_idx %scatter3A_1094[%add3A_708, %broadcast_in_dim3A_1089], %broadcast_in_dim3A_710 masked %eq3A_704 : memref<400x64xf32, #tpu.memory_space<vmem>>[vector<16xi32>, vector<16xi32>], vector<16xf32>, vector<16xi1>
          %broadcast_in_dim3A_1095 = arith.constant 55 : i32
          %broadcast_in_dim3A_1096 = vector.broadcast %broadcast_in_dim3A_1095 : i32 to vector<16xi32>
          %scatter3A_1097 = arith.constant 3 : i32
          %scatter3A_1098 = arith.constant 0 : i32
          %scatter3A_1099 = arith.constant 0 : i32
          %scatter3A_1100 = tpu.memref_slice %arg7[%scatter3A_1097, %scatter3A_1098, %scatter3A_1099] : memref<4x400x64xf32, #tpu.memory_space<vmem>> -> memref<1x400x64xf32, #tpu.memory_space<vmem>>
          %scatter3A_1101 = tpu.memref_squeeze %scatter3A_1100 : memref<1x400x64xf32, #tpu.memory_space<vmem>> -> memref<400x64xf32, #tpu.memory_space<vmem>>
          tpu.vector_store_idx %scatter3A_1101[%add3A_708, %broadcast_in_dim3A_1096], %broadcast_in_dim3A_710 masked %eq3A_704 : memref<400x64xf32, #tpu.memory_space<vmem>>[vector<16xi32>, vector<16xi32>], vector<16xf32>, vector<16xi1>
          %broadcast_in_dim3A_1102 = arith.constant 56 : i32
          %broadcast_in_dim3A_1103 = vector.broadcast %broadcast_in_dim3A_1102 : i32 to vector<16xi32>
          %scatter3A_1104 = arith.constant 3 : i32
          %scatter3A_1105 = arith.constant 0 : i32
          %scatter3A_1106 = arith.constant 0 : i32
          %scatter3A_1107 = tpu.memref_slice %arg7[%scatter3A_1104, %scatter3A_1105, %scatter3A_1106] : memref<4x400x64xf32, #tpu.memory_space<vmem>> -> memref<1x400x64xf32, #tpu.memory_space<vmem>>
          %scatter3A_1108 = tpu.memref_squeeze %scatter3A_1107 : memref<1x400x64xf32, #tpu.memory_space<vmem>> -> memref<400x64xf32, #tpu.memory_space<vmem>>
          tpu.vector_store_idx %scatter3A_1108[%add3A_708, %broadcast_in_dim3A_1103], %broadcast_in_dim3A_710 masked %eq3A_704 : memref<400x64xf32, #tpu.memory_space<vmem>>[vector<16xi32>, vector<16xi32>], vector<16xf32>, vector<16xi1>
          %broadcast_in_dim3A_1109 = arith.constant 57 : i32
          %broadcast_in_dim3A_1110 = vector.broadcast %broadcast_in_dim3A_1109 : i32 to vector<16xi32>
          %scatter3A_1111 = arith.constant 3 : i32
          %scatter3A_1112 = arith.constant 0 : i32
          %scatter3A_1113 = arith.constant 0 : i32
          %scatter3A_1114 = tpu.memref_slice %arg7[%scatter3A_1111, %scatter3A_1112, %scatter3A_1113] : memref<4x400x64xf32, #tpu.memory_space<vmem>> -> memref<1x400x64xf32, #tpu.memory_space<vmem>>
          %scatter3A_1115 = tpu.memref_squeeze %scatter3A_1114 : memref<1x400x64xf32, #tpu.memory_space<vmem>> -> memref<400x64xf32, #tpu.memory_space<vmem>>
          tpu.vector_store_idx %scatter3A_1115[%add3A_708, %broadcast_in_dim3A_1110], %broadcast_in_dim3A_710 masked %eq3A_704 : memref<400x64xf32, #tpu.memory_space<vmem>>[vector<16xi32>, vector<16xi32>], vector<16xf32>, vector<16xi1>
          %broadcast_in_dim3A_1116 = arith.constant 58 : i32
          %broadcast_in_dim3A_1117 = vector.broadcast %broadcast_in_dim3A_1116 : i32 to vector<16xi32>
          %scatter3A_1118 = arith.constant 3 : i32
          %scatter3A_1119 = arith.constant 0 : i32
          %scatter3A_1120 = arith.constant 0 : i32
          %scatter3A_1121 = tpu.memref_slice %arg7[%scatter3A_1118, %scatter3A_1119, %scatter3A_1120] : memref<4x400x64xf32, #tpu.memory_space<vmem>> -> memref<1x400x64xf32, #tpu.memory_space<vmem>>
          %scatter3A_1122 = tpu.memref_squeeze %scatter3A_1121 : memref<1x400x64xf32, #tpu.memory_space<vmem>> -> memref<400x64xf32, #tpu.memory_space<vmem>>
          tpu.vector_store_idx %scatter3A_1122[%add3A_708, %broadcast_in_dim3A_1117], %broadcast_in_dim3A_710 masked %eq3A_704 : memref<400x64xf32, #tpu.memory_space<vmem>>[vector<16xi32>, vector<16xi32>], vector<16xf32>, vector<16xi1>
          %broadcast_in_dim3A_1123 = arith.constant 59 : i32
          %broadcast_in_dim3A_1124 = vector.broadcast %broadcast_in_dim3A_1123 : i32 to vector<16xi32>
          %scatter3A_1125 = arith.constant 3 : i32
          %scatter3A_1126 = arith.constant 0 : i32
          %scatter3A_1127 = arith.constant 0 : i32
          %scatter3A_1128 = tpu.memref_slice %arg7[%scatter3A_1125, %scatter3A_1126, %scatter3A_1127] : memref<4x400x64xf32, #tpu.memory_space<vmem>> -> memref<1x400x64xf32, #tpu.memory_space<vmem>>
          %scatter3A_1129 = tpu.memref_squeeze %scatter3A_1128 : memref<1x400x64xf32, #tpu.memory_space<vmem>> -> memref<400x64xf32, #tpu.memory_space<vmem>>
          tpu.vector_store_idx %scatter3A_1129[%add3A_708, %broadcast_in_dim3A_1124], %broadcast_in_dim3A_710 masked %eq3A_704 : memref<400x64xf32, #tpu.memory_space<vmem>>[vector<16xi32>, vector<16xi32>], vector<16xf32>, vector<16xi1>
          %broadcast_in_dim3A_1130 = arith.constant 60 : i32
          %broadcast_in_dim3A_1131 = vector.broadcast %broadcast_in_dim3A_1130 : i32 to vector<16xi32>
          %scatter3A_1132 = arith.constant 3 : i32
          %scatter3A_1133 = arith.constant 0 : i32
          %scatter3A_1134 = arith.constant 0 : i32
          %scatter3A_1135 = tpu.memref_slice %arg7[%scatter3A_1132, %scatter3A_1133, %scatter3A_1134] : memref<4x400x64xf32, #tpu.memory_space<vmem>> -> memref<1x400x64xf32, #tpu.memory_space<vmem>>
          %scatter3A_1136 = tpu.memref_squeeze %scatter3A_1135 : memref<1x400x64xf32, #tpu.memory_space<vmem>> -> memref<400x64xf32, #tpu.memory_space<vmem>>
          tpu.vector_store_idx %scatter3A_1136[%add3A_708, %broadcast_in_dim3A_1131], %broadcast_in_dim3A_710 masked %eq3A_704 : memref<400x64xf32, #tpu.memory_space<vmem>>[vector<16xi32>, vector<16xi32>], vector<16xf32>, vector<16xi1>
          %broadcast_in_dim3A_1137 = arith.constant 61 : i32
          %broadcast_in_dim3A_1138 = vector.broadcast %broadcast_in_dim3A_1137 : i32 to vector<16xi32>
          %scatter3A_1139 = arith.constant 3 : i32
          %scatter3A_1140 = arith.constant 0 : i32
          %scatter3A_1141 = arith.constant 0 : i32
          %scatter3A_1142 = tpu.memref_slice %arg7[%scatter3A_1139, %scatter3A_1140, %scatter3A_1141] : memref<4x400x64xf32, #tpu.memory_space<vmem>> -> memref<1x400x64xf32, #tpu.memory_space<vmem>>
          %scatter3A_1143 = tpu.memref_squeeze %scatter3A_1142 : memref<1x400x64xf32, #tpu.memory_space<vmem>> -> memref<400x64xf32, #tpu.memory_space<vmem>>
          tpu.vector_store_idx %scatter3A_1143[%add3A_708, %broadcast_in_dim3A_1138], %broadcast_in_dim3A_710 masked %eq3A_704 : memref<400x64xf32, #tpu.memory_space<vmem>>[vector<16xi32>, vector<16xi32>], vector<16xf32>, vector<16xi1>
          %broadcast_in_dim3A_1144 = arith.constant 62 : i32
          %broadcast_in_dim3A_1145 = vector.broadcast %broadcast_in_dim3A_1144 : i32 to vector<16xi32>
          %scatter3A_1146 = arith.constant 3 : i32
          %scatter3A_1147 = arith.constant 0 : i32
          %scatter3A_1148 = arith.constant 0 : i32
          %scatter3A_1149 = tpu.memref_slice %arg7[%scatter3A_1146, %scatter3A_1147, %scatter3A_1148] : memref<4x400x64xf32, #tpu.memory_space<vmem>> -> memref<1x400x64xf32, #tpu.memory_space<vmem>>
          %scatter3A_1150 = tpu.memref_squeeze %scatter3A_1149 : memref<1x400x64xf32, #tpu.memory_space<vmem>> -> memref<400x64xf32, #tpu.memory_space<vmem>>
          tpu.vector_store_idx %scatter3A_1150[%add3A_708, %broadcast_in_dim3A_1145], %broadcast_in_dim3A_710 masked %eq3A_704 : memref<400x64xf32, #tpu.memory_space<vmem>>[vector<16xi32>, vector<16xi32>], vector<16xf32>, vector<16xi1>
          %broadcast_in_dim3A_1151 = arith.constant 63 : i32
          %broadcast_in_dim3A_1152 = vector.broadcast %broadcast_in_dim3A_1151 : i32 to vector<16xi32>
          %scatter3A_1153 = arith.constant 3 : i32
          %scatter3A_1154 = arith.constant 0 : i32
          %scatter3A_1155 = arith.constant 0 : i32
          %scatter3A_1156 = tpu.memref_slice %arg7[%scatter3A_1153, %scatter3A_1154, %scatter3A_1155] : memref<4x400x64xf32, #tpu.memory_space<vmem>> -> memref<1x400x64xf32, #tpu.memory_space<vmem>>
          %scatter3A_1157 = tpu.memref_squeeze %scatter3A_1156 : memref<1x400x64xf32, #tpu.memory_space<vmem>> -> memref<400x64xf32, #tpu.memory_space<vmem>>
          tpu.vector_store_idx %scatter3A_1157[%add3A_708, %broadcast_in_dim3A_1152], %broadcast_in_dim3A_710 masked %eq3A_704 : memref<400x64xf32, #tpu.memory_space<vmem>>[vector<16xi32>, vector<16xi32>], vector<16xf32>, vector<16xi1>
          %scan3A_1158 = arith.constant 0 : i32
          scf.yield %scan3A_1158 : i32
        }
        %scan3A_695 = arith.constant 25 : i32
      } else {
      }
      %scan3A_665 = arith.constant 0 : i32
      %scan3A_666 = arith.constant 0 : i32
      %scan3A_667 = arith.constant 200 : i32
      %scan3A_668 = arith.addi %scan3A_666, %scan3A_667 : i32
      %scan3A_669 = arith.constant 1 : i32
      %scan3A_670 = scf.for %scan3A_689 = %scan3A_666 to %scan3A_668 step %scan3A_669 iter_args(%scan3A_690 = %scan3A_665) -> (i32)  : i32 {
        %add3A_691 = arith.constant 0 : i32
        %add3A_692 = arith.addi %add3A_691, %scan3A_689 : i32
        %get3A = arith.constant 3 : i32
        %get3A_693 = arith.index_cast %get3A : i32 to index
        %get3A_694 = arith.index_cast %add3A_692 : i32 to index
        %get3A_695 = arith.constant 0 : index
        %get3A_696 = tpu.vector_load %arg7[%get3A_693, %get3A_694, %get3A_695] {strides = array<i32>} : memref<4x400x64xf32, #tpu.memory_space<vmem>>, vector<16xf32>,
        %get3A_697 = arith.index_cast %scan3A_689 : i32 to index
        %get3A_698 = arith.constant 0 : index
        %get3A_699 = tpu.vector_load %arg8[%get3A_697, %get3A_698] {strides = array<i32>} : memref<200x64xf32, #tpu.memory_space<vmem>>, vector<16xf32>,
        %add3A_700 = arith.addf %get3A_696, %get3A_699 : vector<16xf32>
        %swap3A = arith.constant 3 : i32
        %swap3A_701 = arith.index_cast %swap3A : i32 to index
        %swap3A_702 = arith.index_cast %add3A_692 : i32 to index
        %swap3A_703 = arith.constant 0 : index
        %swap3A_704 = tpu.vector_load %arg7[%swap3A_701, %swap3A_702, %swap3A_703] {strides = array<i32>} : memref<4x400x64xf32, #tpu.memory_space<vmem>>, vector<16xf32>,
        tpu.vector_store %arg7[%swap3A_701, %swap3A_702, %swap3A_703], %add3A_700 {strides = array<i32>} : memref<4x400x64xf32, #tpu.memory_space<vmem>>, vector<16xf32>,
        %add3A_705 = arith.constant 0 : i32
        %add3A_706 = arith.addi %add3A_705, %scan3A_689 : i32
        %get3A_707 = arith.constant 3 : i32
        %get3A_708 = arith.index_cast %get3A_707 : i32 to index
        %get3A_709 = arith.index_cast %add3A_706 : i32 to index
        %get3A_710 = arith.constant 16 : index
        %get3A_711 = tpu.vector_load %arg7[%get3A_708, %get3A_709, %get3A_710] {strides = array<i32>} : memref<4x400x64xf32, #tpu.memory_space<vmem>>, vector<16xf32>,
        %get3A_712 = arith.index_cast %scan3A_689 : i32 to index
        %get3A_713 = arith.constant 16 : index
        %get3A_714 = tpu.vector_load %arg8[%get3A_712, %get3A_713] {strides = array<i32>} : memref<200x64xf32, #tpu.memory_space<vmem>>, vector<16xf32>,
        %add3A_715 = arith.addf %get3A_711, %get3A_714 : vector<16xf32>
        %swap3A_716 = arith.constant 3 : i32
        %swap3A_717 = arith.index_cast %swap3A_716 : i32 to index
        %swap3A_718 = arith.index_cast %add3A_706 : i32 to index
        %swap3A_719 = arith.constant 16 : index
        %swap3A_720 = tpu.vector_load %arg7[%swap3A_717, %swap3A_718, %swap3A_719] {strides = array<i32>} : memref<4x400x64xf32, #tpu.memory_space<vmem>>, vector<16xf32>,
        tpu.vector_store %arg7[%swap3A_717, %swap3A_718, %swap3A_719], %add3A_715 {strides = array<i32>} : memref<4x400x64xf32, #tpu.memory_space<vmem>>, vector<16xf32>,
        %add3A_721 = arith.constant 0 : i32
        %add3A_722 = arith.addi %add3A_721, %scan3A_689 : i32
        %get3A_723 = arith.constant 3 : i32
        %get3A_724 = arith.index_cast %get3A_723 : i32 to index
        %get3A_725 = arith.index_cast %add3A_722 : i32 to index
        %get3A_726 = arith.constant 32 : index
        %get3A_727 = tpu.vector_load %arg7[%get3A_724, %get3A_725, %get3A_726] {strides = array<i32>} : memref<4x400x64xf32, #tpu.memory_space<vmem>>, vector<16xf32>,
        %get3A_728 = arith.index_cast %scan3A_689 : i32 to index
        %get3A_729 = arith.constant 32 : index
        %get3A_730 = tpu.vector_load %arg8[%get3A_728, %get3A_729] {strides = array<i32>} : memref<200x64xf32, #tpu.memory_space<vmem>>, vector<16xf32>,
        %add3A_731 = arith.addf %get3A_727, %get3A_730 : vector<16xf32>
        %swap3A_732 = arith.constant 3 : i32
        %swap3A_733 = arith.index_cast %swap3A_732 : i32 to index
        %swap3A_734 = arith.index_cast %add3A_722 : i32 to index
        %swap3A_735 = arith.constant 32 : index
        %swap3A_736 = tpu.vector_load %arg7[%swap3A_733, %swap3A_734, %swap3A_735] {strides = array<i32>} : memref<4x400x64xf32, #tpu.memory_space<vmem>>, vector<16xf32>,
        tpu.vector_store %arg7[%swap3A_733, %swap3A_734, %swap3A_735], %add3A_731 {strides = array<i32>} : memref<4x400x64xf32, #tpu.memory_space<vmem>>, vector<16xf32>,
        %add3A_737 = arith.constant 0 : i32
        %add3A_738 = arith.addi %add3A_737, %scan3A_689 : i32
        %get3A_739 = arith.constant 3 : i32
        %get3A_740 = arith.index_cast %get3A_739 : i32 to index
        %get3A_741 = arith.index_cast %add3A_738 : i32 to index
        %get3A_742 = arith.constant 48 : index
        %get3A_743 = tpu.vector_load %arg7[%get3A_740, %get3A_741, %get3A_742] {strides = array<i32>} : memref<4x400x64xf32, #tpu.memory_space<vmem>>, vector<16xf32>,
        %get3A_744 = arith.index_cast %scan3A_689 : i32 to index
        %get3A_745 = arith.constant 48 : index
        %get3A_746 = tpu.vector_load %arg8[%get3A_744, %get3A_745] {strides = array<i32>} : memref<200x64xf32, #tpu.memory_space<vmem>>, vector<16xf32>,
        %add3A_747 = arith.addf %get3A_743, %get3A_746 : vector<16xf32>
        %swap3A_748 = arith.constant 3 : i32
        %swap3A_749 = arith.index_cast %swap3A_748 : i32 to index
        %swap3A_750 = arith.index_cast %add3A_738 : i32 to index
        %swap3A_751 = arith.constant 48 : index
        %swap3A_752 = tpu.vector_load %arg7[%swap3A_749, %swap3A_750, %swap3A_751] {strides = array<i32>} : memref<4x400x64xf32, #tpu.memory_space<vmem>>, vector<16xf32>,
        tpu.vector_store %arg7[%swap3A_749, %swap3A_750, %swap3A_751], %add3A_747 {strides = array<i32>} : memref<4x400x64xf32, #tpu.memory_space<vmem>>, vector<16xf32>,
        %add3A_753 = arith.constant 200 : i32
        %add3A_754 = arith.addi %add3A_753, %scan3A_689 : i32
        %get3A_755 = arith.constant 3 : i32
        %get3A_756 = arith.index_cast %get3A_755 : i32 to index
        %get3A_757 = arith.index_cast %add3A_754 : i32 to index
        %get3A_758 = arith.constant 0 : index
        %get3A_759 = tpu.vector_load %arg7[%get3A_756, %get3A_757, %get3A_758] {strides = array<i32>} : memref<4x400x64xf32, #tpu.memory_space<vmem>>, vector<16xf32>,
        %get3A_760 = arith.index_cast %scan3A_689 : i32 to index
        %get3A_761 = arith.constant 0 : index
        %get3A_762 = tpu.vector_load %arg8[%get3A_760, %get3A_761] {strides = array<i32>} : memref<200x64xf32, #tpu.memory_space<vmem>>, vector<16xf32>,
        %add3A_763 = arith.addf %get3A_759, %get3A_762 : vector<16xf32>
        %swap3A_764 = arith.constant 3 : i32
        %swap3A_765 = arith.index_cast %swap3A_764 : i32 to index
        %swap3A_766 = arith.index_cast %add3A_754 : i32 to index
        %swap3A_767 = arith.constant 0 : index
        %swap3A_768 = tpu.vector_load %arg7[%swap3A_765, %swap3A_766, %swap3A_767] {strides = array<i32>} : memref<4x400x64xf32, #tpu.memory_space<vmem>>, vector<16xf32>,
        tpu.vector_store %arg7[%swap3A_765, %swap3A_766, %swap3A_767], %add3A_763 {strides = array<i32>} : memref<4x400x64xf32, #tpu.memory_space<vmem>>, vector<16xf32>,
        %add3A_769 = arith.constant 200 : i32
        %add3A_770 = arith.addi %add3A_769, %scan3A_689 : i32
        %get3A_771 = arith.constant 3 : i32
        %get3A_772 = arith.index_cast %get3A_771 : i32 to index
        %get3A_773 = arith.index_cast %add3A_770 : i32 to index
        %get3A_774 = arith.constant 16 : index
        %get3A_775 = tpu.vector_load %arg7[%get3A_772, %get3A_773, %get3A_774] {strides = array<i32>} : memref<4x400x64xf32, #tpu.memory_space<vmem>>, vector<16xf32>,
        %get3A_776 = arith.index_cast %scan3A_689 : i32 to index
        %get3A_777 = arith.constant 16 : index
        %get3A_778 = tpu.vector_load %arg8[%get3A_776, %get3A_777] {strides = array<i32>} : memref<200x64xf32, #tpu.memory_space<vmem>>, vector<16xf32>,
        %add3A_779 = arith.addf %get3A_775, %get3A_778 : vector<16xf32>
        %swap3A_780 = arith.constant 3 : i32
        %swap3A_781 = arith.index_cast %swap3A_780 : i32 to index
        %swap3A_782 = arith.index_cast %add3A_770 : i32 to index
        %swap3A_783 = arith.constant 16 : index
        %swap3A_784 = tpu.vector_load %arg7[%swap3A_781, %swap3A_782, %swap3A_783] {strides = array<i32>} : memref<4x400x64xf32, #tpu.memory_space<vmem>>, vector<16xf32>,
        tpu.vector_store %arg7[%swap3A_781, %swap3A_782, %swap3A_783], %add3A_779 {strides = array<i32>} : memref<4x400x64xf32, #tpu.memory_space<vmem>>, vector<16xf32>,
        %add3A_785 = arith.constant 200 : i32
        %add3A_786 = arith.addi %add3A_785, %scan3A_689 : i32
        %get3A_787 = arith.constant 3 : i32
        %get3A_788 = arith.index_cast %get3A_787 : i32 to index
        %get3A_789 = arith.index_cast %add3A_786 : i32 to index
        %get3A_790 = arith.constant 32 : index
        %get3A_791 = tpu.vector_load %arg7[%get3A_788, %get3A_789, %get3A_790] {strides = array<i32>} : memref<4x400x64xf32, #tpu.memory_space<vmem>>, vector<16xf32>,
        %get3A_792 = arith.index_cast %scan3A_689 : i32 to index
        %get3A_793 = arith.constant 32 : index
        %get3A_794 = tpu.vector_load %arg8[%get3A_792, %get3A_793] {strides = array<i32>} : memref<200x64xf32, #tpu.memory_space<vmem>>, vector<16xf32>,
        %add3A_795 = arith.addf %get3A_791, %get3A_794 : vector<16xf32>
        %swap3A_796 = arith.constant 3 : i32
        %swap3A_797 = arith.index_cast %swap3A_796 : i32 to index
        %swap3A_798 = arith.index_cast %add3A_786 : i32 to index
        %swap3A_799 = arith.constant 32 : index
        %swap3A_800 = tpu.vector_load %arg7[%swap3A_797, %swap3A_798, %swap3A_799] {strides = array<i32>} : memref<4x400x64xf32, #tpu.memory_space<vmem>>, vector<16xf32>,
        tpu.vector_store %arg7[%swap3A_797, %swap3A_798, %swap3A_799], %add3A_795 {strides = array<i32>} : memref<4x400x64xf32, #tpu.memory_space<vmem>>, vector<16xf32>,
        %add3A_801 = arith.constant 200 : i32
        %add3A_802 = arith.addi %add3A_801, %scan3A_689 : i32
        %get3A_803 = arith.constant 3 : i32
        %get3A_804 = arith.index_cast %get3A_803 : i32 to index
        %get3A_805 = arith.index_cast %add3A_802 : i32 to index
        %get3A_806 = arith.constant 48 : index
        %get3A_807 = tpu.vector_load %arg7[%get3A_804, %get3A_805, %get3A_806] {strides = array<i32>} : memref<4x400x64xf32, #tpu.memory_space<vmem>>, vector<16xf32>,
        %get3A_808 = arith.index_cast %scan3A_689 : i32 to index
        %get3A_809 = arith.constant 48 : index
        %get3A_810 = tpu.vector_load %arg8[%get3A_808, %get3A_809] {strides = array<i32>} : memref<200x64xf32, #tpu.memory_space<vmem>>, vector<16xf32>,
        %add3A_811 = arith.addf %get3A_807, %get3A_810 : vector<16xf32>
        %swap3A_812 = arith.constant 3 : i32
        %swap3A_813 = arith.index_cast %swap3A_812 : i32 to index
        %swap3A_814 = arith.index_cast %add3A_802 : i32 to index
        %swap3A_815 = arith.constant 48 : index
        %swap3A_816 = tpu.vector_load %arg7[%swap3A_813, %swap3A_814, %swap3A_815] {strides = array<i32>} : memref<4x400x64xf32, #tpu.memory_space<vmem>>, vector<16xf32>,
        tpu.vector_store %arg7[%swap3A_813, %swap3A_814, %swap3A_815], %add3A_811 {strides = array<i32>} : memref<4x400x64xf32, #tpu.memory_space<vmem>>, vector<16xf32>,
        %scan3A_817 = arith.constant 0 : i32
        scf.yield %scan3A_817 : i32
      }
      %scan3A_671 = arith.constant 200 : i32
      %mul3A_672 = arith.constant 400 : i32
      %mul3A_673 = arith.muli %add3A_556, %mul3A_672 : i32
      %add3A_674 = arith.addi %mul3A_2, %mul3A_673 : i32
      %dma_start3A_675 = arith.constant 3 : i32
      %dma_start3A_676 = arith.constant 0 : i32
      %dma_start3A_677 = arith.constant 0 : i32
      %dma_start3A_678 = tpu.memref_slice %arg7[%dma_start3A_675, %dma_start3A_676, %dma_start3A_677] : memref<4x400x64xf32, #tpu.memory_space<vmem>> -> memref<1x400x64xf32, #tpu.memory_space<vmem>>
      %dma_start3A_679 = tpu.memref_squeeze %dma_start3A_678 : memref<1x400x64xf32, #tpu.memory_space<vmem>> -> memref<400x64xf32, #tpu.memory_space<vmem>>
      %dma_start3A_680 = arith.constant 0 : i32
      %dma_start3A_681 = tpu.memref_slice %arg5[%add3A_674, %dma_start3A_680] : memref<819200x64xf32, #tpu.memory_space<hbm>> -> memref<400x64xf32, #tpu.memory_space<hbm>>
      %dma_start3A_682 = arith.constant 0 : i32
      %dma_start3A_683 = tpu.memref_slice %arg5[%add3A_674, %dma_start3A_682] : memref<819200x64xf32, #tpu.memory_space<hbm>> -> memref<400x64xf32, #tpu.memory_space<hbm>>
      %dma_start3A_684 = arith.constant 0 : i32
      %dma_start3A_685 = arith.constant 0 : i32
      %dma_start3A_686 = tpu.memref_slice %arg7[%dma_start3A_675, %dma_start3A_684, %dma_start3A_685] : memref<4x400x64xf32, #tpu.memory_space<vmem>> -> memref<1x400x64xf32, #tpu.memory_space<vmem>>
      %dma_start3A_687 = tpu.memref_squeeze %dma_start3A_686 : memref<1x400x64xf32, #tpu.memory_space<vmem>> -> memref<400x64xf32, #tpu.memory_space<vmem>>
      tpu.enqueue_dma source(%dma_start3A_687 : memref<400x64xf32, #tpu.memory_space<vmem>>) target(%dma_start3A_683 : memref<400x64xf32, #tpu.memory_space<hbm>>) target_semaphore(%arg16 : memref<!tpu.dma_semaphore, #tpu.memory_space<semaphore_mem>>)
      %scan3A_688 = arith.constant 0 : i32
      scf.yield %scan3A_688 : i32
    }
    %scan3A_94 = arith.constant 16 : i32
    %add3A_95 = arith.constant 24000 : i32
    %add3A_96 = arith.addi %mul3A_2, %add3A_95 : i32
    %dma_wait3A = arith.constant 0 : i32
    %dma_wait3A_97 = arith.constant 0 : i32
    %dma_wait3A_98 = arith.constant 0 : i32
    %dma_wait3A_99 = tpu.memref_slice %arg7[%dma_wait3A, %dma_wait3A_97, %dma_wait3A_98] : memref<4x400x64xf32, #tpu.memory_space<vmem>> -> memref<1x400x64xf32, #tpu.memory_space<vmem>>
    %dma_wait3A_100 = tpu.memref_squeeze %dma_wait3A_99 : memref<1x400x64xf32, #tpu.memory_space<vmem>> -> memref<400x64xf32, #tpu.memory_space<vmem>>
    %dma_wait3A_101 = arith.constant 0 : i32
    %dma_wait3A_102 = tpu.memref_slice %arg5[%add3A_96, %dma_wait3A_101] : memref<819200x64xf32, #tpu.memory_space<hbm>> -> memref<400x64xf32, #tpu.memory_space<hbm>>
    %dma_wait3A_103 = arith.constant 0 : i32
    %dma_wait3A_104 = tpu.memref_slice %arg5[%add3A_96, %dma_wait3A_103] : memref<819200x64xf32, #tpu.memory_space<hbm>> -> memref<400x64xf32, #tpu.memory_space<hbm>>
    %dma_wait3A_105 = arith.constant 0 : i32
    %dma_wait3A_106 = arith.constant 0 : i32
    %dma_wait3A_107 = tpu.memref_slice %arg7[%dma_wait3A, %dma_wait3A_105, %dma_wait3A_106] : memref<4x400x64xf32, #tpu.memory_space<vmem>> -> memref<1x400x64xf32, #tpu.memory_space<vmem>>
    %dma_wait3A_108 = tpu.memref_squeeze %dma_wait3A_107 : memref<1x400x64xf32, #tpu.memory_space<vmem>> -> memref<400x64xf32, #tpu.memory_space<vmem>>
    tpu.wait_dma2 semaphore(%arg13 : memref<!tpu.dma_semaphore, #tpu.memory_space<semaphore_mem>>) src(%dma_wait3A_108 : memref<400x64xf32, #tpu.memory_space<vmem>>) dst(%dma_wait3A_104 : memref<400x64xf32, #tpu.memory_space<hbm>>)
    %add3A_109 = arith.constant 24400 : i32
    %add3A_110 = arith.addi %mul3A_2, %add3A_109 : i32
    %dma_wait3A_111 = arith.constant 1 : i32
    %dma_wait3A_112 = arith.constant 0 : i32
    %dma_wait3A_113 = arith.constant 0 : i32
    %dma_wait3A_114 = tpu.memref_slice %arg7[%dma_wait3A_111, %dma_wait3A_112, %dma_wait3A_113] : memref<4x400x64xf32, #tpu.memory_space<vmem>> -> memref<1x400x64xf32, #tpu.memory_space<vmem>>
    %dma_wait3A_115 = tpu.memref_squeeze %dma_wait3A_114 : memref<1x400x64xf32, #tpu.memory_space<vmem>> -> memref<400x64xf32, #tpu.memory_space<vmem>>
    %dma_wait3A_116 = arith.constant 0 : i32
    %dma_wait3A_117 = tpu.memref_slice %arg5[%add3A_110, %dma_wait3A_116] : memref<819200x64xf32, #tpu.memory_space<hbm>> -> memref<400x64xf32, #tpu.memory_space<hbm>>
    %dma_wait3A_118 = arith.constant 0 : i32
    %dma_wait3A_119 = tpu.memref_slice %arg5[%add3A_110, %dma_wait3A_118] : memref<819200x64xf32, #tpu.memory_space<hbm>> -> memref<400x64xf32, #tpu.memory_space<hbm>>
    %dma_wait3A_120 = arith.constant 0 : i32
    %dma_wait3A_121 = arith.constant 0 : i32
    %dma_wait3A_122 = tpu.memref_slice %arg7[%dma_wait3A_111, %dma_wait3A_120, %dma_wait3A_121] : memref<4x400x64xf32, #tpu.memory_space<vmem>> -> memref<1x400x64xf32, #tpu.memory_space<vmem>>
    %dma_wait3A_123 = tpu.memref_squeeze %dma_wait3A_122 : memref<1x400x64xf32, #tpu.memory_space<vmem>> -> memref<400x64xf32, #tpu.memory_space<vmem>>
    tpu.wait_dma2 semaphore(%arg14 : memref<!tpu.dma_semaphore, #tpu.memory_space<semaphore_mem>>) src(%dma_wait3A_123 : memref<400x64xf32, #tpu.memory_space<vmem>>) dst(%dma_wait3A_119 : memref<400x64xf32, #tpu.memory_space<hbm>>)
    %add3A_124 = arith.constant 24800 : i32
    %add3A_125 = arith.addi %mul3A_2, %add3A_124 : i32
    %dma_wait3A_126 = arith.constant 2 : i32
    %dma_wait3A_127 = arith.constant 0 : i32
    %dma_wait3A_128 = arith.constant 0 : i32
    %dma_wait3A_129 = tpu.memref_slice %arg7[%dma_wait3A_126, %dma_wait3A_127, %dma_wait3A_128] : memref<4x400x64xf32, #tpu.memory_space<vmem>> -> memref<1x400x64xf32, #tpu.memory_space<vmem>>
    %dma_wait3A_130 = tpu.memref_squeeze %dma_wait3A_129 : memref<1x400x64xf32, #tpu.memory_space<vmem>> -> memref<400x64xf32, #tpu.memory_space<vmem>>
    %dma_wait3A_131 = arith.constant 0 : i32
    %dma_wait3A_132 = tpu.memref_slice %arg5[%add3A_125, %dma_wait3A_131] : memref<819200x64xf32, #tpu.memory_space<hbm>> -> memref<400x64xf32, #tpu.memory_space<hbm>>
    %dma_wait3A_133 = arith.constant 0 : i32
    %dma_wait3A_134 = tpu.memref_slice %arg5[%add3A_125, %dma_wait3A_133] : memref<819200x64xf32, #tpu.memory_space<hbm>> -> memref<400x64xf32, #tpu.memory_space<hbm>>
    %dma_wait3A_135 = arith.constant 0 : i32
    %dma_wait3A_136 = arith.constant 0 : i32
    %dma_wait3A_137 = tpu.memref_slice %arg7[%dma_wait3A_126, %dma_wait3A_135, %dma_wait3A_136] : memref<4x400x64xf32, #tpu.memory_space<vmem>> -> memref<1x400x64xf32, #tpu.memory_space<vmem>>
    %dma_wait3A_138 = tpu.memref_squeeze %dma_wait3A_137 : memref<1x400x64xf32, #tpu.memory_space<vmem>> -> memref<400x64xf32, #tpu.memory_space<vmem>>
    tpu.wait_dma2 semaphore(%arg15 : memref<!tpu.dma_semaphore, #tpu.memory_space<semaphore_mem>>) src(%dma_wait3A_138 : memref<400x64xf32, #tpu.memory_space<vmem>>) dst(%dma_wait3A_134 : memref<400x64xf32, #tpu.memory_space<hbm>>)
    %add3A_139 = arith.constant 25200 : i32
    %add3A_140 = arith.addi %mul3A_2, %add3A_139 : i32
    %dma_wait3A_141 = arith.constant 3 : i32
    %dma_wait3A_142 = arith.constant 0 : i32
    %dma_wait3A_143 = arith.constant 0 : i32
    %dma_wait3A_144 = tpu.memref_slice %arg7[%dma_wait3A_141, %dma_wait3A_142, %dma_wait3A_143] : memref<4x400x64xf32, #tpu.memory_space<vmem>> -> memref<1x400x64xf32, #tpu.memory_space<vmem>>
    %dma_wait3A_145 = tpu.memref_squeeze %dma_wait3A_144 : memref<1x400x64xf32, #tpu.memory_space<vmem>> -> memref<400x64xf32, #tpu.memory_space<vmem>>
    %dma_wait3A_146 = arith.constant 0 : i32
    %dma_wait3A_147 = tpu.memref_slice %arg5[%add3A_140, %dma_wait3A_146] : memref<819200x64xf32, #tpu.memory_space<hbm>> -> memref<400x64xf32, #tpu.memory_space<hbm>>
    %dma_wait3A_148 = arith.constant 0 : i32
    %dma_wait3A_149 = tpu.memref_slice %arg5[%add3A_140, %dma_wait3A_148] : memref<819200x64xf32, #tpu.memory_space<hbm>> -> memref<400x64xf32, #tpu.memory_space<hbm>>
    %dma_wait3A_150 = arith.constant 0 : i32
    %dma_wait3A_151 = arith.constant 0 : i32
    %dma_wait3A_152 = tpu.memref_slice %arg7[%dma_wait3A_141, %dma_wait3A_150, %dma_wait3A_151] : memref<4x400x64xf32, #tpu.memory_space<vmem>> -> memref<1x400x64xf32, #tpu.memory_space<vmem>>
    %dma_wait3A_153 = tpu.memref_squeeze %dma_wait3A_152 : memref<1x400x64xf32, #tpu.memory_space<vmem>> -> memref<400x64xf32, #tpu.memory_space<vmem>>
    tpu.wait_dma2 semaphore(%arg16 : memref<!tpu.dma_semaphore, #tpu.memory_space<semaphore_mem>>) src(%dma_wait3A_153 : memref<400x64xf32, #tpu.memory_space<vmem>>) dst(%dma_wait3A_149 : memref<400x64xf32, #tpu.memory_space<hbm>>)
    return
  }
}

</mosaic_0001>

<sc_bundles>
// kernel: _embed.3.cloned.1.call-start
scs
__scs_entry_jumppad:
0x0: {  	(pc) =	sbr.rel $0x88, $3  }
0x1: {  	(tag) =	ssettag $0x0;
	lr =	simm.s32 $0x1  }
0x2: {  	[smem:$0x3F9E] =	sst lr;
	_ =	strace $0xD0000000  }
0x3: {  	_ = 	snop  }
0x4: {  	_ = 	snop  }
0x5: {  	_ = 	snop  }
0x6: {  	_ = 	snop  }
0x7: {  	_ = 	snop  }
__scs_overlays_trampoline_lowered:
0x8: {  	[smem:$0x3FAD] =	sst s0  }
0x9: {  	[smem:$0x3FAE] =	sst s1  }
0xa: {  	[smem:$0x3FAF] =	sst s2  }
0xb: {  	[smem:$0x3FB0] =	sst s3  }
0xc: {  	[smem:$0x3FB1] =	sst s4  }
0xd: {  	[smem:$0x3FB2] =	sst s5  }
0xe: {  	[smem:$0x3FB3] =	sst s6  }
0xf: {  	[smem:$0x3FB4] =	sst s7  }
0x10: {  	[smem:$0x3FB5] =	sst s8  }
0x11: {  	[smem:$0x3FB6] =	sst s9;
	s0 =	simm.s32 @!p0 $0x0  }
0x12: {  	s1 =	sld [smem:$0x3F9C];
	s0 =	simm.s32 @p0 $0x1  }
0x13: {  	[smem:$0x3FB7] =	sst s0;
	s0 =	simm.s32 @!p1 $0x0  }
0x14: {  	s2 =	sld [smem:$0x3F9B];
	s0 =	simm.s32 @p1 $0x1  }
0x15: {  	[smem:$0x3FB8] =	sst s0;
	s0 =	simm.s32 @!p2 $0x0  }
0x16: {  	s3 =	sld [smem:$0x3FDB];
	s0 =	simm.s32 @p2 $0x1  }
0x17: {  	s4 =	simm.s32 $0x1BF5;
	[smem:$0x3FBA] =	sst s0  }
0x18: {  	s0 =	sld [smem:$0x3F9D];
	_ =	swait.ge [sflag:s4], $0x0  }
0x19: {  	s7 =	sld [smem:$0x3F9E]  }
0x1a: {  	s8 =	sadd.s32 $0xFFFFE003, lr  }
0x1b: {  	s9 =	sadd.s32 $0xFFFFFEF7, lr;
	s5 =	simm.s32 $0xFFFFFFFF;
	p2 =	slt.u32 s8, $0xFFFFF086  }
0x1c: {  	p1 =	slt.u32 s9, $0xF7A;
	s5 =	simm.s32 @!p2 $0x0  }
0x1d: {  	s5 =	simm.s32 @p1 $0x1;
	p0 =	seq.s32 s7, s2  }
0x1e: {  	s7 =	smul.u32 @!p0 $0xF7A, s2;
	p2 =	seq.s32 @!p0 s5, $0x0  }
0x1f: {  	s9 =	smul.u32 $0xF7A, s1;
	s8 =	simm.s32 @!p0 $0x1BF5;
	p2 =	por !p2, p0  }
0x20: {  	[sflag:s8] =	ssyncset.s32 @!p0 $0xFFFFF086;
	s6 =	sadd.s32 @!p0 s3, s7;
	s7 =	simm.s32 @!p0 $0x108  }
0x21: {  	s3 =	sadd.s32 s3, s9;
	s6 =	sadd.s32 @!p0 $0x88, s6;
	s7 =	simm.s32 @p2 $0x1082  }
0x22: {  	[simem:s7], [sflag:s8] =	dma.local @!p0 [hbm:s6], $0xF7A  }
0x23: {  	s9 =	sor.u32 $0xD0000000, s2;
	s6 =	simm.s32 $0x108;
	_ =	swait.ge @!p0 [sflag:s8], $0x0  }
0x24: {  	s3 =	sadd.s32 $0x88, s3;
	s6 =	simm.s32 @!p1 $0x1082;
	[sflag:s4] =	ssyncset.s32 $0xFFFFF086  }
0x25: {  	[simem:s6], [sflag:s4] =	dma.local [hbm:s3], $0xF7A  }
0x26: {  	[smem:$0x3F9E] =	sst s1;
	(tag) =	ssettag s2;
	_ =	strace s9  }
0x27: {  	s1 =	sld [smem:$0x3FAE]  }
0x28: {  	s2 =	sld [smem:$0x3FAF]  }
0x29: {  	s4 =	sld [smem:$0x3FB1]  }
0x2a: {  	p0 =	seq.s32 s5, $0x0;
	s5 =	sld [smem:$0x3FB2]  }
0x2b: {  	s6 =	sld [smem:$0x3FB3]  }
0x2c: {  	s7 =	sld [smem:$0x3FB4]  }
0x2d: {  	s3 =	simm.s32 $0x108;
	s8 =	sld [smem:$0x3FB5]  }
0x2e: {  	s3 =	simm.s32 @!p0 $0x1082;
	s9 =	sld [smem:$0x3FB6]  }
0x2f: {  	lr =	sadd.s32 s0, s3;
	s0 =	sld [smem:$0x3FAD]  }
0x30: {  	s3 =	sld [smem:$0x3FB0]  }
0x31: {  	[smem:$0x3FB9] =	sst s10  }
0x32: {  	s10 =	sld [smem:$0x3FB7];
	_ =	sdelay $0x3  }
0x33: {  	p0 =	seq.s32 s10, $0x1;
	s10 =	sld [smem:$0x3FB9];
	_ =	sdelay $0x3  }
0x34: {  	[smem:$0x3FB9] =	sst s10  }
0x35: {  	s10 =	sld [smem:$0x3FB8];
	_ =	sdelay $0x3  }
0x36: {  	p1 =	seq.s32 s10, $0x1;
	s10 =	sld [smem:$0x3FB9];
	_ =	sdelay $0x3  }
0x37: {  	[smem:$0x3FB9] =	sst s10  }
0x38: {  	s10 =	sld [smem:$0x3FBA]  }
0x39: {  	_ = 	snop;
	(pc) =	sbr.ind lr, $3  }
0x3a: {  	_ = 	snop  }
0x3b: {  	_ = 	snop  }
0x3c: {  	p2 =	seq.s32 s10, $0x1;
	s10 =	sld [smem:$0x3FB9]  }
0x3d: {  	_ =	shalt  }
0x3e: {  	_ =	shalt  }
0x3f: {  	_ =	shalt  }
0x40: {  	_ =	shalt  }
0x41: {  	_ =	shalt  }
0x42: {  	_ =	shalt  }
0x43: {  	_ =	shalt  }
0x44: {  	_ =	shalt  }
0x45: {  	_ =	shalt  }
0x46: {  	_ =	shalt  }
0x47: {  	_ =	shalt  }
0x48: {  	_ =	shalt  }
0x49: {  	_ =	shalt  }
0x4a: {  	_ =	shalt  }
0x4b: {  	_ =	shalt  }
0x4c: {  	_ =	shalt  }
0x4d: {  	_ =	shalt  }
0x4e: {  	_ =	shalt  }
0x4f: {  	_ =	shalt  }
0x50: {  	_ =	shalt  }
0x51: {  	_ =	shalt  }
0x52: {  	_ =	shalt  }
0x53: {  	_ =	shalt  }
0x54: {  	_ =	shalt  }
0x55: {  	_ =	shalt  }
0x56: {  	_ =	shalt  }
0x57: {  	_ =	shalt  }
0x58: {  	_ =	shalt  }
0x59: {  	_ =	shalt  }
0x5a: {  	_ =	shalt  }
0x5b: {  	_ =	shalt  }
0x5c: {  	_ =	shalt  }
0x5d: {  	_ =	shalt  }
0x5e: {  	_ =	shalt  }
0x5f: {  	_ =	shalt  }
0x60: {  	_ =	shalt  }
0x61: {  	_ =	shalt  }
0x62: {  	_ =	shalt  }
0x63: {  	_ =	shalt  }
0x64: {  	_ =	shalt  }
0x65: {  	_ =	shalt  }
0x66: {  	_ =	shalt  }
0x67: {  	_ =	shalt  }
0x68: {  	_ =	shalt  }
0x69: {  	_ =	shalt  }
0x6a: {  	_ =	shalt  }
0x6b: {  	_ =	shalt  }
0x6c: {  	_ =	shalt  }
0x6d: {  	_ =	shalt  }
0x6e: {  	_ =	shalt  }
0x6f: {  	_ =	shalt  }
0x70: {  	_ =	shalt  }
0x71: {  	_ =	shalt  }
0x72: {  	_ =	shalt  }
0x73: {  	_ =	shalt  }
0x74: {  	_ =	shalt  }
0x75: {  	_ =	shalt  }
0x76: {  	_ =	shalt  }
0x77: {  	_ =	shalt  }
0x78: {  	_ =	shalt  }
0x79: {  	_ =	shalt  }
0x7a: {  	_ =	shalt  }
0x7b: {  	_ =	shalt  }
0x7c: {  	_ =	shalt  }
0x7d: {  	_ =	shalt  }
0x7e: {  	_ =	shalt  }
0x7f: {  	_ =	shalt  }
0x80: {  	_ =	shalt  }
0x81: {  	_ =	shalt  }
0x82: {  	_ =	shalt  }
0x83: {  	_ =	shalt  }
0x84: {  	_ =	shalt  }
0x85: {  	_ =	shalt  }
0x86: {  	_ =	shalt  }
0x87: {  	_ =	shalt  }
.Lfunc_end0:
.L_simem_size_0:
called_computation.1_lowered:
.L_overlay_start_0:
0x88: {  	s2 =	sld [smem:$0x3FD9]  }
0x89: {  	s3 =	sld [smem:$0x3FFE];
	_ =	sdelay $0x1  }
0x8a: {  	s1 =	srdreg.scid  }
0x8b: {  	s0 =	sand.u32 $0x1, s1  }
0x8c: {  	s17 =	sshll.u32 s0, $0xA;
	s2 =	sadd.s32 s3, s2  }
0x8d: {  	s2 =	sadd.s32 s2, s17  }
0x8e: {  	[smem:$0x3FC5] =	sst s2  }
0x8f: {  	_ = 	snop  }
0x90: {  	s2 =	sld [smem:$0x3FC9]  }
0x91: {  	s18 =	sld [smem:$0x3FD0];
	(tm) =	ssettm $0x1  }
0x92: {  	s4 =	sld [smem:$0x3FFB];
	_ =	sdelay $0x3  }
0x93: {  	_ =	strace s4  }
0x94: {  	s4 =	sld [smem:$0x3FFC];
	_ =	sdelay $0x3  }
0x95: {  	_ =	strace s4  }
0x96: {  	s4 =	sld [smem:$0x3FFD];
	_ =	sdelay $0x3  }
0x97: {  	_ =	strace s4  }
0x98: {  	_ =	strace $0x8FFFFFFF  }
0x99: {  	s19 =	sld [smem:$0x3FDB];
	_ =	sdelay $0x1  }
0x9a: {  	s5 =	simm.s32 $_scs_section_size  }
0x9b: {  	s6 =	simm.s32 $_size__tile_overlayer_lowered;
	s7 =	simm.s32 $_tile_overlayer_lowered  }
0x9c: {  	s22 =	simm.s32 $0x1BFF;
	s21 =	sshll.u32 s7, $0x1;
	s4 =	sadd.s32 s5, s19  }
0x9d: {  	s8 =	simm.s32 $0x0;
	s20 =	sshll.u32 s6, $0x1;
	s6 =	sadd.s32 s21, s4  }
0x9e: {  	[timem:s8], [sflag:s22] =	dma.local [hbm:s6], s20  }
0x9f: {  	_ =	swait.ge [sflag:s22], s20  }
0xa0: {  	s5 =	ssub.s32 $0x0, s20;
	[sflag:s22] =	ssyncset.done $0x0  }
0xa1: {  	[sflag:s22] =	ssyncadd.s32 s5;
	_ =	sdelay $0x1  }
0xa2: {  	s23 =	simm.s32 $0x1B8B  }
0xa3: {  	_ =	swait.ge [sflag:s23], $0x1  }
0xa4: {  	[sflag:s23] =	ssyncset.done $0x0  }
0xa5: {  	s25 =	simm.s32 $0x1B8E;
	s24 =	sld [smem:$0x3FFE];
	[sflag:s23] =	ssyncadd.s32 $0xFFFFFFFF  }
0xa6: {  	s26 =	simm.s32 $execute0_lowered;
	[smem:$0x3FD2] =	sst s25  }
0xa7: {  	s6 =	sshll.u32 s26, $0x1;
	_ =	strace $0x80000046;
	[dreg:$0x1] =	wrdreg $0xFFFFFFFF  }
0xa8: {  	s28 =	simm.s32 $_size_execute0_lowered;
	s4 =	sadd.s32 s4, s6;
	[dreg:$0x0] =	wrdreg $0x0  }
0xa9: {  	s6 =	sshll.u32 s28, $0x1;
	[dreg:$0x2] =	wrdreg s4  }
0xaa: {  	[dreg:$0x3] =	wrdreg s6  }
0xab: {  	[dreg:$0x4] =	wrdreg $0xC0  }
0xac: {  	_ =	task [dreg:s8], $0x5FFFF  }
0xad: {  	[dreg:$0x1] =	wrdreg $0xFFFFFFFF  }
0xae: {  	[dreg:$0x0] =	wrdreg $0x60  }
0xaf: {  	[dreg:$0x2] =	wrdreg s2  }
0xb0: {  	[dreg:$0x3] =	wrdreg s24  }
0xb1: {  	[dreg:$0x4] =	wrdreg s18  }
0xb2: {  	[dreg:$0x5] =	wrdreg $0x9  }
0xb3: {  	_ =	task.clear_ibuf [dreg:s8], $0x6FFFF;
	_ =	strace $0x90000046  }
0xb4: {  	s29 =	simm.s32 $0x9;
	_ =	strace $0x80000048  }
0xb5: {  	_ =	swait.ge [sflag:s29], $0x1  }
0xb6: {  	[sflag:s29] =	ssyncadd.s32 $0xFFFFFFFF  }
0xb7: {  	_ =	strace $0x90000048  }
0xb8: {  	_ =	sfence  }
0xb9: {  	s30 =	sld [smem:$0x0];
	_ =	sdelay $0x2  }
0xba: {  	s31 =	sshll.u32 s1, $0xD;
	s1 =	sshrl.u32 s1, $0x2  }
0xbb: {  	s3 =	sand.u32 $0x4000, s31;
	s1 =	sadd.s32 s1, s30  }
0xbc: {  	s0 =	sor.u32 s3, s0;
	s1 =	sshll.u32 s1, $0x11  }
0xbd: {  	s0 =	sor.u32 s1, s0  }
0xbe: {  	s0 =	sadd.s32 $0x8F2B, s0  }
0xbf: {  	[sflag:s0] =	ssyncadd.remote.s32 $0x1  }
0xc0: {  	_ =	sfence.sel $0xFFFF  }
0xc1: {  	[dreg:$0x0] =	wrdreg $0xFFFFFFFF;
	(pc) =	sbr.abs _section_cstart, $3  }
0xc2: {  	[dreg:$0x1] =	wrdreg $0xFFFFFFFF  }
0xc3: {  	_ =	task.clear_ibuf [dreg:s8], $0x2FFFF;
	_ =	strace $0x9FFFFFFF  }
0xc4: {  	(tm) =	ssettm $0x7FFFFFFF  }
0xc5: {  	_ =	shalt  }
tec
execute0_lowered:
.L_overlay_start_1:
0x0: {  	(tag) =	ssettag $0x1  }
0x1: {  	s1 =	rddreg [dreg:$0x0]  }
0x2: {  	s0 =	rddreg [dreg:$0x1]  }
0x3: {  	s2 =	srdreg.scid;
	s4 =	stileid.u32  }
0x4: {  	s3 =	rddreg [dreg:$0x2];
	s15 =	simm.s32 $0x9;
	s16 =	simm.s32 $0x50  }
0x5: {  	s17 =	simm.s32 $0x640;
	s25 =	simm.s32 $0x190;
	s19 =	simm.s32 $0x1  }
0x6: {  	s20 =	simm.s32 $0x320;
	s21 =	simm.s32 $0xCE40;
	s30 =	simm.s32 $0x2  }
0x7: {  	s31 =	simm.s32 $0x4B0;
	s8 =	simm.s32 $0x18240;
	s13 =	simm.s32 $0x3  }
0x8: {  	s28 =	simm.s32 $0x4;
	s18 =	simm.s32 $0x0;
	s2 =	sand.u32 $0x1, s2  }
0x9: {  	s5 =	sshll.u32 s4, $0x1;
	s4 =	simm.s32 $0x0;
	s6 =	sadd.s32 $0x1000, s0  }
0xa: {  	s0 =	sadd.s32 $0x800, s0;
	s5 =	sor.u32 s2, s5;
	s2 =	ssub.s32 $0x2, s2  }
0xb: {  	[smem:$0x7FF] =	sst s4;
	s5 =	smul.u32 $0x6400, s5;
	s26 =	sshrl.u32 s2, $0x1  }
0xc: {  	_ =	strace $0x80000047;
	[dreg:$0x4] =	wrdreg s0;
	s0 =	ssub.s32 s2, s26  }
0xd: {  	s26 =	simm.s32 $0x6A40;
	s2 =	simm.s32 $0x13240;
	s7 =	sshrl.u32 s5, $0x3  }
0xe: {  	s9 =	sor.u32 $0x190, s5;
	s10 =	sor.u32 $0x320, s5;
	s0 =	smax.u32 s0, $0x1  }
0xf: {  	v0 =	vlaneseq.u32;
	s11 =	sadd.s32 $0x4B0, s5;
	s29 =	sadd.s32 s1, s7;
	[dreg:$0x6] =	wrdreg s0  }
0x10: {  	v1 =	vimm.f32 $0.0e+00;
	v0 =	vmul.u32 $0x40, v0;
	s12 =	sadd.s32 $0x640, s5;
	s7 =	simm.s32 $0x5F0;
	[dreg:$0x5] =	wrdreg s29  }
.LBB2_1:
0x11: {  	[dreg:$0x7] =	wrdreg s18  }
0x12: {  	s0 =	rddreg [dreg:$0x4];
	s14 =	simm.s32 $0x19640  }
0x13: {  	[tilespmem:s14], [sflag:$0x9] =	stream.linear.gather [hbm4b:s0+s4], $0x3200, $0x38;
	[tilespmem:$0x1C840] =	vst v63  }
0x14: {  	_ =	swait.ge [sflag:s15], $0x3200  }
0x15: {  	[sflag:s15] =	ssyncset.done $0x0  }
0x16: {  	s18 =	rddreg [dreg:$0x5];
	[sflag:s15] =	ssyncadd.s32 $0xFFFFCE00  }
0x17: {  	[tilespmem:s4], [sflag:$0x9] =	stream.linear.gather [hbm4b:s18+s4], $0x190, $0x38;
	[tilespmem:$0x1C840] =	vst v63  }
0x18: {  	_ =	swait.ge [sflag:s15], $0x190  }
0x19: {  	[sflag:s15] =	ssyncset.done $0x0  }
0x1a: {  	[sflag:s15] =	ssyncadd.s32 $0xFFFFFE70  }
0x1b: {  	[tilespmem:s17], [sflag:$0x1] =	stream.indirect.gather [hbm4b:s6+s16], $0x40, s4, s16, $0xb8;
	[tilespmem:$0x1C840] =	vst v63  }
0x1c: {  	s22 =	simm.s32 $0x1A40  }
0x1d: {  	[tilespmem:s22], [sflag:$0x1] =	stream.indirect.gather [hbm4b:s6+s16], $0x40, s16, s16, $0xb8;
	[tilespmem:$0x1C840] =	vst v63  }
0x1e: {  	s23 =	simm.s32 $0xA0;
	s24 =	simm.s32 $0x2E40  }
0x1f: {  	[tilespmem:s24], [sflag:$0x1] =	stream.indirect.gather [hbm4b:s6+s16], $0x40, s23, s16, $0xb8;
	[tilespmem:$0x1C840] =	vst v63  }
0x20: {  	s18 =	simm.s32 $0xF0;
	s22 =	simm.s32 $0x4240  }
0x21: {  	[tilespmem:s22], [sflag:$0x1] =	stream.indirect.gather [hbm4b:s6+s16], $0x40, s18, s16, $0xb8;
	[tilespmem:$0x1C840] =	vst v63  }
0x22: {  	s29 =	simm.s32 $0x0;
	s23 =	simm.s32 $0x140;
	s24 =	simm.s32 $0x5640  }
0x23: {  	[tilespmem:s24], [sflag:$0x1] =	stream.indirect.gather [hbm4b:s6+s16], $0x40, s23, s16, $0xb8;
	[tilespmem:$0x1C840] =	vst v63  }
.LBB2_2:
0x24: {  	p0 =	seq.s32 s29, $0x0;
	s0 =	smul.u32 $0x640, s29  }
0x25: {  	s18 =	simm.s32 @!p0 $0x6  }
0x26: {  	_ =	swait.ge @!p0 [sflag:s18], $0x6400;
	s14 =	sadd.s32 s0, s9  }
0x27: {  	[sflag:s18] =	ssyncset.done @!p0 $0x0;
	s22 =	sshrl.u32 s14, $0x3  }
0x28: {  	[sflag:s18] =	ssyncadd.s32 @!p0 $0xFFFF9C00;
	s22 =	sadd.s32 s1, s22;
	s18 =	simm.s32 $0x0  }
0x29: {  	[tilespmem:s25], [sflag:$0x9] =	stream.linear.gather [hbm4b:s22+s18], $0x190, $0x38;
	[tilespmem:$0x1C840] =	vst v63  }
0x2a: {  	_ =	swait.ge [sflag:s15], $0x190  }
0x2b: {  	[sflag:s15] =	ssyncset.done $0x0  }
0x2c: {  	[sflag:s15] =	ssyncadd.s32 $0xFFFFFE70  }
0x2d: {  	[tilespmem:s26], [sflag:$0x2] =	stream.indirect.gather [hbm4b:s6+s16], $0x40, s25, s16, $0xb8;
	[tilespmem:$0x1C840] =	vst v63  }
0x2e: {  	s24 =	simm.s32 $0x1E0;
	s23 =	simm.s32 $0x7E40  }
0x2f: {  	[tilespmem:s23], [sflag:$0x2] =	stream.indirect.gather [hbm4b:s6+s16], $0x40, s24, s16, $0xb8;
	[tilespmem:$0x1C840] =	vst v63  }
0x30: {  	s23 =	simm.s32 $0x230;
	s24 =	simm.s32 $0x9240  }
0x31: {  	[tilespmem:s24], [sflag:$0x2] =	stream.indirect.gather [hbm4b:s6+s16], $0x40, s23, s16, $0xb8;
	[tilespmem:$0x1C840] =	vst v63  }
0x32: {  	s23 =	simm.s32 $0x280;
	s24 =	simm.s32 $0xA640  }
0x33: {  	[tilespmem:s24], [sflag:$0x2] =	stream.indirect.gather [hbm4b:s6+s16], $0x40, s23, s16, $0xb8;
	[tilespmem:$0x1C840] =	vst v63  }
0x34: {  	s23 =	simm.s32 $0x2D0;
	s24 =	simm.s32 $0xBA40  }
0x35: {  	[tilespmem:s24], [sflag:$0x2] =	stream.indirect.gather [hbm4b:s6+s16], $0x40, s23, s16, $0xb8;
	[tilespmem:$0x1C840] =	vst v63  }
0x36: {  	_ =	swait.ge [sflag:s19], $0x1400  }
0x37: {  	[sflag:s19] =	ssyncset.done $0x0  }
0x38: {  	[sflag:s19] =	ssyncadd.s32 $0xFFFFEC00  }
0x39: {  	_ =	swait.ge [sflag:s19], $0x1400  }
0x3a: {  	[sflag:s19] =	ssyncset.done $0x0  }
0x3b: {  	[sflag:s19] =	ssyncadd.s32 $0xFFFFEC00  }
0x3c: {  	_ =	swait.ge [sflag:s19], $0x1400  }
0x3d: {  	[sflag:s19] =	ssyncset.done $0x0  }
0x3e: {  	[sflag:s19] =	ssyncadd.s32 $0xFFFFEC00  }
0x3f: {  	_ =	swait.ge [sflag:s19], $0x1400  }
0x40: {  	[sflag:s19] =	ssyncset.done $0x0  }
0x41: {  	[sflag:s19] =	ssyncadd.s32 $0xFFFFEC00  }
0x42: {  	_ =	swait.ge [sflag:s19], $0x1400  }
0x43: {  	[sflag:s19] =	ssyncset.done $0x0  }
0x44: {  	[sflag:s19] =	ssyncadd.s32 $0xFFFFEC00  }
0x45: {  	v2 =	vld [tilespmem:$0x0]  }
0x46: {  	v3 =	vld [tilespmem:$0x10]  }
0x47: {  	v4 =	vld [tilespmem:$0x20]  }
0x48: {  	v5 =	vld [tilespmem:$0x30]  }
0x49: {  	v6 =	vld [tilespmem:$0x40]  }
0x4a: {  	v7 =	vld [tilespmem:$0x50]  }
0x4b: {  	vm0 =	veq.s32 v2, $0x0;
	vm1 =	veq.s32 v3, $0x0;
	v2 =	vld [tilespmem:$0x60]  }
0x4c: {  	vm5 =	veq.s32 v4, $0x0;
	v3 =	vld [tilespmem:$0x70];
	vm0 =	vmor vm0, vm1  }
0x4d: {  	v53 =	vld [tilespmem:$0x80];
	vm6 =	veq.s32 v5, $0x0;
	vm0 =	vmor vm0, vm5  }
0x4e: {  	v54 =	vld [tilespmem:$0x90];
	vm7 =	veq.s32 v6, $0x0;
	vm0 =	vmor vm0, vm6  }
0x4f: {  	v55 =	vld [tilespmem:$0xA0];
	vm8 =	veq.s32 v7, $0x0;
	vm0 =	vmor vm0, vm7  }
0x50: {  	vm0 =	vmor vm0, vm8;
	vm9 =	veq.s32 v2, $0x0;
	v2 =	vld [tilespmem:$0xB0]  }
0x51: {  	vm10 =	veq.s32 v3, $0x0;
	v3 =	vld [tilespmem:$0xC0];
	vm0 =	vmor vm0, vm9  }
0x52: {  	v56 =	vld [tilespmem:$0xD0];
	vm11 =	veq.s32 v53, $0x0;
	vm0 =	vmor vm0, vm10  }
0x53: {  	v57 =	vld [tilespmem:$0xE0];
	vm12 =	veq.s32 v54, $0x0;
	vm0 =	vmor vm0, vm11  }
0x54: {  	v58 =	vld [tilespmem:$0xF0];
	vm13 =	veq.s32 v55, $0x0;
	vm0 =	vmor vm0, vm12  }
0x55: {  	vm0 =	vmor vm0, vm13;
	vm14 =	veq.s32 v2, $0x0;
	v2 =	vld [tilespmem:$0x100]  }
0x56: {  	vm15 =	veq.s32 v3, $0x0;
	v3 =	vld [tilespmem:$0x110];
	vm0 =	vmor vm0, vm14  }
0x57: {  	v59 =	vld [tilespmem:$0x120];
	vm4 =	veq.s32 v56, $0x0;
	vm0 =	vmor vm0, vm15  }
0x58: {  	v60 =	vld [tilespmem:$0x130];
	vm5 =	veq.s32 v57, $0x0;
	vm0 =	vmor vm0, vm4  }
0x59: {  	v61 =	vld [tilespmem:$0x140];
	vm6 =	veq.s32 v58, $0x0;
	vm0 =	vmor vm0, vm5  }
0x5a: {  	vm0 =	vmor vm0, vm6;
	vm7 =	veq.s32 v2, $0x0;
	v2 =	vld [tilespmem:$0x150]  }
0x5b: {  	vm8 =	veq.s32 v3, $0x0;
	v3 =	vld [tilespmem:$0x160];
	vm0 =	vmor vm0, vm7  }
0x5c: {  	v62 =	vld [tilespmem:$0x170];
	vm9 =	veq.s32 v59, $0x0;
	vm0 =	vmor vm0, vm8  }
0x5d: {  	v63 =	vld [tilespmem:$0x180];
	vm10 =	veq.s32 v60, $0x0;
	vm0 =	vmor vm0, vm9  }
0x5e: {  	vm11 =	veq.s32 v61, $0x0;
	vm0 =	vmor vm0, vm10  }
0x5f: {  	vm0 =	vmor vm0, vm11;
	vm12 =	veq.s32 v2, $0x0  }
0x60: {  	vm13 =	veq.s32 v3, $0x0;
	vm0 =	vmor vm0, vm12  }
0x61: {  	vm14 =	veq.s32 v62, $0x0;
	vm0 =	vmor vm0, vm13  }
0x62: {  	vm15 =	veq.s32 v63, $0x0;
	vm0 =	vmor vm0, vm14  }
0x63: {  	vm0 =	vmor vm0, vm15  }
0x64: {  	v2 =	vmpcnt.ones.xlane vm0;
	_ =	sdelay $0x1  }
0x65: {  	(v2sf) =	vpush v2, $0x0;
	_ =	sdelay $0xe  }
0x66: {  	s24 =	spop (v2sf)  }
0x67: {  	p1 =	slt.s32 s24, $0x1  }
.Ltmp0:
0x68: {  	_ = 	snop;
	(pc) =	sbr.rel @p1 .LBB2_6-.Ltmp0, $1  }
0x69: {  	_ =	sdelay $0x3  }
0x6a: {  	v2 =	vld [tilespmem:s18+$0x0];
	_ =	sdelay $0x3  }
0x6b: {  	v3 =	vmov s18  }
0x6c: {  	vm0 =	veq.s32 v2, $0x0;
	v2 =	vshll.u32 v3, $0x6  }
0x6d: {  	v2 =	vor.u32 v0, v2  }
0x6e: {  	v3 =	vor.u32 $0x1, v2  }
0x6f: {  	v4 =	vor.u32 $0x2, v2  }
0x70: {  	v5 =	vor.u32 $0x3, v2  }
0x71: {  	v6 =	vor.u32 $0x4, v2  }
0x72: {  	v7 =	vor.u32 $0x5, v2;
	[tilespmem:v2+s17+$0x0] =	vst.idx.msk vm0, v1  }
0x73: {  	[tilespmem:v3+s17+$0x0] =	vst.idx.msk vm0, v1;
	v3 =	vor.u32 $0x6, v2  }
0x74: {  	v19 =	vor.u32 $0x7, v2;
	[tilespmem:v4+s17+$0x0] =	vst.idx.msk vm0, v1  }
0x75: {  	v20 =	vor.u32 $0x8, v2;
	[tilespmem:v5+s17+$0x0] =	vst.idx.msk vm0, v1  }
0x76: {  	v21 =	vor.u32 $0x9, v2;
	[tilespmem:v6+s17+$0x0] =	vst.idx.msk vm0, v1  }
0x77: {  	v22 =	vor.u32 $0xA, v2;
	[tilespmem:v7+s17+$0x0] =	vst.idx.msk vm0, v1  }
0x78: {  	[tilespmem:v3+s17+$0x0] =	vst.idx.msk vm0, v1;
	v3 =	vor.u32 $0xB, v2  }
0x79: {  	v23 =	vor.u32 $0xC, v2;
	[tilespmem:v19+s17+$0x0] =	vst.idx.msk vm0, v1  }
0x7a: {  	v24 =	vor.u32 $0xD, v2;
	[tilespmem:v20+s17+$0x0] =	vst.idx.msk vm0, v1  }
0x7b: {  	v25 =	vor.u32 $0xE, v2;
	[tilespmem:v21+s17+$0x0] =	vst.idx.msk vm0, v1  }
0x7c: {  	v26 =	vor.u32 $0xF, v2;
	[tilespmem:v22+s17+$0x0] =	vst.idx.msk vm0, v1  }
0x7d: {  	[tilespmem:v3+s17+$0x0] =	vst.idx.msk vm0, v1;
	v3 =	vor.u32 $0x10, v2  }
0x7e: {  	v27 =	vor.u32 $0x11, v2;
	[tilespmem:v23+s17+$0x0] =	vst.idx.msk vm0, v1  }
0x7f: {  	v28 =	vor.u32 $0x12, v2;
	[tilespmem:v24+s17+$0x0] =	vst.idx.msk vm0, v1  }
0x80: {  	v29 =	vor.u32 $0x13, v2;
	[tilespmem:v25+s17+$0x0] =	vst.idx.msk vm0, v1  }
0x81: {  	v30 =	vor.u32 $0x14, v2;
	[tilespmem:v26+s17+$0x0] =	vst.idx.msk vm0, v1  }
0x82: {  	[tilespmem:v3+s17+$0x0] =	vst.idx.msk vm0, v1;
	v3 =	vor.u32 $0x15, v2  }
0x83: {  	v31 =	vor.u32 $0x16, v2;
	[tilespmem:v27+s17+$0x0] =	vst.idx.msk vm0, v1  }
0x84: {  	v32 =	vor.u32 $0x17, v2;
	[tilespmem:v28+s17+$0x0] =	vst.idx.msk vm0, v1  }
0x85: {  	v33 =	vor.u32 $0x18, v2;
	[tilespmem:v29+s17+$0x0] =	vst.idx.msk vm0, v1  }
0x86: {  	v34 =	vor.u32 $0x19, v2;
	[tilespmem:v30+s17+$0x0] =	vst.idx.msk vm0, v1  }
0x87: {  	[tilespmem:v3+s17+$0x0] =	vst.idx.msk vm0, v1;
	v3 =	vor.u32 $0x1A, v2  }
0x88: {  	v35 =	vor.u32 $0x1B, v2;
	[tilespmem:v31+s17+$0x0] =	vst.idx.msk vm0, v1  }
0x89: {  	v36 =	vor.u32 $0x1C, v2;
	[tilespmem:v32+s17+$0x0] =	vst.idx.msk vm0, v1  }
0x8a: {  	v37 =	vor.u32 $0x1D, v2;
	[tilespmem:v33+s17+$0x0] =	vst.idx.msk vm0, v1  }
0x8b: {  	v38 =	vor.u32 $0x1E, v2;
	[tilespmem:v34+s17+$0x0] =	vst.idx.msk vm0, v1  }
0x8c: {  	[tilespmem:v3+s17+$0x0] =	vst.idx.msk vm0, v1;
	v3 =	vor.u32 $0x1F, v2  }
0x8d: {  	v39 =	vor.u32 $0x20, v2;
	[tilespmem:v35+s17+$0x0] =	vst.idx.msk vm0, v1  }
0x8e: {  	v40 =	vor.u32 $0x21, v2;
	[tilespmem:v36+s17+$0x0] =	vst.idx.msk vm0, v1  }
0x8f: {  	v41 =	vor.u32 $0x22, v2;
	[tilespmem:v37+s17+$0x0] =	vst.idx.msk vm0, v1  }
0x90: {  	v42 =	vor.u32 $0x23, v2;
	[tilespmem:v38+s17+$0x0] =	vst.idx.msk vm0, v1  }
0x91: {  	[tilespmem:v3+s17+$0x0] =	vst.idx.msk vm0, v1;
	v3 =	vor.u32 $0x24, v2  }
0x92: {  	v43 =	vor.u32 $0x25, v2;
	[tilespmem:v39+s17+$0x0] =	vst.idx.msk vm0, v1  }
0x93: {  	v44 =	vor.u32 $0x26, v2;
	[tilespmem:v40+s17+$0x0] =	vst.idx.msk vm0, v1  }
0x94: {  	v45 =	vor.u32 $0x27, v2;
	[tilespmem:v41+s17+$0x0] =	vst.idx.msk vm0, v1  }
0x95: {  	v46 =	vor.u32 $0x28, v2;
	[tilespmem:v42+s17+$0x0] =	vst.idx.msk vm0, v1  }
0x96: {  	[tilespmem:v3+s17+$0x0] =	vst.idx.msk vm0, v1;
	v3 =	vor.u32 $0x29, v2  }
0x97: {  	v47 =	vor.u32 $0x2A, v2;
	[tilespmem:v43+s17+$0x0] =	vst.idx.msk vm0, v1  }
0x98: {  	v48 =	vor.u32 $0x2B, v2;
	[tilespmem:v44+s17+$0x0] =	vst.idx.msk vm0, v1  }
0x99: {  	v49 =	vor.u32 $0x2C, v2;
	[tilespmem:v45+s17+$0x0] =	vst.idx.msk vm0, v1  }
0x9a: {  	v50 =	vor.u32 $0x2D, v2;
	[tilespmem:v46+s17+$0x0] =	vst.idx.msk vm0, v1  }
0x9b: {  	[tilespmem:v3+s17+$0x0] =	vst.idx.msk vm0, v1;
	v3 =	vor.u32 $0x2E, v2  }
0x9c: {  	v51 =	vor.u32 $0x2F, v2;
	[tilespmem:v47+s17+$0x0] =	vst.idx.msk vm0, v1  }
0x9d: {  	v52 =	vor.u32 $0x30, v2;
	[tilespmem:v48+s17+$0x0] =	vst.idx.msk vm0, v1  }
0x9e: {  	v53 =	vor.u32 $0x31, v2;
	[tilespmem:v49+s17+$0x0] =	vst.idx.msk vm0, v1  }
0x9f: {  	v54 =	vor.u32 $0x32, v2;
	[tilespmem:v50+s17+$0x0] =	vst.idx.msk vm0, v1  }
0xa0: {  	[tilespmem:v3+s17+$0x0] =	vst.idx.msk vm0, v1;
	v3 =	vor.u32 $0x33, v2  }
0xa1: {  	v55 =	vor.u32 $0x34, v2;
	[tilespmem:v51+s17+$0x0] =	vst.idx.msk vm0, v1  }
0xa2: {  	v56 =	vor.u32 $0x35, v2;
	[tilespmem:v52+s17+$0x0] =	vst.idx.msk vm0, v1  }
0xa3: {  	v57 =	vor.u32 $0x36, v2;
	[tilespmem:v53+s17+$0x0] =	vst.idx.msk vm0, v1  }
0xa4: {  	v58 =	vor.u32 $0x37, v2;
	[tilespmem:v54+s17+$0x0] =	vst.idx.msk vm0, v1  }
0xa5: {  	[tilespmem:v3+s17+$0x0] =	vst.idx.msk vm0, v1;
	v3 =	vor.u32 $0x38, v2  }
0xa6: {  	v59 =	vor.u32 $0x39, v2;
	[tilespmem:v55+s17+$0x0] =	vst.idx.msk vm0, v1  }
0xa7: {  	v60 =	vor.u32 $0x3A, v2;
	[tilespmem:v56+s17+$0x0] =	vst.idx.msk vm0, v1  }
0xa8: {  	v61 =	vor.u32 $0x3B, v2;
	[tilespmem:v57+s17+$0x0] =	vst.idx.msk vm0, v1  }
0xa9: {  	v62 =	vor.u32 $0x3C, v2;
	[tilespmem:v58+s17+$0x0] =	vst.idx.msk vm0, v1  }
0xaa: {  	[tilespmem:v3+s17+$0x0] =	vst.idx.msk vm0, v1;
	v3 =	vor.u32 $0x3D, v2  }
0xab: {  	v63 =	vor.u32 $0x3E, v2;
	[tilespmem:v59+s17+$0x0] =	vst.idx.msk vm0, v1  }
0xac: {  	[tilespmem:v60+s17+$0x0] =	vst.idx.msk vm0, v1  }
0xad: {  	v2 =	vor.u32 $0x3F, v2;
	[tilespmem:v61+s17+$0x0] =	vst.idx.msk vm0, v1  }
0xae: {  	[tilespmem:v62+s17+$0x0] =	vst.idx.msk vm0, v1  }
0xaf: {  	[tilespmem:v3+s17+$0x0] =	vst.idx.msk vm0, v1  }
0xb0: {  	s22 =	simm.s32 $0x10;
	[tilespmem:v63+s17+$0x0] =	vst.idx.msk vm0, v1  }
.LBB2_4:
0xb1: {  	p1 =	sne.s32 s22, $0x180  }
0xb2: {  	[tilespmem:v2+s17+$0x0] =	vst.idx.msk vm0, v1;
	s18 =	sadd.s32 $0x10, s18;
	s23 =	smov.u32 s22;
	s22 =	sadd.s32 $0x10, s22  }
0xb3: {  	v2 =	vld [tilespmem:s18+$0x0];
	_ =	sdelay $0x3  }
0xb4: {  	v3 =	vmov s23  }
0xb5: {  	vm0 =	veq.s32 v2, $0x0;
	v2 =	vshll.u32 v3, $0x6  }
0xb6: {  	v2 =	vor.u32 v0, v2  }
0xb7: {  	v3 =	vor.u32 $0x1, v2  }
0xb8: {  	v4 =	vor.u32 $0x2, v2  }
0xb9: {  	v5 =	vor.u32 $0x3, v2  }
0xba: {  	v6 =	vor.u32 $0x4, v2  }
0xbb: {  	v7 =	vor.u32 $0x5, v2;
	[tilespmem:v2+s17+$0x0] =	vst.idx.msk vm0, v1  }
0xbc: {  	[tilespmem:v3+s17+$0x0] =	vst.idx.msk vm0, v1;
	v3 =	vor.u32 $0x6, v2  }
0xbd: {  	[tilespmem:v4+s17+$0x0] =	vst.idx.msk vm0, v1;
	v4 =	vor.u32 $0x7, v2  }
0xbe: {  	[tilespmem:v5+s17+$0x0] =	vst.idx.msk vm0, v1;
	v5 =	vor.u32 $0x8, v2  }
0xbf: {  	[tilespmem:v6+s17+$0x0] =	vst.idx.msk vm0, v1;
	v6 =	vor.u32 $0x9, v2  }
0xc0: {  	[tilespmem:v7+s17+$0x0] =	vst.idx.msk vm0, v1;
	v7 =	vor.u32 $0xA, v2  }
0xc1: {  	[tilespmem:v3+s17+$0x0] =	vst.idx.msk vm0, v1;
	v3 =	vor.u32 $0xB, v2  }
0xc2: {  	[tilespmem:v4+s17+$0x0] =	vst.idx.msk vm0, v1;
	v4 =	vor.u32 $0xC, v2  }
0xc3: {  	[tilespmem:v5+s17+$0x0] =	vst.idx.msk vm0, v1;
	v5 =	vor.u32 $0xD, v2  }
0xc4: {  	[tilespmem:v6+s17+$0x0] =	vst.idx.msk vm0, v1;
	v6 =	vor.u32 $0xE, v2  }
0xc5: {  	[tilespmem:v7+s17+$0x0] =	vst.idx.msk vm0, v1;
	v7 =	vor.u32 $0xF, v2  }
0xc6: {  	[tilespmem:v3+s17+$0x0] =	vst.idx.msk vm0, v1;
	v3 =	vor.u32 $0x10, v2  }
0xc7: {  	[tilespmem:v4+s17+$0x0] =	vst.idx.msk vm0, v1;
	v4 =	vor.u32 $0x11, v2  }
0xc8: {  	[tilespmem:v5+s17+$0x0] =	vst.idx.msk vm0, v1;
	v5 =	vor.u32 $0x12, v2  }
0xc9: {  	[tilespmem:v6+s17+$0x0] =	vst.idx.msk vm0, v1;
	v6 =	vor.u32 $0x13, v2  }
0xca: {  	[tilespmem:v7+s17+$0x0] =	vst.idx.msk vm0, v1;
	v7 =	vor.u32 $0x14, v2  }
0xcb: {  	[tilespmem:v3+s17+$0x0] =	vst.idx.msk vm0, v1;
	v3 =	vor.u32 $0x15, v2  }
0xcc: {  	[tilespmem:v4+s17+$0x0] =	vst.idx.msk vm0, v1;
	v4 =	vor.u32 $0x16, v2  }
0xcd: {  	[tilespmem:v5+s17+$0x0] =	vst.idx.msk vm0, v1;
	v5 =	vor.u32 $0x17, v2  }
0xce: {  	[tilespmem:v6+s17+$0x0] =	vst.idx.msk vm0, v1;
	v6 =	vor.u32 $0x18, v2  }
0xcf: {  	[tilespmem:v7+s17+$0x0] =	vst.idx.msk vm0, v1;
	v7 =	vor.u32 $0x19, v2  }
0xd0: {  	[tilespmem:v3+s17+$0x0] =	vst.idx.msk vm0, v1;
	v3 =	vor.u32 $0x1A, v2  }
0xd1: {  	[tilespmem:v4+s17+$0x0] =	vst.idx.msk vm0, v1;
	v4 =	vor.u32 $0x1B, v2  }
0xd2: {  	[tilespmem:v5+s17+$0x0] =	vst.idx.msk vm0, v1;
	v5 =	vor.u32 $0x1C, v2  }
0xd3: {  	[tilespmem:v6+s17+$0x0] =	vst.idx.msk vm0, v1;
	v6 =	vor.u32 $0x1D, v2  }
0xd4: {  	[tilespmem:v7+s17+$0x0] =	vst.idx.msk vm0, v1;
	v7 =	vor.u32 $0x1E, v2  }
0xd5: {  	[tilespmem:v3+s17+$0x0] =	vst.idx.msk vm0, v1;
	v3 =	vor.u32 $0x1F, v2  }
0xd6: {  	[tilespmem:v4+s17+$0x0] =	vst.idx.msk vm0, v1;
	v4 =	vor.u32 $0x20, v2  }
0xd7: {  	[tilespmem:v5+s17+$0x0] =	vst.idx.msk vm0, v1;
	v5 =	vor.u32 $0x21, v2  }
0xd8: {  	[tilespmem:v6+s17+$0x0] =	vst.idx.msk vm0, v1;
	v6 =	vor.u32 $0x22, v2  }
0xd9: {  	[tilespmem:v7+s17+$0x0] =	vst.idx.msk vm0, v1;
	v7 =	vor.u32 $0x23, v2  }
0xda: {  	[tilespmem:v3+s17+$0x0] =	vst.idx.msk vm0, v1;
	v3 =	vor.u32 $0x24, v2  }
0xdb: {  	[tilespmem:v4+s17+$0x0] =	vst.idx.msk vm0, v1;
	v4 =	vor.u32 $0x25, v2  }
0xdc: {  	[tilespmem:v5+s17+$0x0] =	vst.idx.msk vm0, v1;
	v5 =	vor.u32 $0x26, v2  }
0xdd: {  	[tilespmem:v6+s17+$0x0] =	vst.idx.msk vm0, v1;
	v6 =	vor.u32 $0x27, v2  }
0xde: {  	[tilespmem:v7+s17+$0x0] =	vst.idx.msk vm0, v1;
	v7 =	vor.u32 $0x28, v2  }
0xdf: {  	[tilespmem:v3+s17+$0x0] =	vst.idx.msk vm0, v1;
	v3 =	vor.u32 $0x29, v2  }
0xe0: {  	[tilespmem:v4+s17+$0x0] =	vst.idx.msk vm0, v1;
	v4 =	vor.u32 $0x2A, v2  }
0xe1: {  	[tilespmem:v5+s17+$0x0] =	vst.idx.msk vm0, v1;
	v5 =	vor.u32 $0x2B, v2  }
0xe2: {  	[tilespmem:v6+s17+$0x0] =	vst.idx.msk vm0, v1;
	v6 =	vor.u32 $0x2C, v2  }
0xe3: {  	[tilespmem:v7+s17+$0x0] =	vst.idx.msk vm0, v1;
	v7 =	vor.u32 $0x2D, v2  }
0xe4: {  	[tilespmem:v3+s17+$0x0] =	vst.idx.msk vm0, v1;
	v3 =	vor.u32 $0x2E, v2  }
0xe5: {  	[tilespmem:v4+s17+$0x0] =	vst.idx.msk vm0, v1;
	v4 =	vor.u32 $0x2F, v2  }
0xe6: {  	[tilespmem:v5+s17+$0x0] =	vst.idx.msk vm0, v1;
	v5 =	vor.u32 $0x30, v2  }
0xe7: {  	[tilespmem:v6+s17+$0x0] =	vst.idx.msk vm0, v1;
	v6 =	vor.u32 $0x31, v2  }
0xe8: {  	[tilespmem:v7+s17+$0x0] =	vst.idx.msk vm0, v1;
	v7 =	vor.u32 $0x32, v2  }
0xe9: {  	[tilespmem:v3+s17+$0x0] =	vst.idx.msk vm0, v1;
	v3 =	vor.u32 $0x33, v2  }
0xea: {  	[tilespmem:v4+s17+$0x0] =	vst.idx.msk vm0, v1;
	v4 =	vor.u32 $0x34, v2  }
0xeb: {  	[tilespmem:v5+s17+$0x0] =	vst.idx.msk vm0, v1;
	v5 =	vor.u32 $0x35, v2  }
0xec: {  	[tilespmem:v6+s17+$0x0] =	vst.idx.msk vm0, v1;
	v6 =	vor.u32 $0x36, v2  }
0xed: {  	[tilespmem:v7+s17+$0x0] =	vst.idx.msk vm0, v1;
	v7 =	vor.u32 $0x37, v2  }
0xee: {  	[tilespmem:v3+s17+$0x0] =	vst.idx.msk vm0, v1;
	v3 =	vor.u32 $0x38, v2  }
0xef: {  	[tilespmem:v4+s17+$0x0] =	vst.idx.msk vm0, v1;
	v4 =	vor.u32 $0x39, v2  }
0xf0: {  	[tilespmem:v5+s17+$0x0] =	vst.idx.msk vm0, v1;
	v5 =	vor.u32 $0x3A, v2  }
0xf1: {  	[tilespmem:v6+s17+$0x0] =	vst.idx.msk vm0, v1;
	v6 =	vor.u32 $0x3B, v2  }
0xf2: {  	[tilespmem:v7+s17+$0x0] =	vst.idx.msk vm0, v1;
	v7 =	vor.u32 $0x3C, v2  }
0xf3: {  	[tilespmem:v3+s17+$0x0] =	vst.idx.msk vm0, v1;
	v3 =	vor.u32 $0x3D, v2  }
0xf4: {  	[tilespmem:v4+s17+$0x0] =	vst.idx.msk vm0, v1;
	v4 =	vor.u32 $0x3E, v2  }
.Ltmp1:
0xf5: {  	v2 =	vor.u32 $0x3F, v2;
	[tilespmem:v5+s17+$0x0] =	vst.idx.msk vm0, v1;
	(pc) =	sbr.rel @p1 .LBB2_4-.Ltmp1, $4  }
0xf6: {  	[tilespmem:v6+s17+$0x0] =	vst.idx.msk vm0, v1  }
0xf7: {  	[tilespmem:v7+s17+$0x0] =	vst.idx.msk vm0, v1  }
0xf8: {  	[tilespmem:v3+s17+$0x0] =	vst.idx.msk vm0, v1  }
0xf9: {  	[tilespmem:v4+s17+$0x0] =	vst.idx.msk vm0, v1  }
0xfa: {  	_ =	sdelay $0x4  }
0xfb: {  	[tilespmem:v2+s17+$0x0] =	vst.idx.msk vm0, v1  }
.LBB2_6:
0xfc: {  	s18 =	simm.s32 $0x0  }
0xfd: {  	v6 =	vld [tilespmem:s18+$0x19640]  }
0xfe: {  	v4 =	vld [tilespmem:s18+$0x19650]  }
0xff: {  	v3 =	vld [tilespmem:s18+$0x19660]  }
0x100: {  	v5 =	vld [tilespmem:s18+$0x19670]  }
0x101: {  	v2 =	vld [tilespmem:s18+$0x19670]  }
0x102: {  	v8 =	vld [tilespmem:s18+$0x640]  }
0x103: {  	v12 =	vld [tilespmem:s18+$0x650]  }
0x104: {  	v11 =	vld [tilespmem:s18+$0x660]  }
0x105: {  	v10 =	vld [tilespmem:s18+$0x670]  }
0x106: {  	v9 =	vld [tilespmem:s18+$0x3840]  }
0x107: {  	v7 =	vld [tilespmem:s18+$0x3850];
	v13 =	vadd.f32 v6, v8  }
0x108: {  	s22 =	simm.s32 $0x100;
	v12 =	vadd.f32 v4, v12;
	v8 =	vld [tilespmem:s18+$0x3860]  }
.LBB2_7:
0x109: {  	s23 =	sshra.s32 s22, $0x2;
	p1 =	sne.s32 s22, $0xC700;
	[tilespmem:s18+$0x640] =	vst v13;
	v11 =	vadd.f32 v3, v11;
	v13 =	vld [tilespmem:s18+$0x3870]  }
0x10a: {  	v14 =	vld [tilespmem:s23+$0x19640];
	[tilespmem:s18+$0x650] =	vst v12;
	v5 =	vadd.f32 v5, v10  }
0x10b: {  	v10 =	vld [tilespmem:s23+$0x19650];
	[tilespmem:s18+$0x660] =	vst v11;
	v6 =	vadd.f32 v6, v9  }
0x10c: {  	v9 =	vld [tilespmem:s23+$0x19660];
	[tilespmem:s18+$0x670] =	vst v5;
	v4 =	vadd.f32 v4, v7  }
0x10d: {  	v5 =	vld [tilespmem:s23+$0x19670];
	[tilespmem:s18+$0x3840] =	vst v6;
	v3 =	vadd.f32 v3, v8  }
0x10e: {  	[tilespmem:s18+$0x3850] =	vst v4;
	v11 =	vadd.f32 v2, v13;
	v2 =	vld [tilespmem:s23+$0x19670]  }
0x10f: {  	v7 =	vld [tilespmem:s23+$0x640];
	[tilespmem:s18+$0x3860] =	vst v3;
	v6 =	vmov v14  }
0x110: {  	v8 =	vld [tilespmem:s23+$0x650];
	[tilespmem:s18+$0x3870] =	vst v11;
	v4 =	vmov v10;
	s18 =	smov.u32 s23  }
.Ltmp2:
0x111: {  	v11 =	vld [tilespmem:s18+$0x660];
	v3 =	vmov v9;
	(pc) =	sbr.rel @p1 .LBB2_7-.Ltmp2, $4  }
0x112: {  	v10 =	vld [tilespmem:s18+$0x670]  }
0x113: {  	v9 =	vld [tilespmem:s18+$0x3840]  }
0x114: {  	v13 =	vadd.f32 v6, v7;
	v7 =	vld [tilespmem:s18+$0x3850]  }
0x115: {  	s22 =	sadd.s32 $0x100, s22;
	v12 =	vadd.f32 v4, v8;
	v8 =	vld [tilespmem:s18+$0x3860]  }
0x116: {  	[tilespmem:s18+$0x640] =	vst v13;
	v11 =	vadd.f32 v3, v11;
	v48 =	vld [tilespmem:s18+$0x3870]  }
0x117: {  	[tilespmem:s18+$0x650] =	vst v12;
	v5 =	vadd.f32 v5, v10  }
0x118: {  	[tilespmem:s18+$0x660] =	vst v11;
	v6 =	vadd.f32 v6, v9  }
0x119: {  	[tilespmem:s18+$0x670] =	vst v5;
	v4 =	vadd.f32 v4, v7  }
0x11a: {  	[tilespmem:s18+$0x3840] =	vst v6;
	v3 =	vadd.f32 v3, v8  }
0x11b: {  	s22 =	sadd.s32 s5, s0;
	[tilespmem:s18+$0x3850] =	vst v4;
	v2 =	vadd.f32 v2, v48  }
0x11c: {  	s22 =	sshll.u32 s22, $0x3;
	[tilespmem:s18+$0x3860] =	vst v3  }
0x11d: {  	s23 =	sadd.s32 s3, s22;
	s22 =	simm.s32 @!p0 $0x7;
	[tilespmem:s18+$0x3870] =	vst v2  }
0x11e: {  	[hbm4b:s23+s4] =	stream.linear.scatter [tilespmem:s17], [sflag:$0x5], $0x6400, $0x38;
	[tilespmem:$0x1C840] =	vst v63  }
0x11f: {  	s18 =	sadd.s32 s0, s10;
	_ =	swait.ge @!p0 [sflag:s22], $0x6400  }
0x120: {  	s23 =	sshrl.u32 s18, $0x3;
	[sflag:s22] =	ssyncset.done @!p0 $0x0  }
0x121: {  	s24 =	sadd.s32 s1, s23;
	s23 =	simm.s32 $0x0;
	[sflag:s22] =	ssyncadd.s32 @!p0 $0xFFFF9C00  }
0x122: {  	[tilespmem:s20], [sflag:$0x9] =	stream.linear.gather [hbm4b:s24+s23], $0x190, $0x38;
	[tilespmem:$0x1C840] =	vst v63  }
0x123: {  	_ =	swait.ge [sflag:s15], $0x190  }
0x124: {  	[sflag:s15] =	ssyncset.done $0x0  }
0x125: {  	[sflag:s15] =	ssyncadd.s32 $0xFFFFFE70  }
0x126: {  	[tilespmem:s21], [sflag:$0x3] =	stream.indirect.gather [hbm4b:s6+s16], $0x40, s20, s16, $0xb8;
	[tilespmem:$0x1C840] =	vst v63  }
0x127: {  	s22 =	simm.s32 $0x370;
	s24 =	simm.s32 $0xE240  }
0x128: {  	[tilespmem:s24], [sflag:$0x3] =	stream.indirect.gather [hbm4b:s6+s16], $0x40, s22, s16, $0xb8;
	[tilespmem:$0x1C840] =	vst v63  }
0x129: {  	s22 =	simm.s32 $0x3C0;
	s24 =	simm.s32 $0xF640  }
0x12a: {  	[tilespmem:s24], [sflag:$0x3] =	stream.indirect.gather [hbm4b:s6+s16], $0x40, s22, s16, $0xb8;
	[tilespmem:$0x1C840] =	vst v63  }
0x12b: {  	s22 =	simm.s32 $0x410;
	s24 =	simm.s32 $0x10A40  }
0x12c: {  	[tilespmem:s24], [sflag:$0x3] =	stream.indirect.gather [hbm4b:s6+s16], $0x40, s22, s16, $0xb8;
	[tilespmem:$0x1C840] =	vst v63  }
0x12d: {  	s22 =	simm.s32 $0x460;
	s24 =	simm.s32 $0x11E40  }
0x12e: {  	[tilespmem:s24], [sflag:$0x3] =	stream.indirect.gather [hbm4b:s6+s16], $0x40, s22, s16, $0xb8;
	[tilespmem:$0x1C840] =	vst v63  }
0x12f: {  	_ =	swait.ge [sflag:s30], $0x1400  }
0x130: {  	[sflag:s30] =	ssyncset.done $0x0  }
0x131: {  	[sflag:s30] =	ssyncadd.s32 $0xFFFFEC00  }
0x132: {  	_ =	swait.ge [sflag:s30], $0x1400  }
0x133: {  	[sflag:s30] =	ssyncset.done $0x0  }
0x134: {  	[sflag:s30] =	ssyncadd.s32 $0xFFFFEC00  }
0x135: {  	_ =	swait.ge [sflag:s30], $0x1400  }
0x136: {  	[sflag:s30] =	ssyncset.done $0x0  }
0x137: {  	[sflag:s30] =	ssyncadd.s32 $0xFFFFEC00  }
0x138: {  	_ =	swait.ge [sflag:s30], $0x1400  }
0x139: {  	[sflag:s30] =	ssyncset.done $0x0  }
0x13a: {  	[sflag:s30] =	ssyncadd.s32 $0xFFFFEC00  }
0x13b: {  	_ =	swait.ge [sflag:s30], $0x1400  }
0x13c: {  	[sflag:s30] =	ssyncset.done $0x0  }
0x13d: {  	[sflag:s30] =	ssyncadd.s32 $0xFFFFEC00  }
0x13e: {  	v2 =	vld [tilespmem:$0x190]  }
0x13f: {  	v3 =	vld [tilespmem:$0x1A0]  }
0x140: {  	v49 =	vld [tilespmem:$0x1B0]  }
0x141: {  	v50 =	vld [tilespmem:$0x1C0]  }
0x142: {  	v51 =	vld [tilespmem:$0x1D0]  }
0x143: {  	v52 =	vld [tilespmem:$0x1E0]  }
0x144: {  	vm0 =	veq.s32 v2, $0x0;
	vm1 =	veq.s32 v3, $0x0;
	v2 =	vld [tilespmem:$0x1F0]  }
0x145: {  	vm5 =	veq.s32 v49, $0x0;
	v3 =	vld [tilespmem:$0x200];
	vm0 =	vmor vm0, vm1  }
0x146: {  	v53 =	vld [tilespmem:$0x210];
	vm6 =	veq.s32 v50, $0x0;
	vm0 =	vmor vm0, vm5  }
0x147: {  	v54 =	vld [tilespmem:$0x220];
	vm7 =	veq.s32 v51, $0x0;
	vm0 =	vmor vm0, vm6  }
0x148: {  	v55 =	vld [tilespmem:$0x230];
	vm8 =	veq.s32 v52, $0x0;
	vm0 =	vmor vm0, vm7  }
0x149: {  	vm0 =	vmor vm0, vm8;
	vm9 =	veq.s32 v2, $0x0;
	v2 =	vld [tilespmem:$0x240]  }
0x14a: {  	vm10 =	veq.s32 v3, $0x0;
	v3 =	vld [tilespmem:$0x250];
	vm0 =	vmor vm0, vm9  }
0x14b: {  	v56 =	vld [tilespmem:$0x260];
	vm11 =	veq.s32 v53, $0x0;
	vm0 =	vmor vm0, vm10  }
0x14c: {  	v57 =	vld [tilespmem:$0x270];
	vm12 =	veq.s32 v54, $0x0;
	vm0 =	vmor vm0, vm11  }
0x14d: {  	v58 =	vld [tilespmem:$0x280];
	vm13 =	veq.s32 v55, $0x0;
	vm0 =	vmor vm0, vm12  }
0x14e: {  	vm0 =	vmor vm0, vm13;
	vm14 =	veq.s32 v2, $0x0;
	v2 =	vld [tilespmem:$0x290]  }
0x14f: {  	vm15 =	veq.s32 v3, $0x0;
	v3 =	vld [tilespmem:$0x2A0];
	vm0 =	vmor vm0, vm14  }
0x150: {  	v59 =	vld [tilespmem:$0x2B0];
	vm4 =	veq.s32 v56, $0x0;
	vm0 =	vmor vm0, vm15  }
0x151: {  	v60 =	vld [tilespmem:$0x2C0];
	vm5 =	veq.s32 v57, $0x0;
	vm0 =	vmor vm0, vm4  }
0x152: {  	v61 =	vld [tilespmem:$0x2D0];
	vm6 =	veq.s32 v58, $0x0;
	vm0 =	vmor vm0, vm5  }
0x153: {  	vm0 =	vmor vm0, vm6;
	vm7 =	veq.s32 v2, $0x0;
	v2 =	vld [tilespmem:$0x2E0]  }
0x154: {  	vm8 =	veq.s32 v3, $0x0;
	v3 =	vld [tilespmem:$0x2F0];
	vm0 =	vmor vm0, vm7  }
0x155: {  	v62 =	vld [tilespmem:$0x300];
	vm9 =	veq.s32 v59, $0x0;
	vm0 =	vmor vm0, vm8  }
0x156: {  	v63 =	vld [tilespmem:$0x310];
	vm10 =	veq.s32 v60, $0x0;
	vm0 =	vmor vm0, vm9  }
0x157: {  	vm11 =	veq.s32 v61, $0x0;
	vm0 =	vmor vm0, vm10  }
0x158: {  	vm0 =	vmor vm0, vm11;
	vm12 =	veq.s32 v2, $0x0  }
0x159: {  	vm13 =	veq.s32 v3, $0x0;
	vm0 =	vmor vm0, vm12  }
0x15a: {  	vm14 =	veq.s32 v62, $0x0;
	vm0 =	vmor vm0, vm13  }
0x15b: {  	vm15 =	veq.s32 v63, $0x0;
	vm0 =	vmor vm0, vm14  }
0x15c: {  	vm0 =	vmor vm0, vm15  }
0x15d: {  	v2 =	vmpcnt.ones.xlane vm0;
	_ =	sdelay $0x1  }
0x15e: {  	(v2sf) =	vpush v2, $0x0;
	_ =	sdelay $0xe  }
0x15f: {  	s24 =	spop (v2sf)  }
0x160: {  	p1 =	slt.s32 s24, $0x1  }
.Ltmp3:
0x161: {  	_ = 	snop;
	(pc) =	sbr.rel @p1 .LBB2_12-.Ltmp3, $2  }
0x162: {  	_ =	sdelay $0x2  }
0x163: {  	s22 =	simm.s32 $0x190  }
0x164: {  	v2 =	vld [tilespmem:s22+$0x0];
	_ =	sdelay $0x3  }
0x165: {  	v3 =	vmov s23  }
0x166: {  	vm0 =	veq.s32 v2, $0x0;
	v2 =	vshll.u32 v3, $0x6  }
0x167: {  	v2 =	vor.u32 v0, v2  }
0x168: {  	v3 =	vor.u32 $0x1, v2  }
0x169: {  	v4 =	vor.u32 $0x2, v2  }
0x16a: {  	v5 =	vor.u32 $0x3, v2  }
0x16b: {  	v6 =	vor.u32 $0x4, v2  }
0x16c: {  	v7 =	vor.u32 $0x5, v2;
	[tilespmem:v2+s26+$0x0] =	vst.idx.msk vm0, v1  }
0x16d: {  	[tilespmem:v3+s26+$0x0] =	vst.idx.msk vm0, v1;
	v3 =	vor.u32 $0x6, v2  }
0x16e: {  	v19 =	vor.u32 $0x7, v2;
	[tilespmem:v4+s26+$0x0] =	vst.idx.msk vm0, v1  }
0x16f: {  	v20 =	vor.u32 $0x8, v2;
	[tilespmem:v5+s26+$0x0] =	vst.idx.msk vm0, v1  }
0x170: {  	v21 =	vor.u32 $0x9, v2;
	[tilespmem:v6+s26+$0x0] =	vst.idx.msk vm0, v1  }
0x171: {  	v22 =	vor.u32 $0xA, v2;
	[tilespmem:v7+s26+$0x0] =	vst.idx.msk vm0, v1  }
0x172: {  	[tilespmem:v3+s26+$0x0] =	vst.idx.msk vm0, v1;
	v3 =	vor.u32 $0xB, v2  }
0x173: {  	v23 =	vor.u32 $0xC, v2;
	[tilespmem:v19+s26+$0x0] =	vst.idx.msk vm0, v1  }
0x174: {  	v24 =	vor.u32 $0xD, v2;
	[tilespmem:v20+s26+$0x0] =	vst.idx.msk vm0, v1  }
0x175: {  	v25 =	vor.u32 $0xE, v2;
	[tilespmem:v21+s26+$0x0] =	vst.idx.msk vm0, v1  }
0x176: {  	v26 =	vor.u32 $0xF, v2;
	[tilespmem:v22+s26+$0x0] =	vst.idx.msk vm0, v1  }
0x177: {  	[tilespmem:v3+s26+$0x0] =	vst.idx.msk vm0, v1;
	v3 =	vor.u32 $0x10, v2  }
0x178: {  	v27 =	vor.u32 $0x11, v2;
	[tilespmem:v23+s26+$0x0] =	vst.idx.msk vm0, v1  }
0x179: {  	v28 =	vor.u32 $0x12, v2;
	[tilespmem:v24+s26+$0x0] =	vst.idx.msk vm0, v1  }
0x17a: {  	v29 =	vor.u32 $0x13, v2;
	[tilespmem:v25+s26+$0x0] =	vst.idx.msk vm0, v1  }
0x17b: {  	v30 =	vor.u32 $0x14, v2;
	[tilespmem:v26+s26+$0x0] =	vst.idx.msk vm0, v1  }
0x17c: {  	[tilespmem:v3+s26+$0x0] =	vst.idx.msk vm0, v1;
	v3 =	vor.u32 $0x15, v2  }
0x17d: {  	v31 =	vor.u32 $0x16, v2;
	[tilespmem:v27+s26+$0x0] =	vst.idx.msk vm0, v1  }
0x17e: {  	v32 =	vor.u32 $0x17, v2;
	[tilespmem:v28+s26+$0x0] =	vst.idx.msk vm0, v1  }
0x17f: {  	v33 =	vor.u32 $0x18, v2;
	[tilespmem:v29+s26+$0x0] =	vst.idx.msk vm0, v1  }
0x180: {  	v34 =	vor.u32 $0x19, v2;
	[tilespmem:v30+s26+$0x0] =	vst.idx.msk vm0, v1  }
0x181: {  	[tilespmem:v3+s26+$0x0] =	vst.idx.msk vm0, v1;
	v3 =	vor.u32 $0x1A, v2  }
0x182: {  	v35 =	vor.u32 $0x1B, v2;
	[tilespmem:v31+s26+$0x0] =	vst.idx.msk vm0, v1  }
0x183: {  	v36 =	vor.u32 $0x1C, v2;
	[tilespmem:v32+s26+$0x0] =	vst.idx.msk vm0, v1  }
0x184: {  	v37 =	vor.u32 $0x1D, v2;
	[tilespmem:v33+s26+$0x0] =	vst.idx.msk vm0, v1  }
0x185: {  	v38 =	vor.u32 $0x1E, v2;
	[tilespmem:v34+s26+$0x0] =	vst.idx.msk vm0, v1  }
0x186: {  	[tilespmem:v3+s26+$0x0] =	vst.idx.msk vm0, v1;
	v3 =	vor.u32 $0x1F, v2  }
0x187: {  	v39 =	vor.u32 $0x20, v2;
	[tilespmem:v35+s26+$0x0] =	vst.idx.msk vm0, v1  }
0x188: {  	v40 =	vor.u32 $0x21, v2;
	[tilespmem:v36+s26+$0x0] =	vst.idx.msk vm0, v1  }
0x189: {  	v41 =	vor.u32 $0x22, v2;
	[tilespmem:v37+s26+$0x0] =	vst.idx.msk vm0, v1  }
0x18a: {  	v42 =	vor.u32 $0x23, v2;
	[tilespmem:v38+s26+$0x0] =	vst.idx.msk vm0, v1  }
0x18b: {  	[tilespmem:v3+s26+$0x0] =	vst.idx.msk vm0, v1;
	v3 =	vor.u32 $0x24, v2  }
0x18c: {  	v43 =	vor.u32 $0x25, v2;
	[tilespmem:v39+s26+$0x0] =	vst.idx.msk vm0, v1  }
0x18d: {  	v44 =	vor.u32 $0x26, v2;
	[tilespmem:v40+s26+$0x0] =	vst.idx.msk vm0, v1  }
0x18e: {  	v45 =	vor.u32 $0x27, v2;
	[tilespmem:v41+s26+$0x0] =	vst.idx.msk vm0, v1  }
0x18f: {  	v46 =	vor.u32 $0x28, v2;
	[tilespmem:v42+s26+$0x0] =	vst.idx.msk vm0, v1  }
0x190: {  	[tilespmem:v3+s26+$0x0] =	vst.idx.msk vm0, v1;
	v3 =	vor.u32 $0x29, v2  }
0x191: {  	v47 =	vor.u32 $0x2A, v2;
	[tilespmem:v43+s26+$0x0] =	vst.idx.msk vm0, v1  }
0x192: {  	v48 =	vor.u32 $0x2B, v2;
	[tilespmem:v44+s26+$0x0] =	vst.idx.msk vm0, v1  }
0x193: {  	v49 =	vor.u32 $0x2C, v2;
	[tilespmem:v45+s26+$0x0] =	vst.idx.msk vm0, v1  }
0x194: {  	v50 =	vor.u32 $0x2D, v2;
	[tilespmem:v46+s26+$0x0] =	vst.idx.msk vm0, v1  }
0x195: {  	[tilespmem:v3+s26+$0x0] =	vst.idx.msk vm0, v1;
	v3 =	vor.u32 $0x2E, v2  }
0x196: {  	v51 =	vor.u32 $0x2F, v2;
	[tilespmem:v47+s26+$0x0] =	vst.idx.msk vm0, v1  }
0x197: {  	v52 =	vor.u32 $0x30, v2;
	[tilespmem:v48+s26+$0x0] =	vst.idx.msk vm0, v1  }
0x198: {  	v53 =	vor.u32 $0x31, v2;
	[tilespmem:v49+s26+$0x0] =	vst.idx.msk vm0, v1  }
0x199: {  	v54 =	vor.u32 $0x32, v2;
	[tilespmem:v50+s26+$0x0] =	vst.idx.msk vm0, v1  }
0x19a: {  	[tilespmem:v3+s26+$0x0] =	vst.idx.msk vm0, v1;
	v3 =	vor.u32 $0x33, v2  }
0x19b: {  	v55 =	vor.u32 $0x34, v2;
	[tilespmem:v51+s26+$0x0] =	vst.idx.msk vm0, v1  }
0x19c: {  	v56 =	vor.u32 $0x35, v2;
	[tilespmem:v52+s26+$0x0] =	vst.idx.msk vm0, v1  }
0x19d: {  	v57 =	vor.u32 $0x36, v2;
	[tilespmem:v53+s26+$0x0] =	vst.idx.msk vm0, v1  }
0x19e: {  	v58 =	vor.u32 $0x37, v2;
	[tilespmem:v54+s26+$0x0] =	vst.idx.msk vm0, v1  }
0x19f: {  	[tilespmem:v3+s26+$0x0] =	vst.idx.msk vm0, v1;
	v3 =	vor.u32 $0x38, v2  }
0x1a0: {  	v59 =	vor.u32 $0x39, v2;
	[tilespmem:v55+s26+$0x0] =	vst.idx.msk vm0, v1  }
0x1a1: {  	v60 =	vor.u32 $0x3A, v2;
	[tilespmem:v56+s26+$0x0] =	vst.idx.msk vm0, v1  }
0x1a2: {  	v61 =	vor.u32 $0x3B, v2;
	[tilespmem:v57+s26+$0x0] =	vst.idx.msk vm0, v1  }
0x1a3: {  	v62 =	vor.u32 $0x3C, v2;
	[tilespmem:v58+s26+$0x0] =	vst.idx.msk vm0, v1  }
0x1a4: {  	[tilespmem:v3+s26+$0x0] =	vst.idx.msk vm0, v1;
	v3 =	vor.u32 $0x3D, v2  }
0x1a5: {  	v63 =	vor.u32 $0x3E, v2;
	[tilespmem:v59+s26+$0x0] =	vst.idx.msk vm0, v1  }
0x1a6: {  	[tilespmem:v60+s26+$0x0] =	vst.idx.msk vm0, v1  }
0x1a7: {  	v2 =	vor.u32 $0x3F, v2;
	[tilespmem:v61+s26+$0x0] =	vst.idx.msk vm0, v1  }
0x1a8: {  	[tilespmem:v62+s26+$0x0] =	vst.idx.msk vm0, v1  }
0x1a9: {  	[tilespmem:v3+s26+$0x0] =	vst.idx.msk vm0, v1  }
0x1aa: {  	s23 =	simm.s32 $0x10;
	[tilespmem:v63+s26+$0x0] =	vst.idx.msk vm0, v1  }
.LBB2_10:
0x1ab: {  	p1 =	sne.s32 s23, $0x180  }
0x1ac: {  	[tilespmem:v2+s26+$0x0] =	vst.idx.msk vm0, v1;
	s22 =	sadd.s32 $0x10, s22;
	s24 =	smov.u32 s23;
	s23 =	sadd.s32 $0x10, s23  }
0x1ad: {  	v2 =	vld [tilespmem:s22+$0x0];
	_ =	sdelay $0x3  }
0x1ae: {  	v3 =	vmov s24  }
0x1af: {  	vm0 =	veq.s32 v2, $0x0;
	v2 =	vshll.u32 v3, $0x6  }
0x1b0: {  	v2 =	vor.u32 v0, v2  }
0x1b1: {  	v3 =	vor.u32 $0x1, v2  }
0x1b2: {  	v4 =	vor.u32 $0x2, v2  }
0x1b3: {  	v5 =	vor.u32 $0x3, v2  }
0x1b4: {  	v6 =	vor.u32 $0x4, v2  }
0x1b5: {  	v7 =	vor.u32 $0x5, v2;
	[tilespmem:v2+s26+$0x0] =	vst.idx.msk vm0, v1  }
0x1b6: {  	[tilespmem:v3+s26+$0x0] =	vst.idx.msk vm0, v1;
	v3 =	vor.u32 $0x6, v2  }
0x1b7: {  	[tilespmem:v4+s26+$0x0] =	vst.idx.msk vm0, v1;
	v4 =	vor.u32 $0x7, v2  }
0x1b8: {  	[tilespmem:v5+s26+$0x0] =	vst.idx.msk vm0, v1;
	v5 =	vor.u32 $0x8, v2  }
0x1b9: {  	[tilespmem:v6+s26+$0x0] =	vst.idx.msk vm0, v1;
	v6 =	vor.u32 $0x9, v2  }
0x1ba: {  	[tilespmem:v7+s26+$0x0] =	vst.idx.msk vm0, v1;
	v7 =	vor.u32 $0xA, v2  }
0x1bb: {  	[tilespmem:v3+s26+$0x0] =	vst.idx.msk vm0, v1;
	v3 =	vor.u32 $0xB, v2  }
0x1bc: {  	[tilespmem:v4+s26+$0x0] =	vst.idx.msk vm0, v1;
	v4 =	vor.u32 $0xC, v2  }
0x1bd: {  	[tilespmem:v5+s26+$0x0] =	vst.idx.msk vm0, v1;
	v5 =	vor.u32 $0xD, v2  }
0x1be: {  	[tilespmem:v6+s26+$0x0] =	vst.idx.msk vm0, v1;
	v6 =	vor.u32 $0xE, v2  }
0x1bf: {  	[tilespmem:v7+s26+$0x0] =	vst.idx.msk vm0, v1;
	v7 =	vor.u32 $0xF, v2  }
0x1c0: {  	[tilespmem:v3+s26+$0x0] =	vst.idx.msk vm0, v1;
	v3 =	vor.u32 $0x10, v2  }
0x1c1: {  	[tilespmem:v4+s26+$0x0] =	vst.idx.msk vm0, v1;
	v4 =	vor.u32 $0x11, v2  }
0x1c2: {  	[tilespmem:v5+s26+$0x0] =	vst.idx.msk vm0, v1;
	v5 =	vor.u32 $0x12, v2  }
0x1c3: {  	[tilespmem:v6+s26+$0x0] =	vst.idx.msk vm0, v1;
	v6 =	vor.u32 $0x13, v2  }
0x1c4: {  	[tilespmem:v7+s26+$0x0] =	vst.idx.msk vm0, v1;
	v7 =	vor.u32 $0x14, v2  }
0x1c5: {  	[tilespmem:v3+s26+$0x0] =	vst.idx.msk vm0, v1;
	v3 =	vor.u32 $0x15, v2  }
0x1c6: {  	[tilespmem:v4+s26+$0x0] =	vst.idx.msk vm0, v1;
	v4 =	vor.u32 $0x16, v2  }
0x1c7: {  	[tilespmem:v5+s26+$0x0] =	vst.idx.msk vm0, v1;
	v5 =	vor.u32 $0x17, v2  }
0x1c8: {  	[tilespmem:v6+s26+$0x0] =	vst.idx.msk vm0, v1;
	v6 =	vor.u32 $0x18, v2  }
0x1c9: {  	[tilespmem:v7+s26+$0x0] =	vst.idx.msk vm0, v1;
	v7 =	vor.u32 $0x19, v2  }
0x1ca: {  	[tilespmem:v3+s26+$0x0] =	vst.idx.msk vm0, v1;
	v3 =	vor.u32 $0x1A, v2  }
0x1cb: {  	[tilespmem:v4+s26+$0x0] =	vst.idx.msk vm0, v1;
	v4 =	vor.u32 $0x1B, v2  }
0x1cc: {  	[tilespmem:v5+s26+$0x0] =	vst.idx.msk vm0, v1;
	v5 =	vor.u32 $0x1C, v2  }
0x1cd: {  	[tilespmem:v6+s26+$0x0] =	vst.idx.msk vm0, v1;
	v6 =	vor.u32 $0x1D, v2  }
0x1ce: {  	[tilespmem:v7+s26+$0x0] =	vst.idx.msk vm0, v1;
	v7 =	vor.u32 $0x1E, v2  }
0x1cf: {  	[tilespmem:v3+s26+$0x0] =	vst.idx.msk vm0, v1;
	v3 =	vor.u32 $0x1F, v2  }
0x1d0: {  	[tilespmem:v4+s26+$0x0] =	vst.idx.msk vm0, v1;
	v4 =	vor.u32 $0x20, v2  }
0x1d1: {  	[tilespmem:v5+s26+$0x0] =	vst.idx.msk vm0, v1;
	v5 =	vor.u32 $0x21, v2  }
0x1d2: {  	[tilespmem:v6+s26+$0x0] =	vst.idx.msk vm0, v1;
	v6 =	vor.u32 $0x22, v2  }
0x1d3: {  	[tilespmem:v7+s26+$0x0] =	vst.idx.msk vm0, v1;
	v7 =	vor.u32 $0x23, v2  }
0x1d4: {  	[tilespmem:v3+s26+$0x0] =	vst.idx.msk vm0, v1;
	v3 =	vor.u32 $0x24, v2  }
0x1d5: {  	[tilespmem:v4+s26+$0x0] =	vst.idx.msk vm0, v1;
	v4 =	vor.u32 $0x25, v2  }
0x1d6: {  	[tilespmem:v5+s26+$0x0] =	vst.idx.msk vm0, v1;
	v5 =	vor.u32 $0x26, v2  }
0x1d7: {  	[tilespmem:v6+s26+$0x0] =	vst.idx.msk vm0, v1;
	v6 =	vor.u32 $0x27, v2  }
0x1d8: {  	[tilespmem:v7+s26+$0x0] =	vst.idx.msk vm0, v1;
	v7 =	vor.u32 $0x28, v2  }
0x1d9: {  	[tilespmem:v3+s26+$0x0] =	vst.idx.msk vm0, v1;
	v3 =	vor.u32 $0x29, v2  }
0x1da: {  	[tilespmem:v4+s26+$0x0] =	vst.idx.msk vm0, v1;
	v4 =	vor.u32 $0x2A, v2  }
0x1db: {  	[tilespmem:v5+s26+$0x0] =	vst.idx.msk vm0, v1;
	v5 =	vor.u32 $0x2B, v2  }
0x1dc: {  	[tilespmem:v6+s26+$0x0] =	vst.idx.msk vm0, v1;
	v6 =	vor.u32 $0x2C, v2  }
0x1dd: {  	[tilespmem:v7+s26+$0x0] =	vst.idx.msk vm0, v1;
	v7 =	vor.u32 $0x2D, v2  }
0x1de: {  	[tilespmem:v3+s26+$0x0] =	vst.idx.msk vm0, v1;
	v3 =	vor.u32 $0x2E, v2  }
0x1df: {  	[tilespmem:v4+s26+$0x0] =	vst.idx.msk vm0, v1;
	v4 =	vor.u32 $0x2F, v2  }
0x1e0: {  	[tilespmem:v5+s26+$0x0] =	vst.idx.msk vm0, v1;
	v5 =	vor.u32 $0x30, v2  }
0x1e1: {  	[tilespmem:v6+s26+$0x0] =	vst.idx.msk vm0, v1;
	v6 =	vor.u32 $0x31, v2  }
0x1e2: {  	[tilespmem:v7+s26+$0x0] =	vst.idx.msk vm0, v1;
	v7 =	vor.u32 $0x32, v2  }
0x1e3: {  	[tilespmem:v3+s26+$0x0] =	vst.idx.msk vm0, v1;
	v3 =	vor.u32 $0x33, v2  }
0x1e4: {  	[tilespmem:v4+s26+$0x0] =	vst.idx.msk vm0, v1;
	v4 =	vor.u32 $0x34, v2  }
0x1e5: {  	[tilespmem:v5+s26+$0x0] =	vst.idx.msk vm0, v1;
	v5 =	vor.u32 $0x35, v2  }
0x1e6: {  	[tilespmem:v6+s26+$0x0] =	vst.idx.msk vm0, v1;
	v6 =	vor.u32 $0x36, v2  }
0x1e7: {  	[tilespmem:v7+s26+$0x0] =	vst.idx.msk vm0, v1;
	v7 =	vor.u32 $0x37, v2  }
0x1e8: {  	[tilespmem:v3+s26+$0x0] =	vst.idx.msk vm0, v1;
	v3 =	vor.u32 $0x38, v2  }
0x1e9: {  	[tilespmem:v4+s26+$0x0] =	vst.idx.msk vm0, v1;
	v4 =	vor.u32 $0x39, v2  }
0x1ea: {  	[tilespmem:v5+s26+$0x0] =	vst.idx.msk vm0, v1;
	v5 =	vor.u32 $0x3A, v2  }
0x1eb: {  	[tilespmem:v6+s26+$0x0] =	vst.idx.msk vm0, v1;
	v6 =	vor.u32 $0x3B, v2  }
0x1ec: {  	[tilespmem:v7+s26+$0x0] =	vst.idx.msk vm0, v1;
	v7 =	vor.u32 $0x3C, v2  }
0x1ed: {  	[tilespmem:v3+s26+$0x0] =	vst.idx.msk vm0, v1;
	v3 =	vor.u32 $0x3D, v2  }
0x1ee: {  	[tilespmem:v4+s26+$0x0] =	vst.idx.msk vm0, v1;
	v4 =	vor.u32 $0x3E, v2  }
.Ltmp4:
0x1ef: {  	v2 =	vor.u32 $0x3F, v2;
	[tilespmem:v5+s26+$0x0] =	vst.idx.msk vm0, v1;
	(pc) =	sbr.rel @p1 .LBB2_10-.Ltmp4, $4  }
0x1f0: {  	[tilespmem:v6+s26+$0x0] =	vst.idx.msk vm0, v1  }
0x1f1: {  	[tilespmem:v7+s26+$0x0] =	vst.idx.msk vm0, v1  }
0x1f2: {  	[tilespmem:v3+s26+$0x0] =	vst.idx.msk vm0, v1  }
0x1f3: {  	[tilespmem:v4+s26+$0x0] =	vst.idx.msk vm0, v1  }
0x1f4: {  	_ =	sdelay $0x4  }
0x1f5: {  	[tilespmem:v2+s26+$0x0] =	vst.idx.msk vm0, v1  }
.LBB2_12:
0x1f6: {  	s22 =	simm.s32 $0x0  }
0x1f7: {  	v6 =	vld [tilespmem:s22+$0x19640]  }
0x1f8: {  	v4 =	vld [tilespmem:s22+$0x19650]  }
0x1f9: {  	v3 =	vld [tilespmem:s22+$0x19660]  }
0x1fa: {  	v5 =	vld [tilespmem:s22+$0x19670]  }
0x1fb: {  	v2 =	vld [tilespmem:s22+$0x19670]  }
0x1fc: {  	v8 =	vld [tilespmem:s22+$0x6A40]  }
0x1fd: {  	v12 =	vld [tilespmem:s22+$0x6A50]  }
0x1fe: {  	v11 =	vld [tilespmem:s22+$0x6A60]  }
0x1ff: {  	v10 =	vld [tilespmem:s22+$0x6A70]  }
0x200: {  	v9 =	vld [tilespmem:s22+$0x9C40]  }
0x201: {  	v7 =	vld [tilespmem:s22+$0x9C50];
	v13 =	vadd.f32 v6, v8  }
0x202: {  	s23 =	simm.s32 $0x100;
	v12 =	vadd.f32 v4, v12;
	v8 =	vld [tilespmem:s22+$0x9C60]  }
.LBB2_13:
0x203: {  	s24 =	sshra.s32 s23, $0x2;
	p1 =	sne.s32 s23, $0xC700;
	[tilespmem:s22+$0x6A40] =	vst v13;
	v11 =	vadd.f32 v3, v11;
	v13 =	vld [tilespmem:s22+$0x9C70]  }
0x204: {  	v14 =	vld [tilespmem:s24+$0x19640];
	[tilespmem:s22+$0x6A50] =	vst v12;
	v5 =	vadd.f32 v5, v10  }
0x205: {  	v10 =	vld [tilespmem:s24+$0x19650];
	[tilespmem:s22+$0x6A60] =	vst v11;
	v6 =	vadd.f32 v6, v9  }
0x206: {  	v9 =	vld [tilespmem:s24+$0x19660];
	[tilespmem:s22+$0x6A70] =	vst v5;
	v4 =	vadd.f32 v4, v7  }
0x207: {  	v5 =	vld [tilespmem:s24+$0x19670];
	[tilespmem:s22+$0x9C40] =	vst v6;
	v3 =	vadd.f32 v3, v8  }
0x208: {  	[tilespmem:s22+$0x9C50] =	vst v4;
	v11 =	vadd.f32 v2, v13;
	v2 =	vld [tilespmem:s24+$0x19670]  }
0x209: {  	v7 =	vld [tilespmem:s24+$0x6A40];
	[tilespmem:s22+$0x9C60] =	vst v3;
	v6 =	vmov v14  }
0x20a: {  	v8 =	vld [tilespmem:s24+$0x6A50];
	[tilespmem:s22+$0x9C70] =	vst v11;
	v4 =	vmov v10;
	s22 =	smov.u32 s24  }
.Ltmp5:
0x20b: {  	v11 =	vld [tilespmem:s22+$0x6A60];
	v3 =	vmov v9;
	(pc) =	sbr.rel @p1 .LBB2_13-.Ltmp5, $4  }
0x20c: {  	v10 =	vld [tilespmem:s22+$0x6A70]  }
0x20d: {  	v9 =	vld [tilespmem:s22+$0x9C40]  }
0x20e: {  	v13 =	vadd.f32 v6, v7;
	v7 =	vld [tilespmem:s22+$0x9C50]  }
0x20f: {  	s23 =	sadd.s32 $0x100, s23;
	v12 =	vadd.f32 v4, v8;
	v8 =	vld [tilespmem:s22+$0x9C60]  }
0x210: {  	[tilespmem:s22+$0x6A40] =	vst v13;
	v11 =	vadd.f32 v3, v11;
	v48 =	vld [tilespmem:s22+$0x9C70]  }
0x211: {  	[tilespmem:s22+$0x6A50] =	vst v12;
	v5 =	vadd.f32 v5, v10  }
0x212: {  	[tilespmem:s22+$0x6A60] =	vst v11;
	v6 =	vadd.f32 v6, v9  }
0x213: {  	[tilespmem:s22+$0x6A70] =	vst v5;
	v4 =	vadd.f32 v4, v7  }
0x214: {  	[tilespmem:s22+$0x9C40] =	vst v6;
	v3 =	vadd.f32 v3, v8  }
0x215: {  	s14 =	sshll.u32 s14, $0x3;
	[tilespmem:s22+$0x9C50] =	vst v4;
	v2 =	vadd.f32 v2, v48  }
0x216: {  	s14 =	sand.u32 $0x1FFFFE80, s14;
	[tilespmem:s22+$0x9C60] =	vst v3  }
0x217: {  	s14 =	sadd.s32 s3, s14;
	[tilespmem:s22+$0x9C70] =	vst v2;
	s22 =	simm.s32 @!p0 $0x8  }
0x218: {  	[hbm4b:s14+s4] =	stream.linear.scatter [tilespmem:s26], [sflag:$0x6], $0x6400, $0x38;
	[tilespmem:$0x1C840] =	vst v63  }
0x219: {  	s14 =	sadd.s32 s0, s11;
	_ =	swait.ge @!p0 [sflag:s22], $0x6400  }
0x21a: {  	s23 =	sshrl.u32 s14, $0x3;
	[sflag:s22] =	ssyncset.done @!p0 $0x0  }
0x21b: {  	s24 =	sadd.s32 s1, s23;
	s23 =	simm.s32 $0x0;
	[sflag:s22] =	ssyncadd.s32 @!p0 $0xFFFF9C00  }
0x21c: {  	[tilespmem:s31], [sflag:$0x9] =	stream.linear.gather [hbm4b:s24+s23], $0x190, $0x38;
	[tilespmem:$0x1C840] =	vst v63  }
0x21d: {  	_ =	swait.ge [sflag:s15], $0x190  }
0x21e: {  	[sflag:s15] =	ssyncset.done $0x0  }
0x21f: {  	[sflag:s15] =	ssyncadd.s32 $0xFFFFFE70  }
0x220: {  	[tilespmem:s2], [sflag:$0x4] =	stream.indirect.gather [hbm4b:s6+s16], $0x40, s31, s16, $0xb8;
	[tilespmem:$0x1C840] =	vst v63  }
0x221: {  	s22 =	simm.s32 $0x500;
	s24 =	simm.s32 $0x14640  }
0x222: {  	[tilespmem:s24], [sflag:$0x4] =	stream.indirect.gather [hbm4b:s6+s16], $0x40, s22, s16, $0xb8;
	[tilespmem:$0x1C840] =	vst v63  }
0x223: {  	s22 =	simm.s32 $0x550;
	s24 =	simm.s32 $0x15A40  }
0x224: {  	[tilespmem:s24], [sflag:$0x4] =	stream.indirect.gather [hbm4b:s6+s16], $0x40, s22, s16, $0xb8;
	[tilespmem:$0x1C840] =	vst v63  }
0x225: {  	s22 =	simm.s32 $0x5A0;
	s24 =	simm.s32 $0x16E40  }
0x226: {  	[tilespmem:s24], [sflag:$0x4] =	stream.indirect.gather [hbm4b:s6+s16], $0x40, s22, s16, $0xb8;
	[tilespmem:$0x1C840] =	vst v63  }
0x227: {  	_ = 	snop  }
0x228: {  	[tilespmem:s8], [sflag:$0x4] =	stream.indirect.gather [hbm4b:s6+s16], $0x40, s7, s16, $0xb8;
	[tilespmem:$0x1C840] =	vst v63  }
0x229: {  	_ =	swait.ge [sflag:s13], $0x1400  }
0x22a: {  	[sflag:s13] =	ssyncset.done $0x0  }
0x22b: {  	[sflag:s13] =	ssyncadd.s32 $0xFFFFEC00  }
0x22c: {  	_ =	swait.ge [sflag:s13], $0x1400  }
0x22d: {  	[sflag:s13] =	ssyncset.done $0x0  }
0x22e: {  	[sflag:s13] =	ssyncadd.s32 $0xFFFFEC00  }
0x22f: {  	_ =	swait.ge [sflag:s13], $0x1400  }
0x230: {  	[sflag:s13] =	ssyncset.done $0x0  }
0x231: {  	[sflag:s13] =	ssyncadd.s32 $0xFFFFEC00  }
0x232: {  	_ =	swait.ge [sflag:s13], $0x1400  }
0x233: {  	[sflag:s13] =	ssyncset.done $0x0  }
0x234: {  	[sflag:s13] =	ssyncadd.s32 $0xFFFFEC00  }
0x235: {  	_ =	swait.ge [sflag:s13], $0x1400  }
0x236: {  	[sflag:s13] =	ssyncset.done $0x0  }
0x237: {  	[sflag:s13] =	ssyncadd.s32 $0xFFFFEC00  }
0x238: {  	v2 =	vld [tilespmem:$0x320]  }
0x239: {  	v3 =	vld [tilespmem:$0x330]  }
0x23a: {  	v49 =	vld [tilespmem:$0x340]  }
0x23b: {  	v50 =	vld [tilespmem:$0x350]  }
0x23c: {  	v51 =	vld [tilespmem:$0x360]  }
0x23d: {  	v52 =	vld [tilespmem:$0x370]  }
0x23e: {  	vm0 =	veq.s32 v2, $0x0;
	vm1 =	veq.s32 v3, $0x0;
	v2 =	vld [tilespmem:$0x380]  }
0x23f: {  	vm5 =	veq.s32 v49, $0x0;
	v3 =	vld [tilespmem:$0x390];
	vm0 =	vmor vm0, vm1  }
0x240: {  	v53 =	vld [tilespmem:$0x3A0];
	vm6 =	veq.s32 v50, $0x0;
	vm0 =	vmor vm0, vm5  }
0x241: {  	v54 =	vld [tilespmem:$0x3B0];
	vm7 =	veq.s32 v51, $0x0;
	vm0 =	vmor vm0, vm6  }
0x242: {  	v55 =	vld [tilespmem:$0x3C0];
	vm8 =	veq.s32 v52, $0x0;
	vm0 =	vmor vm0, vm7  }
0x243: {  	vm0 =	vmor vm0, vm8;
	vm9 =	veq.s32 v2, $0x0;
	v2 =	vld [tilespmem:$0x3D0]  }
0x244: {  	vm10 =	veq.s32 v3, $0x0;
	v3 =	vld [tilespmem:$0x3E0];
	vm0 =	vmor vm0, vm9  }
0x245: {  	v56 =	vld [tilespmem:$0x3F0];
	vm11 =	veq.s32 v53, $0x0;
	vm0 =	vmor vm0, vm10  }
0x246: {  	v57 =	vld [tilespmem:$0x400];
	vm12 =	veq.s32 v54, $0x0;
	vm0 =	vmor vm0, vm11  }
0x247: {  	v58 =	vld [tilespmem:$0x410];
	vm13 =	veq.s32 v55, $0x0;
	vm0 =	vmor vm0, vm12  }
0x248: {  	vm0 =	vmor vm0, vm13;
	vm14 =	veq.s32 v2, $0x0;
	v2 =	vld [tilespmem:$0x420]  }
0x249: {  	vm15 =	veq.s32 v3, $0x0;
	v3 =	vld [tilespmem:$0x430];
	vm0 =	vmor vm0, vm14  }
0x24a: {  	v59 =	vld [tilespmem:$0x440];
	vm4 =	veq.s32 v56, $0x0;
	vm0 =	vmor vm0, vm15  }
0x24b: {  	v60 =	vld [tilespmem:$0x450];
	vm5 =	veq.s32 v57, $0x0;
	vm0 =	vmor vm0, vm4  }
0x24c: {  	v61 =	vld [tilespmem:$0x460];
	vm6 =	veq.s32 v58, $0x0;
	vm0 =	vmor vm0, vm5  }
0x24d: {  	vm0 =	vmor vm0, vm6;
	vm7 =	veq.s32 v2, $0x0;
	v2 =	vld [tilespmem:$0x470]  }
0x24e: {  	vm8 =	veq.s32 v3, $0x0;
	v3 =	vld [tilespmem:$0x480];
	vm0 =	vmor vm0, vm7  }
0x24f: {  	v62 =	vld [tilespmem:$0x490];
	vm9 =	veq.s32 v59, $0x0;
	vm0 =	vmor vm0, vm8  }
0x250: {  	v63 =	vld [tilespmem:$0x4A0];
	vm10 =	veq.s32 v60, $0x0;
	vm0 =	vmor vm0, vm9  }
0x251: {  	vm11 =	veq.s32 v61, $0x0;
	vm0 =	vmor vm0, vm10  }
0x252: {  	vm0 =	vmor vm0, vm11;
	vm12 =	veq.s32 v2, $0x0  }
0x253: {  	vm13 =	veq.s32 v3, $0x0;
	vm0 =	vmor vm0, vm12  }
0x254: {  	vm14 =	veq.s32 v62, $0x0;
	vm0 =	vmor vm0, vm13  }
0x255: {  	vm15 =	veq.s32 v63, $0x0;
	vm0 =	vmor vm0, vm14  }
0x256: {  	vm0 =	vmor vm0, vm15  }
0x257: {  	v2 =	vmpcnt.ones.xlane vm0;
	_ =	sdelay $0x1  }
0x258: {  	(v2sf) =	vpush v2, $0x0;
	_ =	sdelay $0xe  }
0x259: {  	s24 =	spop (v2sf)  }
0x25a: {  	p0 =	slt.s32 s24, $0x1  }
.Ltmp6:
0x25b: {  	_ = 	snop;
	(pc) =	sbr.rel @p0 .LBB2_18-.Ltmp6, $2  }
0x25c: {  	_ =	sdelay $0x2  }
0x25d: {  	s22 =	simm.s32 $0x320  }
0x25e: {  	v2 =	vld [tilespmem:s22+$0x0];
	_ =	sdelay $0x3  }
0x25f: {  	v3 =	vmov s23  }
0x260: {  	vm0 =	veq.s32 v2, $0x0;
	v2 =	vshll.u32 v3, $0x6  }
0x261: {  	v2 =	vor.u32 v0, v2  }
0x262: {  	v3 =	vor.u32 $0x1, v2  }
0x263: {  	v4 =	vor.u32 $0x2, v2  }
0x264: {  	v5 =	vor.u32 $0x3, v2  }
0x265: {  	v6 =	vor.u32 $0x4, v2  }
0x266: {  	v7 =	vor.u32 $0x5, v2;
	[tilespmem:v2+s21+$0x0] =	vst.idx.msk vm0, v1  }
0x267: {  	[tilespmem:v3+s21+$0x0] =	vst.idx.msk vm0, v1;
	v3 =	vor.u32 $0x6, v2  }
0x268: {  	v19 =	vor.u32 $0x7, v2;
	[tilespmem:v4+s21+$0x0] =	vst.idx.msk vm0, v1  }
0x269: {  	v20 =	vor.u32 $0x8, v2;
	[tilespmem:v5+s21+$0x0] =	vst.idx.msk vm0, v1  }
0x26a: {  	v21 =	vor.u32 $0x9, v2;
	[tilespmem:v6+s21+$0x0] =	vst.idx.msk vm0, v1  }
0x26b: {  	v22 =	vor.u32 $0xA, v2;
	[tilespmem:v7+s21+$0x0] =	vst.idx.msk vm0, v1  }
0x26c: {  	[tilespmem:v3+s21+$0x0] =	vst.idx.msk vm0, v1;
	v3 =	vor.u32 $0xB, v2  }
0x26d: {  	v23 =	vor.u32 $0xC, v2;
	[tilespmem:v19+s21+$0x0] =	vst.idx.msk vm0, v1  }
0x26e: {  	v24 =	vor.u32 $0xD, v2;
	[tilespmem:v20+s21+$0x0] =	vst.idx.msk vm0, v1  }
0x26f: {  	v25 =	vor.u32 $0xE, v2;
	[tilespmem:v21+s21+$0x0] =	vst.idx.msk vm0, v1  }
0x270: {  	v26 =	vor.u32 $0xF, v2;
	[tilespmem:v22+s21+$0x0] =	vst.idx.msk vm0, v1  }
0x271: {  	[tilespmem:v3+s21+$0x0] =	vst.idx.msk vm0, v1;
	v3 =	vor.u32 $0x10, v2  }
0x272: {  	v27 =	vor.u32 $0x11, v2;
	[tilespmem:v23+s21+$0x0] =	vst.idx.msk vm0, v1  }
0x273: {  	v28 =	vor.u32 $0x12, v2;
	[tilespmem:v24+s21+$0x0] =	vst.idx.msk vm0, v1  }
0x274: {  	v29 =	vor.u32 $0x13, v2;
	[tilespmem:v25+s21+$0x0] =	vst.idx.msk vm0, v1  }
0x275: {  	v30 =	vor.u32 $0x14, v2;
	[tilespmem:v26+s21+$0x0] =	vst.idx.msk vm0, v1  }
0x276: {  	[tilespmem:v3+s21+$0x0] =	vst.idx.msk vm0, v1;
	v3 =	vor.u32 $0x15, v2  }
0x277: {  	v31 =	vor.u32 $0x16, v2;
	[tilespmem:v27+s21+$0x0] =	vst.idx.msk vm0, v1  }
0x278: {  	v32 =	vor.u32 $0x17, v2;
	[tilespmem:v28+s21+$0x0] =	vst.idx.msk vm0, v1  }
0x279: {  	v33 =	vor.u32 $0x18, v2;
	[tilespmem:v29+s21+$0x0] =	vst.idx.msk vm0, v1  }
0x27a: {  	v34 =	vor.u32 $0x19, v2;
	[tilespmem:v30+s21+$0x0] =	vst.idx.msk vm0, v1  }
0x27b: {  	[tilespmem:v3+s21+$0x0] =	vst.idx.msk vm0, v1;
	v3 =	vor.u32 $0x1A, v2  }
0x27c: {  	v35 =	vor.u32 $0x1B, v2;
	[tilespmem:v31+s21+$0x0] =	vst.idx.msk vm0, v1  }
0x27d: {  	v36 =	vor.u32 $0x1C, v2;
	[tilespmem:v32+s21+$0x0] =	vst.idx.msk vm0, v1  }
0x27e: {  	v37 =	vor.u32 $0x1D, v2;
	[tilespmem:v33+s21+$0x0] =	vst.idx.msk vm0, v1  }
0x27f: {  	v38 =	vor.u32 $0x1E, v2;
	[tilespmem:v34+s21+$0x0] =	vst.idx.msk vm0, v1  }
0x280: {  	[tilespmem:v3+s21+$0x0] =	vst.idx.msk vm0, v1;
	v3 =	vor.u32 $0x1F, v2  }
0x281: {  	v39 =	vor.u32 $0x20, v2;
	[tilespmem:v35+s21+$0x0] =	vst.idx.msk vm0, v1  }
0x282: {  	v40 =	vor.u32 $0x21, v2;
	[tilespmem:v36+s21+$0x0] =	vst.idx.msk vm0, v1  }
0x283: {  	v41 =	vor.u32 $0x22, v2;
	[tilespmem:v37+s21+$0x0] =	vst.idx.msk vm0, v1  }
0x284: {  	v42 =	vor.u32 $0x23, v2;
	[tilespmem:v38+s21+$0x0] =	vst.idx.msk vm0, v1  }
0x285: {  	[tilespmem:v3+s21+$0x0] =	vst.idx.msk vm0, v1;
	v3 =	vor.u32 $0x24, v2  }
0x286: {  	v43 =	vor.u32 $0x25, v2;
	[tilespmem:v39+s21+$0x0] =	vst.idx.msk vm0, v1  }
0x287: {  	v44 =	vor.u32 $0x26, v2;
	[tilespmem:v40+s21+$0x0] =	vst.idx.msk vm0, v1  }
0x288: {  	v45 =	vor.u32 $0x27, v2;
	[tilespmem:v41+s21+$0x0] =	vst.idx.msk vm0, v1  }
0x289: {  	v46 =	vor.u32 $0x28, v2;
	[tilespmem:v42+s21+$0x0] =	vst.idx.msk vm0, v1  }
0x28a: {  	[tilespmem:v3+s21+$0x0] =	vst.idx.msk vm0, v1;
	v3 =	vor.u32 $0x29, v2  }
0x28b: {  	v47 =	vor.u32 $0x2A, v2;
	[tilespmem:v43+s21+$0x0] =	vst.idx.msk vm0, v1  }
0x28c: {  	v48 =	vor.u32 $0x2B, v2;
	[tilespmem:v44+s21+$0x0] =	vst.idx.msk vm0, v1  }
0x28d: {  	v49 =	vor.u32 $0x2C, v2;
	[tilespmem:v45+s21+$0x0] =	vst.idx.msk vm0, v1  }
0x28e: {  	v50 =	vor.u32 $0x2D, v2;
	[tilespmem:v46+s21+$0x0] =	vst.idx.msk vm0, v1  }
0x28f: {  	[tilespmem:v3+s21+$0x0] =	vst.idx.msk vm0, v1;
	v3 =	vor.u32 $0x2E, v2  }
0x290: {  	v51 =	vor.u32 $0x2F, v2;
	[tilespmem:v47+s21+$0x0] =	vst.idx.msk vm0, v1  }
0x291: {  	v52 =	vor.u32 $0x30, v2;
	[tilespmem:v48+s21+$0x0] =	vst.idx.msk vm0, v1  }
0x292: {  	v53 =	vor.u32 $0x31, v2;
	[tilespmem:v49+s21+$0x0] =	vst.idx.msk vm0, v1  }
0x293: {  	v54 =	vor.u32 $0x32, v2;
	[tilespmem:v50+s21+$0x0] =	vst.idx.msk vm0, v1  }
0x294: {  	[tilespmem:v3+s21+$0x0] =	vst.idx.msk vm0, v1;
	v3 =	vor.u32 $0x33, v2  }
0x295: {  	v55 =	vor.u32 $0x34, v2;
	[tilespmem:v51+s21+$0x0] =	vst.idx.msk vm0, v1  }
0x296: {  	v56 =	vor.u32 $0x35, v2;
	[tilespmem:v52+s21+$0x0] =	vst.idx.msk vm0, v1  }
0x297: {  	v57 =	vor.u32 $0x36, v2;
	[tilespmem:v53+s21+$0x0] =	vst.idx.msk vm0, v1  }
0x298: {  	v58 =	vor.u32 $0x37, v2;
	[tilespmem:v54+s21+$0x0] =	vst.idx.msk vm0, v1  }
0x299: {  	[tilespmem:v3+s21+$0x0] =	vst.idx.msk vm0, v1;
	v3 =	vor.u32 $0x38, v2  }
0x29a: {  	v59 =	vor.u32 $0x39, v2;
	[tilespmem:v55+s21+$0x0] =	vst.idx.msk vm0, v1  }
0x29b: {  	v60 =	vor.u32 $0x3A, v2;
	[tilespmem:v56+s21+$0x0] =	vst.idx.msk vm0, v1  }
0x29c: {  	v61 =	vor.u32 $0x3B, v2;
	[tilespmem:v57+s21+$0x0] =	vst.idx.msk vm0, v1  }
0x29d: {  	v62 =	vor.u32 $0x3C, v2;
	[tilespmem:v58+s21+$0x0] =	vst.idx.msk vm0, v1  }
0x29e: {  	[tilespmem:v3+s21+$0x0] =	vst.idx.msk vm0, v1;
	v3 =	vor.u32 $0x3D, v2  }
0x29f: {  	v63 =	vor.u32 $0x3E, v2;
	[tilespmem:v59+s21+$0x0] =	vst.idx.msk vm0, v1  }
0x2a0: {  	[tilespmem:v60+s21+$0x0] =	vst.idx.msk vm0, v1  }
0x2a1: {  	v2 =	vor.u32 $0x3F, v2;
	[tilespmem:v61+s21+$0x0] =	vst.idx.msk vm0, v1  }
0x2a2: {  	[tilespmem:v62+s21+$0x0] =	vst.idx.msk vm0, v1  }
0x2a3: {  	[tilespmem:v3+s21+$0x0] =	vst.idx.msk vm0, v1  }
0x2a4: {  	s23 =	simm.s32 $0x10;
	[tilespmem:v63+s21+$0x0] =	vst.idx.msk vm0, v1  }
.LBB2_16:
0x2a5: {  	p0 =	sne.s32 s23, $0x180  }
0x2a6: {  	[tilespmem:v2+s21+$0x0] =	vst.idx.msk vm0, v1;
	s22 =	sadd.s32 $0x10, s22;
	s24 =	smov.u32 s23;
	s23 =	sadd.s32 $0x10, s23  }
0x2a7: {  	v2 =	vld [tilespmem:s22+$0x0];
	_ =	sdelay $0x3  }
0x2a8: {  	v3 =	vmov s24  }
0x2a9: {  	vm0 =	veq.s32 v2, $0x0;
	v2 =	vshll.u32 v3, $0x6  }
0x2aa: {  	v2 =	vor.u32 v0, v2  }
0x2ab: {  	v3 =	vor.u32 $0x1, v2  }
0x2ac: {  	v4 =	vor.u32 $0x2, v2  }
0x2ad: {  	v5 =	vor.u32 $0x3, v2  }
0x2ae: {  	v6 =	vor.u32 $0x4, v2  }
0x2af: {  	v7 =	vor.u32 $0x5, v2;
	[tilespmem:v2+s21+$0x0] =	vst.idx.msk vm0, v1  }
0x2b0: {  	[tilespmem:v3+s21+$0x0] =	vst.idx.msk vm0, v1;
	v3 =	vor.u32 $0x6, v2  }
0x2b1: {  	[tilespmem:v4+s21+$0x0] =	vst.idx.msk vm0, v1;
	v4 =	vor.u32 $0x7, v2  }
0x2b2: {  	[tilespmem:v5+s21+$0x0] =	vst.idx.msk vm0, v1;
	v5 =	vor.u32 $0x8, v2  }
0x2b3: {  	[tilespmem:v6+s21+$0x0] =	vst.idx.msk vm0, v1;
	v6 =	vor.u32 $0x9, v2  }
0x2b4: {  	[tilespmem:v7+s21+$0x0] =	vst.idx.msk vm0, v1;
	v7 =	vor.u32 $0xA, v2  }
0x2b5: {  	[tilespmem:v3+s21+$0x0] =	vst.idx.msk vm0, v1;
	v3 =	vor.u32 $0xB, v2  }
0x2b6: {  	[tilespmem:v4+s21+$0x0] =	vst.idx.msk vm0, v1;
	v4 =	vor.u32 $0xC, v2  }
0x2b7: {  	[tilespmem:v5+s21+$0x0] =	vst.idx.msk vm0, v1;
	v5 =	vor.u32 $0xD, v2  }
0x2b8: {  	[tilespmem:v6+s21+$0x0] =	vst.idx.msk vm0, v1;
	v6 =	vor.u32 $0xE, v2  }
0x2b9: {  	[tilespmem:v7+s21+$0x0] =	vst.idx.msk vm0, v1;
	v7 =	vor.u32 $0xF, v2  }
0x2ba: {  	[tilespmem:v3+s21+$0x0] =	vst.idx.msk vm0, v1;
	v3 =	vor.u32 $0x10, v2  }
0x2bb: {  	[tilespmem:v4+s21+$0x0] =	vst.idx.msk vm0, v1;
	v4 =	vor.u32 $0x11, v2  }
0x2bc: {  	[tilespmem:v5+s21+$0x0] =	vst.idx.msk vm0, v1;
	v5 =	vor.u32 $0x12, v2  }
0x2bd: {  	[tilespmem:v6+s21+$0x0] =	vst.idx.msk vm0, v1;
	v6 =	vor.u32 $0x13, v2  }
0x2be: {  	[tilespmem:v7+s21+$0x0] =	vst.idx.msk vm0, v1;
	v7 =	vor.u32 $0x14, v2  }
0x2bf: {  	[tilespmem:v3+s21+$0x0] =	vst.idx.msk vm0, v1;
	v3 =	vor.u32 $0x15, v2  }
0x2c0: {  	[tilespmem:v4+s21+$0x0] =	vst.idx.msk vm0, v1;
	v4 =	vor.u32 $0x16, v2  }
0x2c1: {  	[tilespmem:v5+s21+$0x0] =	vst.idx.msk vm0, v1;
	v5 =	vor.u32 $0x17, v2  }
0x2c2: {  	[tilespmem:v6+s21+$0x0] =	vst.idx.msk vm0, v1;
	v6 =	vor.u32 $0x18, v2  }
0x2c3: {  	[tilespmem:v7+s21+$0x0] =	vst.idx.msk vm0, v1;
	v7 =	vor.u32 $0x19, v2  }
0x2c4: {  	[tilespmem:v3+s21+$0x0] =	vst.idx.msk vm0, v1;
	v3 =	vor.u32 $0x1A, v2  }
0x2c5: {  	[tilespmem:v4+s21+$0x0] =	vst.idx.msk vm0, v1;
	v4 =	vor.u32 $0x1B, v2  }
0x2c6: {  	[tilespmem:v5+s21+$0x0] =	vst.idx.msk vm0, v1;
	v5 =	vor.u32 $0x1C, v2  }
0x2c7: {  	[tilespmem:v6+s21+$0x0] =	vst.idx.msk vm0, v1;
	v6 =	vor.u32 $0x1D, v2  }
0x2c8: {  	[tilespmem:v7+s21+$0x0] =	vst.idx.msk vm0, v1;
	v7 =	vor.u32 $0x1E, v2  }
0x2c9: {  	[tilespmem:v3+s21+$0x0] =	vst.idx.msk vm0, v1;
	v3 =	vor.u32 $0x1F, v2  }
0x2ca: {  	[tilespmem:v4+s21+$0x0] =	vst.idx.msk vm0, v1;
	v4 =	vor.u32 $0x20, v2  }
0x2cb: {  	[tilespmem:v5+s21+$0x0] =	vst.idx.msk vm0, v1;
	v5 =	vor.u32 $0x21, v2  }
0x2cc: {  	[tilespmem:v6+s21+$0x0] =	vst.idx.msk vm0, v1;
	v6 =	vor.u32 $0x22, v2  }
0x2cd: {  	[tilespmem:v7+s21+$0x0] =	vst.idx.msk vm0, v1;
	v7 =	vor.u32 $0x23, v2  }
0x2ce: {  	[tilespmem:v3+s21+$0x0] =	vst.idx.msk vm0, v1;
	v3 =	vor.u32 $0x24, v2  }
0x2cf: {  	[tilespmem:v4+s21+$0x0] =	vst.idx.msk vm0, v1;
	v4 =	vor.u32 $0x25, v2  }
0x2d0: {  	[tilespmem:v5+s21+$0x0] =	vst.idx.msk vm0, v1;
	v5 =	vor.u32 $0x26, v2  }
0x2d1: {  	[tilespmem:v6+s21+$0x0] =	vst.idx.msk vm0, v1;
	v6 =	vor.u32 $0x27, v2  }
0x2d2: {  	[tilespmem:v7+s21+$0x0] =	vst.idx.msk vm0, v1;
	v7 =	vor.u32 $0x28, v2  }
0x2d3: {  	[tilespmem:v3+s21+$0x0] =	vst.idx.msk vm0, v1;
	v3 =	vor.u32 $0x29, v2  }
0x2d4: {  	[tilespmem:v4+s21+$0x0] =	vst.idx.msk vm0, v1;
	v4 =	vor.u32 $0x2A, v2  }
0x2d5: {  	[tilespmem:v5+s21+$0x0] =	vst.idx.msk vm0, v1;
	v5 =	vor.u32 $0x2B, v2  }
0x2d6: {  	[tilespmem:v6+s21+$0x0] =	vst.idx.msk vm0, v1;
	v6 =	vor.u32 $0x2C, v2  }
0x2d7: {  	[tilespmem:v7+s21+$0x0] =	vst.idx.msk vm0, v1;
	v7 =	vor.u32 $0x2D, v2  }
0x2d8: {  	[tilespmem:v3+s21+$0x0] =	vst.idx.msk vm0, v1;
	v3 =	vor.u32 $0x2E, v2  }
0x2d9: {  	[tilespmem:v4+s21+$0x0] =	vst.idx.msk vm0, v1;
	v4 =	vor.u32 $0x2F, v2  }
0x2da: {  	[tilespmem:v5+s21+$0x0] =	vst.idx.msk vm0, v1;
	v5 =	vor.u32 $0x30, v2  }
0x2db: {  	[tilespmem:v6+s21+$0x0] =	vst.idx.msk vm0, v1;
	v6 =	vor.u32 $0x31, v2  }
0x2dc: {  	[tilespmem:v7+s21+$0x0] =	vst.idx.msk vm0, v1;
	v7 =	vor.u32 $0x32, v2  }
0x2dd: {  	[tilespmem:v3+s21+$0x0] =	vst.idx.msk vm0, v1;
	v3 =	vor.u32 $0x33, v2  }
0x2de: {  	[tilespmem:v4+s21+$0x0] =	vst.idx.msk vm0, v1;
	v4 =	vor.u32 $0x34, v2  }
0x2df: {  	[tilespmem:v5+s21+$0x0] =	vst.idx.msk vm0, v1;
	v5 =	vor.u32 $0x35, v2  }
0x2e0: {  	[tilespmem:v6+s21+$0x0] =	vst.idx.msk vm0, v1;
	v6 =	vor.u32 $0x36, v2  }
0x2e1: {  	[tilespmem:v7+s21+$0x0] =	vst.idx.msk vm0, v1;
	v7 =	vor.u32 $0x37, v2  }
0x2e2: {  	[tilespmem:v3+s21+$0x0] =	vst.idx.msk vm0, v1;
	v3 =	vor.u32 $0x38, v2  }
0x2e3: {  	[tilespmem:v4+s21+$0x0] =	vst.idx.msk vm0, v1;
	v4 =	vor.u32 $0x39, v2  }
0x2e4: {  	[tilespmem:v5+s21+$0x0] =	vst.idx.msk vm0, v1;
	v5 =	vor.u32 $0x3A, v2  }
0x2e5: {  	[tilespmem:v6+s21+$0x0] =	vst.idx.msk vm0, v1;
	v6 =	vor.u32 $0x3B, v2  }
0x2e6: {  	[tilespmem:v7+s21+$0x0] =	vst.idx.msk vm0, v1;
	v7 =	vor.u32 $0x3C, v2  }
0x2e7: {  	[tilespmem:v3+s21+$0x0] =	vst.idx.msk vm0, v1;
	v3 =	vor.u32 $0x3D, v2  }
0x2e8: {  	[tilespmem:v4+s21+$0x0] =	vst.idx.msk vm0, v1;
	v4 =	vor.u32 $0x3E, v2  }
.Ltmp7:
0x2e9: {  	v2 =	vor.u32 $0x3F, v2;
	[tilespmem:v5+s21+$0x0] =	vst.idx.msk vm0, v1;
	(pc) =	sbr.rel @p0 .LBB2_16-.Ltmp7, $4  }
0x2ea: {  	[tilespmem:v6+s21+$0x0] =	vst.idx.msk vm0, v1  }
0x2eb: {  	[tilespmem:v7+s21+$0x0] =	vst.idx.msk vm0, v1  }
0x2ec: {  	[tilespmem:v3+s21+$0x0] =	vst.idx.msk vm0, v1  }
0x2ed: {  	[tilespmem:v4+s21+$0x0] =	vst.idx.msk vm0, v1  }
0x2ee: {  	_ =	sdelay $0x4  }
0x2ef: {  	[tilespmem:v2+s21+$0x0] =	vst.idx.msk vm0, v1  }
.LBB2_18:
0x2f0: {  	s22 =	simm.s32 $0x0  }
0x2f1: {  	v6 =	vld [tilespmem:s22+$0x19640]  }
0x2f2: {  	v4 =	vld [tilespmem:s22+$0x19650]  }
0x2f3: {  	v3 =	vld [tilespmem:s22+$0x19660]  }
0x2f4: {  	v5 =	vld [tilespmem:s22+$0x19670]  }
0x2f5: {  	v2 =	vld [tilespmem:s22+$0x19670]  }
0x2f6: {  	v8 =	vld [tilespmem:s22+$0xCE40]  }
0x2f7: {  	v12 =	vld [tilespmem:s22+$0xCE50]  }
0x2f8: {  	v11 =	vld [tilespmem:s22+$0xCE60]  }
0x2f9: {  	v10 =	vld [tilespmem:s22+$0xCE70]  }
0x2fa: {  	v9 =	vld [tilespmem:s22+$0x10040]  }
0x2fb: {  	v7 =	vld [tilespmem:s22+$0x10050];
	v13 =	vadd.f32 v6, v8  }
0x2fc: {  	s23 =	simm.s32 $0x100;
	v12 =	vadd.f32 v4, v12;
	v8 =	vld [tilespmem:s22+$0x10060]  }
.LBB2_19:
0x2fd: {  	s24 =	sshra.s32 s23, $0x2;
	p0 =	sne.s32 s23, $0xC700;
	[tilespmem:s22+$0xCE40] =	vst v13;
	v11 =	vadd.f32 v3, v11;
	v13 =	vld [tilespmem:s22+$0x10070]  }
0x2fe: {  	v14 =	vld [tilespmem:s24+$0x19640];
	[tilespmem:s22+$0xCE50] =	vst v12;
	v5 =	vadd.f32 v5, v10  }
0x2ff: {  	v10 =	vld [tilespmem:s24+$0x19650];
	[tilespmem:s22+$0xCE60] =	vst v11;
	v6 =	vadd.f32 v6, v9  }
0x300: {  	v9 =	vld [tilespmem:s24+$0x19660];
	[tilespmem:s22+$0xCE70] =	vst v5;
	v4 =	vadd.f32 v4, v7  }
0x301: {  	v5 =	vld [tilespmem:s24+$0x19670];
	[tilespmem:s22+$0x10040] =	vst v6;
	v3 =	vadd.f32 v3, v8  }
0x302: {  	[tilespmem:s22+$0x10050] =	vst v4;
	v11 =	vadd.f32 v2, v13;
	v2 =	vld [tilespmem:s24+$0x19670]  }
0x303: {  	v7 =	vld [tilespmem:s24+$0xCE40];
	[tilespmem:s22+$0x10060] =	vst v3;
	v6 =	vmov v14  }
0x304: {  	v8 =	vld [tilespmem:s24+$0xCE50];
	[tilespmem:s22+$0x10070] =	vst v11;
	v4 =	vmov v10;
	s22 =	smov.u32 s24  }
.Ltmp8:
0x305: {  	v11 =	vld [tilespmem:s22+$0xCE60];
	v3 =	vmov v9;
	(pc) =	sbr.rel @p0 .LBB2_19-.Ltmp8, $4  }
0x306: {  	v10 =	vld [tilespmem:s22+$0xCE70]  }
0x307: {  	v9 =	vld [tilespmem:s22+$0x10040]  }
0x308: {  	v13 =	vadd.f32 v6, v7;
	v7 =	vld [tilespmem:s22+$0x10050]  }
0x309: {  	s23 =	sadd.s32 $0x100, s23;
	v12 =	vadd.f32 v4, v8;
	v8 =	vld [tilespmem:s22+$0x10060]  }
0x30a: {  	[tilespmem:s22+$0xCE40] =	vst v13;
	v11 =	vadd.f32 v3, v11;
	v48 =	vld [tilespmem:s22+$0x10070]  }
0x30b: {  	[tilespmem:s22+$0xCE50] =	vst v12;
	v5 =	vadd.f32 v5, v10  }
0x30c: {  	[tilespmem:s22+$0xCE60] =	vst v11;
	v6 =	vadd.f32 v6, v9  }
0x30d: {  	[tilespmem:s22+$0xCE70] =	vst v5;
	v4 =	vadd.f32 v4, v7  }
0x30e: {  	[tilespmem:s22+$0x10040] =	vst v6;
	v3 =	vadd.f32 v3, v8  }
0x30f: {  	s18 =	sshll.u32 s18, $0x3;
	[tilespmem:s22+$0x10050] =	vst v4;
	v2 =	vadd.f32 v2, v48  }
0x310: {  	s18 =	sand.u32 $0x1FFFFF00, s18;
	[tilespmem:s22+$0x10060] =	vst v3  }
0x311: {  	p0 =	seq.s32 s29, $0xF;
	s18 =	sadd.s32 s3, s18;
	[tilespmem:s22+$0x10070] =	vst v2  }
0x312: {  	[hbm4b:s18+s4] =	stream.linear.scatter [tilespmem:s21], [sflag:$0x7], $0x6400, $0x38;
	[tilespmem:$0x1C840] =	vst v63  }
0x313: {  	s18 =	simm.s32 @!p0 $0x5  }
0x314: {  	s0 =	sadd.s32 @!p0 s0, s12;
	_ =	swait.ge @!p0 [sflag:s18], $0x6400  }
0x315: {  	s0 =	sshrl.u32 @!p0 s0, $0x3;
	[sflag:s18] =	ssyncset.done @!p0 $0x0  }
0x316: {  	s0 =	sadd.s32 @!p0 s1, s0;
	[sflag:s18] =	ssyncadd.s32 @!p0 $0xFFFF9C00;
	s18 =	simm.s32 @!p0 $0x0  }
0x317: {  	[tilespmem:s18], [sflag:$0x9] =	stream.linear.gather @!p0 [hbm4b:s0+s18], $0x190, $0x38;
	[tilespmem:$0x1C840] =	vst v63  }
0x318: {  	s0 =	simm.s32 @!p0 $0x9  }
0x319: {  	_ =	swait.ge @!p0 [sflag:s0], $0x190  }
0x31a: {  	[sflag:s0] =	ssyncset.done @!p0 $0x0  }
0x31b: {  	s22 =	simm.s32 @!p0 $0x640;
	[sflag:s0] =	ssyncadd.s32 @!p0 $0xFFFFFE70;
	s0 =	simm.s32 @!p0 $0x50  }
0x31c: {  	[tilespmem:s22], [sflag:$0x1] =	stream.indirect.gather @!p0 [hbm4b:s6+s0], $0x40, s18, s0, $0xb8;
	[tilespmem:$0x1C840] =	vst v63  }
0x31d: {  	s18 =	simm.s32 @!p0 $0x1A40  }
0x31e: {  	[tilespmem:s18], [sflag:$0x1] =	stream.indirect.gather @!p0 [hbm4b:s6+s0], $0x40, s0, s0, $0xb8;
	[tilespmem:$0x1C840] =	vst v63  }
0x31f: {  	s22 =	simm.s32 @!p0 $0x2E40;
	s18 =	simm.s32 @!p0 $0xA0  }
0x320: {  	[tilespmem:s22], [sflag:$0x1] =	stream.indirect.gather @!p0 [hbm4b:s6+s0], $0x40, s18, s0, $0xb8;
	[tilespmem:$0x1C840] =	vst v63  }
0x321: {  	s18 =	simm.s32 @!p0 $0xF0;
	s22 =	simm.s32 @!p0 $0x4240  }
0x322: {  	[tilespmem:s22], [sflag:$0x1] =	stream.indirect.gather @!p0 [hbm4b:s6+s0], $0x40, s18, s0, $0xb8;
	[tilespmem:$0x1C840] =	vst v63  }
0x323: {  	s18 =	simm.s32 @!p0 $0x140;
	s22 =	simm.s32 @!p0 $0x5640  }
0x324: {  	[tilespmem:s22], [sflag:$0x1] =	stream.indirect.gather @!p0 [hbm4b:s6+s0], $0x40, s18, s0, $0xb8;
	[tilespmem:$0x1C840] =	vst v63  }
0x325: {  	_ =	swait.ge [sflag:s28], $0x1400  }
0x326: {  	[sflag:s28] =	ssyncset.done $0x0  }
0x327: {  	[sflag:s28] =	ssyncadd.s32 $0xFFFFEC00  }
0x328: {  	_ =	swait.ge [sflag:s28], $0x1400  }
0x329: {  	[sflag:s28] =	ssyncset.done $0x0  }
0x32a: {  	[sflag:s28] =	ssyncadd.s32 $0xFFFFEC00  }
0x32b: {  	_ =	swait.ge [sflag:s28], $0x1400  }
0x32c: {  	[sflag:s28] =	ssyncset.done $0x0  }
0x32d: {  	[sflag:s28] =	ssyncadd.s32 $0xFFFFEC00  }
0x32e: {  	_ =	swait.ge [sflag:s28], $0x1400  }
0x32f: {  	[sflag:s28] =	ssyncset.done $0x0  }
0x330: {  	[sflag:s28] =	ssyncadd.s32 $0xFFFFEC00  }
0x331: {  	_ =	swait.ge [sflag:s28], $0x1400  }
0x332: {  	[sflag:s28] =	ssyncset.done $0x0  }
0x333: {  	[sflag:s28] =	ssyncadd.s32 $0xFFFFEC00  }
0x334: {  	v2 =	vld [tilespmem:$0x4B0]  }
0x335: {  	v3 =	vld [tilespmem:$0x4C0]  }
0x336: {  	v49 =	vld [tilespmem:$0x4D0]  }
0x337: {  	v50 =	vld [tilespmem:$0x4E0]  }
0x338: {  	v51 =	vld [tilespmem:$0x4F0]  }
0x339: {  	v52 =	vld [tilespmem:$0x500]  }
0x33a: {  	vm0 =	veq.s32 v2, $0x0;
	vm1 =	veq.s32 v3, $0x0;
	v2 =	vld [tilespmem:$0x510]  }
0x33b: {  	vm5 =	veq.s32 v49, $0x0;
	v3 =	vld [tilespmem:$0x520];
	vm0 =	vmor vm0, vm1  }
0x33c: {  	v53 =	vld [tilespmem:$0x530];
	vm6 =	veq.s32 v50, $0x0;
	vm0 =	vmor vm0, vm5  }
0x33d: {  	v54 =	vld [tilespmem:$0x540];
	vm7 =	veq.s32 v51, $0x0;
	vm0 =	vmor vm0, vm6  }
0x33e: {  	v55 =	vld [tilespmem:$0x550];
	vm8 =	veq.s32 v52, $0x0;
	vm0 =	vmor vm0, vm7  }
0x33f: {  	vm0 =	vmor vm0, vm8;
	vm9 =	veq.s32 v2, $0x0;
	v2 =	vld [tilespmem:$0x560]  }
0x340: {  	vm10 =	veq.s32 v3, $0x0;
	v3 =	vld [tilespmem:$0x570];
	vm0 =	vmor vm0, vm9  }
0x341: {  	v56 =	vld [tilespmem:$0x580];
	vm11 =	veq.s32 v53, $0x0;
	vm0 =	vmor vm0, vm10  }
0x342: {  	v57 =	vld [tilespmem:$0x590];
	vm12 =	veq.s32 v54, $0x0;
	vm0 =	vmor vm0, vm11  }
0x343: {  	v58 =	vld [tilespmem:$0x5A0];
	vm13 =	veq.s32 v55, $0x0;
	vm0 =	vmor vm0, vm12  }
0x344: {  	vm0 =	vmor vm0, vm13;
	vm14 =	veq.s32 v2, $0x0;
	v2 =	vld [tilespmem:$0x5B0]  }
0x345: {  	vm15 =	veq.s32 v3, $0x0;
	v3 =	vld [tilespmem:$0x5C0];
	vm0 =	vmor vm0, vm14  }
0x346: {  	v59 =	vld [tilespmem:$0x5D0];
	vm4 =	veq.s32 v56, $0x0;
	vm0 =	vmor vm0, vm15  }
0x347: {  	v60 =	vld [tilespmem:$0x5E0];
	vm5 =	veq.s32 v57, $0x0;
	vm0 =	vmor vm0, vm4  }
0x348: {  	v61 =	vld [tilespmem:$0x5F0];
	vm6 =	veq.s32 v58, $0x0;
	vm0 =	vmor vm0, vm5  }
0x349: {  	vm0 =	vmor vm0, vm6;
	vm7 =	veq.s32 v2, $0x0;
	v2 =	vld [tilespmem:$0x600]  }
0x34a: {  	vm8 =	veq.s32 v3, $0x0;
	v3 =	vld [tilespmem:$0x610];
	vm0 =	vmor vm0, vm7  }
0x34b: {  	v62 =	vld [tilespmem:$0x620];
	vm9 =	veq.s32 v59, $0x0;
	vm0 =	vmor vm0, vm8  }
0x34c: {  	v63 =	vld [tilespmem:$0x630];
	vm10 =	veq.s32 v60, $0x0;
	vm0 =	vmor vm0, vm9  }
0x34d: {  	vm11 =	veq.s32 v61, $0x0;
	vm0 =	vmor vm0, vm10  }
0x34e: {  	vm0 =	vmor vm0, vm11;
	vm12 =	veq.s32 v2, $0x0  }
0x34f: {  	vm13 =	veq.s32 v3, $0x0;
	vm0 =	vmor vm0, vm12  }
0x350: {  	vm14 =	veq.s32 v62, $0x0;
	vm0 =	vmor vm0, vm13  }
0x351: {  	vm15 =	veq.s32 v63, $0x0;
	vm0 =	vmor vm0, vm14  }
0x352: {  	vm0 =	vmor vm0, vm15  }
0x353: {  	v2 =	vmpcnt.ones.xlane vm0;
	_ =	sdelay $0x1  }
0x354: {  	(v2sf) =	vpush v2, $0x0;
	_ =	sdelay $0xe  }
0x355: {  	s24 =	spop (v2sf)  }
0x356: {  	p0 =	slt.s32 s24, $0x1  }
.Ltmp9:
0x357: {  	_ = 	snop;
	(pc) =	sbr.rel @p0 .LBB2_24-.Ltmp9, $1  }
0x358: {  	_ =	sdelay $0x3  }
0x359: {  	s0 =	simm.s32 $0x4B0  }
0x35a: {  	v2 =	vld [tilespmem:s0+$0x0];
	_ =	sdelay $0x2  }
0x35b: {  	s18 =	simm.s32 $0x0  }
0x35c: {  	v3 =	vmov s18  }
0x35d: {  	vm0 =	veq.s32 v2, $0x0;
	v2 =	vshll.u32 v3, $0x6  }
0x35e: {  	v2 =	vor.u32 v0, v2  }
0x35f: {  	v3 =	vor.u32 $0x1, v2  }
0x360: {  	v4 =	vor.u32 $0x2, v2  }
0x361: {  	v5 =	vor.u32 $0x3, v2  }
0x362: {  	v6 =	vor.u32 $0x4, v2  }
0x363: {  	v7 =	vor.u32 $0x5, v2;
	[tilespmem:v2+s2+$0x0] =	vst.idx.msk vm0, v1  }
0x364: {  	[tilespmem:v3+s2+$0x0] =	vst.idx.msk vm0, v1;
	v3 =	vor.u32 $0x6, v2  }
0x365: {  	v19 =	vor.u32 $0x7, v2;
	[tilespmem:v4+s2+$0x0] =	vst.idx.msk vm0, v1  }
0x366: {  	v20 =	vor.u32 $0x8, v2;
	[tilespmem:v5+s2+$0x0] =	vst.idx.msk vm0, v1  }
0x367: {  	v21 =	vor.u32 $0x9, v2;
	[tilespmem:v6+s2+$0x0] =	vst.idx.msk vm0, v1  }
0x368: {  	v22 =	vor.u32 $0xA, v2;
	[tilespmem:v7+s2+$0x0] =	vst.idx.msk vm0, v1  }
0x369: {  	[tilespmem:v3+s2+$0x0] =	vst.idx.msk vm0, v1;
	v3 =	vor.u32 $0xB, v2  }
0x36a: {  	v23 =	vor.u32 $0xC, v2;
	[tilespmem:v19+s2+$0x0] =	vst.idx.msk vm0, v1  }
0x36b: {  	v24 =	vor.u32 $0xD, v2;
	[tilespmem:v20+s2+$0x0] =	vst.idx.msk vm0, v1  }
0x36c: {  	v25 =	vor.u32 $0xE, v2;
	[tilespmem:v21+s2+$0x0] =	vst.idx.msk vm0, v1  }
0x36d: {  	v26 =	vor.u32 $0xF, v2;
	[tilespmem:v22+s2+$0x0] =	vst.idx.msk vm0, v1  }
0x36e: {  	[tilespmem:v3+s2+$0x0] =	vst.idx.msk vm0, v1;
	v3 =	vor.u32 $0x10, v2  }
0x36f: {  	v27 =	vor.u32 $0x11, v2;
	[tilespmem:v23+s2+$0x0] =	vst.idx.msk vm0, v1  }
0x370: {  	v28 =	vor.u32 $0x12, v2;
	[tilespmem:v24+s2+$0x0] =	vst.idx.msk vm0, v1  }
0x371: {  	v29 =	vor.u32 $0x13, v2;
	[tilespmem:v25+s2+$0x0] =	vst.idx.msk vm0, v1  }
0x372: {  	v30 =	vor.u32 $0x14, v2;
	[tilespmem:v26+s2+$0x0] =	vst.idx.msk vm0, v1  }
0x373: {  	[tilespmem:v3+s2+$0x0] =	vst.idx.msk vm0, v1;
	v3 =	vor.u32 $0x15, v2  }
0x374: {  	v31 =	vor.u32 $0x16, v2;
	[tilespmem:v27+s2+$0x0] =	vst.idx.msk vm0, v1  }
0x375: {  	v32 =	vor.u32 $0x17, v2;
	[tilespmem:v28+s2+$0x0] =	vst.idx.msk vm0, v1  }
0x376: {  	v33 =	vor.u32 $0x18, v2;
	[tilespmem:v29+s2+$0x0] =	vst.idx.msk vm0, v1  }
0x377: {  	v34 =	vor.u32 $0x19, v2;
	[tilespmem:v30+s2+$0x0] =	vst.idx.msk vm0, v1  }
0x378: {  	[tilespmem:v3+s2+$0x0] =	vst.idx.msk vm0, v1;
	v3 =	vor.u32 $0x1A, v2  }
0x379: {  	v35 =	vor.u32 $0x1B, v2;
	[tilespmem:v31+s2+$0x0] =	vst.idx.msk vm0, v1  }
0x37a: {  	v36 =	vor.u32 $0x1C, v2;
	[tilespmem:v32+s2+$0x0] =	vst.idx.msk vm0, v1  }
0x37b: {  	v37 =	vor.u32 $0x1D, v2;
	[tilespmem:v33+s2+$0x0] =	vst.idx.msk vm0, v1  }
0x37c: {  	v38 =	vor.u32 $0x1E, v2;
	[tilespmem:v34+s2+$0x0] =	vst.idx.msk vm0, v1  }
0x37d: {  	[tilespmem:v3+s2+$0x0] =	vst.idx.msk vm0, v1;
	v3 =	vor.u32 $0x1F, v2  }
0x37e: {  	v39 =	vor.u32 $0x20, v2;
	[tilespmem:v35+s2+$0x0] =	vst.idx.msk vm0, v1  }
0x37f: {  	v40 =	vor.u32 $0x21, v2;
	[tilespmem:v36+s2+$0x0] =	vst.idx.msk vm0, v1  }
0x380: {  	v41 =	vor.u32 $0x22, v2;
	[tilespmem:v37+s2+$0x0] =	vst.idx.msk vm0, v1  }
0x381: {  	v42 =	vor.u32 $0x23, v2;
	[tilespmem:v38+s2+$0x0] =	vst.idx.msk vm0, v1  }
0x382: {  	[tilespmem:v3+s2+$0x0] =	vst.idx.msk vm0, v1;
	v3 =	vor.u32 $0x24, v2  }
0x383: {  	v43 =	vor.u32 $0x25, v2;
	[tilespmem:v39+s2+$0x0] =	vst.idx.msk vm0, v1  }
0x384: {  	v44 =	vor.u32 $0x26, v2;
	[tilespmem:v40+s2+$0x0] =	vst.idx.msk vm0, v1  }
0x385: {  	v45 =	vor.u32 $0x27, v2;
	[tilespmem:v41+s2+$0x0] =	vst.idx.msk vm0, v1  }
0x386: {  	v46 =	vor.u32 $0x28, v2;
	[tilespmem:v42+s2+$0x0] =	vst.idx.msk vm0, v1  }
0x387: {  	[tilespmem:v3+s2+$0x0] =	vst.idx.msk vm0, v1;
	v3 =	vor.u32 $0x29, v2  }
0x388: {  	v47 =	vor.u32 $0x2A, v2;
	[tilespmem:v43+s2+$0x0] =	vst.idx.msk vm0, v1  }
0x389: {  	v48 =	vor.u32 $0x2B, v2;
	[tilespmem:v44+s2+$0x0] =	vst.idx.msk vm0, v1  }
0x38a: {  	v49 =	vor.u32 $0x2C, v2;
	[tilespmem:v45+s2+$0x0] =	vst.idx.msk vm0, v1  }
0x38b: {  	v50 =	vor.u32 $0x2D, v2;
	[tilespmem:v46+s2+$0x0] =	vst.idx.msk vm0, v1  }
0x38c: {  	[tilespmem:v3+s2+$0x0] =	vst.idx.msk vm0, v1;
	v3 =	vor.u32 $0x2E, v2  }
0x38d: {  	v51 =	vor.u32 $0x2F, v2;
	[tilespmem:v47+s2+$0x0] =	vst.idx.msk vm0, v1  }
0x38e: {  	v52 =	vor.u32 $0x30, v2;
	[tilespmem:v48+s2+$0x0] =	vst.idx.msk vm0, v1  }
0x38f: {  	v53 =	vor.u32 $0x31, v2;
	[tilespmem:v49+s2+$0x0] =	vst.idx.msk vm0, v1  }
0x390: {  	v54 =	vor.u32 $0x32, v2;
	[tilespmem:v50+s2+$0x0] =	vst.idx.msk vm0, v1  }
0x391: {  	[tilespmem:v3+s2+$0x0] =	vst.idx.msk vm0, v1;
	v3 =	vor.u32 $0x33, v2  }
0x392: {  	v55 =	vor.u32 $0x34, v2;
	[tilespmem:v51+s2+$0x0] =	vst.idx.msk vm0, v1  }
0x393: {  	v56 =	vor.u32 $0x35, v2;
	[tilespmem:v52+s2+$0x0] =	vst.idx.msk vm0, v1  }
0x394: {  	v57 =	vor.u32 $0x36, v2;
	[tilespmem:v53+s2+$0x0] =	vst.idx.msk vm0, v1  }
0x395: {  	v58 =	vor.u32 $0x37, v2;
	[tilespmem:v54+s2+$0x0] =	vst.idx.msk vm0, v1  }
0x396: {  	[tilespmem:v3+s2+$0x0] =	vst.idx.msk vm0, v1;
	v3 =	vor.u32 $0x38, v2  }
0x397: {  	v59 =	vor.u32 $0x39, v2;
	[tilespmem:v55+s2+$0x0] =	vst.idx.msk vm0, v1  }
0x398: {  	v60 =	vor.u32 $0x3A, v2;
	[tilespmem:v56+s2+$0x0] =	vst.idx.msk vm0, v1  }
0x399: {  	v61 =	vor.u32 $0x3B, v2;
	[tilespmem:v57+s2+$0x0] =	vst.idx.msk vm0, v1  }
0x39a: {  	v62 =	vor.u32 $0x3C, v2;
	[tilespmem:v58+s2+$0x0] =	vst.idx.msk vm0, v1  }
0x39b: {  	[tilespmem:v3+s2+$0x0] =	vst.idx.msk vm0, v1;
	v3 =	vor.u32 $0x3D, v2  }
0x39c: {  	v63 =	vor.u32 $0x3E, v2;
	[tilespmem:v59+s2+$0x0] =	vst.idx.msk vm0, v1  }
0x39d: {  	[tilespmem:v60+s2+$0x0] =	vst.idx.msk vm0, v1  }
0x39e: {  	v2 =	vor.u32 $0x3F, v2;
	[tilespmem:v61+s2+$0x0] =	vst.idx.msk vm0, v1  }
0x39f: {  	[tilespmem:v62+s2+$0x0] =	vst.idx.msk vm0, v1  }
0x3a0: {  	[tilespmem:v3+s2+$0x0] =	vst.idx.msk vm0, v1  }
0x3a1: {  	s18 =	simm.s32 $0x10;
	[tilespmem:v63+s2+$0x0] =	vst.idx.msk vm0, v1  }
.LBB2_22:
0x3a2: {  	p0 =	sne.s32 s18, $0x180  }
0x3a3: {  	[tilespmem:v2+s2+$0x0] =	vst.idx.msk vm0, v1;
	s0 =	sadd.s32 $0x10, s0;
	s22 =	smov.u32 s18;
	s18 =	sadd.s32 $0x10, s18  }
0x3a4: {  	v2 =	vld [tilespmem:s0+$0x0];
	_ =	sdelay $0x3  }
0x3a5: {  	v3 =	vmov s22  }
0x3a6: {  	vm0 =	veq.s32 v2, $0x0;
	v2 =	vshll.u32 v3, $0x6  }
0x3a7: {  	v2 =	vor.u32 v0, v2  }
0x3a8: {  	v3 =	vor.u32 $0x1, v2  }
0x3a9: {  	v4 =	vor.u32 $0x2, v2  }
0x3aa: {  	v5 =	vor.u32 $0x3, v2  }
0x3ab: {  	v6 =	vor.u32 $0x4, v2  }
0x3ac: {  	v7 =	vor.u32 $0x5, v2;
	[tilespmem:v2+s2+$0x0] =	vst.idx.msk vm0, v1  }
0x3ad: {  	[tilespmem:v3+s2+$0x0] =	vst.idx.msk vm0, v1;
	v3 =	vor.u32 $0x6, v2  }
0x3ae: {  	[tilespmem:v4+s2+$0x0] =	vst.idx.msk vm0, v1;
	v4 =	vor.u32 $0x7, v2  }
0x3af: {  	[tilespmem:v5+s2+$0x0] =	vst.idx.msk vm0, v1;
	v5 =	vor.u32 $0x8, v2  }
0x3b0: {  	[tilespmem:v6+s2+$0x0] =	vst.idx.msk vm0, v1;
	v6 =	vor.u32 $0x9, v2  }
0x3b1: {  	[tilespmem:v7+s2+$0x0] =	vst.idx.msk vm0, v1;
	v7 =	vor.u32 $0xA, v2  }
0x3b2: {  	[tilespmem:v3+s2+$0x0] =	vst.idx.msk vm0, v1;
	v3 =	vor.u32 $0xB, v2  }
0x3b3: {  	[tilespmem:v4+s2+$0x0] =	vst.idx.msk vm0, v1;
	v4 =	vor.u32 $0xC, v2  }
0x3b4: {  	[tilespmem:v5+s2+$0x0] =	vst.idx.msk vm0, v1;
	v5 =	vor.u32 $0xD, v2  }
0x3b5: {  	[tilespmem:v6+s2+$0x0] =	vst.idx.msk vm0, v1;
	v6 =	vor.u32 $0xE, v2  }
0x3b6: {  	[tilespmem:v7+s2+$0x0] =	vst.idx.msk vm0, v1;
	v7 =	vor.u32 $0xF, v2  }
0x3b7: {  	[tilespmem:v3+s2+$0x0] =	vst.idx.msk vm0, v1;
	v3 =	vor.u32 $0x10, v2  }
0x3b8: {  	[tilespmem:v4+s2+$0x0] =	vst.idx.msk vm0, v1;
	v4 =	vor.u32 $0x11, v2  }
0x3b9: {  	[tilespmem:v5+s2+$0x0] =	vst.idx.msk vm0, v1;
	v5 =	vor.u32 $0x12, v2  }
0x3ba: {  	[tilespmem:v6+s2+$0x0] =	vst.idx.msk vm0, v1;
	v6 =	vor.u32 $0x13, v2  }
0x3bb: {  	[tilespmem:v7+s2+$0x0] =	vst.idx.msk vm0, v1;
	v7 =	vor.u32 $0x14, v2  }
0x3bc: {  	[tilespmem:v3+s2+$0x0] =	vst.idx.msk vm0, v1;
	v3 =	vor.u32 $0x15, v2  }
0x3bd: {  	[tilespmem:v4+s2+$0x0] =	vst.idx.msk vm0, v1;
	v4 =	vor.u32 $0x16, v2  }
0x3be: {  	[tilespmem:v5+s2+$0x0] =	vst.idx.msk vm0, v1;
	v5 =	vor.u32 $0x17, v2  }
0x3bf: {  	[tilespmem:v6+s2+$0x0] =	vst.idx.msk vm0, v1;
	v6 =	vor.u32 $0x18, v2  }
0x3c0: {  	[tilespmem:v7+s2+$0x0] =	vst.idx.msk vm0, v1;
	v7 =	vor.u32 $0x19, v2  }
0x3c1: {  	[tilespmem:v3+s2+$0x0] =	vst.idx.msk vm0, v1;
	v3 =	vor.u32 $0x1A, v2  }
0x3c2: {  	[tilespmem:v4+s2+$0x0] =	vst.idx.msk vm0, v1;
	v4 =	vor.u32 $0x1B, v2  }
0x3c3: {  	[tilespmem:v5+s2+$0x0] =	vst.idx.msk vm0, v1;
	v5 =	vor.u32 $0x1C, v2  }
0x3c4: {  	[tilespmem:v6+s2+$0x0] =	vst.idx.msk vm0, v1;
	v6 =	vor.u32 $0x1D, v2  }
0x3c5: {  	[tilespmem:v7+s2+$0x0] =	vst.idx.msk vm0, v1;
	v7 =	vor.u32 $0x1E, v2  }
0x3c6: {  	[tilespmem:v3+s2+$0x0] =	vst.idx.msk vm0, v1;
	v3 =	vor.u32 $0x1F, v2  }
0x3c7: {  	[tilespmem:v4+s2+$0x0] =	vst.idx.msk vm0, v1;
	v4 =	vor.u32 $0x20, v2  }
0x3c8: {  	[tilespmem:v5+s2+$0x0] =	vst.idx.msk vm0, v1;
	v5 =	vor.u32 $0x21, v2  }
0x3c9: {  	[tilespmem:v6+s2+$0x0] =	vst.idx.msk vm0, v1;
	v6 =	vor.u32 $0x22, v2  }
0x3ca: {  	[tilespmem:v7+s2+$0x0] =	vst.idx.msk vm0, v1;
	v7 =	vor.u32 $0x23, v2  }
0x3cb: {  	[tilespmem:v3+s2+$0x0] =	vst.idx.msk vm0, v1;
	v3 =	vor.u32 $0x24, v2  }
0x3cc: {  	[tilespmem:v4+s2+$0x0] =	vst.idx.msk vm0, v1;
	v4 =	vor.u32 $0x25, v2  }
0x3cd: {  	[tilespmem:v5+s2+$0x0] =	vst.idx.msk vm0, v1;
	v5 =	vor.u32 $0x26, v2  }
0x3ce: {  	[tilespmem:v6+s2+$0x0] =	vst.idx.msk vm0, v1;
	v6 =	vor.u32 $0x27, v2  }
0x3cf: {  	[tilespmem:v7+s2+$0x0] =	vst.idx.msk vm0, v1;
	v7 =	vor.u32 $0x28, v2  }
0x3d0: {  	[tilespmem:v3+s2+$0x0] =	vst.idx.msk vm0, v1;
	v3 =	vor.u32 $0x29, v2  }
0x3d1: {  	[tilespmem:v4+s2+$0x0] =	vst.idx.msk vm0, v1;
	v4 =	vor.u32 $0x2A, v2  }
0x3d2: {  	[tilespmem:v5+s2+$0x0] =	vst.idx.msk vm0, v1;
	v5 =	vor.u32 $0x2B, v2  }
0x3d3: {  	[tilespmem:v6+s2+$0x0] =	vst.idx.msk vm0, v1;
	v6 =	vor.u32 $0x2C, v2  }
0x3d4: {  	[tilespmem:v7+s2+$0x0] =	vst.idx.msk vm0, v1;
	v7 =	vor.u32 $0x2D, v2  }
0x3d5: {  	[tilespmem:v3+s2+$0x0] =	vst.idx.msk vm0, v1;
	v3 =	vor.u32 $0x2E, v2  }
0x3d6: {  	[tilespmem:v4+s2+$0x0] =	vst.idx.msk vm0, v1;
	v4 =	vor.u32 $0x2F, v2  }
0x3d7: {  	[tilespmem:v5+s2+$0x0] =	vst.idx.msk vm0, v1;
	v5 =	vor.u32 $0x30, v2  }
0x3d8: {  	[tilespmem:v6+s2+$0x0] =	vst.idx.msk vm0, v1;
	v6 =	vor.u32 $0x31, v2  }
0x3d9: {  	[tilespmem:v7+s2+$0x0] =	vst.idx.msk vm0, v1;
	v7 =	vor.u32 $0x32, v2  }
0x3da: {  	[tilespmem:v3+s2+$0x0] =	vst.idx.msk vm0, v1;
	v3 =	vor.u32 $0x33, v2  }
0x3db: {  	[tilespmem:v4+s2+$0x0] =	vst.idx.msk vm0, v1;
	v4 =	vor.u32 $0x34, v2  }
0x3dc: {  	[tilespmem:v5+s2+$0x0] =	vst.idx.msk vm0, v1;
	v5 =	vor.u32 $0x35, v2  }
0x3dd: {  	[tilespmem:v6+s2+$0x0] =	vst.idx.msk vm0, v1;
	v6 =	vor.u32 $0x36, v2  }
0x3de: {  	[tilespmem:v7+s2+$0x0] =	vst.idx.msk vm0, v1;
	v7 =	vor.u32 $0x37, v2  }
0x3df: {  	[tilespmem:v3+s2+$0x0] =	vst.idx.msk vm0, v1;
	v3 =	vor.u32 $0x38, v2  }
0x3e0: {  	[tilespmem:v4+s2+$0x0] =	vst.idx.msk vm0, v1;
	v4 =	vor.u32 $0x39, v2  }
0x3e1: {  	[tilespmem:v5+s2+$0x0] =	vst.idx.msk vm0, v1;
	v5 =	vor.u32 $0x3A, v2  }
0x3e2: {  	[tilespmem:v6+s2+$0x0] =	vst.idx.msk vm0, v1;
	v6 =	vor.u32 $0x3B, v2  }
0x3e3: {  	[tilespmem:v7+s2+$0x0] =	vst.idx.msk vm0, v1;
	v7 =	vor.u32 $0x3C, v2  }
0x3e4: {  	[tilespmem:v3+s2+$0x0] =	vst.idx.msk vm0, v1;
	v3 =	vor.u32 $0x3D, v2  }
0x3e5: {  	[tilespmem:v4+s2+$0x0] =	vst.idx.msk vm0, v1;
	v4 =	vor.u32 $0x3E, v2  }
.Ltmp10:
0x3e6: {  	v2 =	vor.u32 $0x3F, v2;
	[tilespmem:v5+s2+$0x0] =	vst.idx.msk vm0, v1;
	(pc) =	sbr.rel @p0 .LBB2_22-.Ltmp10, $4  }
0x3e7: {  	[tilespmem:v6+s2+$0x0] =	vst.idx.msk vm0, v1  }
0x3e8: {  	[tilespmem:v7+s2+$0x0] =	vst.idx.msk vm0, v1  }
0x3e9: {  	[tilespmem:v3+s2+$0x0] =	vst.idx.msk vm0, v1  }
0x3ea: {  	[tilespmem:v4+s2+$0x0] =	vst.idx.msk vm0, v1  }
0x3eb: {  	_ =	sdelay $0x4  }
0x3ec: {  	[tilespmem:v2+s2+$0x0] =	vst.idx.msk vm0, v1  }
.LBB2_24:
0x3ed: {  	s0 =	simm.s32 $0x0  }
0x3ee: {  	v6 =	vld [tilespmem:s0+$0x19640]  }
0x3ef: {  	v4 =	vld [tilespmem:s0+$0x19650]  }
0x3f0: {  	v3 =	vld [tilespmem:s0+$0x19660]  }
0x3f1: {  	v5 =	vld [tilespmem:s0+$0x19670]  }
0x3f2: {  	v2 =	vld [tilespmem:s0+$0x19670]  }
0x3f3: {  	v8 =	vld [tilespmem:s0+$0x13240]  }
0x3f4: {  	v12 =	vld [tilespmem:s0+$0x13250]  }
0x3f5: {  	v11 =	vld [tilespmem:s0+$0x13260]  }
0x3f6: {  	v10 =	vld [tilespmem:s0+$0x13270]  }
0x3f7: {  	v9 =	vld [tilespmem:s0+$0x16440]  }
0x3f8: {  	v7 =	vld [tilespmem:s0+$0x16450];
	v13 =	vadd.f32 v6, v8  }
0x3f9: {  	s18 =	simm.s32 $0x100;
	v12 =	vadd.f32 v4, v12;
	v8 =	vld [tilespmem:s0+$0x16460]  }
.LBB2_25:
0x3fa: {  	s22 =	sshra.s32 s18, $0x2;
	p0 =	sne.s32 s18, $0xC700;
	[tilespmem:s0+$0x13240] =	vst v13;
	v11 =	vadd.f32 v3, v11;
	v13 =	vld [tilespmem:s0+$0x16470]  }
0x3fb: {  	v14 =	vld [tilespmem:s22+$0x19640];
	[tilespmem:s0+$0x13250] =	vst v12;
	v5 =	vadd.f32 v5, v10  }
0x3fc: {  	v10 =	vld [tilespmem:s22+$0x19650];
	[tilespmem:s0+$0x13260] =	vst v11;
	v6 =	vadd.f32 v6, v9  }
0x3fd: {  	v9 =	vld [tilespmem:s22+$0x19660];
	[tilespmem:s0+$0x13270] =	vst v5;
	v4 =	vadd.f32 v4, v7  }
0x3fe: {  	v5 =	vld [tilespmem:s22+$0x19670];
	[tilespmem:s0+$0x16440] =	vst v6;
	v3 =	vadd.f32 v3, v8  }
0x3ff: {  	[tilespmem:s0+$0x16450] =	vst v4;
	v11 =	vadd.f32 v2, v13;
	v2 =	vld [tilespmem:s22+$0x19670]  }
0x400: {  	v7 =	vld [tilespmem:s22+$0x13240];
	[tilespmem:s0+$0x16460] =	vst v3;
	v6 =	vmov v14  }
0x401: {  	v8 =	vld [tilespmem:s22+$0x13250];
	[tilespmem:s0+$0x16470] =	vst v11;
	v4 =	vmov v10;
	s0 =	smov.u32 s22  }
.Ltmp11:
0x402: {  	v11 =	vld [tilespmem:s0+$0x13260];
	v3 =	vmov v9;
	(pc) =	sbr.rel @p0 .LBB2_25-.Ltmp11, $4  }
0x403: {  	v10 =	vld [tilespmem:s0+$0x13270]  }
0x404: {  	v9 =	vld [tilespmem:s0+$0x16440]  }
0x405: {  	v13 =	vadd.f32 v6, v7;
	v7 =	vld [tilespmem:s0+$0x16450]  }
0x406: {  	s18 =	sadd.s32 $0x100, s18;
	v12 =	vadd.f32 v4, v8;
	v8 =	vld [tilespmem:s0+$0x16460]  }
0x407: {  	[tilespmem:s0+$0x13240] =	vst v13;
	v11 =	vadd.f32 v3, v11;
	v63 =	vld [tilespmem:s0+$0x16470]  }
0x408: {  	[tilespmem:s0+$0x13250] =	vst v12;
	v5 =	vadd.f32 v5, v10  }
0x409: {  	s29 =	sadd.s32 $0x1, s29;
	[tilespmem:s0+$0x13260] =	vst v11;
	v6 =	vadd.f32 v6, v9  }
0x40a: {  	p0 =	sne.s32 s29, $0x10;
	[tilespmem:s0+$0x13270] =	vst v5;
	v4 =	vadd.f32 v4, v7  }
.Ltmp12:
0x40b: {  	[tilespmem:s0+$0x16440] =	vst v6;
	v3 =	vadd.f32 v3, v8;
	(pc) =	sbr.rel @p0 .LBB2_2-.Ltmp12, $4  }
0x40c: {  	s14 =	sshll.u32 s14, $0x3;
	[tilespmem:s0+$0x16450] =	vst v4;
	v2 =	vadd.f32 v2, v63  }
0x40d: {  	s14 =	sand.u32 $0x1FFFFF80, s14;
	[tilespmem:s0+$0x16460] =	vst v3  }
0x40e: {  	s24 =	sadd.s32 s3, s14;
	[tilespmem:s0+$0x16470] =	vst v2  }
0x40f: {  	[hbm4b:s24+s4] =	stream.linear.scatter [tilespmem:s2], [sflag:$0x8], $0x6400, $0x38;
	[tilespmem:$0x1C840] =	vst v63  }
0x410: {  	s0 =	simm.s32 $0x5  }
0x411: {  	_ =	swait.ge [sflag:s0], $0x6400  }
0x412: {  	[sflag:s0] =	ssyncset.done $0x0  }
0x413: {  	s23 =	simm.s32 $0x6;
	[sflag:s0] =	ssyncadd.s32 $0xFFFF9C00  }
0x414: {  	_ =	swait.ge [sflag:s23], $0x6400  }
0x415: {  	[sflag:s23] =	ssyncset.done $0x0  }
0x416: {  	s24 =	simm.s32 $0x7;
	[sflag:s23] =	ssyncadd.s32 $0xFFFF9C00  }
0x417: {  	_ =	swait.ge [sflag:s24], $0x6400  }
0x418: {  	[sflag:s24] =	ssyncset.done $0x0  }
0x419: {  	s14 =	simm.s32 $0x8;
	[sflag:s24] =	ssyncadd.s32 $0xFFFF9C00  }
0x41a: {  	_ =	swait.ge [sflag:s14], $0x6400  }
0x41b: {  	s18 =	rddreg [dreg:$0x7]  }
0x41c: {  	s29 =	rddreg [dreg:$0x6];
	s18 =	sadd.s32 $0x1, s18  }
0x41d: {  	p0 =	sne.s32 s18, s29  }
.Ltmp13:
0x41e: {  	_ = 	snop;
	(pc) =	sbr.rel @p0 .LBB2_1-.Ltmp13, $3  }
0x41f: {  	_ =	sdelay $0x1  }
0x420: {  	[sflag:s14] =	ssyncset.done $0x0  }
0x421: {  	[sflag:s14] =	ssyncadd.s32 $0xFFFF9C00  }
0x422: {  	_ =	sfence.sel $0x180000  }
0x423: {  	[bflag:$0x0] =	sbarrier.arrive $0xFFFF  }
0x424: {  	_ =	strace $0x90000047  }
0x425: {  	s0 =	stileid.u32;
	[bflag:$0x2] =	sbarrier.arrive $0xFFFF  }
0x426: {  	p0 =	sne.s32 s0, $0x0;
	s0 =	rddreg [dreg:$0x3]  }
0x427: {  	s0 =	sadd.s32 @!p0 $0x100000, s0  }
0x428: {  	[sflag:s0] =	ssyncadd.tile.s32 @!p0 $0x1;
	_ =	shalt  }
.Lfunc_end2:
_tile_overlayer_lowered:
.L_overlay_start_2:
0x429: {  	(tag) =	ssettag $0x2  }
0x42a: {  	s0 =	rddreg [dreg:$0x0];
	s2 =	stileid.u32  }
0x42b: {  	s1 =	rddreg [dreg:$0x1];
	p0 =	sne.s32 s2, $0x0  }
0x42c: {  	s3 =	rddreg [dreg:$0x2];
	[bflag:$0x3] =	sbarrier.arrive $0xFFFF;
	s2 =	simm.s32 @!p0 $0x1C09  }
0x42d: {  	[timem:s3], [sflag:s2] =	dma.local @!p0 [hbm:s0], s1  }
0x42e: {  	s0 =	simm.s32 @!p0 $0x9  }
0x42f: {  	_ =	swait.ge @!p0 [sflag:s0], s1  }
0x430: {  	s1 =	ssub.s32 @!p0 $0x0, s1;
	[sflag:s0] =	ssyncset.done @!p0 $0x0  }
0x431: {  	[sflag:s0] =	ssyncadd.s32 @!p0 s1  }
0x432: {  	[bflag:$0x3] =	sbarrier.arrive $0xFFFF  }
0x433: {  	_ =	shalt  }

// kernel: sparse-core-data-format-call.cloned.1.call-start
scs
called_computation_lowered:
.L_overlay_start_0:
0x0: {  	s2 =	sld [smem:$0x3FD9]  }
0x1: {  	s3 =	sld [smem:$0x3FFE];
	_ =	sdelay $0x1  }
0x2: {  	s1 =	srdreg.scid  }
0x3: {  	s0 =	sand.u32 $0x1, s1  }
0x4: {  	s18 =	sshll.u32 s0, $0xA;
	s2 =	sadd.s32 s3, s2  }
0x5: {  	s2 =	sadd.s32 s2, s18  }
0x6: {  	[smem:$0x3FC5] =	sst s2  }
0x7: {  	_ = 	snop  }
0x8: {  	s2 =	sld [smem:$0x3FD0];
	(tm) =	ssettm $0x1  }
0x9: {  	s19 =	sld [smem:$0x3FFB];
	_ =	sdelay $0x3  }
0xa: {  	_ =	strace s19  }
0xb: {  	s3 =	sld [smem:$0x3FFC];
	_ =	sdelay $0x3  }
0xc: {  	_ =	strace s3  }
0xd: {  	s3 =	sld [smem:$0x3FFD];
	_ =	sdelay $0x3  }
0xe: {  	_ =	strace s3  }
0xf: {  	_ =	strace $0x8FFFFFFF  }
0x10: {  	s20 =	sld [smem:$0x3FDB];
	_ =	sdelay $0x1  }
0x11: {  	s4 =	simm.s32 $_scs_section_size  }
0x12: {  	s5 =	simm.s32 $_size__tile_overlayer_lowered;
	s6 =	simm.s32 $_tile_overlayer_lowered  }
0x13: {  	s23 =	simm.s32 $0x1BFF;
	s22 =	sshll.u32 s6, $0x1;
	s3 =	sadd.s32 s4, s20  }
0x14: {  	s7 =	simm.s32 $0x0;
	s21 =	sshll.u32 s5, $0x1;
	s5 =	sadd.s32 s22, s3  }
0x15: {  	[timem:s7], [sflag:s23] =	dma.local [hbm:s5], s21  }
0x16: {  	_ =	swait.ge [sflag:s23], s21  }
0x17: {  	s4 =	ssub.s32 $0x0, s21;
	[sflag:s23] =	ssyncset.done $0x0  }
0x18: {  	[sflag:s23] =	ssyncadd.s32 s4;
	_ =	sdelay $0x1  }
0x19: {  	s24 =	simm.s32 $0x1B8B  }
0x1a: {  	_ =	swait.ge [sflag:s24], $0x1  }
0x1b: {  	[sflag:s24] =	ssyncset.done $0x0  }
0x1c: {  	s26 =	simm.s32 $0x1B8E;
	s25 =	sld [smem:$0x3FFE];
	[sflag:s24] =	ssyncadd.s32 $0xFFFFFFFF  }
0x1d: {  	s27 =	simm.s32 $execute0_lowered;
	[smem:$0x3FD2] =	sst s26  }
0x1e: {  	s5 =	sshll.u32 s27, $0x1;
	_ =	strace $0x80000049;
	[dreg:$0x1] =	wrdreg $0xFFFFFFFF  }
0x1f: {  	s28 =	simm.s32 $_size_execute0_lowered;
	s3 =	sadd.s32 s3, s5;
	[dreg:$0x0] =	wrdreg $0x0  }
0x20: {  	s5 =	sshll.u32 s28, $0x1;
	[dreg:$0x2] =	wrdreg s3  }
0x21: {  	[dreg:$0x3] =	wrdreg s5  }
0x22: {  	[dreg:$0x4] =	wrdreg $0xC0  }
0x23: {  	_ =	task [dreg:s7], $0x5FFFF  }
0x24: {  	[dreg:$0x1] =	wrdreg $0xFFFFFFFF  }
0x25: {  	[dreg:$0x0] =	wrdreg $0x60  }
0x26: {  	[dreg:$0x2] =	wrdreg s25  }
0x27: {  	[dreg:$0x3] =	wrdreg s2  }
0x28: {  	[dreg:$0x4] =	wrdreg $0x9  }
0x29: {  	_ =	task.clear_ibuf [dreg:s7], $0x5FFFF;
	_ =	strace $0x90000049  }
0x2a: {  	s29 =	simm.s32 $0x9;
	_ =	strace $0x8000004B  }
0x2b: {  	_ =	swait.ge [sflag:s29], $0x1  }
0x2c: {  	[sflag:s29] =	ssyncadd.s32 $0xFFFFFFFF  }
0x2d: {  	_ =	strace $0x9000004B  }
0x2e: {  	_ =	sfence  }
0x2f: {  	s30 =	sld [smem:$0x0];
	_ =	sdelay $0x2  }
0x30: {  	s31 =	sshll.u32 s1, $0xD;
	s1 =	sshrl.u32 s1, $0x2  }
0x31: {  	s3 =	sand.u32 $0x4000, s31;
	s1 =	sadd.s32 s1, s30  }
0x32: {  	s0 =	sor.u32 s3, s0;
	s1 =	sshll.u32 s1, $0x11  }
0x33: {  	s0 =	sor.u32 s1, s0  }
0x34: {  	s0 =	sadd.s32 $0x8F2B, s0  }
0x35: {  	[sflag:s0] =	ssyncadd.remote.s32 $0x1  }
0x36: {  	_ =	sfence.sel $0xFFFF  }
0x37: {  	[dreg:$0x0] =	wrdreg $0xFFFFFFFF;
	(pc) =	sbr.abs _section_cstart, $3  }
0x38: {  	[dreg:$0x1] =	wrdreg $0xFFFFFFFF  }
0x39: {  	_ =	task.clear_ibuf [dreg:s7], $0x2FFFF;
	_ =	strace $0x9FFFFFFF  }
0x3a: {  	(tm) =	ssettm $0x7FFFFFFF  }
0x3b: {  	_ =	shalt  }
tec
execute0_lowered:
.L_overlay_start_1:
0x0: {  	(tag) =	ssettag $0x1  }
0x1: {  	s0 =	srdreg.scid  }
0x2: {  	s1 =	sshll.u32 s0, $0x4  }
0x3: {  	s4 =	rddreg [dreg:$0x0];
	s0 =	stileid.u32;
	s1 =	sand.u32 $0x10, s1  }
0x4: {  	s2 =	rddreg [dreg:$0x1];
	s7 =	simm.s32 $0x1;
	s1 =	sor.u32 s0, s1  }
0x5: {  	s8 =	simm.s32 $0x2;
	s11 =	simm.s32 $0x0;
	s3 =	sshll.u32 s1, $0x7  }
0x6: {  	s10 =	simm.s32 $0x0;
	s4 =	sadd.s32 $0x800, s4;
	s6 =	ssub.s32 $0xC8000, s3  }
.Ltmp0:
0x7: {  	s1 =	rddreg [dreg:$0x2];
	s5 =	sand.u32 $0xF80, s6;
	(pc) =	sbr.rel .LBB1_1-.Ltmp0, $4  }
0x8: {  	_ =	strace $0x8000004A;
	s9 =	smov.u32 s3;
	p0 =	sne.s32 s5, $0x0  }
0x9: {  	s6 =	sshrl.u32 s6, $0xC;
	s5 =	simm.s32 $0x1;
	s7 =	simm.s32 @!p0 $0x0  }
0xa: {  	[sflag:s5] =	ssyncpa.u1 $0x0;
	p0 =	por $0x0, $0x0;
	s6 =	sadd.s32 s7, s6  }
0xb: {  	[sflag:s8] =	ssyncpa.u1 $0x0;
	s8 =	simm.s32 $0x640000;
	s7 =	sadd.s32 $0x1, s6  }
.LBB1_4:
0xc: {  	s14 =	sshll.u32 s11, $0x3  }
0xd: {  	s30 =	sand.u32 $0x7F, s11;
	s15 =	sand.u32 $0xFFFFFC00, s14  }
0xe: {  	s11 =	sor.u32 s30, s15  }
0xf: {  	s15 =	smulhi.u32 $0x51EB851F, s11  }
0x10: {  	s14 =	smulhi.u32 $0x51EB851F, s14  }
0x11: {  	s15 =	sshrl.u32 s15, $0x12  }
0x12: {  	s14 =	sshrl.u32 s14, $0x12;
	s15 =	smul.u32 $0xC8000, s15  }
0x13: {  	s14 =	sand.u32 $0x3F, s14  }
0x14: {  	s14 =	smul.u32 $0x19000, s14;
	s11 =	ssub.s32 s11, s15  }
0x15: {  	[tilespmem:s13+$0x810 ss:$0x81] =	vst.msk $0xffff, v2;
	s15 =	sand.u32 $0x7, s11  }
0x16: {  	[tilespmem:s13+$0x1020 ss:$0x81] =	vst.msk $0xffff, v0;
	s14 =	sadd.s32 s2, s14;
	s11 =	sshrl.u32 s11, $0x3;
	s15 =	sshll.u32 s15, $0x12  }
0x17: {  	[tilespmem:s13+$0x0 ss:$0x81] =	vst.msk $0xffff, v1;
	s11 =	sadd.s32 s11, s14;
	s31 =	sor.u32 $0x400, s15  }
0x18: {  	[hbm4b:s11+s31] =	stream.strided.scatter [tilespmem:s12], [sflag:$0x2], $0x2000, s8, s31, $0x20;
	[tilespmem:$0x8080] =	vst v63  }
.LBB1_5:
0x19: {  	s13 =	sadd.s32 $0x1000, s9  }
0x1a: {  	p2 =	sgt.s32 s13, $0xC7FFF  }
0x1b: {  	s13 =	smov.u32 @p2 s3;
	p2 =	sne.s32 s10, s7  }
.Ltmp1:
0x1c: {  	p1 =	slt.u32 s10, $0x2;
	(pc) =	sbr.rel @!p2 .LBB1_6-.Ltmp1, $4  }
0x1d: {  	s12 =	simm.s32 @!p1 $0x2  }
0x1e: {  	s14 =	sadd.s32 $0x1, s10;
	_ =	swait.ge @!p1 [sflag:s12], $0x2000  }
0x1f: {  	s11 =	smov.u32 s9;
	p0 =	por !p0, !p0;
	[sflag:s12] =	ssyncset.done @!p1 $0x0  }
0x20: {  	s10 =	smov.u32 s14;
	s9 =	smov.u32 s13;
	[sflag:s12] =	ssyncadd.s32 @!p1 $0xFFFFE000  }
.LBB1_1:
0x21: {  	p1 =	sge.u32 s10, s6  }
0x22: {  	s12 =	sand.u32 @!p1 $0x1FFFFFF, s9  }
0x23: {  	s13 =	smulhi.u32 @!p1 $0x147AE15, s12;
	_ =	sdelay $0x1  }
0x24: {  	s13 =	sshrl.u32 @!p1 s13, $0xC  }
0x25: {  	s13 =	smul.u32 @!p1 $0xC8000, s13;
	_ =	sdelay $0x1  }
0x26: {  	s31 =	sadd.s32 $0xFFFFFFFF, s10;
	s14 =	sxor.u32 @!p1 $0xFFFFFFFF, s10;
	s12 =	ssub.s32 @!p1 s12, s13  }
0x27: {  	s15 =	simm.s32 @!p1 $0x80;
	s14 =	sshll.u32 @!p1 s14, $0xD;
	s12 =	sshll.u32 @!p1 s12, $0x4  }
0x28: {  	s13 =	sand.u32 @!p1 $0x2000, s14;
	s14 =	simm.s32 @!p1 $0x40;
	s12 =	sadd.s32 @!p1 s4, s12  }
0x29: {  	[tilespmem:s13], [sflag:$0x1] =	stream.strided.gather @!p1 [hbm4b:s12+s14], $0x2000, s15, s14, $0x38;
	[tilespmem:$0x8080] =	vst v63  }
0x2a: {  	p1 =	sge.u32 s31, s6  }
.Ltmp2:
0x2b: {  	_ = 	snop;
	(pc) =	sbr.rel @p1 .LBB1_5-.Ltmp2, $1  }
0x2c: {  	_ =	sdelay $0x3  }
0x2d: {  	s12 =	simm.s32 $0x1  }
0x2e: {  	_ =	swait.ge [sflag:s5], $0x2000;
	s12 =	simm.s32 @!p0 $0x0  }
0x2f: {  	[sflag:s5] =	ssyncset.done $0x0;
	s13 =	sshll.u32 s12, $0xD  }
0x30: {  	[sflag:s5] =	ssyncadd.s32 $0xFFFFE000;
	s16 =	sor.u32 $0x20, s13  }
0x31: {  	s12 =	smul.u32 $0x8100, s12;
	v3 =	vld [tilespmem:s16+$0x10]  }
0x32: {  	s30 =	sand.u32 $0x1, s10;
	v2 =	vld [tilespmem:s16+$0xFFFFFFF0]  }
0x33: {  	s13 =	smul.u32 $0x8100, s30;
	s12 =	sshrl.u32 s12, $0x2;
	v0 =	vld [tilespmem:s16+$0x0]  }
0x34: {  	v1 =	vld [tilespmem:s16+$0xFFFFFFE0];
	s14 =	sor.u32 $0x4000, s12  }
0x35: {  	s31 =	sshrl.u32 s13, $0x2;
	s13 =	sadd.s32 $0x0, s14  }
0x36: {  	s15 =	simm.s32 $0x4;
	s16 =	sadd.s32 $0x40, s16;
	s12 =	sor.u32 $0x4000, s31;
	[tilespmem:s13+$0x1830 ss:$0x81] =	vst.msk $0xffff, v3  }
.LBB1_3:
0x37: {  	v3 =	vld [tilespmem:s16+$0x10];
	p1 =	sne.s32 s15, $0x1FC;
	[tilespmem:s13+$0x810 ss:$0x81] =	vst.msk $0xffff, v2;
	s17 =	smov.u32 s15;
	s15 =	sadd.s32 $0x4, s15  }
.Ltmp3:
0x38: {  	v2 =	vld [tilespmem:s16+$0xFFFFFFF0];
	[tilespmem:s13+$0x1020 ss:$0x81] =	vst.msk $0xffff, v0;
	(pc) =	sbr.rel @p1 .LBB1_3-.Ltmp3, $4  }
0x39: {  	v0 =	vld [tilespmem:s16+$0x0];
	[tilespmem:s13+$0x0 ss:$0x81] =	vst.msk $0xffff, v1  }
0x3a: {  	s13 =	sshra.s32 s17, $0x2;
	v1 =	vld [tilespmem:s16+$0xFFFFFFE0]  }
0x3b: {  	s13 =	sadd.s32 s13, s14  }
0x3c: {  	s16 =	sadd.s32 $0x40, s16;
	[tilespmem:s13+$0x1830 ss:$0x81] =	vst.msk $0xffff, v3  }
.Ltmp4:
0x3d: {  	_ = 	snop;
	(pc) =	sbr.rel .LBB1_4-.Ltmp4, $1  }
0x3e: {  	_ =	sdelay $0x3  }
.LBB1_6:
0x3f: {  	_ =	sfence.sel $0x180000  }
0x40: {  	s2 =	simm.s32 $0x1;
	[bflag:$0x0] =	sbarrier.arrive $0xFFFF  }
0x41: {  	s31 =	simm.s32 $0x2;
	[sflag:s2] =	ssyncpa.u1 $0x1  }
0x42: {  	[sflag:s31] =	ssyncpa.u1 $0x1  }
0x43: {  	p0 =	sne.s32 s0, $0x0;
	_ =	strace $0x9000004A  }
0x44: {  	s0 =	sadd.s32 @!p0 $0x100000, s1;
	[bflag:$0x2] =	sbarrier.arrive $0xFFFF  }
0x45: {  	[sflag:s0] =	ssyncadd.tile.s32 @!p0 $0x1;
	_ =	shalt  }
.Lfunc_end1:
_tile_overlayer_lowered:
.L_overlay_start_2:
0x46: {  	(tag) =	ssettag $0x2  }
0x47: {  	s0 =	rddreg [dreg:$0x0];
	s2 =	stileid.u32  }
0x48: {  	s1 =	rddreg [dreg:$0x1];
	p0 =	sne.s32 s2, $0x0  }
0x49: {  	s3 =	rddreg [dreg:$0x2];
	[bflag:$0x3] =	sbarrier.arrive $0xFFFF;
	s2 =	simm.s32 @!p0 $0x1C01  }
0x4a: {  	[timem:s3], [sflag:s2] =	dma.local @!p0 [hbm:s0], s1  }
0x4b: {  	s0 =	simm.s32 @!p0 $0x1  }
0x4c: {  	_ =	swait.ge @!p0 [sflag:s0], s1  }
0x4d: {  	s1 =	ssub.s32 @!p0 $0x0, s1;
	[sflag:s0] =	ssyncset.done @!p0 $0x0  }
0x4e: {  	[sflag:s0] =	ssyncadd.s32 @!p0 s1  }
0x4f: {  	[bflag:$0x3] =	sbarrier.arrive $0xFFFF  }
0x50: {  	_ =	shalt  }

</sc_bundles>
